<compile_context>
chip_gen: v7x
topology: tpu7x:2x2x1
jax: 0.10.2.dev20260603
libtpu: 0.0.44.dev20260713+nightly
codegen_flags: <defaults>
</compile_context>

<pallas_src>
import jax
import jax.numpy as jnp
from jax import lax
from jax.experimental import pallas as pl
from jax.experimental.pallas import tpu as pltpu
from jax.experimental.pallas import tpu_sc as plsc

N_NODES = 10000
N_EDGES = 320000
ND = 128
ED = 16

NC, NS = 2, 16
NW = NC * NS
CHE = 128
NCHK = N_EDGES // CHE
CPW = NCHK // NW
NB = 4
RPT = N_NODES // NS

_EPS = 1e-5



def _pq_body(x8_ref, wa_ref, wb_ref, p_ref, q_ref):
    x8 = x8_ref[...]
    p_ref[...] = jnp.dot(x8, wa_ref[...], preferred_element_type=jnp.float32)
    q_ref[...] = jnp.dot(x8, wb_ref[...], preferred_element_type=jnp.float32)


def _project_pq(x8, w8a, w8b):
    r = N_NODES // 8
    return pl.pallas_call(
        _pq_body,
        grid=(1,),
        in_specs=[
            pl.BlockSpec((r, 8 * ND), lambda m: (0, 0)),
            pl.BlockSpec((8 * ND, ND), lambda m: (0, 0)),
            pl.BlockSpec((8 * ND, ND), lambda m: (0, 0)),
        ],
        out_specs=[
            pl.BlockSpec((r, ND), lambda m: (0, 0)),
            pl.BlockSpec((r, ND), lambda m: (0, 0)),
        ],
        out_shape=[
            jax.ShapeDtypeStruct((r, ND), jnp.float32),
            jax.ShapeDtypeStruct((r, ND), jnp.float32),
        ],
    )(x8, w8a, w8b)



def _worker_chunks():
    wid = lax.axis_index("s") * NC + lax.axis_index("c")
    cnt = CPW + jnp.where(wid < 4, 1, 0)
    cbase = wid * CPW + jnp.minimum(wid, 4)
    cstart = jnp.minimum(cbase, NCHK - (CPW + 1))
    off = cbase - cstart
    return cnt, cbase, off


def _iota16():
    return lax.iota(jnp.int32, 16)



def _gather_body(p_hbm, q_hbm, ei_hbm, out_hbm,
                 idx_v, ra, rb, patch, *sems):
    sas = sems[:NB]
    sbs = sems[NB:2 * NB]
    sos = sems[2 * NB:]
    cnt, cbase, off = _worker_chunks()
    pltpu.sync_copy(ei_hbm.at[pl.ds(cbase - off, CPW + 1)], idx_v)
    it = _iota16()

    def issue(t, b):
        @pl.when(t < cnt)
        def _():
            pltpu.async_copy(p_hbm.at[idx_v.at[off + t, 0]], ra.at[b], sas[b])
            pltpu.async_copy(q_hbm.at[idx_v.at[off + t, 1]], rb.at[b], sbs[b])

    def drain(d, b):
        @pl.when(d < cnt)
        def _():
            pltpu.make_async_copy(
                p_hbm.at[pl.ds(0, CHE)], ra.at[b], sas[b]).wait()
            pltpu.make_async_copy(
                q_hbm.at[pl.ds(0, CHE)], rb.at[b], sbs[b]).wait()

            @pl.when(d >= NB)
            def _():
                pltpu.make_async_copy(
                    patch.at[b, 0], out_hbm.at[0, 0], sos[b]).wait()
                pltpu.make_async_copy(
                    patch.at[b, 1], out_hbm.at[1, 0], sos[b]).wait()
            rav, rbv = ra.at[b], rb.at[b]
            pav = patch.at[b]

            def per_k(k, c):
                fv = (it + k) & 15
                fd = fv >> 3
                fm = fv & 7
                for grp in range(8):
                    ev = grp * 16 + it
                    va = plsc.load_gather(rav, [ev, fv])
                    vb = plsc.load_gather(rbv, [ev, fv])
                    plsc.store_scatter(pav, [fd, fm, ev], va + vb)
                return c
            lax.fori_loop(0, ED, per_k, 0)
            cb = cbase + d
            pltpu.async_copy(pav.at[0], out_hbm.at[0, cb], sos[b])
            pltpu.async_copy(pav.at[1], out_hbm.at[1, cb], sos[b])

    for b in range(NB - 1):
        issue(b, b)

    def body(g, c):
        for u in range(NB):
            t = g * NB + u
            issue(t + (NB - 1), (u + NB - 1) % NB)
            drain(t, u)
        return c

    lax.fori_loop(0, (CPW + NB) // NB, body, 0)
    for b in range(NB):
        pltpu.make_async_copy(
            patch.at[b, 0], out_hbm.at[0, 0], sos[b]).wait()
        pltpu.make_async_copy(
            patch.at[b, 1], out_hbm.at[1, 0], sos[b]).wait()


def _gather_pq(p, q, ei4):
    f = pl.kernel(
        _gather_body,
        out_type=jax.ShapeDtypeStruct((2, NCHK, 8, ND), jnp.float32),
        mesh=plsc.VectorSubcoreMesh(
            core_axis_name="c", subcore_axis_name="s",
            num_cores=NC, num_subcores=NS),
        scratch_types=[
            pltpu.VMEM((CPW + 1, 2, CHE), jnp.int32),
            pltpu.VMEM((NB, CHE, ED), jnp.float32),
            pltpu.VMEM((NB, CHE, ED), jnp.float32),
            pltpu.VMEM((NB, 2, 8, ND), jnp.float32),
        ] + [pltpu.SemaphoreType.DMA] * (3 * NB),
        compiler_params=pltpu.CompilerParams(use_tc_tiling_on_sc=False, needs_layout_passes=False),
    )
    return f(p, q, ei4)



_CBLK = 50


def _edge_body(g4_ref, eat_ref, we_ref, w2_ref, w3_ref, vb_ref, outt_ref):
    pieces = [g4_ref[:, cb].reshape(ED, ND) for cb in range(_CBLK)]
    g = jnp.concatenate(pieces, axis=1)
    ea = eat_ref[...]
    vb = vb_ref[...]
    b1 = vb[:, 0:1]
    b2 = vb[:, 1:2]
    b3 = vb[:, 2:3]
    gam = vb[:, 3:4]
    bet = vb[:, 4:5]
    t = g + jnp.dot(we_ref[...], ea, preferred_element_type=jnp.float32) + b1
    t = t * jax.nn.sigmoid(t)
    t = jnp.dot(w2_ref[...], t, preferred_element_type=jnp.float32) + b2
    t = t * jax.nn.sigmoid(t)
    t = jnp.dot(w3_ref[...], t, preferred_element_type=jnp.float32) + b3
    mu = jnp.mean(t, axis=0, keepdims=True)
    d = t - mu
    var = jnp.mean(d * d, axis=0, keepdims=True)
    outt_ref[...] = ea + d * lax.rsqrt(var + _EPS) * gam + bet


def _edge_mlp(g4, ea_t, wet, w2t, w3t, vb):
    ne_blk = _CBLK * ND
    full16 = pl.BlockSpec((ED, ED), lambda m: (0, 0))
    return pl.pallas_call(
        _edge_body,
        grid=(NCHK // _CBLK,),
        in_specs=[
            pl.BlockSpec((2, _CBLK, 8, ND), lambda m: (0, m, 0, 0)),
            pl.BlockSpec((ED, ne_blk), lambda m: (0, m)),
            full16, full16, full16,
            pl.BlockSpec((ED, 8), lambda m: (0, 0)),
        ],
        out_specs=pl.BlockSpec((ED, ne_blk), lambda m: (0, m)),
        out_shape=jax.ShapeDtypeStruct((ED, N_EDGES), jnp.float32),
    )(g4, ea_t, wet, w2t, w3t, vb)



def _scatter_body(e4_hbm, ei_hbm, out_hbm,
                  idx_v, ebuf, rbuf, zbuf, acc, *sems):
    ses = sems[:NB]
    sss = sems[NB:]
    cid = lax.axis_index("c")
    sid = lax.axis_index("s")
    cnt, cbase, off = _worker_chunks()
    it = _iota16()

    def zb(r, c):
        zbuf[r] = jnp.zeros((ED,), jnp.float32)
        return c
    lax.fori_loop(0, 125, zb, 0, unroll=4)
    for k in range(RPT // 125):
        pltpu.sync_copy(zbuf, acc.at[pl.ds(sid * RPT + k * 125, 125)])
    plsc.subcore_barrier()

    pltpu.sync_copy(ei_hbm.at[pl.ds(cbase - off, CPW + 1)], idx_v)

    def issue(t, b):
        @pl.when(t < cnt)
        def _():
            cb = cbase + t
            pltpu.async_copy(e4_hbm.at[0, cb], ebuf.at[b, 0], ses[b])
            pltpu.async_copy(e4_hbm.at[1, cb], ebuf.at[b, 1], ses[b])

    def drain(d, b):
        @pl.when(d < cnt)
        def _():
            pltpu.make_async_copy(
                e4_hbm.at[0, 0], ebuf.at[b, 0], ses[b]).wait()
            pltpu.make_async_copy(
                e4_hbm.at[1, 0], ebuf.at[b, 1], ses[b]).wait()

            @pl.when(d >= NB)
            def _():
                pltpu.make_async_copy(
                    rbuf.at[b], acc.at[idx_v.at[0, 1]], sss[b]).wait()
            ebv, rbv = ebuf.at[b], rbuf.at[b]

            def per_k(k, c):
                fv = (it + k) & 15
                fd = fv >> 3
                fm = fv & 7
                for grp in range(8):
                    ev = grp * 16 + it
                    v = plsc.load_gather(ebv, [fd, fm, ev])
                    plsc.store_scatter(rbv, [ev, fv], v)
                return c
            lax.fori_loop(0, ED, per_k, 0)
            pltpu.async_copy(rbv, acc.at[idx_v.at[off + d, 1]], sss[b],
                             add=True)

    for b in range(NB - 1):
        issue(b, b)

    def body(g, c):
        for u in range(NB):
            t = g * NB + u
            issue(t + (NB - 1), (u + NB - 1) % NB)
            drain(t, u)
        return c

    lax.fori_loop(0, (CPW + NB) // NB, body, 0)
    for b in range(NB):
        pltpu.make_async_copy(
            rbuf.at[b], acc.at[idx_v.at[0, 1]], sss[b]).wait()

    plsc.subcore_barrier()
    pltpu.sync_copy(acc.at[pl.ds(sid * RPT, RPT)],
                    out_hbm.at[cid, pl.ds(sid * RPT, RPT)])


def _scatter_add(e4, ei4):
    f = pl.kernel(
        _scatter_body,
        out_type=jax.ShapeDtypeStruct((NC, N_NODES, ED), jnp.float32),
        mesh=plsc.VectorSubcoreMesh(
            core_axis_name="c", subcore_axis_name="s",
            num_cores=NC, num_subcores=NS),
        scratch_types=[
            pltpu.VMEM((CPW + 1, 2, CHE), jnp.int32),
            pltpu.VMEM((NB, 2, 8, ND), jnp.float32),
            pltpu.VMEM((NB, CHE, ED), jnp.float32),
            pltpu.VMEM((125, ED), jnp.float32),
            pltpu.VMEM_SHARED((N_NODES, ED), jnp.float32),
        ] + [pltpu.SemaphoreType.DMA] * (2 * NB),
        compiler_params=pltpu.CompilerParams(use_tc_tiling_on_sc=False, needs_layout_passes=False),
    )
    return f(e4, ei4)



def _node_body(x_ref, a0_ref, a1_ref, w1a_ref, w1b_ref, b1_ref,
               w2_ref, b2_ref, w3_ref, b3_ref, gam_ref, bet_ref, out_ref):
    x = x_ref[...]
    agg = a0_ref[...] + a1_ref[...]
    t = (jnp.dot(x, w1a_ref[...], preferred_element_type=jnp.float32)
         + jnp.dot(agg, w1b_ref[...], preferred_element_type=jnp.float32)
         + b1_ref[...])
    t = t * jax.nn.sigmoid(t)
    t = jnp.dot(t, w2_ref[...], preferred_element_type=jnp.float32) + b2_ref[...]
    t = t * jax.nn.sigmoid(t)
    t = jnp.dot(t, w3_ref[...], preferred_element_type=jnp.float32) + b3_ref[...]
    mu = jnp.mean(t, axis=-1, keepdims=True)
    d = t - mu
    var = jnp.mean(d * d, axis=-1, keepdims=True)
    out_ref[...] = x + d * lax.rsqrt(var + _EPS) * gam_ref[...] + bet_ref[...]


def _node_mlp(x, a0, a1, w1a, w1b, b1, w2, b2, w3, b3, gam, bet):
    blk = 1000
    full = pl.BlockSpec((ND, ND), lambda m: (0, 0))
    vec = pl.BlockSpec((1, ND), lambda m: (0, 0))
    return pl.pallas_call(
        _node_body,
        grid=(N_NODES // blk,),
        in_specs=[
            pl.BlockSpec((blk, ND), lambda m: (m, 0)),
            pl.BlockSpec((blk, ED), lambda m: (m, 0)),
            pl.BlockSpec((blk, ED), lambda m: (m, 0)),
            full,
            pl.BlockSpec((ED, ND), lambda m: (0, 0)),
            vec, full, vec, full, vec, vec, vec,
        ],
        out_specs=pl.BlockSpec((blk, ND), lambda m: (m, 0)),
        out_shape=jax.ShapeDtypeStruct((N_NODES, ND), jnp.float32),
    )(x, a0, a1, w1a, w1b, b1, w2, b2, w3, b3, gam, bet)



def kernel(x, edge_index, edge_attr,
           eW1, eb1, eW2, eb2, eW3, eb3, e_gamma, e_beta,
           nW1, nb1, nW2, nb2, nW3, nb3, n_gamma, n_beta):
    ei4 = edge_index.astype(jnp.int32).reshape(2, NCHK, CHE).transpose(1, 0, 2)
    eye8 = jnp.eye(8, dtype=jnp.float32)

    x8 = x.reshape(N_NODES // 8, 8 * ND)
    w8a = jnp.kron(eye8, eW1[:ND])
    w8b = jnp.kron(eye8, eW1[ND:2 * ND])
    p_pk, q_pk = _project_pq(x8, w8a, w8b)

    g4 = _gather_pq(p_pk.reshape(N_NODES, ED), q_pk.reshape(N_NODES, ED), ei4)

    vb = jnp.stack([eb1, eb2, eb3, e_gamma, e_beta], axis=1)
    vb = jnp.concatenate([vb, jnp.zeros((ED, 3), jnp.float32)], axis=1)
    e_new_t = _edge_mlp(g4, edge_attr.T, eW1[2 * ND:].T, eW2.T, eW3.T, vb)

    e4 = e_new_t.reshape(2, 8, NCHK, CHE).transpose(0, 2, 1, 3)
    aggp = _scatter_add(e4, ei4)

    x_new = _node_mlp(
        x, aggp[0], aggp[1],
        nW1[:ND], nW1[ND:], nb1.reshape(1, ND),
        nW2, nb2.reshape(1, ND), nW3, nb3.reshape(1, ND),
        n_gamma.reshape(1, ND), n_beta.reshape(1, ND))

    return (x_new, e_new_t.T)

# --- scband reference (transcript-rebuilt; emitter-appended) ---
"""Pipeline reference for scband-mesh-graph-nets-conv-31825707663674 (READ-ONLY COPY).

The authoritative reference and input builder live on the scoring server;
editing this copy changes nothing except your own understanding.
"""

import jax, jax.numpy as jnp
import numpy as np

N_NODES = 10000
N_EDGES = 320000
NODE_DIM = 128
EDGE_DIM = 16


def _layernorm(x, gamma, beta, eps=1e-5):
    mu = jnp.mean(x, axis=-1, keepdims=True)
    var = jnp.var(x, axis=-1, keepdims=True)
    return (x - mu) / jnp.sqrt(var + eps) * gamma + beta


def _mlp(x, Ws, bs):
    # Linear -> SiLU between layers, no activation after the last Linear
    n = len(Ws)
    for i in range(n):
        x = x @ Ws[i] + bs[i]
        if i < n - 1:
            x = jax.nn.silu(x)
    return x


def setup_inputs(seed: int = 0) -> dict:
    key = jax.random.key(seed)
    ks = jax.random.split(key, 20)
    x = jax.random.normal(ks[0], (N_NODES, NODE_DIM), dtype=jnp.float32)
    edge_index = jax.random.randint(ks[1], (2, N_EDGES), 0, N_NODES, dtype=jnp.int64)
    edge_attr = jax.random.normal(ks[2], (N_EDGES, EDGE_DIM), dtype=jnp.float32)

    def w(k, fan_in, fan_out):
        return jax.random.normal(k, (fan_in, fan_out), dtype=jnp.float32) * (1.0 / np.sqrt(fan_in))

    # Edge MLP dims: [2*node_dim + edge_dim, edge_dim, edge_dim, edge_dim]
    e_in = 2 * NODE_DIM + EDGE_DIM
    eW1 = w(ks[3], e_in, EDGE_DIM); eb1 = jnp.zeros((EDGE_DIM,), jnp.float32)
    eW2 = w(ks[4], EDGE_DIM, EDGE_DIM); eb2 = jnp.zeros((EDGE_DIM,), jnp.float32)
    eW3 = w(ks[5], EDGE_DIM, EDGE_DIM); eb3 = jnp.zeros((EDGE_DIM,), jnp.float32)
    e_gamma = jnp.ones((EDGE_DIM,), jnp.float32); e_beta = jnp.zeros((EDGE_DIM,), jnp.float32)

    # Node MLP dims: [node_dim + edge_dim, node_dim, node_dim, node_dim]
    n_in = NODE_DIM + EDGE_DIM
    nW1 = w(ks[6], n_in, NODE_DIM); nb1 = jnp.zeros((NODE_DIM,), jnp.float32)
    nW2 = w(ks[7], NODE_DIM, NODE_DIM); nb2 = jnp.zeros((NODE_DIM,), jnp.float32)
    nW3 = w(ks[8], NODE_DIM, NODE_DIM); nb3 = jnp.zeros((NODE_DIM,), jnp.float32)
    n_gamma = jnp.ones((NODE_DIM,), jnp.float32); n_beta = jnp.zeros((NODE_DIM,), jnp.float32)

    return {
        'x': x, 'edge_index': edge_index, 'edge_attr': edge_attr,
        'eW1': eW1, 'eb1': eb1, 'eW2': eW2, 'eb2': eb2, 'eW3': eW3, 'eb3': eb3,
        'e_gamma': e_gamma, 'e_beta': e_beta,
        'nW1': nW1, 'nb1': nb1, 'nW2': nW2, 'nb2': nb2, 'nW3': nW3, 'nb3': nb3,
        'n_gamma': n_gamma, 'n_beta': n_beta,
    }


def reference(x, edge_index, edge_attr,
              eW1, eb1, eW2, eb2, eW3, eb3, e_gamma, e_beta,
              nW1, nb1, nW2, nb2, nW3, nb3, n_gamma, n_beta):
    i = edge_index[0]
    j = edge_index[1]
    x_i = jnp.take(x, i, axis=0)
    x_j = jnp.take(x, j, axis=0)

    # EdgeProcessor: edge_attr + LayerNorm(MLP(cat([x_i, x_j, edge_attr])))
    e_in = jnp.concatenate([x_i, x_j, edge_attr], axis=-1)
    e_out = _mlp(e_in, [eW1, eW2, eW3], [eb1, eb2, eb3])
    e_out = _layernorm(e_out, e_gamma, e_beta)
    edge_attr_new = edge_attr + e_out

    # NodeProcessor: x + LayerNorm(MLP(cat([x, scatter_sum(edge_attr_new, j)])))
    agg = jax.ops.segment_sum(edge_attr_new, j, num_segments=x.shape[0])
    n_in = jnp.concatenate([x, agg], axis=-1)
    n_out = _mlp(n_in, [nW1, nW2, nW3], [nb1, nb2, nb3])
    n_out = _layernorm(n_out, n_gamma, n_beta)
    x_new = x + n_out

    return (x_new, edge_attr_new)

if __name__ == "__main__":
    import jax
    _d = setup_inputs()
    print(jax.jit(kernel)(*tuple(_d.values())))

</pallas_src>

<mosaic_0001>
#map = affine_map<(d0, d1) -> (0, 0, 0, 0)>
#map1 = affine_map<(d0, d1) -> (0, 0, 0)>
module attributes {stable_mosaic.version = 14 : i64} {
  func.func @_scatter_body(%arg0: i32, %arg1: i32, %arg2: memref<2x2500x8x128xf32, #tpu.memory_space<hbm>>, %arg3: memref<2500x2x128xi32, #tpu.memory_space<hbm>>, %arg4: memref<2x10000x16xf32, #tpu.memory_space<hbm>>, %arg5: memref<79x2x128xi32, #tpu.memory_space<vmem>>, %arg6: memref<4x2x8x128xf32, #tpu.memory_space<vmem>>, %arg7: memref<4x128x16xf32, #tpu.memory_space<vmem>>, %arg8: memref<125x16xf32, #tpu.memory_space<vmem>>, %arg9: memref<10000x16xf32, #tpu.memory_space<vmem_shared>>, %arg10: memref<!tpu.dma_semaphore, #tpu.memory_space<semaphore_mem>>, %arg11: memref<!tpu.dma_semaphore, #tpu.memory_space<semaphore_mem>>, %arg12: memref<!tpu.dma_semaphore, #tpu.memory_space<semaphore_mem>>, %arg13: memref<!tpu.dma_semaphore, #tpu.memory_space<semaphore_mem>>, %arg14: memref<!tpu.dma_semaphore, #tpu.memory_space<semaphore_mem>>, %arg15: memref<!tpu.dma_semaphore, #tpu.memory_space<semaphore_mem>>, %arg16: memref<!tpu.dma_semaphore, #tpu.memory_space<semaphore_mem>>, %arg17: memref<!tpu.dma_semaphore, #tpu.memory_space<semaphore_mem>>) attributes {dimension_semantics = [#tpu.dimension_semantics<core_parallel>, #tpu.dimension_semantics<subcore_parallel>], iteration_bounds = array<i64: 2, 16>, scalar_prefetch = 0 : i64, scratch_operands = 13 : i64, tpu.core_type = #tpu.core_type<sc_vector_subcore>, window_params = [{transform_indices = #map}, {transform_indices = #map1}, {transform_indices = #map1}]} {
    %mul3A = arith.constant 2 : i32
    %mul3A_0 = arith.muli %arg1, %mul3A : i32
    %add3A = arith.addi %mul3A_0, %arg0 : i32
    %lt3A = arith.constant 4 : i32
    %lt3A_1 = arith.cmpi slt, %add3A, %lt3A : i32
    %jit3A = arith.constant 1 : i32
    %jit3A_2 = arith.constant 0 : i32
    %select_n3A = arith.select %lt3A_1, %jit3A, %jit3A_2 : i32
    %add3A_3 = arith.constant 78 : i32
    %add3A_4 = arith.addi %add3A_3, %select_n3A : i32
    %mul3A_5 = arith.constant 78 : i32
    %mul3A_6 = arith.muli %add3A, %mul3A_5 : i32
    %min3A = arith.constant 4 : i32
    %min3A_7 = arith.minsi %add3A, %min3A : i32
    %add3A_8 = arith.addi %mul3A_6, %min3A_7 : i32
    %min3A_9 = arith.constant 2421 : i32
    %min3A_10 = arith.minsi %add3A_8, %min3A_9 : i32
    %sub3A = arith.subi %add3A_8, %min3A_10 : i32
    %iota3A = tpu.iota {dimensions = array<i32: 0>} : vector<16xi32>
    %scan3A = arith.constant 0 : i32
    %scan3A_11 = arith.constant 0 : i32
    %scan3A_12 = arith.constant 124 : i32
    %scan3A_13 = arith.addi %scan3A_11, %scan3A_12 : i32
    %scan3A_14 = arith.constant 4 : i32
    scf.for %scan3A_116 = %scan3A_11 to %scan3A_13 step %scan3A_14  : i32 {
      %broadcast_in_dim3A_117 = arith.constant 0.000000e+00 : f32
      %broadcast_in_dim3A_118 = vector.broadcast %broadcast_in_dim3A_117 : f32 to vector<16xf32>
      %swap3A_119 = arith.index_cast %scan3A_116 : i32 to index
      %swap3A_120 = arith.constant 0 : index
      %swap3A_121 = tpu.vector_load %arg8[%swap3A_119, %swap3A_120] {strides = array<i32>} : memref<125x16xf32, #tpu.memory_space<vmem>>, vector<16xf32>,
      tpu.vector_store %arg8[%swap3A_119, %swap3A_120], %broadcast_in_dim3A_118 {strides = array<i32>} : memref<125x16xf32, #tpu.memory_space<vmem>>, vector<16xf32>,
      %scan3A_122 = arith.constant 1 : i32
      %scan3A_123 = arith.addi %scan3A_116, %scan3A_122 : i32
      %broadcast_in_dim3A_124 = arith.constant 0.000000e+00 : f32
      %broadcast_in_dim3A_125 = vector.broadcast %broadcast_in_dim3A_124 : f32 to vector<16xf32>
      %swap3A_126 = arith.index_cast %scan3A_123 : i32 to index
      %swap3A_127 = arith.constant 0 : index
      %swap3A_128 = tpu.vector_load %arg8[%swap3A_126, %swap3A_127] {strides = array<i32>} : memref<125x16xf32, #tpu.memory_space<vmem>>, vector<16xf32>,
      tpu.vector_store %arg8[%swap3A_126, %swap3A_127], %broadcast_in_dim3A_125 {strides = array<i32>} : memref<125x16xf32, #tpu.memory_space<vmem>>, vector<16xf32>,
      %scan3A_129 = arith.constant 2 : i32
      %scan3A_130 = arith.addi %scan3A_116, %scan3A_129 : i32
      %broadcast_in_dim3A_131 = arith.constant 0.000000e+00 : f32
      %broadcast_in_dim3A_132 = vector.broadcast %broadcast_in_dim3A_131 : f32 to vector<16xf32>
      %swap3A_133 = arith.index_cast %scan3A_130 : i32 to index
      %swap3A_134 = arith.constant 0 : index
      %swap3A_135 = tpu.vector_load %arg8[%swap3A_133, %swap3A_134] {strides = array<i32>} : memref<125x16xf32, #tpu.memory_space<vmem>>, vector<16xf32>,
      tpu.vector_store %arg8[%swap3A_133, %swap3A_134], %broadcast_in_dim3A_132 {strides = array<i32>} : memref<125x16xf32, #tpu.memory_space<vmem>>, vector<16xf32>,
      %scan3A_136 = arith.constant 3 : i32
      %scan3A_137 = arith.addi %scan3A_116, %scan3A_136 : i32
      %broadcast_in_dim3A_138 = arith.constant 0.000000e+00 : f32
      %broadcast_in_dim3A_139 = vector.broadcast %broadcast_in_dim3A_138 : f32 to vector<16xf32>
      %swap3A_140 = arith.index_cast %scan3A_137 : i32 to index
      %swap3A_141 = arith.constant 0 : index
      %swap3A_142 = tpu.vector_load %arg8[%swap3A_140, %swap3A_141] {strides = array<i32>} : memref<125x16xf32, #tpu.memory_space<vmem>>, vector<16xf32>,
      tpu.vector_store %arg8[%swap3A_140, %swap3A_141], %broadcast_in_dim3A_139 {strides = array<i32>} : memref<125x16xf32, #tpu.memory_space<vmem>>, vector<16xf32>,
    }
    %scan3A_15 = arith.constant 124 : i32
    %scan3A_16 = arith.addi %scan3A_11, %scan3A_15 : i32
    %broadcast_in_dim3A = arith.constant 0.000000e+00 : f32
    %broadcast_in_dim3A_17 = vector.broadcast %broadcast_in_dim3A : f32 to vector<16xf32>
    %swap3A = arith.index_cast %scan3A_16 : i32 to index
    %swap3A_18 = arith.constant 0 : index
    %swap3A_19 = tpu.vector_load %arg8[%swap3A, %swap3A_18] {strides = array<i32>} : memref<125x16xf32, #tpu.memory_space<vmem>>, vector<16xf32>,
    tpu.vector_store %arg8[%swap3A, %swap3A_18], %broadcast_in_dim3A_17 {strides = array<i32>} : memref<125x16xf32, #tpu.memory_space<vmem>>, vector<16xf32>,
    %scan3A_20 = arith.constant 125 : i32
    %mul3A_21 = arith.constant 625 : i32
    %mul3A_22 = arith.muli %arg1, %mul3A_21 : i32
    %add3A_23 = arith.constant 0 : i32
    %add3A_24 = arith.addi %mul3A_22, %add3A_23 : i32
    "tpu.region"() ({
      %run_scoped3A = tpu.sem_alloc : memref<!tpu.dma_semaphore, #tpu.memory_space<semaphore_mem>>
      %dma_start3A = arith.constant 0 : i32
      %dma_start3A_116 = tpu.memref_slice %arg9[%add3A_24, %dma_start3A] : memref<10000x16xf32, #tpu.memory_space<vmem_shared>> -> memref<125x16xf32, #tpu.memory_space<vmem_shared>>
      %dma_start3A_117 = arith.constant 0 : i32
      %dma_start3A_118 = tpu.memref_slice %arg9[%add3A_24, %dma_start3A_117] : memref<10000x16xf32, #tpu.memory_space<vmem_shared>> -> memref<125x16xf32, #tpu.memory_space<vmem_shared>>
      tpu.enqueue_dma source(%arg8 : memref<125x16xf32, #tpu.memory_space<vmem>>) target(%dma_start3A_118 : memref<125x16xf32, #tpu.memory_space<vmem_shared>>) target_semaphore(%run_scoped3A : memref<!tpu.dma_semaphore, #tpu.memory_space<semaphore_mem>>)
      %dma_wait3A_119 = arith.constant 0 : i32
      %dma_wait3A_120 = tpu.memref_slice %arg9[%add3A_24, %dma_wait3A_119] : memref<10000x16xf32, #tpu.memory_space<vmem_shared>> -> memref<125x16xf32, #tpu.memory_space<vmem_shared>>
      %dma_wait3A_121 = arith.constant 0 : i32
      %dma_wait3A_122 = tpu.memref_slice %arg9[%add3A_24, %dma_wait3A_121] : memref<10000x16xf32, #tpu.memory_space<vmem_shared>> -> memref<125x16xf32, #tpu.memory_space<vmem_shared>>
      tpu.wait_dma2 semaphore(%run_scoped3A : memref<!tpu.dma_semaphore, #tpu.memory_space<semaphore_mem>>) src(%arg8 : memref<125x16xf32, #tpu.memory_space<vmem>>) dst(%dma_wait3A_122 : memref<125x16xf32, #tpu.memory_space<vmem_shared>>)
      tpu.yield
    }) : () -> ()
    %mul3A_25 = arith.constant 625 : i32
    %mul3A_26 = arith.muli %arg1, %mul3A_25 : i32
    %add3A_27 = arith.constant 125 : i32
    %add3A_28 = arith.addi %mul3A_26, %add3A_27 : i32
    "tpu.region"() ({
      %run_scoped3A = tpu.sem_alloc : memref<!tpu.dma_semaphore, #tpu.memory_space<semaphore_mem>>
      %dma_start3A = arith.constant 0 : i32
      %dma_start3A_116 = tpu.memref_slice %arg9[%add3A_28, %dma_start3A] : memref<10000x16xf32, #tpu.memory_space<vmem_shared>> -> memref<125x16xf32, #tpu.memory_space<vmem_shared>>
      %dma_start3A_117 = arith.constant 0 : i32
      %dma_start3A_118 = tpu.memref_slice %arg9[%add3A_28, %dma_start3A_117] : memref<10000x16xf32, #tpu.memory_space<vmem_shared>> -> memref<125x16xf32, #tpu.memory_space<vmem_shared>>
      tpu.enqueue_dma source(%arg8 : memref<125x16xf32, #tpu.memory_space<vmem>>) target(%dma_start3A_118 : memref<125x16xf32, #tpu.memory_space<vmem_shared>>) target_semaphore(%run_scoped3A : memref<!tpu.dma_semaphore, #tpu.memory_space<semaphore_mem>>)
      %dma_wait3A_119 = arith.constant 0 : i32
      %dma_wait3A_120 = tpu.memref_slice %arg9[%add3A_28, %dma_wait3A_119] : memref<10000x16xf32, #tpu.memory_space<vmem_shared>> -> memref<125x16xf32, #tpu.memory_space<vmem_shared>>
      %dma_wait3A_121 = arith.constant 0 : i32
      %dma_wait3A_122 = tpu.memref_slice %arg9[%add3A_28, %dma_wait3A_121] : memref<10000x16xf32, #tpu.memory_space<vmem_shared>> -> memref<125x16xf32, #tpu.memory_space<vmem_shared>>
      tpu.wait_dma2 semaphore(%run_scoped3A : memref<!tpu.dma_semaphore, #tpu.memory_space<semaphore_mem>>) src(%arg8 : memref<125x16xf32, #tpu.memory_space<vmem>>) dst(%dma_wait3A_122 : memref<125x16xf32, #tpu.memory_space<vmem_shared>>)
      tpu.yield
    }) : () -> ()
    %mul3A_29 = arith.constant 625 : i32
    %mul3A_30 = arith.muli %arg1, %mul3A_29 : i32
    %add3A_31 = arith.constant 250 : i32
    %add3A_32 = arith.addi %mul3A_30, %add3A_31 : i32
    "tpu.region"() ({
      %run_scoped3A = tpu.sem_alloc : memref<!tpu.dma_semaphore, #tpu.memory_space<semaphore_mem>>
      %dma_start3A = arith.constant 0 : i32
      %dma_start3A_116 = tpu.memref_slice %arg9[%add3A_32, %dma_start3A] : memref<10000x16xf32, #tpu.memory_space<vmem_shared>> -> memref<125x16xf32, #tpu.memory_space<vmem_shared>>
      %dma_start3A_117 = arith.constant 0 : i32
      %dma_start3A_118 = tpu.memref_slice %arg9[%add3A_32, %dma_start3A_117] : memref<10000x16xf32, #tpu.memory_space<vmem_shared>> -> memref<125x16xf32, #tpu.memory_space<vmem_shared>>
      tpu.enqueue_dma source(%arg8 : memref<125x16xf32, #tpu.memory_space<vmem>>) target(%dma_start3A_118 : memref<125x16xf32, #tpu.memory_space<vmem_shared>>) target_semaphore(%run_scoped3A : memref<!tpu.dma_semaphore, #tpu.memory_space<semaphore_mem>>)
      %dma_wait3A_119 = arith.constant 0 : i32
      %dma_wait3A_120 = tpu.memref_slice %arg9[%add3A_32, %dma_wait3A_119] : memref<10000x16xf32, #tpu.memory_space<vmem_shared>> -> memref<125x16xf32, #tpu.memory_space<vmem_shared>>
      %dma_wait3A_121 = arith.constant 0 : i32
      %dma_wait3A_122 = tpu.memref_slice %arg9[%add3A_32, %dma_wait3A_121] : memref<10000x16xf32, #tpu.memory_space<vmem_shared>> -> memref<125x16xf32, #tpu.memory_space<vmem_shared>>
      tpu.wait_dma2 semaphore(%run_scoped3A : memref<!tpu.dma_semaphore, #tpu.memory_space<semaphore_mem>>) src(%arg8 : memref<125x16xf32, #tpu.memory_space<vmem>>) dst(%dma_wait3A_122 : memref<125x16xf32, #tpu.memory_space<vmem_shared>>)
      tpu.yield
    }) : () -> ()
    %mul3A_33 = arith.constant 625 : i32
    %mul3A_34 = arith.muli %arg1, %mul3A_33 : i32
    %add3A_35 = arith.constant 375 : i32
    %add3A_36 = arith.addi %mul3A_34, %add3A_35 : i32
    "tpu.region"() ({
      %run_scoped3A = tpu.sem_alloc : memref<!tpu.dma_semaphore, #tpu.memory_space<semaphore_mem>>
      %dma_start3A = arith.constant 0 : i32
      %dma_start3A_116 = tpu.memref_slice %arg9[%add3A_36, %dma_start3A] : memref<10000x16xf32, #tpu.memory_space<vmem_shared>> -> memref<125x16xf32, #tpu.memory_space<vmem_shared>>
      %dma_start3A_117 = arith.constant 0 : i32
      %dma_start3A_118 = tpu.memref_slice %arg9[%add3A_36, %dma_start3A_117] : memref<10000x16xf32, #tpu.memory_space<vmem_shared>> -> memref<125x16xf32, #tpu.memory_space<vmem_shared>>
      tpu.enqueue_dma source(%arg8 : memref<125x16xf32, #tpu.memory_space<vmem>>) target(%dma_start3A_118 : memref<125x16xf32, #tpu.memory_space<vmem_shared>>) target_semaphore(%run_scoped3A : memref<!tpu.dma_semaphore, #tpu.memory_space<semaphore_mem>>)
      %dma_wait3A_119 = arith.constant 0 : i32
      %dma_wait3A_120 = tpu.memref_slice %arg9[%add3A_36, %dma_wait3A_119] : memref<10000x16xf32, #tpu.memory_space<vmem_shared>> -> memref<125x16xf32, #tpu.memory_space<vmem_shared>>
      %dma_wait3A_121 = arith.constant 0 : i32
      %dma_wait3A_122 = tpu.memref_slice %arg9[%add3A_36, %dma_wait3A_121] : memref<10000x16xf32, #tpu.memory_space<vmem_shared>> -> memref<125x16xf32, #tpu.memory_space<vmem_shared>>
      tpu.wait_dma2 semaphore(%run_scoped3A : memref<!tpu.dma_semaphore, #tpu.memory_space<semaphore_mem>>) src(%arg8 : memref<125x16xf32, #tpu.memory_space<vmem>>) dst(%dma_wait3A_122 : memref<125x16xf32, #tpu.memory_space<vmem_shared>>)
      tpu.yield
    }) : () -> ()
    %mul3A_37 = arith.constant 625 : i32
    %mul3A_38 = arith.muli %arg1, %mul3A_37 : i32
    %add3A_39 = arith.constant 500 : i32
    %add3A_40 = arith.addi %mul3A_38, %add3A_39 : i32
    "tpu.region"() ({
      %run_scoped3A = tpu.sem_alloc : memref<!tpu.dma_semaphore, #tpu.memory_space<semaphore_mem>>
      %dma_start3A = arith.constant 0 : i32
      %dma_start3A_116 = tpu.memref_slice %arg9[%add3A_40, %dma_start3A] : memref<10000x16xf32, #tpu.memory_space<vmem_shared>> -> memref<125x16xf32, #tpu.memory_space<vmem_shared>>
      %dma_start3A_117 = arith.constant 0 : i32
      %dma_start3A_118 = tpu.memref_slice %arg9[%add3A_40, %dma_start3A_117] : memref<10000x16xf32, #tpu.memory_space<vmem_shared>> -> memref<125x16xf32, #tpu.memory_space<vmem_shared>>
      tpu.enqueue_dma source(%arg8 : memref<125x16xf32, #tpu.memory_space<vmem>>) target(%dma_start3A_118 : memref<125x16xf32, #tpu.memory_space<vmem_shared>>) target_semaphore(%run_scoped3A : memref<!tpu.dma_semaphore, #tpu.memory_space<semaphore_mem>>)
      %dma_wait3A_119 = arith.constant 0 : i32
      %dma_wait3A_120 = tpu.memref_slice %arg9[%add3A_40, %dma_wait3A_119] : memref<10000x16xf32, #tpu.memory_space<vmem_shared>> -> memref<125x16xf32, #tpu.memory_space<vmem_shared>>
      %dma_wait3A_121 = arith.constant 0 : i32
      %dma_wait3A_122 = tpu.memref_slice %arg9[%add3A_40, %dma_wait3A_121] : memref<10000x16xf32, #tpu.memory_space<vmem_shared>> -> memref<125x16xf32, #tpu.memory_space<vmem_shared>>
      tpu.wait_dma2 semaphore(%run_scoped3A : memref<!tpu.dma_semaphore, #tpu.memory_space<semaphore_mem>>) src(%arg8 : memref<125x16xf32, #tpu.memory_space<vmem>>) dst(%dma_wait3A_122 : memref<125x16xf32, #tpu.memory_space<vmem_shared>>)
      tpu.yield
    }) : () -> ()
    %barrier3A = arith.constant 0 : index
    tpu.barrier barrier_id(%barrier3A)
    %sub3A_41 = arith.subi %add3A_8, %sub3A : i32
    "tpu.region"() ({
      %run_scoped3A = tpu.sem_alloc : memref<!tpu.dma_semaphore, #tpu.memory_space<semaphore_mem>>
      %dma_start3A = arith.constant 0 : i32
      %dma_start3A_116 = arith.constant 0 : i32
      %dma_start3A_117 = tpu.memref_slice %arg3[%sub3A_41, %dma_start3A, %dma_start3A_116] : memref<2500x2x128xi32, #tpu.memory_space<hbm>> -> memref<79x2x128xi32, #tpu.memory_space<hbm>>
      %dma_start3A_118 = arith.constant 0 : i32
      %dma_start3A_119 = arith.constant 0 : i32
      %dma_start3A_120 = tpu.memref_slice %arg3[%sub3A_41, %dma_start3A_118, %dma_start3A_119] : memref<2500x2x128xi32, #tpu.memory_space<hbm>> -> memref<79x2x128xi32, #tpu.memory_space<hbm>>
      tpu.enqueue_dma source(%dma_start3A_120 : memref<79x2x128xi32, #tpu.memory_space<hbm>>) target(%arg5 : memref<79x2x128xi32, #tpu.memory_space<vmem>>) target_semaphore(%run_scoped3A : memref<!tpu.dma_semaphore, #tpu.memory_space<semaphore_mem>>)
      %dma_wait3A_121 = arith.constant 0 : i32
      %dma_wait3A_122 = arith.constant 0 : i32
      %dma_wait3A_123 = tpu.memref_slice %arg3[%sub3A_41, %dma_wait3A_121, %dma_wait3A_122] : memref<2500x2x128xi32, #tpu.memory_space<hbm>> -> memref<79x2x128xi32, #tpu.memory_space<hbm>>
      %dma_wait3A_124 = arith.constant 0 : i32
      %dma_wait3A_125 = arith.constant 0 : i32
      %dma_wait3A_126 = tpu.memref_slice %arg3[%sub3A_41, %dma_wait3A_124, %dma_wait3A_125] : memref<2500x2x128xi32, #tpu.memory_space<hbm>> -> memref<79x2x128xi32, #tpu.memory_space<hbm>>
      tpu.wait_dma2 semaphore(%run_scoped3A : memref<!tpu.dma_semaphore, #tpu.memory_space<semaphore_mem>>) src(%dma_wait3A_126 : memref<79x2x128xi32, #tpu.memory_space<hbm>>) dst(%arg5 : memref<79x2x128xi32, #tpu.memory_space<vmem>>)
      tpu.yield
    }) : () -> ()
    %gt3A = arith.constant 0 : i32
    %gt3A_42 = arith.cmpi sgt, %add3A_4, %gt3A : i32
    %convert_element_type3A = arith.extui %gt3A_42 : i1 to i32
    %cond3A = arith.constant 0 : i32
    %cond3A_43 = arith.cmpi ne, %convert_element_type3A, %cond3A : i32
    scf.if %cond3A_43 {
      %add3A_116 = arith.constant 0 : i32
      %add3A_117 = arith.addi %add3A_8, %add3A_116 : i32
      %dma_start3A = arith.constant 0 : i32
      %dma_start3A_118 = arith.constant 0 : i32
      %dma_start3A_119 = arith.constant 0 : i32
      %dma_start3A_120 = arith.constant 0 : i32
      %dma_start3A_121 = arith.constant 0 : i32
      %dma_start3A_122 = tpu.memref_slice %arg6[%dma_start3A_118, %dma_start3A_119, %dma_start3A_120, %dma_start3A_121] : memref<4x2x8x128xf32, #tpu.memory_space<vmem>> -> memref<1x1x8x128xf32, #tpu.memory_space<vmem>>
      %dma_start3A_123 = tpu.memref_squeeze %dma_start3A_122 : memref<1x1x8x128xf32, #tpu.memory_space<vmem>> -> memref<8x128xf32, #tpu.memory_space<vmem>>
      %dma_start3A_124 = arith.constant 0 : i32
      %dma_start3A_125 = arith.constant 0 : i32
      %dma_start3A_126 = tpu.memref_slice %arg2[%dma_start3A, %add3A_117, %dma_start3A_124, %dma_start3A_125] : memref<2x2500x8x128xf32, #tpu.memory_space<hbm>> -> memref<1x1x8x128xf32, #tpu.memory_space<hbm>>
      %dma_start3A_127 = tpu.memref_squeeze %dma_start3A_126 : memref<1x1x8x128xf32, #tpu.memory_space<hbm>> -> memref<8x128xf32, #tpu.memory_space<hbm>>
      %dma_start3A_128 = arith.constant 0 : i32
      %dma_start3A_129 = arith.constant 0 : i32
      %dma_start3A_130 = tpu.memref_slice %arg6[%dma_start3A_118, %dma_start3A_119, %dma_start3A_128, %dma_start3A_129] : memref<4x2x8x128xf32, #tpu.memory_space<vmem>> -> memref<1x1x8x128xf32, #tpu.memory_space<vmem>>
      %dma_start3A_131 = tpu.memref_squeeze %dma_start3A_130 : memref<1x1x8x128xf32, #tpu.memory_space<vmem>> -> memref<8x128xf32, #tpu.memory_space<vmem>>
      %dma_start3A_132 = arith.constant 0 : i32
      %dma_start3A_133 = arith.constant 0 : i32
      %dma_start3A_134 = tpu.memref_slice %arg2[%dma_start3A, %add3A_117, %dma_start3A_132, %dma_start3A_133] : memref<2x2500x8x128xf32, #tpu.memory_space<hbm>> -> memref<1x1x8x128xf32, #tpu.memory_space<hbm>>
      %dma_start3A_135 = tpu.memref_squeeze %dma_start3A_134 : memref<1x1x8x128xf32, #tpu.memory_space<hbm>> -> memref<8x128xf32, #tpu.memory_space<hbm>>
      tpu.enqueue_dma source(%dma_start3A_135 : memref<8x128xf32, #tpu.memory_space<hbm>>) target(%dma_start3A_131 : memref<8x128xf32, #tpu.memory_space<vmem>>) target_semaphore(%arg10 : memref<!tpu.dma_semaphore, #tpu.memory_space<semaphore_mem>>)
      %dma_start3A_136 = arith.constant 1 : i32
      %dma_start3A_137 = arith.constant 0 : i32
      %dma_start3A_138 = arith.constant 1 : i32
      %dma_start3A_139 = arith.constant 0 : i32
      %dma_start3A_140 = arith.constant 0 : i32
      %dma_start3A_141 = tpu.memref_slice %arg6[%dma_start3A_137, %dma_start3A_138, %dma_start3A_139, %dma_start3A_140] : memref<4x2x8x128xf32, #tpu.memory_space<vmem>> -> memref<1x1x8x128xf32, #tpu.memory_space<vmem>>
      %dma_start3A_142 = tpu.memref_squeeze %dma_start3A_141 : memref<1x1x8x128xf32, #tpu.memory_space<vmem>> -> memref<8x128xf32, #tpu.memory_space<vmem>>
      %dma_start3A_143 = arith.constant 0 : i32
      %dma_start3A_144 = arith.constant 0 : i32
      %dma_start3A_145 = tpu.memref_slice %arg2[%dma_start3A_136, %add3A_117, %dma_start3A_143, %dma_start3A_144] : memref<2x2500x8x128xf32, #tpu.memory_space<hbm>> -> memref<1x1x8x128xf32, #tpu.memory_space<hbm>>
      %dma_start3A_146 = tpu.memref_squeeze %dma_start3A_145 : memref<1x1x8x128xf32, #tpu.memory_space<hbm>> -> memref<8x128xf32, #tpu.memory_space<hbm>>
      %dma_start3A_147 = arith.constant 0 : i32
      %dma_start3A_148 = arith.constant 0 : i32
      %dma_start3A_149 = tpu.memref_slice %arg6[%dma_start3A_137, %dma_start3A_138, %dma_start3A_147, %dma_start3A_148] : memref<4x2x8x128xf32, #tpu.memory_space<vmem>> -> memref<1x1x8x128xf32, #tpu.memory_space<vmem>>
      %dma_start3A_150 = tpu.memref_squeeze %dma_start3A_149 : memref<1x1x8x128xf32, #tpu.memory_space<vmem>> -> memref<8x128xf32, #tpu.memory_space<vmem>>
      %dma_start3A_151 = arith.constant 0 : i32
      %dma_start3A_152 = arith.constant 0 : i32
      %dma_start3A_153 = tpu.memref_slice %arg2[%dma_start3A_136, %add3A_117, %dma_start3A_151, %dma_start3A_152] : memref<2x2500x8x128xf32, #tpu.memory_space<hbm>> -> memref<1x1x8x128xf32, #tpu.memory_space<hbm>>
      %dma_start3A_154 = tpu.memref_squeeze %dma_start3A_153 : memref<1x1x8x128xf32, #tpu.memory_space<hbm>> -> memref<8x128xf32, #tpu.memory_space<hbm>>
      tpu.enqueue_dma source(%dma_start3A_154 : memref<8x128xf32, #tpu.memory_space<hbm>>) target(%dma_start3A_150 : memref<8x128xf32, #tpu.memory_space<vmem>>) target_semaphore(%arg10 : memref<!tpu.dma_semaphore, #tpu.memory_space<semaphore_mem>>)
    } else {
    }
    %gt3A_44 = arith.constant 1 : i32
    %gt3A_45 = arith.cmpi sgt, %add3A_4, %gt3A_44 : i32
    %convert_element_type3A_46 = arith.extui %gt3A_45 : i1 to i32
    %cond3A_47 = arith.constant 0 : i32
    %cond3A_48 = arith.cmpi ne, %convert_element_type3A_46, %cond3A_47 : i32
    scf.if %cond3A_48 {
      %add3A_116 = arith.constant 1 : i32
      %add3A_117 = arith.addi %add3A_8, %add3A_116 : i32
      %dma_start3A = arith.constant 0 : i32
      %dma_start3A_118 = arith.constant 1 : i32
      %dma_start3A_119 = arith.constant 0 : i32
      %dma_start3A_120 = arith.constant 0 : i32
      %dma_start3A_121 = arith.constant 0 : i32
      %dma_start3A_122 = tpu.memref_slice %arg6[%dma_start3A_118, %dma_start3A_119, %dma_start3A_120, %dma_start3A_121] : memref<4x2x8x128xf32, #tpu.memory_space<vmem>> -> memref<1x1x8x128xf32, #tpu.memory_space<vmem>>
      %dma_start3A_123 = tpu.memref_squeeze %dma_start3A_122 : memref<1x1x8x128xf32, #tpu.memory_space<vmem>> -> memref<8x128xf32, #tpu.memory_space<vmem>>
      %dma_start3A_124 = arith.constant 0 : i32
      %dma_start3A_125 = arith.constant 0 : i32
      %dma_start3A_126 = tpu.memref_slice %arg2[%dma_start3A, %add3A_117, %dma_start3A_124, %dma_start3A_125] : memref<2x2500x8x128xf32, #tpu.memory_space<hbm>> -> memref<1x1x8x128xf32, #tpu.memory_space<hbm>>
      %dma_start3A_127 = tpu.memref_squeeze %dma_start3A_126 : memref<1x1x8x128xf32, #tpu.memory_space<hbm>> -> memref<8x128xf32, #tpu.memory_space<hbm>>
      %dma_start3A_128 = arith.constant 0 : i32
      %dma_start3A_129 = arith.constant 0 : i32
      %dma_start3A_130 = tpu.memref_slice %arg6[%dma_start3A_118, %dma_start3A_119, %dma_start3A_128, %dma_start3A_129] : memref<4x2x8x128xf32, #tpu.memory_space<vmem>> -> memref<1x1x8x128xf32, #tpu.memory_space<vmem>>
      %dma_start3A_131 = tpu.memref_squeeze %dma_start3A_130 : memref<1x1x8x128xf32, #tpu.memory_space<vmem>> -> memref<8x128xf32, #tpu.memory_space<vmem>>
      %dma_start3A_132 = arith.constant 0 : i32
      %dma_start3A_133 = arith.constant 0 : i32
      %dma_start3A_134 = tpu.memref_slice %arg2[%dma_start3A, %add3A_117, %dma_start3A_132, %dma_start3A_133] : memref<2x2500x8x128xf32, #tpu.memory_space<hbm>> -> memref<1x1x8x128xf32, #tpu.memory_space<hbm>>
      %dma_start3A_135 = tpu.memref_squeeze %dma_start3A_134 : memref<1x1x8x128xf32, #tpu.memory_space<hbm>> -> memref<8x128xf32, #tpu.memory_space<hbm>>
      tpu.enqueue_dma source(%dma_start3A_135 : memref<8x128xf32, #tpu.memory_space<hbm>>) target(%dma_start3A_131 : memref<8x128xf32, #tpu.memory_space<vmem>>) target_semaphore(%arg11 : memref<!tpu.dma_semaphore, #tpu.memory_space<semaphore_mem>>)
      %dma_start3A_136 = arith.constant 1 : i32
      %dma_start3A_137 = arith.constant 1 : i32
      %dma_start3A_138 = arith.constant 1 : i32
      %dma_start3A_139 = arith.constant 0 : i32
      %dma_start3A_140 = arith.constant 0 : i32
      %dma_start3A_141 = tpu.memref_slice %arg6[%dma_start3A_137, %dma_start3A_138, %dma_start3A_139, %dma_start3A_140] : memref<4x2x8x128xf32, #tpu.memory_space<vmem>> -> memref<1x1x8x128xf32, #tpu.memory_space<vmem>>
      %dma_start3A_142 = tpu.memref_squeeze %dma_start3A_141 : memref<1x1x8x128xf32, #tpu.memory_space<vmem>> -> memref<8x128xf32, #tpu.memory_space<vmem>>
      %dma_start3A_143 = arith.constant 0 : i32
      %dma_start3A_144 = arith.constant 0 : i32
      %dma_start3A_145 = tpu.memref_slice %arg2[%dma_start3A_136, %add3A_117, %dma_start3A_143, %dma_start3A_144] : memref<2x2500x8x128xf32, #tpu.memory_space<hbm>> -> memref<1x1x8x128xf32, #tpu.memory_space<hbm>>
      %dma_start3A_146 = tpu.memref_squeeze %dma_start3A_145 : memref<1x1x8x128xf32, #tpu.memory_space<hbm>> -> memref<8x128xf32, #tpu.memory_space<hbm>>
      %dma_start3A_147 = arith.constant 0 : i32
      %dma_start3A_148 = arith.constant 0 : i32
      %dma_start3A_149 = tpu.memref_slice %arg6[%dma_start3A_137, %dma_start3A_138, %dma_start3A_147, %dma_start3A_148] : memref<4x2x8x128xf32, #tpu.memory_space<vmem>> -> memref<1x1x8x128xf32, #tpu.memory_space<vmem>>
      %dma_start3A_150 = tpu.memref_squeeze %dma_start3A_149 : memref<1x1x8x128xf32, #tpu.memory_space<vmem>> -> memref<8x128xf32, #tpu.memory_space<vmem>>
      %dma_start3A_151 = arith.constant 0 : i32
      %dma_start3A_152 = arith.constant 0 : i32
      %dma_start3A_153 = tpu.memref_slice %arg2[%dma_start3A_136, %add3A_117, %dma_start3A_151, %dma_start3A_152] : memref<2x2500x8x128xf32, #tpu.memory_space<hbm>> -> memref<1x1x8x128xf32, #tpu.memory_space<hbm>>
      %dma_start3A_154 = tpu.memref_squeeze %dma_start3A_153 : memref<1x1x8x128xf32, #tpu.memory_space<hbm>> -> memref<8x128xf32, #tpu.memory_space<hbm>>
      tpu.enqueue_dma source(%dma_start3A_154 : memref<8x128xf32, #tpu.memory_space<hbm>>) target(%dma_start3A_150 : memref<8x128xf32, #tpu.memory_space<vmem>>) target_semaphore(%arg11 : memref<!tpu.dma_semaphore, #tpu.memory_space<semaphore_mem>>)
    } else {
    }
    %gt3A_49 = arith.constant 2 : i32
    %gt3A_50 = arith.cmpi sgt, %add3A_4, %gt3A_49 : i32
    %convert_element_type3A_51 = arith.extui %gt3A_50 : i1 to i32
    %cond3A_52 = arith.constant 0 : i32
    %cond3A_53 = arith.cmpi ne, %convert_element_type3A_51, %cond3A_52 : i32
    scf.if %cond3A_53 {
      %add3A_116 = arith.constant 2 : i32
      %add3A_117 = arith.addi %add3A_8, %add3A_116 : i32
      %dma_start3A = arith.constant 0 : i32
      %dma_start3A_118 = arith.constant 2 : i32
      %dma_start3A_119 = arith.constant 0 : i32
      %dma_start3A_120 = arith.constant 0 : i32
      %dma_start3A_121 = arith.constant 0 : i32
      %dma_start3A_122 = tpu.memref_slice %arg6[%dma_start3A_118, %dma_start3A_119, %dma_start3A_120, %dma_start3A_121] : memref<4x2x8x128xf32, #tpu.memory_space<vmem>> -> memref<1x1x8x128xf32, #tpu.memory_space<vmem>>
      %dma_start3A_123 = tpu.memref_squeeze %dma_start3A_122 : memref<1x1x8x128xf32, #tpu.memory_space<vmem>> -> memref<8x128xf32, #tpu.memory_space<vmem>>
      %dma_start3A_124 = arith.constant 0 : i32
      %dma_start3A_125 = arith.constant 0 : i32
      %dma_start3A_126 = tpu.memref_slice %arg2[%dma_start3A, %add3A_117, %dma_start3A_124, %dma_start3A_125] : memref<2x2500x8x128xf32, #tpu.memory_space<hbm>> -> memref<1x1x8x128xf32, #tpu.memory_space<hbm>>
      %dma_start3A_127 = tpu.memref_squeeze %dma_start3A_126 : memref<1x1x8x128xf32, #tpu.memory_space<hbm>> -> memref<8x128xf32, #tpu.memory_space<hbm>>
      %dma_start3A_128 = arith.constant 0 : i32
      %dma_start3A_129 = arith.constant 0 : i32
      %dma_start3A_130 = tpu.memref_slice %arg6[%dma_start3A_118, %dma_start3A_119, %dma_start3A_128, %dma_start3A_129] : memref<4x2x8x128xf32, #tpu.memory_space<vmem>> -> memref<1x1x8x128xf32, #tpu.memory_space<vmem>>
      %dma_start3A_131 = tpu.memref_squeeze %dma_start3A_130 : memref<1x1x8x128xf32, #tpu.memory_space<vmem>> -> memref<8x128xf32, #tpu.memory_space<vmem>>
      %dma_start3A_132 = arith.constant 0 : i32
      %dma_start3A_133 = arith.constant 0 : i32
      %dma_start3A_134 = tpu.memref_slice %arg2[%dma_start3A, %add3A_117, %dma_start3A_132, %dma_start3A_133] : memref<2x2500x8x128xf32, #tpu.memory_space<hbm>> -> memref<1x1x8x128xf32, #tpu.memory_space<hbm>>
      %dma_start3A_135 = tpu.memref_squeeze %dma_start3A_134 : memref<1x1x8x128xf32, #tpu.memory_space<hbm>> -> memref<8x128xf32, #tpu.memory_space<hbm>>
      tpu.enqueue_dma source(%dma_start3A_135 : memref<8x128xf32, #tpu.memory_space<hbm>>) target(%dma_start3A_131 : memref<8x128xf32, #tpu.memory_space<vmem>>) target_semaphore(%arg12 : memref<!tpu.dma_semaphore, #tpu.memory_space<semaphore_mem>>)
      %dma_start3A_136 = arith.constant 1 : i32
      %dma_start3A_137 = arith.constant 2 : i32
      %dma_start3A_138 = arith.constant 1 : i32
      %dma_start3A_139 = arith.constant 0 : i32
      %dma_start3A_140 = arith.constant 0 : i32
      %dma_start3A_141 = tpu.memref_slice %arg6[%dma_start3A_137, %dma_start3A_138, %dma_start3A_139, %dma_start3A_140] : memref<4x2x8x128xf32, #tpu.memory_space<vmem>> -> memref<1x1x8x128xf32, #tpu.memory_space<vmem>>
      %dma_start3A_142 = tpu.memref_squeeze %dma_start3A_141 : memref<1x1x8x128xf32, #tpu.memory_space<vmem>> -> memref<8x128xf32, #tpu.memory_space<vmem>>
      %dma_start3A_143 = arith.constant 0 : i32
      %dma_start3A_144 = arith.constant 0 : i32
      %dma_start3A_145 = tpu.memref_slice %arg2[%dma_start3A_136, %add3A_117, %dma_start3A_143, %dma_start3A_144] : memref<2x2500x8x128xf32, #tpu.memory_space<hbm>> -> memref<1x1x8x128xf32, #tpu.memory_space<hbm>>
      %dma_start3A_146 = tpu.memref_squeeze %dma_start3A_145 : memref<1x1x8x128xf32, #tpu.memory_space<hbm>> -> memref<8x128xf32, #tpu.memory_space<hbm>>
      %dma_start3A_147 = arith.constant 0 : i32
      %dma_start3A_148 = arith.constant 0 : i32
      %dma_start3A_149 = tpu.memref_slice %arg6[%dma_start3A_137, %dma_start3A_138, %dma_start3A_147, %dma_start3A_148] : memref<4x2x8x128xf32, #tpu.memory_space<vmem>> -> memref<1x1x8x128xf32, #tpu.memory_space<vmem>>
      %dma_start3A_150 = tpu.memref_squeeze %dma_start3A_149 : memref<1x1x8x128xf32, #tpu.memory_space<vmem>> -> memref<8x128xf32, #tpu.memory_space<vmem>>
      %dma_start3A_151 = arith.constant 0 : i32
      %dma_start3A_152 = arith.constant 0 : i32
      %dma_start3A_153 = tpu.memref_slice %arg2[%dma_start3A_136, %add3A_117, %dma_start3A_151, %dma_start3A_152] : memref<2x2500x8x128xf32, #tpu.memory_space<hbm>> -> memref<1x1x8x128xf32, #tpu.memory_space<hbm>>
      %dma_start3A_154 = tpu.memref_squeeze %dma_start3A_153 : memref<1x1x8x128xf32, #tpu.memory_space<hbm>> -> memref<8x128xf32, #tpu.memory_space<hbm>>
      tpu.enqueue_dma source(%dma_start3A_154 : memref<8x128xf32, #tpu.memory_space<hbm>>) target(%dma_start3A_150 : memref<8x128xf32, #tpu.memory_space<vmem>>) target_semaphore(%arg12 : memref<!tpu.dma_semaphore, #tpu.memory_space<semaphore_mem>>)
    } else {
    }
    %scan3A_54 = arith.constant 0 : i32
    %scan3A_55 = arith.constant 0 : i32
    %scan3A_56 = arith.constant 20 : i32
    %scan3A_57 = arith.addi %scan3A_55, %scan3A_56 : i32
    %scan3A_58 = arith.constant 1 : i32
    scf.for %scan3A_116 = %scan3A_55 to %scan3A_57 step %scan3A_58  : i32 {
      %mul3A_117 = arith.constant 4 : i32
      %mul3A_118 = arith.muli %scan3A_116, %mul3A_117 : i32
      %add3A_119 = arith.constant 0 : i32
      %add3A_120 = arith.addi %mul3A_118, %add3A_119 : i32
      %add3A_121 = arith.constant 3 : i32
      %add3A_122 = arith.addi %add3A_120, %add3A_121 : i32
      %lt3A_123 = arith.cmpi slt, %add3A_122, %add3A_4 : i32
      %convert_element_type3A_124 = arith.extui %lt3A_123 : i1 to i32
      %cond3A_125 = arith.constant 0 : i32
      %cond3A_126 = arith.cmpi ne, %convert_element_type3A_124, %cond3A_125 : i32
      scf.if %cond3A_126 {
        %add3A_173 = arith.addi %add3A_8, %add3A_122 : i32
        %dma_start3A = arith.constant 0 : i32
        %dma_start3A_174 = arith.constant 3 : i32
        %dma_start3A_175 = arith.constant 0 : i32
        %dma_start3A_176 = arith.constant 0 : i32
        %dma_start3A_177 = arith.constant 0 : i32
        %dma_start3A_178 = tpu.memref_slice %arg6[%dma_start3A_174, %dma_start3A_175, %dma_start3A_176, %dma_start3A_177] : memref<4x2x8x128xf32, #tpu.memory_space<vmem>> -> memref<1x1x8x128xf32, #tpu.memory_space<vmem>>
        %dma_start3A_179 = tpu.memref_squeeze %dma_start3A_178 : memref<1x1x8x128xf32, #tpu.memory_space<vmem>> -> memref<8x128xf32, #tpu.memory_space<vmem>>
        %dma_start3A_180 = arith.constant 0 : i32
        %dma_start3A_181 = arith.constant 0 : i32
        %dma_start3A_182 = tpu.memref_slice %arg2[%dma_start3A, %add3A_173, %dma_start3A_180, %dma_start3A_181] : memref<2x2500x8x128xf32, #tpu.memory_space<hbm>> -> memref<1x1x8x128xf32, #tpu.memory_space<hbm>>
        %dma_start3A_183 = tpu.memref_squeeze %dma_start3A_182 : memref<1x1x8x128xf32, #tpu.memory_space<hbm>> -> memref<8x128xf32, #tpu.memory_space<hbm>>
        %dma_start3A_184 = arith.constant 0 : i32
        %dma_start3A_185 = arith.constant 0 : i32
        %dma_start3A_186 = tpu.memref_slice %arg6[%dma_start3A_174, %dma_start3A_175, %dma_start3A_184, %dma_start3A_185] : memref<4x2x8x128xf32, #tpu.memory_space<vmem>> -> memref<1x1x8x128xf32, #tpu.memory_space<vmem>>
        %dma_start3A_187 = tpu.memref_squeeze %dma_start3A_186 : memref<1x1x8x128xf32, #tpu.memory_space<vmem>> -> memref<8x128xf32, #tpu.memory_space<vmem>>
        %dma_start3A_188 = arith.constant 0 : i32
        %dma_start3A_189 = arith.constant 0 : i32
        %dma_start3A_190 = tpu.memref_slice %arg2[%dma_start3A, %add3A_173, %dma_start3A_188, %dma_start3A_189] : memref<2x2500x8x128xf32, #tpu.memory_space<hbm>> -> memref<1x1x8x128xf32, #tpu.memory_space<hbm>>
        %dma_start3A_191 = tpu.memref_squeeze %dma_start3A_190 : memref<1x1x8x128xf32, #tpu.memory_space<hbm>> -> memref<8x128xf32, #tpu.memory_space<hbm>>
        tpu.enqueue_dma source(%dma_start3A_191 : memref<8x128xf32, #tpu.memory_space<hbm>>) target(%dma_start3A_187 : memref<8x128xf32, #tpu.memory_space<vmem>>) target_semaphore(%arg13 : memref<!tpu.dma_semaphore, #tpu.memory_space<semaphore_mem>>)
        %dma_start3A_192 = arith.constant 1 : i32
        %dma_start3A_193 = arith.constant 3 : i32
        %dma_start3A_194 = arith.constant 1 : i32
        %dma_start3A_195 = arith.constant 0 : i32
        %dma_start3A_196 = arith.constant 0 : i32
        %dma_start3A_197 = tpu.memref_slice %arg6[%dma_start3A_193, %dma_start3A_194, %dma_start3A_195, %dma_start3A_196] : memref<4x2x8x128xf32, #tpu.memory_space<vmem>> -> memref<1x1x8x128xf32, #tpu.memory_space<vmem>>
        %dma_start3A_198 = tpu.memref_squeeze %dma_start3A_197 : memref<1x1x8x128xf32, #tpu.memory_space<vmem>> -> memref<8x128xf32, #tpu.memory_space<vmem>>
        %dma_start3A_199 = arith.constant 0 : i32
        %dma_start3A_200 = arith.constant 0 : i32
        %dma_start3A_201 = tpu.memref_slice %arg2[%dma_start3A_192, %add3A_173, %dma_start3A_199, %dma_start3A_200] : memref<2x2500x8x128xf32, #tpu.memory_space<hbm>> -> memref<1x1x8x128xf32, #tpu.memory_space<hbm>>
        %dma_start3A_202 = tpu.memref_squeeze %dma_start3A_201 : memref<1x1x8x128xf32, #tpu.memory_space<hbm>> -> memref<8x128xf32, #tpu.memory_space<hbm>>
        %dma_start3A_203 = arith.constant 0 : i32
        %dma_start3A_204 = arith.constant 0 : i32
        %dma_start3A_205 = tpu.memref_slice %arg6[%dma_start3A_193, %dma_start3A_194, %dma_start3A_203, %dma_start3A_204] : memref<4x2x8x128xf32, #tpu.memory_space<vmem>> -> memref<1x1x8x128xf32, #tpu.memory_space<vmem>>
        %dma_start3A_206 = tpu.memref_squeeze %dma_start3A_205 : memref<1x1x8x128xf32, #tpu.memory_space<vmem>> -> memref<8x128xf32, #tpu.memory_space<vmem>>
        %dma_start3A_207 = arith.constant 0 : i32
        %dma_start3A_208 = arith.constant 0 : i32
        %dma_start3A_209 = tpu.memref_slice %arg2[%dma_start3A_192, %add3A_173, %dma_start3A_207, %dma_start3A_208] : memref<2x2500x8x128xf32, #tpu.memory_space<hbm>> -> memref<1x1x8x128xf32, #tpu.memory_space<hbm>>
        %dma_start3A_210 = tpu.memref_squeeze %dma_start3A_209 : memref<1x1x8x128xf32, #tpu.memory_space<hbm>> -> memref<8x128xf32, #tpu.memory_space<hbm>>
        tpu.enqueue_dma source(%dma_start3A_210 : memref<8x128xf32, #tpu.memory_space<hbm>>) target(%dma_start3A_206 : memref<8x128xf32, #tpu.memory_space<vmem>>) target_semaphore(%arg13 : memref<!tpu.dma_semaphore, #tpu.memory_space<semaphore_mem>>)
      } else {
      }
      %lt3A_127 = arith.cmpi slt, %add3A_120, %add3A_4 : i32
      %convert_element_type3A_128 = arith.extui %lt3A_127 : i1 to i32
      %cond3A_129 = arith.constant 0 : i32
      %cond3A_130 = arith.cmpi ne, %convert_element_type3A_128, %cond3A_129 : i32
      scf.if %cond3A_130 {
        %dma_wait3A_173 = arith.constant 0 : i32
        %dma_wait3A_174 = arith.constant 0 : i32
        %dma_wait3A_175 = arith.constant 0 : i32
        %dma_wait3A_176 = arith.constant 0 : i32
        %dma_wait3A_177 = arith.constant 0 : i32
        %dma_wait3A_178 = arith.constant 0 : i32
        %dma_wait3A_179 = tpu.memref_slice %arg6[%dma_wait3A_175, %dma_wait3A_176, %dma_wait3A_177, %dma_wait3A_178] : memref<4x2x8x128xf32, #tpu.memory_space<vmem>> -> memref<1x1x8x128xf32, #tpu.memory_space<vmem>>
        %dma_wait3A_180 = tpu.memref_squeeze %dma_wait3A_179 : memref<1x1x8x128xf32, #tpu.memory_space<vmem>> -> memref<8x128xf32, #tpu.memory_space<vmem>>
        %dma_wait3A_181 = arith.constant 0 : i32
        %dma_wait3A_182 = arith.constant 0 : i32
        %dma_wait3A_183 = tpu.memref_slice %arg2[%dma_wait3A_173, %dma_wait3A_174, %dma_wait3A_181, %dma_wait3A_182] : memref<2x2500x8x128xf32, #tpu.memory_space<hbm>> -> memref<1x1x8x128xf32, #tpu.memory_space<hbm>>
        %dma_wait3A_184 = tpu.memref_squeeze %dma_wait3A_183 : memref<1x1x8x128xf32, #tpu.memory_space<hbm>> -> memref<8x128xf32, #tpu.memory_space<hbm>>
        %dma_wait3A_185 = arith.constant 0 : i32
        %dma_wait3A_186 = arith.constant 0 : i32
        %dma_wait3A_187 = tpu.memref_slice %arg6[%dma_wait3A_175, %dma_wait3A_176, %dma_wait3A_185, %dma_wait3A_186] : memref<4x2x8x128xf32, #tpu.memory_space<vmem>> -> memref<1x1x8x128xf32, #tpu.memory_space<vmem>>
        %dma_wait3A_188 = tpu.memref_squeeze %dma_wait3A_187 : memref<1x1x8x128xf32, #tpu.memory_space<vmem>> -> memref<8x128xf32, #tpu.memory_space<vmem>>
        %dma_wait3A_189 = arith.constant 0 : i32
        %dma_wait3A_190 = arith.constant 0 : i32
        %dma_wait3A_191 = tpu.memref_slice %arg2[%dma_wait3A_173, %dma_wait3A_174, %dma_wait3A_189, %dma_wait3A_190] : memref<2x2500x8x128xf32, #tpu.memory_space<hbm>> -> memref<1x1x8x128xf32, #tpu.memory_space<hbm>>
        %dma_wait3A_192 = tpu.memref_squeeze %dma_wait3A_191 : memref<1x1x8x128xf32, #tpu.memory_space<hbm>> -> memref<8x128xf32, #tpu.memory_space<hbm>>
        tpu.wait_dma2 semaphore(%arg10 : memref<!tpu.dma_semaphore, #tpu.memory_space<semaphore_mem>>) src(%dma_wait3A_192 : memref<8x128xf32, #tpu.memory_space<hbm>>) dst(%dma_wait3A_188 : memref<8x128xf32, #tpu.memory_space<vmem>>)
        %dma_wait3A_193 = arith.constant 1 : i32
        %dma_wait3A_194 = arith.constant 0 : i32
        %dma_wait3A_195 = arith.constant 0 : i32
        %dma_wait3A_196 = arith.constant 1 : i32
        %dma_wait3A_197 = arith.constant 0 : i32
        %dma_wait3A_198 = arith.constant 0 : i32
        %dma_wait3A_199 = tpu.memref_slice %arg6[%dma_wait3A_195, %dma_wait3A_196, %dma_wait3A_197, %dma_wait3A_198] : memref<4x2x8x128xf32, #tpu.memory_space<vmem>> -> memref<1x1x8x128xf32, #tpu.memory_space<vmem>>
        %dma_wait3A_200 = tpu.memref_squeeze %dma_wait3A_199 : memref<1x1x8x128xf32, #tpu.memory_space<vmem>> -> memref<8x128xf32, #tpu.memory_space<vmem>>
        %dma_wait3A_201 = arith.constant 0 : i32
        %dma_wait3A_202 = arith.constant 0 : i32
        %dma_wait3A_203 = tpu.memref_slice %arg2[%dma_wait3A_193, %dma_wait3A_194, %dma_wait3A_201, %dma_wait3A_202] : memref<2x2500x8x128xf32, #tpu.memory_space<hbm>> -> memref<1x1x8x128xf32, #tpu.memory_space<hbm>>
        %dma_wait3A_204 = tpu.memref_squeeze %dma_wait3A_203 : memref<1x1x8x128xf32, #tpu.memory_space<hbm>> -> memref<8x128xf32, #tpu.memory_space<hbm>>
        %dma_wait3A_205 = arith.constant 0 : i32
        %dma_wait3A_206 = arith.constant 0 : i32
        %dma_wait3A_207 = tpu.memref_slice %arg6[%dma_wait3A_195, %dma_wait3A_196, %dma_wait3A_205, %dma_wait3A_206] : memref<4x2x8x128xf32, #tpu.memory_space<vmem>> -> memref<1x1x8x128xf32, #tpu.memory_space<vmem>>
        %dma_wait3A_208 = tpu.memref_squeeze %dma_wait3A_207 : memref<1x1x8x128xf32, #tpu.memory_space<vmem>> -> memref<8x128xf32, #tpu.memory_space<vmem>>
        %dma_wait3A_209 = arith.constant 0 : i32
        %dma_wait3A_210 = arith.constant 0 : i32
        %dma_wait3A_211 = tpu.memref_slice %arg2[%dma_wait3A_193, %dma_wait3A_194, %dma_wait3A_209, %dma_wait3A_210] : memref<2x2500x8x128xf32, #tpu.memory_space<hbm>> -> memref<1x1x8x128xf32, #tpu.memory_space<hbm>>
        %dma_wait3A_212 = tpu.memref_squeeze %dma_wait3A_211 : memref<1x1x8x128xf32, #tpu.memory_space<hbm>> -> memref<8x128xf32, #tpu.memory_space<hbm>>
        tpu.wait_dma2 semaphore(%arg10 : memref<!tpu.dma_semaphore, #tpu.memory_space<semaphore_mem>>) src(%dma_wait3A_212 : memref<8x128xf32, #tpu.memory_space<hbm>>) dst(%dma_wait3A_208 : memref<8x128xf32, #tpu.memory_space<vmem>>)
        %ge3A = arith.constant 4 : i32
        %ge3A_213 = arith.cmpi sge, %add3A_120, %ge3A : i32
        %convert_element_type3A_214 = arith.extui %ge3A_213 : i1 to i32
        %cond3A_215 = arith.constant 0 : i32
        %cond3A_216 = arith.cmpi ne, %convert_element_type3A_214, %cond3A_215 : i32
        scf.if %cond3A_216 {
          %dma_wait3A_237 = arith.constant 0 : i32
          %dma_wait3A_238 = arith.constant 0 : i32
          %dma_wait3A_239 = arith.constant 1 : i32
          %dma_wait3A_240 = arith.constant 0 : i32
          %dma_wait3A_241 = arith.constant 0 : i32
          %dma_wait3A_242 = tpu.memref_slice %arg7[%dma_wait3A_237, %dma_wait3A_240, %dma_wait3A_241] : memref<4x128x16xf32, #tpu.memory_space<vmem>> -> memref<1x128x16xf32, #tpu.memory_space<vmem>>
          %dma_wait3A_243 = tpu.memref_squeeze %dma_wait3A_242 : memref<1x128x16xf32, #tpu.memory_space<vmem>> -> memref<128x16xf32, #tpu.memory_space<vmem>>
          %dma_wait3A_244 = arith.constant 0 : i32
          %dma_wait3A_245 = tpu.memref_slice %arg5[%dma_wait3A_238, %dma_wait3A_239, %dma_wait3A_244] : memref<79x2x128xi32, #tpu.memory_space<vmem>> -> memref<1x1x128xi32, #tpu.memory_space<vmem>>
          %dma_wait3A_246 = tpu.memref_squeeze %dma_wait3A_245 : memref<1x1x128xi32, #tpu.memory_space<vmem>> -> memref<128xi32, #tpu.memory_space<vmem>>
          %dma_wait3A_247 = arith.constant 0 : i32
          %dma_wait3A_248 = arith.constant 0 : i32
          %dma_wait3A_249 = tpu.memref_slice %arg9[%dma_wait3A_247, %dma_wait3A_248] : memref<10000x16xf32, #tpu.memory_space<vmem_shared>> -> memref<10000x16xf32, #tpu.memory_space<vmem_shared>>
          tpu.wait_indirect_dma semaphore(%arg14 : memref<!tpu.dma_semaphore, #tpu.memory_space<semaphore_mem>>) src(%dma_wait3A_243 : memref<128x16xf32, #tpu.memory_space<vmem>>) dst(%dma_wait3A_249 : memref<10000x16xf32, #tpu.memory_space<vmem_shared>>)
        } else {
        }
        %scan3A_217 = arith.constant 0 : i32
        %scan3A_218 = arith.constant 0 : i32
        %scan3A_219 = arith.constant 0 : i32
        %scan3A_220 = arith.constant 0 : i32
        %scan3A_221 = arith.constant 16 : i32
        %scan3A_222 = arith.addi %scan3A_220, %scan3A_221 : i32
        %scan3A_223 = arith.constant 1 : i32
        scf.for %scan3A_237 = %scan3A_220 to %scan3A_222 step %scan3A_223  : i32 {
          %add3A_238 = vector.broadcast %scan3A_237 : i32 to vector<16xi32>
          %add3A_239 = arith.addi %iota3A, %add3A_238 : vector<16xi32>
          %and3A = arith.constant 15 : i32
          %and3A_240 = vector.broadcast %and3A : i32 to vector<16xi32>
          %and3A_241 = arith.andi %add3A_239, %and3A_240 : vector<16xi32>
          %shift_right_arithmetic3A = arith.constant 3 : i32
          %shift_right_arithmetic3A_242 = vector.broadcast %shift_right_arithmetic3A : i32 to vector<16xi32>
          %shift_right_arithmetic3A_243 = arith.shrsi %and3A_241, %shift_right_arithmetic3A_242 : vector<16xi32>
          %and3A_244 = arith.constant 7 : i32
          %and3A_245 = vector.broadcast %and3A_244 : i32 to vector<16xi32>
          %and3A_246 = arith.andi %and3A_241, %and3A_245 : vector<16xi32>
          %add3A_247 = arith.constant 0 : i32
          %add3A_248 = vector.broadcast %add3A_247 : i32 to vector<16xi32>
          %add3A_249 = arith.addi %add3A_248, %iota3A : vector<16xi32>
          %gather3A = arith.constant 0 : i32
          %gather3A_250 = arith.constant 0 : i32
          %gather3A_251 = arith.constant 0 : i32
          %gather3A_252 = tpu.memref_slice %arg6[%scan3A_218, %gather3A, %gather3A_250, %gather3A_251] : memref<4x2x8x128xf32, #tpu.memory_space<vmem>> -> memref<1x2x8x128xf32, #tpu.memory_space<vmem>>
          %gather3A_253 = tpu.memref_squeeze %gather3A_252 : memref<1x2x8x128xf32, #tpu.memory_space<vmem>> -> memref<2x8x128xf32, #tpu.memory_space<vmem>>
          %gather3A_254 = tpu.vector_load_idx %gather3A_253[%shift_right_arithmetic3A_243, %and3A_246, %add3A_249] : memref<2x8x128xf32, #tpu.memory_space<vmem>>[vector<16xi32>, vector<16xi32>, vector<16xi32>], vector<16xf32>,
          %scatter3A = arith.constant 0 : i32
          %scatter3A_255 = arith.constant 0 : i32
          %scatter3A_256 = tpu.memref_slice %arg7[%scan3A_219, %scatter3A, %scatter3A_255] : memref<4x128x16xf32, #tpu.memory_space<vmem>> -> memref<1x128x16xf32, #tpu.memory_space<vmem>>
          %scatter3A_257 = tpu.memref_squeeze %scatter3A_256 : memref<1x128x16xf32, #tpu.memory_space<vmem>> -> memref<128x16xf32, #tpu.memory_space<vmem>>
          tpu.vector_store_idx %scatter3A_257[%add3A_249, %and3A_241], %gather3A_254 : memref<128x16xf32, #tpu.memory_space<vmem>>[vector<16xi32>, vector<16xi32>], vector<16xf32>,
          %add3A_258 = arith.constant 16 : i32
          %add3A_259 = vector.broadcast %add3A_258 : i32 to vector<16xi32>
          %add3A_260 = arith.addi %add3A_259, %iota3A : vector<16xi32>
          %gather3A_261 = arith.constant 0 : i32
          %gather3A_262 = arith.constant 0 : i32
          %gather3A_263 = arith.constant 0 : i32
          %gather3A_264 = tpu.memref_slice %arg6[%scan3A_218, %gather3A_261, %gather3A_262, %gather3A_263] : memref<4x2x8x128xf32, #tpu.memory_space<vmem>> -> memref<1x2x8x128xf32, #tpu.memory_space<vmem>>
          %gather3A_265 = tpu.memref_squeeze %gather3A_264 : memref<1x2x8x128xf32, #tpu.memory_space<vmem>> -> memref<2x8x128xf32, #tpu.memory_space<vmem>>
          %gather3A_266 = tpu.vector_load_idx %gather3A_265[%shift_right_arithmetic3A_243, %and3A_246, %add3A_260] : memref<2x8x128xf32, #tpu.memory_space<vmem>>[vector<16xi32>, vector<16xi32>, vector<16xi32>], vector<16xf32>,
          %scatter3A_267 = arith.constant 0 : i32
          %scatter3A_268 = arith.constant 0 : i32
          %scatter3A_269 = tpu.memref_slice %arg7[%scan3A_219, %scatter3A_267, %scatter3A_268] : memref<4x128x16xf32, #tpu.memory_space<vmem>> -> memref<1x128x16xf32, #tpu.memory_space<vmem>>
          %scatter3A_270 = tpu.memref_squeeze %scatter3A_269 : memref<1x128x16xf32, #tpu.memory_space<vmem>> -> memref<128x16xf32, #tpu.memory_space<vmem>>
          tpu.vector_store_idx %scatter3A_270[%add3A_260, %and3A_241], %gather3A_266 : memref<128x16xf32, #tpu.memory_space<vmem>>[vector<16xi32>, vector<16xi32>], vector<16xf32>,
          %add3A_271 = arith.constant 32 : i32
          %add3A_272 = vector.broadcast %add3A_271 : i32 to vector<16xi32>
          %add3A_273 = arith.addi %add3A_272, %iota3A : vector<16xi32>
          %gather3A_274 = arith.constant 0 : i32
          %gather3A_275 = arith.constant 0 : i32
          %gather3A_276 = arith.constant 0 : i32
          %gather3A_277 = tpu.memref_slice %arg6[%scan3A_218, %gather3A_274, %gather3A_275, %gather3A_276] : memref<4x2x8x128xf32, #tpu.memory_space<vmem>> -> memref<1x2x8x128xf32, #tpu.memory_space<vmem>>
          %gather3A_278 = tpu.memref_squeeze %gather3A_277 : memref<1x2x8x128xf32, #tpu.memory_space<vmem>> -> memref<2x8x128xf32, #tpu.memory_space<vmem>>
          %gather3A_279 = tpu.vector_load_idx %gather3A_278[%shift_right_arithmetic3A_243, %and3A_246, %add3A_273] : memref<2x8x128xf32, #tpu.memory_space<vmem>>[vector<16xi32>, vector<16xi32>, vector<16xi32>], vector<16xf32>,
          %scatter3A_280 = arith.constant 0 : i32
          %scatter3A_281 = arith.constant 0 : i32
          %scatter3A_282 = tpu.memref_slice %arg7[%scan3A_219, %scatter3A_280, %scatter3A_281] : memref<4x128x16xf32, #tpu.memory_space<vmem>> -> memref<1x128x16xf32, #tpu.memory_space<vmem>>
          %scatter3A_283 = tpu.memref_squeeze %scatter3A_282 : memref<1x128x16xf32, #tpu.memory_space<vmem>> -> memref<128x16xf32, #tpu.memory_space<vmem>>
          tpu.vector_store_idx %scatter3A_283[%add3A_273, %and3A_241], %gather3A_279 : memref<128x16xf32, #tpu.memory_space<vmem>>[vector<16xi32>, vector<16xi32>], vector<16xf32>,
          %add3A_284 = arith.constant 48 : i32
          %add3A_285 = vector.broadcast %add3A_284 : i32 to vector<16xi32>
          %add3A_286 = arith.addi %add3A_285, %iota3A : vector<16xi32>
          %gather3A_287 = arith.constant 0 : i32
          %gather3A_288 = arith.constant 0 : i32
          %gather3A_289 = arith.constant 0 : i32
          %gather3A_290 = tpu.memref_slice %arg6[%scan3A_218, %gather3A_287, %gather3A_288, %gather3A_289] : memref<4x2x8x128xf32, #tpu.memory_space<vmem>> -> memref<1x2x8x128xf32, #tpu.memory_space<vmem>>
          %gather3A_291 = tpu.memref_squeeze %gather3A_290 : memref<1x2x8x128xf32, #tpu.memory_space<vmem>> -> memref<2x8x128xf32, #tpu.memory_space<vmem>>
          %gather3A_292 = tpu.vector_load_idx %gather3A_291[%shift_right_arithmetic3A_243, %and3A_246, %add3A_286] : memref<2x8x128xf32, #tpu.memory_space<vmem>>[vector<16xi32>, vector<16xi32>, vector<16xi32>], vector<16xf32>,
          %scatter3A_293 = arith.constant 0 : i32
          %scatter3A_294 = arith.constant 0 : i32
          %scatter3A_295 = tpu.memref_slice %arg7[%scan3A_219, %scatter3A_293, %scatter3A_294] : memref<4x128x16xf32, #tpu.memory_space<vmem>> -> memref<1x128x16xf32, #tpu.memory_space<vmem>>
          %scatter3A_296 = tpu.memref_squeeze %scatter3A_295 : memref<1x128x16xf32, #tpu.memory_space<vmem>> -> memref<128x16xf32, #tpu.memory_space<vmem>>
          tpu.vector_store_idx %scatter3A_296[%add3A_286, %and3A_241], %gather3A_292 : memref<128x16xf32, #tpu.memory_space<vmem>>[vector<16xi32>, vector<16xi32>], vector<16xf32>,
          %add3A_297 = arith.constant 64 : i32
          %add3A_298 = vector.broadcast %add3A_297 : i32 to vector<16xi32>
          %add3A_299 = arith.addi %add3A_298, %iota3A : vector<16xi32>
          %gather3A_300 = arith.constant 0 : i32
          %gather3A_301 = arith.constant 0 : i32
          %gather3A_302 = arith.constant 0 : i32
          %gather3A_303 = tpu.memref_slice %arg6[%scan3A_218, %gather3A_300, %gather3A_301, %gather3A_302] : memref<4x2x8x128xf32, #tpu.memory_space<vmem>> -> memref<1x2x8x128xf32, #tpu.memory_space<vmem>>
          %gather3A_304 = tpu.memref_squeeze %gather3A_303 : memref<1x2x8x128xf32, #tpu.memory_space<vmem>> -> memref<2x8x128xf32, #tpu.memory_space<vmem>>
          %gather3A_305 = tpu.vector_load_idx %gather3A_304[%shift_right_arithmetic3A_243, %and3A_246, %add3A_299] : memref<2x8x128xf32, #tpu.memory_space<vmem>>[vector<16xi32>, vector<16xi32>, vector<16xi32>], vector<16xf32>,
          %scatter3A_306 = arith.constant 0 : i32
          %scatter3A_307 = arith.constant 0 : i32
          %scatter3A_308 = tpu.memref_slice %arg7[%scan3A_219, %scatter3A_306, %scatter3A_307] : memref<4x128x16xf32, #tpu.memory_space<vmem>> -> memref<1x128x16xf32, #tpu.memory_space<vmem>>
          %scatter3A_309 = tpu.memref_squeeze %scatter3A_308 : memref<1x128x16xf32, #tpu.memory_space<vmem>> -> memref<128x16xf32, #tpu.memory_space<vmem>>
          tpu.vector_store_idx %scatter3A_309[%add3A_299, %and3A_241], %gather3A_305 : memref<128x16xf32, #tpu.memory_space<vmem>>[vector<16xi32>, vector<16xi32>], vector<16xf32>,
          %add3A_310 = arith.constant 80 : i32
          %add3A_311 = vector.broadcast %add3A_310 : i32 to vector<16xi32>
          %add3A_312 = arith.addi %add3A_311, %iota3A : vector<16xi32>
          %gather3A_313 = arith.constant 0 : i32
          %gather3A_314 = arith.constant 0 : i32
          %gather3A_315 = arith.constant 0 : i32
          %gather3A_316 = tpu.memref_slice %arg6[%scan3A_218, %gather3A_313, %gather3A_314, %gather3A_315] : memref<4x2x8x128xf32, #tpu.memory_space<vmem>> -> memref<1x2x8x128xf32, #tpu.memory_space<vmem>>
          %gather3A_317 = tpu.memref_squeeze %gather3A_316 : memref<1x2x8x128xf32, #tpu.memory_space<vmem>> -> memref<2x8x128xf32, #tpu.memory_space<vmem>>
          %gather3A_318 = tpu.vector_load_idx %gather3A_317[%shift_right_arithmetic3A_243, %and3A_246, %add3A_312] : memref<2x8x128xf32, #tpu.memory_space<vmem>>[vector<16xi32>, vector<16xi32>, vector<16xi32>], vector<16xf32>,
          %scatter3A_319 = arith.constant 0 : i32
          %scatter3A_320 = arith.constant 0 : i32
          %scatter3A_321 = tpu.memref_slice %arg7[%scan3A_219, %scatter3A_319, %scatter3A_320] : memref<4x128x16xf32, #tpu.memory_space<vmem>> -> memref<1x128x16xf32, #tpu.memory_space<vmem>>
          %scatter3A_322 = tpu.memref_squeeze %scatter3A_321 : memref<1x128x16xf32, #tpu.memory_space<vmem>> -> memref<128x16xf32, #tpu.memory_space<vmem>>
          tpu.vector_store_idx %scatter3A_322[%add3A_312, %and3A_241], %gather3A_318 : memref<128x16xf32, #tpu.memory_space<vmem>>[vector<16xi32>, vector<16xi32>], vector<16xf32>,
          %add3A_323 = arith.constant 96 : i32
          %add3A_324 = vector.broadcast %add3A_323 : i32 to vector<16xi32>
          %add3A_325 = arith.addi %add3A_324, %iota3A : vector<16xi32>
          %gather3A_326 = arith.constant 0 : i32
          %gather3A_327 = arith.constant 0 : i32
          %gather3A_328 = arith.constant 0 : i32
          %gather3A_329 = tpu.memref_slice %arg6[%scan3A_218, %gather3A_326, %gather3A_327, %gather3A_328] : memref<4x2x8x128xf32, #tpu.memory_space<vmem>> -> memref<1x2x8x128xf32, #tpu.memory_space<vmem>>
          %gather3A_330 = tpu.memref_squeeze %gather3A_329 : memref<1x2x8x128xf32, #tpu.memory_space<vmem>> -> memref<2x8x128xf32, #tpu.memory_space<vmem>>
          %gather3A_331 = tpu.vector_load_idx %gather3A_330[%shift_right_arithmetic3A_243, %and3A_246, %add3A_325] : memref<2x8x128xf32, #tpu.memory_space<vmem>>[vector<16xi32>, vector<16xi32>, vector<16xi32>], vector<16xf32>,
          %scatter3A_332 = arith.constant 0 : i32
          %scatter3A_333 = arith.constant 0 : i32
          %scatter3A_334 = tpu.memref_slice %arg7[%scan3A_219, %scatter3A_332, %scatter3A_333] : memref<4x128x16xf32, #tpu.memory_space<vmem>> -> memref<1x128x16xf32, #tpu.memory_space<vmem>>
          %scatter3A_335 = tpu.memref_squeeze %scatter3A_334 : memref<1x128x16xf32, #tpu.memory_space<vmem>> -> memref<128x16xf32, #tpu.memory_space<vmem>>
          tpu.vector_store_idx %scatter3A_335[%add3A_325, %and3A_241], %gather3A_331 : memref<128x16xf32, #tpu.memory_space<vmem>>[vector<16xi32>, vector<16xi32>], vector<16xf32>,
          %add3A_336 = arith.constant 112 : i32
          %add3A_337 = vector.broadcast %add3A_336 : i32 to vector<16xi32>
          %add3A_338 = arith.addi %add3A_337, %iota3A : vector<16xi32>
          %gather3A_339 = arith.constant 0 : i32
          %gather3A_340 = arith.constant 0 : i32
          %gather3A_341 = arith.constant 0 : i32
          %gather3A_342 = tpu.memref_slice %arg6[%scan3A_218, %gather3A_339, %gather3A_340, %gather3A_341] : memref<4x2x8x128xf32, #tpu.memory_space<vmem>> -> memref<1x2x8x128xf32, #tpu.memory_space<vmem>>
          %gather3A_343 = tpu.memref_squeeze %gather3A_342 : memref<1x2x8x128xf32, #tpu.memory_space<vmem>> -> memref<2x8x128xf32, #tpu.memory_space<vmem>>
          %gather3A_344 = tpu.vector_load_idx %gather3A_343[%shift_right_arithmetic3A_243, %and3A_246, %add3A_338] : memref<2x8x128xf32, #tpu.memory_space<vmem>>[vector<16xi32>, vector<16xi32>, vector<16xi32>], vector<16xf32>,
          %scatter3A_345 = arith.constant 0 : i32
          %scatter3A_346 = arith.constant 0 : i32
          %scatter3A_347 = tpu.memref_slice %arg7[%scan3A_219, %scatter3A_345, %scatter3A_346] : memref<4x128x16xf32, #tpu.memory_space<vmem>> -> memref<1x128x16xf32, #tpu.memory_space<vmem>>
          %scatter3A_348 = tpu.memref_squeeze %scatter3A_347 : memref<1x128x16xf32, #tpu.memory_space<vmem>> -> memref<128x16xf32, #tpu.memory_space<vmem>>
          tpu.vector_store_idx %scatter3A_348[%add3A_338, %and3A_241], %gather3A_344 : memref<128x16xf32, #tpu.memory_space<vmem>>[vector<16xi32>, vector<16xi32>], vector<16xf32>,
        }
        %scan3A_224 = arith.constant 16 : i32
        %add3A_225 = arith.addi %sub3A, %add3A_120 : i32
        %dma_start3A = arith.constant 0 : i32
        %dma_start3A_226 = arith.constant 1 : i32
        %dma_start3A_227 = arith.constant 0 : i32
        %dma_start3A_228 = arith.constant 0 : i32
        %dma_start3A_229 = tpu.memref_slice %arg7[%dma_start3A, %dma_start3A_227, %dma_start3A_228] : memref<4x128x16xf32, #tpu.memory_space<vmem>> -> memref<1x128x16xf32, #tpu.memory_space<vmem>>
        %dma_start3A_230 = tpu.memref_squeeze %dma_start3A_229 : memref<1x128x16xf32, #tpu.memory_space<vmem>> -> memref<128x16xf32, #tpu.memory_space<vmem>>
        %dma_start3A_231 = arith.constant 0 : i32
        %dma_start3A_232 = tpu.memref_slice %arg5[%add3A_225, %dma_start3A_226, %dma_start3A_231] : memref<79x2x128xi32, #tpu.memory_space<vmem>> -> memref<1x1x128xi32, #tpu.memory_space<vmem>>
        %dma_start3A_233 = tpu.memref_squeeze %dma_start3A_232 : memref<1x1x128xi32, #tpu.memory_space<vmem>> -> memref<128xi32, #tpu.memory_space<vmem>>
        %dma_start3A_234 = arith.constant 0 : i32
        %dma_start3A_235 = arith.constant 0 : i32
        %dma_start3A_236 = tpu.memref_slice %arg9[%dma_start3A_234, %dma_start3A_235] : memref<10000x16xf32, #tpu.memory_space<vmem_shared>> -> memref<10000x16xf32, #tpu.memory_space<vmem_shared>>
        tpu.enqueue_indirect_dma source(%dma_start3A_230 : memref<128x16xf32, #tpu.memory_space<vmem>>) target(%dma_start3A_236 : memref<10000x16xf32, #tpu.memory_space<vmem_shared>>) offsets(%dma_start3A_233 : memref<128xi32, #tpu.memory_space<vmem>>) semaphore(%arg14 : memref<!tpu.dma_semaphore, #tpu.memory_space<semaphore_mem>>) {add = true}
      } else {
      }
      %mul3A_131 = arith.constant 4 : i32
      %mul3A_132 = arith.muli %scan3A_116, %mul3A_131 : i32
      %add3A_133 = arith.constant 1 : i32
      %add3A_134 = arith.addi %mul3A_132, %add3A_133 : i32
      %add3A_135 = arith.constant 3 : i32
      %add3A_136 = arith.addi %add3A_134, %add3A_135 : i32
      %lt3A_137 = arith.cmpi slt, %add3A_136, %add3A_4 : i32
      %convert_element_type3A_138 = arith.extui %lt3A_137 : i1 to i32
      %cond3A_139 = arith.constant 0 : i32
      %cond3A_140 = arith.cmpi ne, %convert_element_type3A_138, %cond3A_139 : i32
      scf.if %cond3A_140 {
        %add3A_173 = arith.addi %add3A_8, %add3A_136 : i32
        %dma_start3A = arith.constant 0 : i32
        %dma_start3A_174 = arith.constant 0 : i32
        %dma_start3A_175 = arith.constant 0 : i32
        %dma_start3A_176 = arith.constant 0 : i32
        %dma_start3A_177 = arith.constant 0 : i32
        %dma_start3A_178 = tpu.memref_slice %arg6[%dma_start3A_174, %dma_start3A_175, %dma_start3A_176, %dma_start3A_177] : memref<4x2x8x128xf32, #tpu.memory_space<vmem>> -> memref<1x1x8x128xf32, #tpu.memory_space<vmem>>
        %dma_start3A_179 = tpu.memref_squeeze %dma_start3A_178 : memref<1x1x8x128xf32, #tpu.memory_space<vmem>> -> memref<8x128xf32, #tpu.memory_space<vmem>>
        %dma_start3A_180 = arith.constant 0 : i32
        %dma_start3A_181 = arith.constant 0 : i32
        %dma_start3A_182 = tpu.memref_slice %arg2[%dma_start3A, %add3A_173, %dma_start3A_180, %dma_start3A_181] : memref<2x2500x8x128xf32, #tpu.memory_space<hbm>> -> memref<1x1x8x128xf32, #tpu.memory_space<hbm>>
        %dma_start3A_183 = tpu.memref_squeeze %dma_start3A_182 : memref<1x1x8x128xf32, #tpu.memory_space<hbm>> -> memref<8x128xf32, #tpu.memory_space<hbm>>
        %dma_start3A_184 = arith.constant 0 : i32
        %dma_start3A_185 = arith.constant 0 : i32
        %dma_start3A_186 = tpu.memref_slice %arg6[%dma_start3A_174, %dma_start3A_175, %dma_start3A_184, %dma_start3A_185] : memref<4x2x8x128xf32, #tpu.memory_space<vmem>> -> memref<1x1x8x128xf32, #tpu.memory_space<vmem>>
        %dma_start3A_187 = tpu.memref_squeeze %dma_start3A_186 : memref<1x1x8x128xf32, #tpu.memory_space<vmem>> -> memref<8x128xf32, #tpu.memory_space<vmem>>
        %dma_start3A_188 = arith.constant 0 : i32
        %dma_start3A_189 = arith.constant 0 : i32
        %dma_start3A_190 = tpu.memref_slice %arg2[%dma_start3A, %add3A_173, %dma_start3A_188, %dma_start3A_189] : memref<2x2500x8x128xf32, #tpu.memory_space<hbm>> -> memref<1x1x8x128xf32, #tpu.memory_space<hbm>>
        %dma_start3A_191 = tpu.memref_squeeze %dma_start3A_190 : memref<1x1x8x128xf32, #tpu.memory_space<hbm>> -> memref<8x128xf32, #tpu.memory_space<hbm>>
        tpu.enqueue_dma source(%dma_start3A_191 : memref<8x128xf32, #tpu.memory_space<hbm>>) target(%dma_start3A_187 : memref<8x128xf32, #tpu.memory_space<vmem>>) target_semaphore(%arg10 : memref<!tpu.dma_semaphore, #tpu.memory_space<semaphore_mem>>)
        %dma_start3A_192 = arith.constant 1 : i32
        %dma_start3A_193 = arith.constant 0 : i32
        %dma_start3A_194 = arith.constant 1 : i32
        %dma_start3A_195 = arith.constant 0 : i32
        %dma_start3A_196 = arith.constant 0 : i32
        %dma_start3A_197 = tpu.memref_slice %arg6[%dma_start3A_193, %dma_start3A_194, %dma_start3A_195, %dma_start3A_196] : memref<4x2x8x128xf32, #tpu.memory_space<vmem>> -> memref<1x1x8x128xf32, #tpu.memory_space<vmem>>
        %dma_start3A_198 = tpu.memref_squeeze %dma_start3A_197 : memref<1x1x8x128xf32, #tpu.memory_space<vmem>> -> memref<8x128xf32, #tpu.memory_space<vmem>>
        %dma_start3A_199 = arith.constant 0 : i32
        %dma_start3A_200 = arith.constant 0 : i32
        %dma_start3A_201 = tpu.memref_slice %arg2[%dma_start3A_192, %add3A_173, %dma_start3A_199, %dma_start3A_200] : memref<2x2500x8x128xf32, #tpu.memory_space<hbm>> -> memref<1x1x8x128xf32, #tpu.memory_space<hbm>>
        %dma_start3A_202 = tpu.memref_squeeze %dma_start3A_201 : memref<1x1x8x128xf32, #tpu.memory_space<hbm>> -> memref<8x128xf32, #tpu.memory_space<hbm>>
        %dma_start3A_203 = arith.constant 0 : i32
        %dma_start3A_204 = arith.constant 0 : i32
        %dma_start3A_205 = tpu.memref_slice %arg6[%dma_start3A_193, %dma_start3A_194, %dma_start3A_203, %dma_start3A_204] : memref<4x2x8x128xf32, #tpu.memory_space<vmem>> -> memref<1x1x8x128xf32, #tpu.memory_space<vmem>>
        %dma_start3A_206 = tpu.memref_squeeze %dma_start3A_205 : memref<1x1x8x128xf32, #tpu.memory_space<vmem>> -> memref<8x128xf32, #tpu.memory_space<vmem>>
        %dma_start3A_207 = arith.constant 0 : i32
        %dma_start3A_208 = arith.constant 0 : i32
        %dma_start3A_209 = tpu.memref_slice %arg2[%dma_start3A_192, %add3A_173, %dma_start3A_207, %dma_start3A_208] : memref<2x2500x8x128xf32, #tpu.memory_space<hbm>> -> memref<1x1x8x128xf32, #tpu.memory_space<hbm>>
        %dma_start3A_210 = tpu.memref_squeeze %dma_start3A_209 : memref<1x1x8x128xf32, #tpu.memory_space<hbm>> -> memref<8x128xf32, #tpu.memory_space<hbm>>
        tpu.enqueue_dma source(%dma_start3A_210 : memref<8x128xf32, #tpu.memory_space<hbm>>) target(%dma_start3A_206 : memref<8x128xf32, #tpu.memory_space<vmem>>) target_semaphore(%arg10 : memref<!tpu.dma_semaphore, #tpu.memory_space<semaphore_mem>>)
      } else {
      }
      %lt3A_141 = arith.cmpi slt, %add3A_134, %add3A_4 : i32
      %convert_element_type3A_142 = arith.extui %lt3A_141 : i1 to i32
      %cond3A_143 = arith.constant 0 : i32
      %cond3A_144 = arith.cmpi ne, %convert_element_type3A_142, %cond3A_143 : i32
      scf.if %cond3A_144 {
        %dma_wait3A_173 = arith.constant 0 : i32
        %dma_wait3A_174 = arith.constant 0 : i32
        %dma_wait3A_175 = arith.constant 1 : i32
        %dma_wait3A_176 = arith.constant 0 : i32
        %dma_wait3A_177 = arith.constant 0 : i32
        %dma_wait3A_178 = arith.constant 0 : i32
        %dma_wait3A_179 = tpu.memref_slice %arg6[%dma_wait3A_175, %dma_wait3A_176, %dma_wait3A_177, %dma_wait3A_178] : memref<4x2x8x128xf32, #tpu.memory_space<vmem>> -> memref<1x1x8x128xf32, #tpu.memory_space<vmem>>
        %dma_wait3A_180 = tpu.memref_squeeze %dma_wait3A_179 : memref<1x1x8x128xf32, #tpu.memory_space<vmem>> -> memref<8x128xf32, #tpu.memory_space<vmem>>
        %dma_wait3A_181 = arith.constant 0 : i32
        %dma_wait3A_182 = arith.constant 0 : i32
        %dma_wait3A_183 = tpu.memref_slice %arg2[%dma_wait3A_173, %dma_wait3A_174, %dma_wait3A_181, %dma_wait3A_182] : memref<2x2500x8x128xf32, #tpu.memory_space<hbm>> -> memref<1x1x8x128xf32, #tpu.memory_space<hbm>>
        %dma_wait3A_184 = tpu.memref_squeeze %dma_wait3A_183 : memref<1x1x8x128xf32, #tpu.memory_space<hbm>> -> memref<8x128xf32, #tpu.memory_space<hbm>>
        %dma_wait3A_185 = arith.constant 0 : i32
        %dma_wait3A_186 = arith.constant 0 : i32
        %dma_wait3A_187 = tpu.memref_slice %arg6[%dma_wait3A_175, %dma_wait3A_176, %dma_wait3A_185, %dma_wait3A_186] : memref<4x2x8x128xf32, #tpu.memory_space<vmem>> -> memref<1x1x8x128xf32, #tpu.memory_space<vmem>>
        %dma_wait3A_188 = tpu.memref_squeeze %dma_wait3A_187 : memref<1x1x8x128xf32, #tpu.memory_space<vmem>> -> memref<8x128xf32, #tpu.memory_space<vmem>>
        %dma_wait3A_189 = arith.constant 0 : i32
        %dma_wait3A_190 = arith.constant 0 : i32
        %dma_wait3A_191 = tpu.memref_slice %arg2[%dma_wait3A_173, %dma_wait3A_174, %dma_wait3A_189, %dma_wait3A_190] : memref<2x2500x8x128xf32, #tpu.memory_space<hbm>> -> memref<1x1x8x128xf32, #tpu.memory_space<hbm>>
        %dma_wait3A_192 = tpu.memref_squeeze %dma_wait3A_191 : memref<1x1x8x128xf32, #tpu.memory_space<hbm>> -> memref<8x128xf32, #tpu.memory_space<hbm>>
        tpu.wait_dma2 semaphore(%arg11 : memref<!tpu.dma_semaphore, #tpu.memory_space<semaphore_mem>>) src(%dma_wait3A_192 : memref<8x128xf32, #tpu.memory_space<hbm>>) dst(%dma_wait3A_188 : memref<8x128xf32, #tpu.memory_space<vmem>>)
        %dma_wait3A_193 = arith.constant 1 : i32
        %dma_wait3A_194 = arith.constant 0 : i32
        %dma_wait3A_195 = arith.constant 1 : i32
        %dma_wait3A_196 = arith.constant 1 : i32
        %dma_wait3A_197 = arith.constant 0 : i32
        %dma_wait3A_198 = arith.constant 0 : i32
        %dma_wait3A_199 = tpu.memref_slice %arg6[%dma_wait3A_195, %dma_wait3A_196, %dma_wait3A_197, %dma_wait3A_198] : memref<4x2x8x128xf32, #tpu.memory_space<vmem>> -> memref<1x1x8x128xf32, #tpu.memory_space<vmem>>
        %dma_wait3A_200 = tpu.memref_squeeze %dma_wait3A_199 : memref<1x1x8x128xf32, #tpu.memory_space<vmem>> -> memref<8x128xf32, #tpu.memory_space<vmem>>
        %dma_wait3A_201 = arith.constant 0 : i32
        %dma_wait3A_202 = arith.constant 0 : i32
        %dma_wait3A_203 = tpu.memref_slice %arg2[%dma_wait3A_193, %dma_wait3A_194, %dma_wait3A_201, %dma_wait3A_202] : memref<2x2500x8x128xf32, #tpu.memory_space<hbm>> -> memref<1x1x8x128xf32, #tpu.memory_space<hbm>>
        %dma_wait3A_204 = tpu.memref_squeeze %dma_wait3A_203 : memref<1x1x8x128xf32, #tpu.memory_space<hbm>> -> memref<8x128xf32, #tpu.memory_space<hbm>>
        %dma_wait3A_205 = arith.constant 0 : i32
        %dma_wait3A_206 = arith.constant 0 : i32
        %dma_wait3A_207 = tpu.memref_slice %arg6[%dma_wait3A_195, %dma_wait3A_196, %dma_wait3A_205, %dma_wait3A_206] : memref<4x2x8x128xf32, #tpu.memory_space<vmem>> -> memref<1x1x8x128xf32, #tpu.memory_space<vmem>>
        %dma_wait3A_208 = tpu.memref_squeeze %dma_wait3A_207 : memref<1x1x8x128xf32, #tpu.memory_space<vmem>> -> memref<8x128xf32, #tpu.memory_space<vmem>>
        %dma_wait3A_209 = arith.constant 0 : i32
        %dma_wait3A_210 = arith.constant 0 : i32
        %dma_wait3A_211 = tpu.memref_slice %arg2[%dma_wait3A_193, %dma_wait3A_194, %dma_wait3A_209, %dma_wait3A_210] : memref<2x2500x8x128xf32, #tpu.memory_space<hbm>> -> memref<1x1x8x128xf32, #tpu.memory_space<hbm>>
        %dma_wait3A_212 = tpu.memref_squeeze %dma_wait3A_211 : memref<1x1x8x128xf32, #tpu.memory_space<hbm>> -> memref<8x128xf32, #tpu.memory_space<hbm>>
        tpu.wait_dma2 semaphore(%arg11 : memref<!tpu.dma_semaphore, #tpu.memory_space<semaphore_mem>>) src(%dma_wait3A_212 : memref<8x128xf32, #tpu.memory_space<hbm>>) dst(%dma_wait3A_208 : memref<8x128xf32, #tpu.memory_space<vmem>>)
        %ge3A = arith.constant 4 : i32
        %ge3A_213 = arith.cmpi sge, %add3A_134, %ge3A : i32
        %convert_element_type3A_214 = arith.extui %ge3A_213 : i1 to i32
        %cond3A_215 = arith.constant 0 : i32
        %cond3A_216 = arith.cmpi ne, %convert_element_type3A_214, %cond3A_215 : i32
        scf.if %cond3A_216 {
          %dma_wait3A_237 = arith.constant 1 : i32
          %dma_wait3A_238 = arith.constant 0 : i32
          %dma_wait3A_239 = arith.constant 1 : i32
          %dma_wait3A_240 = arith.constant 0 : i32
          %dma_wait3A_241 = arith.constant 0 : i32
          %dma_wait3A_242 = tpu.memref_slice %arg7[%dma_wait3A_237, %dma_wait3A_240, %dma_wait3A_241] : memref<4x128x16xf32, #tpu.memory_space<vmem>> -> memref<1x128x16xf32, #tpu.memory_space<vmem>>
          %dma_wait3A_243 = tpu.memref_squeeze %dma_wait3A_242 : memref<1x128x16xf32, #tpu.memory_space<vmem>> -> memref<128x16xf32, #tpu.memory_space<vmem>>
          %dma_wait3A_244 = arith.constant 0 : i32
          %dma_wait3A_245 = tpu.memref_slice %arg5[%dma_wait3A_238, %dma_wait3A_239, %dma_wait3A_244] : memref<79x2x128xi32, #tpu.memory_space<vmem>> -> memref<1x1x128xi32, #tpu.memory_space<vmem>>
          %dma_wait3A_246 = tpu.memref_squeeze %dma_wait3A_245 : memref<1x1x128xi32, #tpu.memory_space<vmem>> -> memref<128xi32, #tpu.memory_space<vmem>>
          %dma_wait3A_247 = arith.constant 0 : i32
          %dma_wait3A_248 = arith.constant 0 : i32
          %dma_wait3A_249 = tpu.memref_slice %arg9[%dma_wait3A_247, %dma_wait3A_248] : memref<10000x16xf32, #tpu.memory_space<vmem_shared>> -> memref<10000x16xf32, #tpu.memory_space<vmem_shared>>
          tpu.wait_indirect_dma semaphore(%arg15 : memref<!tpu.dma_semaphore, #tpu.memory_space<semaphore_mem>>) src(%dma_wait3A_243 : memref<128x16xf32, #tpu.memory_space<vmem>>) dst(%dma_wait3A_249 : memref<10000x16xf32, #tpu.memory_space<vmem_shared>>)
        } else {
        }
        %scan3A_217 = arith.constant 0 : i32
        %scan3A_218 = arith.constant 1 : i32
        %scan3A_219 = arith.constant 1 : i32
        %scan3A_220 = arith.constant 0 : i32
        %scan3A_221 = arith.constant 16 : i32
        %scan3A_222 = arith.addi %scan3A_220, %scan3A_221 : i32
        %scan3A_223 = arith.constant 1 : i32
        scf.for %scan3A_237 = %scan3A_220 to %scan3A_222 step %scan3A_223  : i32 {
          %add3A_238 = vector.broadcast %scan3A_237 : i32 to vector<16xi32>
          %add3A_239 = arith.addi %iota3A, %add3A_238 : vector<16xi32>
          %and3A = arith.constant 15 : i32
          %and3A_240 = vector.broadcast %and3A : i32 to vector<16xi32>
          %and3A_241 = arith.andi %add3A_239, %and3A_240 : vector<16xi32>
          %shift_right_arithmetic3A = arith.constant 3 : i32
          %shift_right_arithmetic3A_242 = vector.broadcast %shift_right_arithmetic3A : i32 to vector<16xi32>
          %shift_right_arithmetic3A_243 = arith.shrsi %and3A_241, %shift_right_arithmetic3A_242 : vector<16xi32>
          %and3A_244 = arith.constant 7 : i32
          %and3A_245 = vector.broadcast %and3A_244 : i32 to vector<16xi32>
          %and3A_246 = arith.andi %and3A_241, %and3A_245 : vector<16xi32>
          %add3A_247 = arith.constant 0 : i32
          %add3A_248 = vector.broadcast %add3A_247 : i32 to vector<16xi32>
          %add3A_249 = arith.addi %add3A_248, %iota3A : vector<16xi32>
          %gather3A = arith.constant 0 : i32
          %gather3A_250 = arith.constant 0 : i32
          %gather3A_251 = arith.constant 0 : i32
          %gather3A_252 = tpu.memref_slice %arg6[%scan3A_218, %gather3A, %gather3A_250, %gather3A_251] : memref<4x2x8x128xf32, #tpu.memory_space<vmem>> -> memref<1x2x8x128xf32, #tpu.memory_space<vmem>>
          %gather3A_253 = tpu.memref_squeeze %gather3A_252 : memref<1x2x8x128xf32, #tpu.memory_space<vmem>> -> memref<2x8x128xf32, #tpu.memory_space<vmem>>
          %gather3A_254 = tpu.vector_load_idx %gather3A_253[%shift_right_arithmetic3A_243, %and3A_246, %add3A_249] : memref<2x8x128xf32, #tpu.memory_space<vmem>>[vector<16xi32>, vector<16xi32>, vector<16xi32>], vector<16xf32>,
          %scatter3A = arith.constant 0 : i32
          %scatter3A_255 = arith.constant 0 : i32
          %scatter3A_256 = tpu.memref_slice %arg7[%scan3A_219, %scatter3A, %scatter3A_255] : memref<4x128x16xf32, #tpu.memory_space<vmem>> -> memref<1x128x16xf32, #tpu.memory_space<vmem>>
          %scatter3A_257 = tpu.memref_squeeze %scatter3A_256 : memref<1x128x16xf32, #tpu.memory_space<vmem>> -> memref<128x16xf32, #tpu.memory_space<vmem>>
          tpu.vector_store_idx %scatter3A_257[%add3A_249, %and3A_241], %gather3A_254 : memref<128x16xf32, #tpu.memory_space<vmem>>[vector<16xi32>, vector<16xi32>], vector<16xf32>,
          %add3A_258 = arith.constant 16 : i32
          %add3A_259 = vector.broadcast %add3A_258 : i32 to vector<16xi32>
          %add3A_260 = arith.addi %add3A_259, %iota3A : vector<16xi32>
          %gather3A_261 = arith.constant 0 : i32
          %gather3A_262 = arith.constant 0 : i32
          %gather3A_263 = arith.constant 0 : i32
          %gather3A_264 = tpu.memref_slice %arg6[%scan3A_218, %gather3A_261, %gather3A_262, %gather3A_263] : memref<4x2x8x128xf32, #tpu.memory_space<vmem>> -> memref<1x2x8x128xf32, #tpu.memory_space<vmem>>
          %gather3A_265 = tpu.memref_squeeze %gather3A_264 : memref<1x2x8x128xf32, #tpu.memory_space<vmem>> -> memref<2x8x128xf32, #tpu.memory_space<vmem>>
          %gather3A_266 = tpu.vector_load_idx %gather3A_265[%shift_right_arithmetic3A_243, %and3A_246, %add3A_260] : memref<2x8x128xf32, #tpu.memory_space<vmem>>[vector<16xi32>, vector<16xi32>, vector<16xi32>], vector<16xf32>,
          %scatter3A_267 = arith.constant 0 : i32
          %scatter3A_268 = arith.constant 0 : i32
          %scatter3A_269 = tpu.memref_slice %arg7[%scan3A_219, %scatter3A_267, %scatter3A_268] : memref<4x128x16xf32, #tpu.memory_space<vmem>> -> memref<1x128x16xf32, #tpu.memory_space<vmem>>
          %scatter3A_270 = tpu.memref_squeeze %scatter3A_269 : memref<1x128x16xf32, #tpu.memory_space<vmem>> -> memref<128x16xf32, #tpu.memory_space<vmem>>
          tpu.vector_store_idx %scatter3A_270[%add3A_260, %and3A_241], %gather3A_266 : memref<128x16xf32, #tpu.memory_space<vmem>>[vector<16xi32>, vector<16xi32>], vector<16xf32>,
          %add3A_271 = arith.constant 32 : i32
          %add3A_272 = vector.broadcast %add3A_271 : i32 to vector<16xi32>
          %add3A_273 = arith.addi %add3A_272, %iota3A : vector<16xi32>
          %gather3A_274 = arith.constant 0 : i32
          %gather3A_275 = arith.constant 0 : i32
          %gather3A_276 = arith.constant 0 : i32
          %gather3A_277 = tpu.memref_slice %arg6[%scan3A_218, %gather3A_274, %gather3A_275, %gather3A_276] : memref<4x2x8x128xf32, #tpu.memory_space<vmem>> -> memref<1x2x8x128xf32, #tpu.memory_space<vmem>>
          %gather3A_278 = tpu.memref_squeeze %gather3A_277 : memref<1x2x8x128xf32, #tpu.memory_space<vmem>> -> memref<2x8x128xf32, #tpu.memory_space<vmem>>
          %gather3A_279 = tpu.vector_load_idx %gather3A_278[%shift_right_arithmetic3A_243, %and3A_246, %add3A_273] : memref<2x8x128xf32, #tpu.memory_space<vmem>>[vector<16xi32>, vector<16xi32>, vector<16xi32>], vector<16xf32>,
          %scatter3A_280 = arith.constant 0 : i32
          %scatter3A_281 = arith.constant 0 : i32
          %scatter3A_282 = tpu.memref_slice %arg7[%scan3A_219, %scatter3A_280, %scatter3A_281] : memref<4x128x16xf32, #tpu.memory_space<vmem>> -> memref<1x128x16xf32, #tpu.memory_space<vmem>>
          %scatter3A_283 = tpu.memref_squeeze %scatter3A_282 : memref<1x128x16xf32, #tpu.memory_space<vmem>> -> memref<128x16xf32, #tpu.memory_space<vmem>>
          tpu.vector_store_idx %scatter3A_283[%add3A_273, %and3A_241], %gather3A_279 : memref<128x16xf32, #tpu.memory_space<vmem>>[vector<16xi32>, vector<16xi32>], vector<16xf32>,
          %add3A_284 = arith.constant 48 : i32
          %add3A_285 = vector.broadcast %add3A_284 : i32 to vector<16xi32>
          %add3A_286 = arith.addi %add3A_285, %iota3A : vector<16xi32>
          %gather3A_287 = arith.constant 0 : i32
          %gather3A_288 = arith.constant 0 : i32
          %gather3A_289 = arith.constant 0 : i32
          %gather3A_290 = tpu.memref_slice %arg6[%scan3A_218, %gather3A_287, %gather3A_288, %gather3A_289] : memref<4x2x8x128xf32, #tpu.memory_space<vmem>> -> memref<1x2x8x128xf32, #tpu.memory_space<vmem>>
          %gather3A_291 = tpu.memref_squeeze %gather3A_290 : memref<1x2x8x128xf32, #tpu.memory_space<vmem>> -> memref<2x8x128xf32, #tpu.memory_space<vmem>>
          %gather3A_292 = tpu.vector_load_idx %gather3A_291[%shift_right_arithmetic3A_243, %and3A_246, %add3A_286] : memref<2x8x128xf32, #tpu.memory_space<vmem>>[vector<16xi32>, vector<16xi32>, vector<16xi32>], vector<16xf32>,
          %scatter3A_293 = arith.constant 0 : i32
          %scatter3A_294 = arith.constant 0 : i32
          %scatter3A_295 = tpu.memref_slice %arg7[%scan3A_219, %scatter3A_293, %scatter3A_294] : memref<4x128x16xf32, #tpu.memory_space<vmem>> -> memref<1x128x16xf32, #tpu.memory_space<vmem>>
          %scatter3A_296 = tpu.memref_squeeze %scatter3A_295 : memref<1x128x16xf32, #tpu.memory_space<vmem>> -> memref<128x16xf32, #tpu.memory_space<vmem>>
          tpu.vector_store_idx %scatter3A_296[%add3A_286, %and3A_241], %gather3A_292 : memref<128x16xf32, #tpu.memory_space<vmem>>[vector<16xi32>, vector<16xi32>], vector<16xf32>,
          %add3A_297 = arith.constant 64 : i32
          %add3A_298 = vector.broadcast %add3A_297 : i32 to vector<16xi32>
          %add3A_299 = arith.addi %add3A_298, %iota3A : vector<16xi32>
          %gather3A_300 = arith.constant 0 : i32
          %gather3A_301 = arith.constant 0 : i32
          %gather3A_302 = arith.constant 0 : i32
          %gather3A_303 = tpu.memref_slice %arg6[%scan3A_218, %gather3A_300, %gather3A_301, %gather3A_302] : memref<4x2x8x128xf32, #tpu.memory_space<vmem>> -> memref<1x2x8x128xf32, #tpu.memory_space<vmem>>
          %gather3A_304 = tpu.memref_squeeze %gather3A_303 : memref<1x2x8x128xf32, #tpu.memory_space<vmem>> -> memref<2x8x128xf32, #tpu.memory_space<vmem>>
          %gather3A_305 = tpu.vector_load_idx %gather3A_304[%shift_right_arithmetic3A_243, %and3A_246, %add3A_299] : memref<2x8x128xf32, #tpu.memory_space<vmem>>[vector<16xi32>, vector<16xi32>, vector<16xi32>], vector<16xf32>,
          %scatter3A_306 = arith.constant 0 : i32
          %scatter3A_307 = arith.constant 0 : i32
          %scatter3A_308 = tpu.memref_slice %arg7[%scan3A_219, %scatter3A_306, %scatter3A_307] : memref<4x128x16xf32, #tpu.memory_space<vmem>> -> memref<1x128x16xf32, #tpu.memory_space<vmem>>
          %scatter3A_309 = tpu.memref_squeeze %scatter3A_308 : memref<1x128x16xf32, #tpu.memory_space<vmem>> -> memref<128x16xf32, #tpu.memory_space<vmem>>
          tpu.vector_store_idx %scatter3A_309[%add3A_299, %and3A_241], %gather3A_305 : memref<128x16xf32, #tpu.memory_space<vmem>>[vector<16xi32>, vector<16xi32>], vector<16xf32>,
          %add3A_310 = arith.constant 80 : i32
          %add3A_311 = vector.broadcast %add3A_310 : i32 to vector<16xi32>
          %add3A_312 = arith.addi %add3A_311, %iota3A : vector<16xi32>
          %gather3A_313 = arith.constant 0 : i32
          %gather3A_314 = arith.constant 0 : i32
          %gather3A_315 = arith.constant 0 : i32
          %gather3A_316 = tpu.memref_slice %arg6[%scan3A_218, %gather3A_313, %gather3A_314, %gather3A_315] : memref<4x2x8x128xf32, #tpu.memory_space<vmem>> -> memref<1x2x8x128xf32, #tpu.memory_space<vmem>>
          %gather3A_317 = tpu.memref_squeeze %gather3A_316 : memref<1x2x8x128xf32, #tpu.memory_space<vmem>> -> memref<2x8x128xf32, #tpu.memory_space<vmem>>
          %gather3A_318 = tpu.vector_load_idx %gather3A_317[%shift_right_arithmetic3A_243, %and3A_246, %add3A_312] : memref<2x8x128xf32, #tpu.memory_space<vmem>>[vector<16xi32>, vector<16xi32>, vector<16xi32>], vector<16xf32>,
          %scatter3A_319 = arith.constant 0 : i32
          %scatter3A_320 = arith.constant 0 : i32
          %scatter3A_321 = tpu.memref_slice %arg7[%scan3A_219, %scatter3A_319, %scatter3A_320] : memref<4x128x16xf32, #tpu.memory_space<vmem>> -> memref<1x128x16xf32, #tpu.memory_space<vmem>>
          %scatter3A_322 = tpu.memref_squeeze %scatter3A_321 : memref<1x128x16xf32, #tpu.memory_space<vmem>> -> memref<128x16xf32, #tpu.memory_space<vmem>>
          tpu.vector_store_idx %scatter3A_322[%add3A_312, %and3A_241], %gather3A_318 : memref<128x16xf32, #tpu.memory_space<vmem>>[vector<16xi32>, vector<16xi32>], vector<16xf32>,
          %add3A_323 = arith.constant 96 : i32
          %add3A_324 = vector.broadcast %add3A_323 : i32 to vector<16xi32>
          %add3A_325 = arith.addi %add3A_324, %iota3A : vector<16xi32>
          %gather3A_326 = arith.constant 0 : i32
          %gather3A_327 = arith.constant 0 : i32
          %gather3A_328 = arith.constant 0 : i32
          %gather3A_329 = tpu.memref_slice %arg6[%scan3A_218, %gather3A_326, %gather3A_327, %gather3A_328] : memref<4x2x8x128xf32, #tpu.memory_space<vmem>> -> memref<1x2x8x128xf32, #tpu.memory_space<vmem>>
          %gather3A_330 = tpu.memref_squeeze %gather3A_329 : memref<1x2x8x128xf32, #tpu.memory_space<vmem>> -> memref<2x8x128xf32, #tpu.memory_space<vmem>>
          %gather3A_331 = tpu.vector_load_idx %gather3A_330[%shift_right_arithmetic3A_243, %and3A_246, %add3A_325] : memref<2x8x128xf32, #tpu.memory_space<vmem>>[vector<16xi32>, vector<16xi32>, vector<16xi32>], vector<16xf32>,
          %scatter3A_332 = arith.constant 0 : i32
          %scatter3A_333 = arith.constant 0 : i32
          %scatter3A_334 = tpu.memref_slice %arg7[%scan3A_219, %scatter3A_332, %scatter3A_333] : memref<4x128x16xf32, #tpu.memory_space<vmem>> -> memref<1x128x16xf32, #tpu.memory_space<vmem>>
          %scatter3A_335 = tpu.memref_squeeze %scatter3A_334 : memref<1x128x16xf32, #tpu.memory_space<vmem>> -> memref<128x16xf32, #tpu.memory_space<vmem>>
          tpu.vector_store_idx %scatter3A_335[%add3A_325, %and3A_241], %gather3A_331 : memref<128x16xf32, #tpu.memory_space<vmem>>[vector<16xi32>, vector<16xi32>], vector<16xf32>,
          %add3A_336 = arith.constant 112 : i32
          %add3A_337 = vector.broadcast %add3A_336 : i32 to vector<16xi32>
          %add3A_338 = arith.addi %add3A_337, %iota3A : vector<16xi32>
          %gather3A_339 = arith.constant 0 : i32
          %gather3A_340 = arith.constant 0 : i32
          %gather3A_341 = arith.constant 0 : i32
          %gather3A_342 = tpu.memref_slice %arg6[%scan3A_218, %gather3A_339, %gather3A_340, %gather3A_341] : memref<4x2x8x128xf32, #tpu.memory_space<vmem>> -> memref<1x2x8x128xf32, #tpu.memory_space<vmem>>
          %gather3A_343 = tpu.memref_squeeze %gather3A_342 : memref<1x2x8x128xf32, #tpu.memory_space<vmem>> -> memref<2x8x128xf32, #tpu.memory_space<vmem>>
          %gather3A_344 = tpu.vector_load_idx %gather3A_343[%shift_right_arithmetic3A_243, %and3A_246, %add3A_338] : memref<2x8x128xf32, #tpu.memory_space<vmem>>[vector<16xi32>, vector<16xi32>, vector<16xi32>], vector<16xf32>,
          %scatter3A_345 = arith.constant 0 : i32
          %scatter3A_346 = arith.constant 0 : i32
          %scatter3A_347 = tpu.memref_slice %arg7[%scan3A_219, %scatter3A_345, %scatter3A_346] : memref<4x128x16xf32, #tpu.memory_space<vmem>> -> memref<1x128x16xf32, #tpu.memory_space<vmem>>
          %scatter3A_348 = tpu.memref_squeeze %scatter3A_347 : memref<1x128x16xf32, #tpu.memory_space<vmem>> -> memref<128x16xf32, #tpu.memory_space<vmem>>
          tpu.vector_store_idx %scatter3A_348[%add3A_338, %and3A_241], %gather3A_344 : memref<128x16xf32, #tpu.memory_space<vmem>>[vector<16xi32>, vector<16xi32>], vector<16xf32>,
        }
        %scan3A_224 = arith.constant 16 : i32
        %add3A_225 = arith.addi %sub3A, %add3A_134 : i32
        %dma_start3A = arith.constant 1 : i32
        %dma_start3A_226 = arith.constant 1 : i32
        %dma_start3A_227 = arith.constant 0 : i32
        %dma_start3A_228 = arith.constant 0 : i32
        %dma_start3A_229 = tpu.memref_slice %arg7[%dma_start3A, %dma_start3A_227, %dma_start3A_228] : memref<4x128x16xf32, #tpu.memory_space<vmem>> -> memref<1x128x16xf32, #tpu.memory_space<vmem>>
        %dma_start3A_230 = tpu.memref_squeeze %dma_start3A_229 : memref<1x128x16xf32, #tpu.memory_space<vmem>> -> memref<128x16xf32, #tpu.memory_space<vmem>>
        %dma_start3A_231 = arith.constant 0 : i32
        %dma_start3A_232 = tpu.memref_slice %arg5[%add3A_225, %dma_start3A_226, %dma_start3A_231] : memref<79x2x128xi32, #tpu.memory_space<vmem>> -> memref<1x1x128xi32, #tpu.memory_space<vmem>>
        %dma_start3A_233 = tpu.memref_squeeze %dma_start3A_232 : memref<1x1x128xi32, #tpu.memory_space<vmem>> -> memref<128xi32, #tpu.memory_space<vmem>>
        %dma_start3A_234 = arith.constant 0 : i32
        %dma_start3A_235 = arith.constant 0 : i32
        %dma_start3A_236 = tpu.memref_slice %arg9[%dma_start3A_234, %dma_start3A_235] : memref<10000x16xf32, #tpu.memory_space<vmem_shared>> -> memref<10000x16xf32, #tpu.memory_space<vmem_shared>>
        tpu.enqueue_indirect_dma source(%dma_start3A_230 : memref<128x16xf32, #tpu.memory_space<vmem>>) target(%dma_start3A_236 : memref<10000x16xf32, #tpu.memory_space<vmem_shared>>) offsets(%dma_start3A_233 : memref<128xi32, #tpu.memory_space<vmem>>) semaphore(%arg15 : memref<!tpu.dma_semaphore, #tpu.memory_space<semaphore_mem>>) {add = true}
      } else {
      }
      %mul3A_145 = arith.constant 4 : i32
      %mul3A_146 = arith.muli %scan3A_116, %mul3A_145 : i32
      %add3A_147 = arith.constant 2 : i32
      %add3A_148 = arith.addi %mul3A_146, %add3A_147 : i32
      %add3A_149 = arith.constant 3 : i32
      %add3A_150 = arith.addi %add3A_148, %add3A_149 : i32
      %lt3A_151 = arith.cmpi slt, %add3A_150, %add3A_4 : i32
      %convert_element_type3A_152 = arith.extui %lt3A_151 : i1 to i32
      %cond3A_153 = arith.constant 0 : i32
      %cond3A_154 = arith.cmpi ne, %convert_element_type3A_152, %cond3A_153 : i32
      scf.if %cond3A_154 {
        %add3A_173 = arith.addi %add3A_8, %add3A_150 : i32
        %dma_start3A = arith.constant 0 : i32
        %dma_start3A_174 = arith.constant 1 : i32
        %dma_start3A_175 = arith.constant 0 : i32
        %dma_start3A_176 = arith.constant 0 : i32
        %dma_start3A_177 = arith.constant 0 : i32
        %dma_start3A_178 = tpu.memref_slice %arg6[%dma_start3A_174, %dma_start3A_175, %dma_start3A_176, %dma_start3A_177] : memref<4x2x8x128xf32, #tpu.memory_space<vmem>> -> memref<1x1x8x128xf32, #tpu.memory_space<vmem>>
        %dma_start3A_179 = tpu.memref_squeeze %dma_start3A_178 : memref<1x1x8x128xf32, #tpu.memory_space<vmem>> -> memref<8x128xf32, #tpu.memory_space<vmem>>
        %dma_start3A_180 = arith.constant 0 : i32
        %dma_start3A_181 = arith.constant 0 : i32
        %dma_start3A_182 = tpu.memref_slice %arg2[%dma_start3A, %add3A_173, %dma_start3A_180, %dma_start3A_181] : memref<2x2500x8x128xf32, #tpu.memory_space<hbm>> -> memref<1x1x8x128xf32, #tpu.memory_space<hbm>>
        %dma_start3A_183 = tpu.memref_squeeze %dma_start3A_182 : memref<1x1x8x128xf32, #tpu.memory_space<hbm>> -> memref<8x128xf32, #tpu.memory_space<hbm>>
        %dma_start3A_184 = arith.constant 0 : i32
        %dma_start3A_185 = arith.constant 0 : i32
        %dma_start3A_186 = tpu.memref_slice %arg6[%dma_start3A_174, %dma_start3A_175, %dma_start3A_184, %dma_start3A_185] : memref<4x2x8x128xf32, #tpu.memory_space<vmem>> -> memref<1x1x8x128xf32, #tpu.memory_space<vmem>>
        %dma_start3A_187 = tpu.memref_squeeze %dma_start3A_186 : memref<1x1x8x128xf32, #tpu.memory_space<vmem>> -> memref<8x128xf32, #tpu.memory_space<vmem>>
        %dma_start3A_188 = arith.constant 0 : i32
        %dma_start3A_189 = arith.constant 0 : i32
        %dma_start3A_190 = tpu.memref_slice %arg2[%dma_start3A, %add3A_173, %dma_start3A_188, %dma_start3A_189] : memref<2x2500x8x128xf32, #tpu.memory_space<hbm>> -> memref<1x1x8x128xf32, #tpu.memory_space<hbm>>
        %dma_start3A_191 = tpu.memref_squeeze %dma_start3A_190 : memref<1x1x8x128xf32, #tpu.memory_space<hbm>> -> memref<8x128xf32, #tpu.memory_space<hbm>>
        tpu.enqueue_dma source(%dma_start3A_191 : memref<8x128xf32, #tpu.memory_space<hbm>>) target(%dma_start3A_187 : memref<8x128xf32, #tpu.memory_space<vmem>>) target_semaphore(%arg11 : memref<!tpu.dma_semaphore, #tpu.memory_space<semaphore_mem>>)
        %dma_start3A_192 = arith.constant 1 : i32
        %dma_start3A_193 = arith.constant 1 : i32
        %dma_start3A_194 = arith.constant 1 : i32
        %dma_start3A_195 = arith.constant 0 : i32
        %dma_start3A_196 = arith.constant 0 : i32
        %dma_start3A_197 = tpu.memref_slice %arg6[%dma_start3A_193, %dma_start3A_194, %dma_start3A_195, %dma_start3A_196] : memref<4x2x8x128xf32, #tpu.memory_space<vmem>> -> memref<1x1x8x128xf32, #tpu.memory_space<vmem>>
        %dma_start3A_198 = tpu.memref_squeeze %dma_start3A_197 : memref<1x1x8x128xf32, #tpu.memory_space<vmem>> -> memref<8x128xf32, #tpu.memory_space<vmem>>
        %dma_start3A_199 = arith.constant 0 : i32
        %dma_start3A_200 = arith.constant 0 : i32
        %dma_start3A_201 = tpu.memref_slice %arg2[%dma_start3A_192, %add3A_173, %dma_start3A_199, %dma_start3A_200] : memref<2x2500x8x128xf32, #tpu.memory_space<hbm>> -> memref<1x1x8x128xf32, #tpu.memory_space<hbm>>
        %dma_start3A_202 = tpu.memref_squeeze %dma_start3A_201 : memref<1x1x8x128xf32, #tpu.memory_space<hbm>> -> memref<8x128xf32, #tpu.memory_space<hbm>>
        %dma_start3A_203 = arith.constant 0 : i32
        %dma_start3A_204 = arith.constant 0 : i32
        %dma_start3A_205 = tpu.memref_slice %arg6[%dma_start3A_193, %dma_start3A_194, %dma_start3A_203, %dma_start3A_204] : memref<4x2x8x128xf32, #tpu.memory_space<vmem>> -> memref<1x1x8x128xf32, #tpu.memory_space<vmem>>
        %dma_start3A_206 = tpu.memref_squeeze %dma_start3A_205 : memref<1x1x8x128xf32, #tpu.memory_space<vmem>> -> memref<8x128xf32, #tpu.memory_space<vmem>>
        %dma_start3A_207 = arith.constant 0 : i32
        %dma_start3A_208 = arith.constant 0 : i32
        %dma_start3A_209 = tpu.memref_slice %arg2[%dma_start3A_192, %add3A_173, %dma_start3A_207, %dma_start3A_208] : memref<2x2500x8x128xf32, #tpu.memory_space<hbm>> -> memref<1x1x8x128xf32, #tpu.memory_space<hbm>>
        %dma_start3A_210 = tpu.memref_squeeze %dma_start3A_209 : memref<1x1x8x128xf32, #tpu.memory_space<hbm>> -> memref<8x128xf32, #tpu.memory_space<hbm>>
        tpu.enqueue_dma source(%dma_start3A_210 : memref<8x128xf32, #tpu.memory_space<hbm>>) target(%dma_start3A_206 : memref<8x128xf32, #tpu.memory_space<vmem>>) target_semaphore(%arg11 : memref<!tpu.dma_semaphore, #tpu.memory_space<semaphore_mem>>)
      } else {
      }
      %lt3A_155 = arith.cmpi slt, %add3A_148, %add3A_4 : i32
      %convert_element_type3A_156 = arith.extui %lt3A_155 : i1 to i32
      %cond3A_157 = arith.constant 0 : i32
      %cond3A_158 = arith.cmpi ne, %convert_element_type3A_156, %cond3A_157 : i32
      scf.if %cond3A_158 {
        %dma_wait3A_173 = arith.constant 0 : i32
        %dma_wait3A_174 = arith.constant 0 : i32
        %dma_wait3A_175 = arith.constant 2 : i32
        %dma_wait3A_176 = arith.constant 0 : i32
        %dma_wait3A_177 = arith.constant 0 : i32
        %dma_wait3A_178 = arith.constant 0 : i32
        %dma_wait3A_179 = tpu.memref_slice %arg6[%dma_wait3A_175, %dma_wait3A_176, %dma_wait3A_177, %dma_wait3A_178] : memref<4x2x8x128xf32, #tpu.memory_space<vmem>> -> memref<1x1x8x128xf32, #tpu.memory_space<vmem>>
        %dma_wait3A_180 = tpu.memref_squeeze %dma_wait3A_179 : memref<1x1x8x128xf32, #tpu.memory_space<vmem>> -> memref<8x128xf32, #tpu.memory_space<vmem>>
        %dma_wait3A_181 = arith.constant 0 : i32
        %dma_wait3A_182 = arith.constant 0 : i32
        %dma_wait3A_183 = tpu.memref_slice %arg2[%dma_wait3A_173, %dma_wait3A_174, %dma_wait3A_181, %dma_wait3A_182] : memref<2x2500x8x128xf32, #tpu.memory_space<hbm>> -> memref<1x1x8x128xf32, #tpu.memory_space<hbm>>
        %dma_wait3A_184 = tpu.memref_squeeze %dma_wait3A_183 : memref<1x1x8x128xf32, #tpu.memory_space<hbm>> -> memref<8x128xf32, #tpu.memory_space<hbm>>
        %dma_wait3A_185 = arith.constant 0 : i32
        %dma_wait3A_186 = arith.constant 0 : i32
        %dma_wait3A_187 = tpu.memref_slice %arg6[%dma_wait3A_175, %dma_wait3A_176, %dma_wait3A_185, %dma_wait3A_186] : memref<4x2x8x128xf32, #tpu.memory_space<vmem>> -> memref<1x1x8x128xf32, #tpu.memory_space<vmem>>
        %dma_wait3A_188 = tpu.memref_squeeze %dma_wait3A_187 : memref<1x1x8x128xf32, #tpu.memory_space<vmem>> -> memref<8x128xf32, #tpu.memory_space<vmem>>
        %dma_wait3A_189 = arith.constant 0 : i32
        %dma_wait3A_190 = arith.constant 0 : i32
        %dma_wait3A_191 = tpu.memref_slice %arg2[%dma_wait3A_173, %dma_wait3A_174, %dma_wait3A_189, %dma_wait3A_190] : memref<2x2500x8x128xf32, #tpu.memory_space<hbm>> -> memref<1x1x8x128xf32, #tpu.memory_space<hbm>>
        %dma_wait3A_192 = tpu.memref_squeeze %dma_wait3A_191 : memref<1x1x8x128xf32, #tpu.memory_space<hbm>> -> memref<8x128xf32, #tpu.memory_space<hbm>>
        tpu.wait_dma2 semaphore(%arg12 : memref<!tpu.dma_semaphore, #tpu.memory_space<semaphore_mem>>) src(%dma_wait3A_192 : memref<8x128xf32, #tpu.memory_space<hbm>>) dst(%dma_wait3A_188 : memref<8x128xf32, #tpu.memory_space<vmem>>)
        %dma_wait3A_193 = arith.constant 1 : i32
        %dma_wait3A_194 = arith.constant 0 : i32
        %dma_wait3A_195 = arith.constant 2 : i32
        %dma_wait3A_196 = arith.constant 1 : i32
        %dma_wait3A_197 = arith.constant 0 : i32
        %dma_wait3A_198 = arith.constant 0 : i32
        %dma_wait3A_199 = tpu.memref_slice %arg6[%dma_wait3A_195, %dma_wait3A_196, %dma_wait3A_197, %dma_wait3A_198] : memref<4x2x8x128xf32, #tpu.memory_space<vmem>> -> memref<1x1x8x128xf32, #tpu.memory_space<vmem>>
        %dma_wait3A_200 = tpu.memref_squeeze %dma_wait3A_199 : memref<1x1x8x128xf32, #tpu.memory_space<vmem>> -> memref<8x128xf32, #tpu.memory_space<vmem>>
        %dma_wait3A_201 = arith.constant 0 : i32
        %dma_wait3A_202 = arith.constant 0 : i32
        %dma_wait3A_203 = tpu.memref_slice %arg2[%dma_wait3A_193, %dma_wait3A_194, %dma_wait3A_201, %dma_wait3A_202] : memref<2x2500x8x128xf32, #tpu.memory_space<hbm>> -> memref<1x1x8x128xf32, #tpu.memory_space<hbm>>
        %dma_wait3A_204 = tpu.memref_squeeze %dma_wait3A_203 : memref<1x1x8x128xf32, #tpu.memory_space<hbm>> -> memref<8x128xf32, #tpu.memory_space<hbm>>
        %dma_wait3A_205 = arith.constant 0 : i32
        %dma_wait3A_206 = arith.constant 0 : i32
        %dma_wait3A_207 = tpu.memref_slice %arg6[%dma_wait3A_195, %dma_wait3A_196, %dma_wait3A_205, %dma_wait3A_206] : memref<4x2x8x128xf32, #tpu.memory_space<vmem>> -> memref<1x1x8x128xf32, #tpu.memory_space<vmem>>
        %dma_wait3A_208 = tpu.memref_squeeze %dma_wait3A_207 : memref<1x1x8x128xf32, #tpu.memory_space<vmem>> -> memref<8x128xf32, #tpu.memory_space<vmem>>
        %dma_wait3A_209 = arith.constant 0 : i32
        %dma_wait3A_210 = arith.constant 0 : i32
        %dma_wait3A_211 = tpu.memref_slice %arg2[%dma_wait3A_193, %dma_wait3A_194, %dma_wait3A_209, %dma_wait3A_210] : memref<2x2500x8x128xf32, #tpu.memory_space<hbm>> -> memref<1x1x8x128xf32, #tpu.memory_space<hbm>>
        %dma_wait3A_212 = tpu.memref_squeeze %dma_wait3A_211 : memref<1x1x8x128xf32, #tpu.memory_space<hbm>> -> memref<8x128xf32, #tpu.memory_space<hbm>>
        tpu.wait_dma2 semaphore(%arg12 : memref<!tpu.dma_semaphore, #tpu.memory_space<semaphore_mem>>) src(%dma_wait3A_212 : memref<8x128xf32, #tpu.memory_space<hbm>>) dst(%dma_wait3A_208 : memref<8x128xf32, #tpu.memory_space<vmem>>)
        %ge3A = arith.constant 4 : i32
        %ge3A_213 = arith.cmpi sge, %add3A_148, %ge3A : i32
        %convert_element_type3A_214 = arith.extui %ge3A_213 : i1 to i32
        %cond3A_215 = arith.constant 0 : i32
        %cond3A_216 = arith.cmpi ne, %convert_element_type3A_214, %cond3A_215 : i32
        scf.if %cond3A_216 {
          %dma_wait3A_237 = arith.constant 2 : i32
          %dma_wait3A_238 = arith.constant 0 : i32
          %dma_wait3A_239 = arith.constant 1 : i32
          %dma_wait3A_240 = arith.constant 0 : i32
          %dma_wait3A_241 = arith.constant 0 : i32
          %dma_wait3A_242 = tpu.memref_slice %arg7[%dma_wait3A_237, %dma_wait3A_240, %dma_wait3A_241] : memref<4x128x16xf32, #tpu.memory_space<vmem>> -> memref<1x128x16xf32, #tpu.memory_space<vmem>>
          %dma_wait3A_243 = tpu.memref_squeeze %dma_wait3A_242 : memref<1x128x16xf32, #tpu.memory_space<vmem>> -> memref<128x16xf32, #tpu.memory_space<vmem>>
          %dma_wait3A_244 = arith.constant 0 : i32
          %dma_wait3A_245 = tpu.memref_slice %arg5[%dma_wait3A_238, %dma_wait3A_239, %dma_wait3A_244] : memref<79x2x128xi32, #tpu.memory_space<vmem>> -> memref<1x1x128xi32, #tpu.memory_space<vmem>>
          %dma_wait3A_246 = tpu.memref_squeeze %dma_wait3A_245 : memref<1x1x128xi32, #tpu.memory_space<vmem>> -> memref<128xi32, #tpu.memory_space<vmem>>
          %dma_wait3A_247 = arith.constant 0 : i32
          %dma_wait3A_248 = arith.constant 0 : i32
          %dma_wait3A_249 = tpu.memref_slice %arg9[%dma_wait3A_247, %dma_wait3A_248] : memref<10000x16xf32, #tpu.memory_space<vmem_shared>> -> memref<10000x16xf32, #tpu.memory_space<vmem_shared>>
          tpu.wait_indirect_dma semaphore(%arg16 : memref<!tpu.dma_semaphore, #tpu.memory_space<semaphore_mem>>) src(%dma_wait3A_243 : memref<128x16xf32, #tpu.memory_space<vmem>>) dst(%dma_wait3A_249 : memref<10000x16xf32, #tpu.memory_space<vmem_shared>>)
        } else {
        }
        %scan3A_217 = arith.constant 0 : i32
        %scan3A_218 = arith.constant 2 : i32
        %scan3A_219 = arith.constant 2 : i32
        %scan3A_220 = arith.constant 0 : i32
        %scan3A_221 = arith.constant 16 : i32
        %scan3A_222 = arith.addi %scan3A_220, %scan3A_221 : i32
        %scan3A_223 = arith.constant 1 : i32
        scf.for %scan3A_237 = %scan3A_220 to %scan3A_222 step %scan3A_223  : i32 {
          %add3A_238 = vector.broadcast %scan3A_237 : i32 to vector<16xi32>
          %add3A_239 = arith.addi %iota3A, %add3A_238 : vector<16xi32>
          %and3A = arith.constant 15 : i32
          %and3A_240 = vector.broadcast %and3A : i32 to vector<16xi32>
          %and3A_241 = arith.andi %add3A_239, %and3A_240 : vector<16xi32>
          %shift_right_arithmetic3A = arith.constant 3 : i32
          %shift_right_arithmetic3A_242 = vector.broadcast %shift_right_arithmetic3A : i32 to vector<16xi32>
          %shift_right_arithmetic3A_243 = arith.shrsi %and3A_241, %shift_right_arithmetic3A_242 : vector<16xi32>
          %and3A_244 = arith.constant 7 : i32
          %and3A_245 = vector.broadcast %and3A_244 : i32 to vector<16xi32>
          %and3A_246 = arith.andi %and3A_241, %and3A_245 : vector<16xi32>
          %add3A_247 = arith.constant 0 : i32
          %add3A_248 = vector.broadcast %add3A_247 : i32 to vector<16xi32>
          %add3A_249 = arith.addi %add3A_248, %iota3A : vector<16xi32>
          %gather3A = arith.constant 0 : i32
          %gather3A_250 = arith.constant 0 : i32
          %gather3A_251 = arith.constant 0 : i32
          %gather3A_252 = tpu.memref_slice %arg6[%scan3A_218, %gather3A, %gather3A_250, %gather3A_251] : memref<4x2x8x128xf32, #tpu.memory_space<vmem>> -> memref<1x2x8x128xf32, #tpu.memory_space<vmem>>
          %gather3A_253 = tpu.memref_squeeze %gather3A_252 : memref<1x2x8x128xf32, #tpu.memory_space<vmem>> -> memref<2x8x128xf32, #tpu.memory_space<vmem>>
          %gather3A_254 = tpu.vector_load_idx %gather3A_253[%shift_right_arithmetic3A_243, %and3A_246, %add3A_249] : memref<2x8x128xf32, #tpu.memory_space<vmem>>[vector<16xi32>, vector<16xi32>, vector<16xi32>], vector<16xf32>,
          %scatter3A = arith.constant 0 : i32
          %scatter3A_255 = arith.constant 0 : i32
          %scatter3A_256 = tpu.memref_slice %arg7[%scan3A_219, %scatter3A, %scatter3A_255] : memref<4x128x16xf32, #tpu.memory_space<vmem>> -> memref<1x128x16xf32, #tpu.memory_space<vmem>>
          %scatter3A_257 = tpu.memref_squeeze %scatter3A_256 : memref<1x128x16xf32, #tpu.memory_space<vmem>> -> memref<128x16xf32, #tpu.memory_space<vmem>>
          tpu.vector_store_idx %scatter3A_257[%add3A_249, %and3A_241], %gather3A_254 : memref<128x16xf32, #tpu.memory_space<vmem>>[vector<16xi32>, vector<16xi32>], vector<16xf32>,
          %add3A_258 = arith.constant 16 : i32
          %add3A_259 = vector.broadcast %add3A_258 : i32 to vector<16xi32>
          %add3A_260 = arith.addi %add3A_259, %iota3A : vector<16xi32>
          %gather3A_261 = arith.constant 0 : i32
          %gather3A_262 = arith.constant 0 : i32
          %gather3A_263 = arith.constant 0 : i32
          %gather3A_264 = tpu.memref_slice %arg6[%scan3A_218, %gather3A_261, %gather3A_262, %gather3A_263] : memref<4x2x8x128xf32, #tpu.memory_space<vmem>> -> memref<1x2x8x128xf32, #tpu.memory_space<vmem>>
          %gather3A_265 = tpu.memref_squeeze %gather3A_264 : memref<1x2x8x128xf32, #tpu.memory_space<vmem>> -> memref<2x8x128xf32, #tpu.memory_space<vmem>>
          %gather3A_266 = tpu.vector_load_idx %gather3A_265[%shift_right_arithmetic3A_243, %and3A_246, %add3A_260] : memref<2x8x128xf32, #tpu.memory_space<vmem>>[vector<16xi32>, vector<16xi32>, vector<16xi32>], vector<16xf32>,
          %scatter3A_267 = arith.constant 0 : i32
          %scatter3A_268 = arith.constant 0 : i32
          %scatter3A_269 = tpu.memref_slice %arg7[%scan3A_219, %scatter3A_267, %scatter3A_268] : memref<4x128x16xf32, #tpu.memory_space<vmem>> -> memref<1x128x16xf32, #tpu.memory_space<vmem>>
          %scatter3A_270 = tpu.memref_squeeze %scatter3A_269 : memref<1x128x16xf32, #tpu.memory_space<vmem>> -> memref<128x16xf32, #tpu.memory_space<vmem>>
          tpu.vector_store_idx %scatter3A_270[%add3A_260, %and3A_241], %gather3A_266 : memref<128x16xf32, #tpu.memory_space<vmem>>[vector<16xi32>, vector<16xi32>], vector<16xf32>,
          %add3A_271 = arith.constant 32 : i32
          %add3A_272 = vector.broadcast %add3A_271 : i32 to vector<16xi32>
          %add3A_273 = arith.addi %add3A_272, %iota3A : vector<16xi32>
          %gather3A_274 = arith.constant 0 : i32
          %gather3A_275 = arith.constant 0 : i32
          %gather3A_276 = arith.constant 0 : i32
          %gather3A_277 = tpu.memref_slice %arg6[%scan3A_218, %gather3A_274, %gather3A_275, %gather3A_276] : memref<4x2x8x128xf32, #tpu.memory_space<vmem>> -> memref<1x2x8x128xf32, #tpu.memory_space<vmem>>
          %gather3A_278 = tpu.memref_squeeze %gather3A_277 : memref<1x2x8x128xf32, #tpu.memory_space<vmem>> -> memref<2x8x128xf32, #tpu.memory_space<vmem>>
          %gather3A_279 = tpu.vector_load_idx %gather3A_278[%shift_right_arithmetic3A_243, %and3A_246, %add3A_273] : memref<2x8x128xf32, #tpu.memory_space<vmem>>[vector<16xi32>, vector<16xi32>, vector<16xi32>], vector<16xf32>,
          %scatter3A_280 = arith.constant 0 : i32
          %scatter3A_281 = arith.constant 0 : i32
          %scatter3A_282 = tpu.memref_slice %arg7[%scan3A_219, %scatter3A_280, %scatter3A_281] : memref<4x128x16xf32, #tpu.memory_space<vmem>> -> memref<1x128x16xf32, #tpu.memory_space<vmem>>
          %scatter3A_283 = tpu.memref_squeeze %scatter3A_282 : memref<1x128x16xf32, #tpu.memory_space<vmem>> -> memref<128x16xf32, #tpu.memory_space<vmem>>
          tpu.vector_store_idx %scatter3A_283[%add3A_273, %and3A_241], %gather3A_279 : memref<128x16xf32, #tpu.memory_space<vmem>>[vector<16xi32>, vector<16xi32>], vector<16xf32>,
          %add3A_284 = arith.constant 48 : i32
          %add3A_285 = vector.broadcast %add3A_284 : i32 to vector<16xi32>
          %add3A_286 = arith.addi %add3A_285, %iota3A : vector<16xi32>
          %gather3A_287 = arith.constant 0 : i32
          %gather3A_288 = arith.constant 0 : i32
          %gather3A_289 = arith.constant 0 : i32
          %gather3A_290 = tpu.memref_slice %arg6[%scan3A_218, %gather3A_287, %gather3A_288, %gather3A_289] : memref<4x2x8x128xf32, #tpu.memory_space<vmem>> -> memref<1x2x8x128xf32, #tpu.memory_space<vmem>>
          %gather3A_291 = tpu.memref_squeeze %gather3A_290 : memref<1x2x8x128xf32, #tpu.memory_space<vmem>> -> memref<2x8x128xf32, #tpu.memory_space<vmem>>
          %gather3A_292 = tpu.vector_load_idx %gather3A_291[%shift_right_arithmetic3A_243, %and3A_246, %add3A_286] : memref<2x8x128xf32, #tpu.memory_space<vmem>>[vector<16xi32>, vector<16xi32>, vector<16xi32>], vector<16xf32>,
          %scatter3A_293 = arith.constant 0 : i32
          %scatter3A_294 = arith.constant 0 : i32
          %scatter3A_295 = tpu.memref_slice %arg7[%scan3A_219, %scatter3A_293, %scatter3A_294] : memref<4x128x16xf32, #tpu.memory_space<vmem>> -> memref<1x128x16xf32, #tpu.memory_space<vmem>>
          %scatter3A_296 = tpu.memref_squeeze %scatter3A_295 : memref<1x128x16xf32, #tpu.memory_space<vmem>> -> memref<128x16xf32, #tpu.memory_space<vmem>>
          tpu.vector_store_idx %scatter3A_296[%add3A_286, %and3A_241], %gather3A_292 : memref<128x16xf32, #tpu.memory_space<vmem>>[vector<16xi32>, vector<16xi32>], vector<16xf32>,
          %add3A_297 = arith.constant 64 : i32
          %add3A_298 = vector.broadcast %add3A_297 : i32 to vector<16xi32>
          %add3A_299 = arith.addi %add3A_298, %iota3A : vector<16xi32>
          %gather3A_300 = arith.constant 0 : i32
          %gather3A_301 = arith.constant 0 : i32
          %gather3A_302 = arith.constant 0 : i32
          %gather3A_303 = tpu.memref_slice %arg6[%scan3A_218, %gather3A_300, %gather3A_301, %gather3A_302] : memref<4x2x8x128xf32, #tpu.memory_space<vmem>> -> memref<1x2x8x128xf32, #tpu.memory_space<vmem>>
          %gather3A_304 = tpu.memref_squeeze %gather3A_303 : memref<1x2x8x128xf32, #tpu.memory_space<vmem>> -> memref<2x8x128xf32, #tpu.memory_space<vmem>>
          %gather3A_305 = tpu.vector_load_idx %gather3A_304[%shift_right_arithmetic3A_243, %and3A_246, %add3A_299] : memref<2x8x128xf32, #tpu.memory_space<vmem>>[vector<16xi32>, vector<16xi32>, vector<16xi32>], vector<16xf32>,
          %scatter3A_306 = arith.constant 0 : i32
          %scatter3A_307 = arith.constant 0 : i32
          %scatter3A_308 = tpu.memref_slice %arg7[%scan3A_219, %scatter3A_306, %scatter3A_307] : memref<4x128x16xf32, #tpu.memory_space<vmem>> -> memref<1x128x16xf32, #tpu.memory_space<vmem>>
          %scatter3A_309 = tpu.memref_squeeze %scatter3A_308 : memref<1x128x16xf32, #tpu.memory_space<vmem>> -> memref<128x16xf32, #tpu.memory_space<vmem>>
          tpu.vector_store_idx %scatter3A_309[%add3A_299, %and3A_241], %gather3A_305 : memref<128x16xf32, #tpu.memory_space<vmem>>[vector<16xi32>, vector<16xi32>], vector<16xf32>,
          %add3A_310 = arith.constant 80 : i32
          %add3A_311 = vector.broadcast %add3A_310 : i32 to vector<16xi32>
          %add3A_312 = arith.addi %add3A_311, %iota3A : vector<16xi32>
          %gather3A_313 = arith.constant 0 : i32
          %gather3A_314 = arith.constant 0 : i32
          %gather3A_315 = arith.constant 0 : i32
          %gather3A_316 = tpu.memref_slice %arg6[%scan3A_218, %gather3A_313, %gather3A_314, %gather3A_315] : memref<4x2x8x128xf32, #tpu.memory_space<vmem>> -> memref<1x2x8x128xf32, #tpu.memory_space<vmem>>
          %gather3A_317 = tpu.memref_squeeze %gather3A_316 : memref<1x2x8x128xf32, #tpu.memory_space<vmem>> -> memref<2x8x128xf32, #tpu.memory_space<vmem>>
          %gather3A_318 = tpu.vector_load_idx %gather3A_317[%shift_right_arithmetic3A_243, %and3A_246, %add3A_312] : memref<2x8x128xf32, #tpu.memory_space<vmem>>[vector<16xi32>, vector<16xi32>, vector<16xi32>], vector<16xf32>,
          %scatter3A_319 = arith.constant 0 : i32
          %scatter3A_320 = arith.constant 0 : i32
          %scatter3A_321 = tpu.memref_slice %arg7[%scan3A_219, %scatter3A_319, %scatter3A_320] : memref<4x128x16xf32, #tpu.memory_space<vmem>> -> memref<1x128x16xf32, #tpu.memory_space<vmem>>
          %scatter3A_322 = tpu.memref_squeeze %scatter3A_321 : memref<1x128x16xf32, #tpu.memory_space<vmem>> -> memref<128x16xf32, #tpu.memory_space<vmem>>
          tpu.vector_store_idx %scatter3A_322[%add3A_312, %and3A_241], %gather3A_318 : memref<128x16xf32, #tpu.memory_space<vmem>>[vector<16xi32>, vector<16xi32>], vector<16xf32>,
          %add3A_323 = arith.constant 96 : i32
          %add3A_324 = vector.broadcast %add3A_323 : i32 to vector<16xi32>
          %add3A_325 = arith.addi %add3A_324, %iota3A : vector<16xi32>
          %gather3A_326 = arith.constant 0 : i32
          %gather3A_327 = arith.constant 0 : i32
          %gather3A_328 = arith.constant 0 : i32
          %gather3A_329 = tpu.memref_slice %arg6[%scan3A_218, %gather3A_326, %gather3A_327, %gather3A_328] : memref<4x2x8x128xf32, #tpu.memory_space<vmem>> -> memref<1x2x8x128xf32, #tpu.memory_space<vmem>>
          %gather3A_330 = tpu.memref_squeeze %gather3A_329 : memref<1x2x8x128xf32, #tpu.memory_space<vmem>> -> memref<2x8x128xf32, #tpu.memory_space<vmem>>
          %gather3A_331 = tpu.vector_load_idx %gather3A_330[%shift_right_arithmetic3A_243, %and3A_246, %add3A_325] : memref<2x8x128xf32, #tpu.memory_space<vmem>>[vector<16xi32>, vector<16xi32>, vector<16xi32>], vector<16xf32>,
          %scatter3A_332 = arith.constant 0 : i32
          %scatter3A_333 = arith.constant 0 : i32
          %scatter3A_334 = tpu.memref_slice %arg7[%scan3A_219, %scatter3A_332, %scatter3A_333] : memref<4x128x16xf32, #tpu.memory_space<vmem>> -> memref<1x128x16xf32, #tpu.memory_space<vmem>>
          %scatter3A_335 = tpu.memref_squeeze %scatter3A_334 : memref<1x128x16xf32, #tpu.memory_space<vmem>> -> memref<128x16xf32, #tpu.memory_space<vmem>>
          tpu.vector_store_idx %scatter3A_335[%add3A_325, %and3A_241], %gather3A_331 : memref<128x16xf32, #tpu.memory_space<vmem>>[vector<16xi32>, vector<16xi32>], vector<16xf32>,
          %add3A_336 = arith.constant 112 : i32
          %add3A_337 = vector.broadcast %add3A_336 : i32 to vector<16xi32>
          %add3A_338 = arith.addi %add3A_337, %iota3A : vector<16xi32>
          %gather3A_339 = arith.constant 0 : i32
          %gather3A_340 = arith.constant 0 : i32
          %gather3A_341 = arith.constant 0 : i32
          %gather3A_342 = tpu.memref_slice %arg6[%scan3A_218, %gather3A_339, %gather3A_340, %gather3A_341] : memref<4x2x8x128xf32, #tpu.memory_space<vmem>> -> memref<1x2x8x128xf32, #tpu.memory_space<vmem>>
          %gather3A_343 = tpu.memref_squeeze %gather3A_342 : memref<1x2x8x128xf32, #tpu.memory_space<vmem>> -> memref<2x8x128xf32, #tpu.memory_space<vmem>>
          %gather3A_344 = tpu.vector_load_idx %gather3A_343[%shift_right_arithmetic3A_243, %and3A_246, %add3A_338] : memref<2x8x128xf32, #tpu.memory_space<vmem>>[vector<16xi32>, vector<16xi32>, vector<16xi32>], vector<16xf32>,
          %scatter3A_345 = arith.constant 0 : i32
          %scatter3A_346 = arith.constant 0 : i32
          %scatter3A_347 = tpu.memref_slice %arg7[%scan3A_219, %scatter3A_345, %scatter3A_346] : memref<4x128x16xf32, #tpu.memory_space<vmem>> -> memref<1x128x16xf32, #tpu.memory_space<vmem>>
          %scatter3A_348 = tpu.memref_squeeze %scatter3A_347 : memref<1x128x16xf32, #tpu.memory_space<vmem>> -> memref<128x16xf32, #tpu.memory_space<vmem>>
          tpu.vector_store_idx %scatter3A_348[%add3A_338, %and3A_241], %gather3A_344 : memref<128x16xf32, #tpu.memory_space<vmem>>[vector<16xi32>, vector<16xi32>], vector<16xf32>,
        }
        %scan3A_224 = arith.constant 16 : i32
        %add3A_225 = arith.addi %sub3A, %add3A_148 : i32
        %dma_start3A = arith.constant 2 : i32
        %dma_start3A_226 = arith.constant 1 : i32
        %dma_start3A_227 = arith.constant 0 : i32
        %dma_start3A_228 = arith.constant 0 : i32
        %dma_start3A_229 = tpu.memref_slice %arg7[%dma_start3A, %dma_start3A_227, %dma_start3A_228] : memref<4x128x16xf32, #tpu.memory_space<vmem>> -> memref<1x128x16xf32, #tpu.memory_space<vmem>>
        %dma_start3A_230 = tpu.memref_squeeze %dma_start3A_229 : memref<1x128x16xf32, #tpu.memory_space<vmem>> -> memref<128x16xf32, #tpu.memory_space<vmem>>
        %dma_start3A_231 = arith.constant 0 : i32
        %dma_start3A_232 = tpu.memref_slice %arg5[%add3A_225, %dma_start3A_226, %dma_start3A_231] : memref<79x2x128xi32, #tpu.memory_space<vmem>> -> memref<1x1x128xi32, #tpu.memory_space<vmem>>
        %dma_start3A_233 = tpu.memref_squeeze %dma_start3A_232 : memref<1x1x128xi32, #tpu.memory_space<vmem>> -> memref<128xi32, #tpu.memory_space<vmem>>
        %dma_start3A_234 = arith.constant 0 : i32
        %dma_start3A_235 = arith.constant 0 : i32
        %dma_start3A_236 = tpu.memref_slice %arg9[%dma_start3A_234, %dma_start3A_235] : memref<10000x16xf32, #tpu.memory_space<vmem_shared>> -> memref<10000x16xf32, #tpu.memory_space<vmem_shared>>
        tpu.enqueue_indirect_dma source(%dma_start3A_230 : memref<128x16xf32, #tpu.memory_space<vmem>>) target(%dma_start3A_236 : memref<10000x16xf32, #tpu.memory_space<vmem_shared>>) offsets(%dma_start3A_233 : memref<128xi32, #tpu.memory_space<vmem>>) semaphore(%arg16 : memref<!tpu.dma_semaphore, #tpu.memory_space<semaphore_mem>>) {add = true}
      } else {
      }
      %mul3A_159 = arith.constant 4 : i32
      %mul3A_160 = arith.muli %scan3A_116, %mul3A_159 : i32
      %add3A_161 = arith.constant 3 : i32
      %add3A_162 = arith.addi %mul3A_160, %add3A_161 : i32
      %add3A_163 = arith.constant 3 : i32
      %add3A_164 = arith.addi %add3A_162, %add3A_163 : i32
      %lt3A_165 = arith.cmpi slt, %add3A_164, %add3A_4 : i32
      %convert_element_type3A_166 = arith.extui %lt3A_165 : i1 to i32
      %cond3A_167 = arith.constant 0 : i32
      %cond3A_168 = arith.cmpi ne, %convert_element_type3A_166, %cond3A_167 : i32
      scf.if %cond3A_168 {
        %add3A_173 = arith.addi %add3A_8, %add3A_164 : i32
        %dma_start3A = arith.constant 0 : i32
        %dma_start3A_174 = arith.constant 2 : i32
        %dma_start3A_175 = arith.constant 0 : i32
        %dma_start3A_176 = arith.constant 0 : i32
        %dma_start3A_177 = arith.constant 0 : i32
        %dma_start3A_178 = tpu.memref_slice %arg6[%dma_start3A_174, %dma_start3A_175, %dma_start3A_176, %dma_start3A_177] : memref<4x2x8x128xf32, #tpu.memory_space<vmem>> -> memref<1x1x8x128xf32, #tpu.memory_space<vmem>>
        %dma_start3A_179 = tpu.memref_squeeze %dma_start3A_178 : memref<1x1x8x128xf32, #tpu.memory_space<vmem>> -> memref<8x128xf32, #tpu.memory_space<vmem>>
        %dma_start3A_180 = arith.constant 0 : i32
        %dma_start3A_181 = arith.constant 0 : i32
        %dma_start3A_182 = tpu.memref_slice %arg2[%dma_start3A, %add3A_173, %dma_start3A_180, %dma_start3A_181] : memref<2x2500x8x128xf32, #tpu.memory_space<hbm>> -> memref<1x1x8x128xf32, #tpu.memory_space<hbm>>
        %dma_start3A_183 = tpu.memref_squeeze %dma_start3A_182 : memref<1x1x8x128xf32, #tpu.memory_space<hbm>> -> memref<8x128xf32, #tpu.memory_space<hbm>>
        %dma_start3A_184 = arith.constant 0 : i32
        %dma_start3A_185 = arith.constant 0 : i32
        %dma_start3A_186 = tpu.memref_slice %arg6[%dma_start3A_174, %dma_start3A_175, %dma_start3A_184, %dma_start3A_185] : memref<4x2x8x128xf32, #tpu.memory_space<vmem>> -> memref<1x1x8x128xf32, #tpu.memory_space<vmem>>
        %dma_start3A_187 = tpu.memref_squeeze %dma_start3A_186 : memref<1x1x8x128xf32, #tpu.memory_space<vmem>> -> memref<8x128xf32, #tpu.memory_space<vmem>>
        %dma_start3A_188 = arith.constant 0 : i32
        %dma_start3A_189 = arith.constant 0 : i32
        %dma_start3A_190 = tpu.memref_slice %arg2[%dma_start3A, %add3A_173, %dma_start3A_188, %dma_start3A_189] : memref<2x2500x8x128xf32, #tpu.memory_space<hbm>> -> memref<1x1x8x128xf32, #tpu.memory_space<hbm>>
        %dma_start3A_191 = tpu.memref_squeeze %dma_start3A_190 : memref<1x1x8x128xf32, #tpu.memory_space<hbm>> -> memref<8x128xf32, #tpu.memory_space<hbm>>
        tpu.enqueue_dma source(%dma_start3A_191 : memref<8x128xf32, #tpu.memory_space<hbm>>) target(%dma_start3A_187 : memref<8x128xf32, #tpu.memory_space<vmem>>) target_semaphore(%arg12 : memref<!tpu.dma_semaphore, #tpu.memory_space<semaphore_mem>>)
        %dma_start3A_192 = arith.constant 1 : i32
        %dma_start3A_193 = arith.constant 2 : i32
        %dma_start3A_194 = arith.constant 1 : i32
        %dma_start3A_195 = arith.constant 0 : i32
        %dma_start3A_196 = arith.constant 0 : i32
        %dma_start3A_197 = tpu.memref_slice %arg6[%dma_start3A_193, %dma_start3A_194, %dma_start3A_195, %dma_start3A_196] : memref<4x2x8x128xf32, #tpu.memory_space<vmem>> -> memref<1x1x8x128xf32, #tpu.memory_space<vmem>>
        %dma_start3A_198 = tpu.memref_squeeze %dma_start3A_197 : memref<1x1x8x128xf32, #tpu.memory_space<vmem>> -> memref<8x128xf32, #tpu.memory_space<vmem>>
        %dma_start3A_199 = arith.constant 0 : i32
        %dma_start3A_200 = arith.constant 0 : i32
        %dma_start3A_201 = tpu.memref_slice %arg2[%dma_start3A_192, %add3A_173, %dma_start3A_199, %dma_start3A_200] : memref<2x2500x8x128xf32, #tpu.memory_space<hbm>> -> memref<1x1x8x128xf32, #tpu.memory_space<hbm>>
        %dma_start3A_202 = tpu.memref_squeeze %dma_start3A_201 : memref<1x1x8x128xf32, #tpu.memory_space<hbm>> -> memref<8x128xf32, #tpu.memory_space<hbm>>
        %dma_start3A_203 = arith.constant 0 : i32
        %dma_start3A_204 = arith.constant 0 : i32
        %dma_start3A_205 = tpu.memref_slice %arg6[%dma_start3A_193, %dma_start3A_194, %dma_start3A_203, %dma_start3A_204] : memref<4x2x8x128xf32, #tpu.memory_space<vmem>> -> memref<1x1x8x128xf32, #tpu.memory_space<vmem>>
        %dma_start3A_206 = tpu.memref_squeeze %dma_start3A_205 : memref<1x1x8x128xf32, #tpu.memory_space<vmem>> -> memref<8x128xf32, #tpu.memory_space<vmem>>
        %dma_start3A_207 = arith.constant 0 : i32
        %dma_start3A_208 = arith.constant 0 : i32
        %dma_start3A_209 = tpu.memref_slice %arg2[%dma_start3A_192, %add3A_173, %dma_start3A_207, %dma_start3A_208] : memref<2x2500x8x128xf32, #tpu.memory_space<hbm>> -> memref<1x1x8x128xf32, #tpu.memory_space<hbm>>
        %dma_start3A_210 = tpu.memref_squeeze %dma_start3A_209 : memref<1x1x8x128xf32, #tpu.memory_space<hbm>> -> memref<8x128xf32, #tpu.memory_space<hbm>>
        tpu.enqueue_dma source(%dma_start3A_210 : memref<8x128xf32, #tpu.memory_space<hbm>>) target(%dma_start3A_206 : memref<8x128xf32, #tpu.memory_space<vmem>>) target_semaphore(%arg12 : memref<!tpu.dma_semaphore, #tpu.memory_space<semaphore_mem>>)
      } else {
      }
      %lt3A_169 = arith.cmpi slt, %add3A_162, %add3A_4 : i32
      %convert_element_type3A_170 = arith.extui %lt3A_169 : i1 to i32
      %cond3A_171 = arith.constant 0 : i32
      %cond3A_172 = arith.cmpi ne, %convert_element_type3A_170, %cond3A_171 : i32
      scf.if %cond3A_172 {
        %dma_wait3A_173 = arith.constant 0 : i32
        %dma_wait3A_174 = arith.constant 0 : i32
        %dma_wait3A_175 = arith.constant 3 : i32
        %dma_wait3A_176 = arith.constant 0 : i32
        %dma_wait3A_177 = arith.constant 0 : i32
        %dma_wait3A_178 = arith.constant 0 : i32
        %dma_wait3A_179 = tpu.memref_slice %arg6[%dma_wait3A_175, %dma_wait3A_176, %dma_wait3A_177, %dma_wait3A_178] : memref<4x2x8x128xf32, #tpu.memory_space<vmem>> -> memref<1x1x8x128xf32, #tpu.memory_space<vmem>>
        %dma_wait3A_180 = tpu.memref_squeeze %dma_wait3A_179 : memref<1x1x8x128xf32, #tpu.memory_space<vmem>> -> memref<8x128xf32, #tpu.memory_space<vmem>>
        %dma_wait3A_181 = arith.constant 0 : i32
        %dma_wait3A_182 = arith.constant 0 : i32
        %dma_wait3A_183 = tpu.memref_slice %arg2[%dma_wait3A_173, %dma_wait3A_174, %dma_wait3A_181, %dma_wait3A_182] : memref<2x2500x8x128xf32, #tpu.memory_space<hbm>> -> memref<1x1x8x128xf32, #tpu.memory_space<hbm>>
        %dma_wait3A_184 = tpu.memref_squeeze %dma_wait3A_183 : memref<1x1x8x128xf32, #tpu.memory_space<hbm>> -> memref<8x128xf32, #tpu.memory_space<hbm>>
        %dma_wait3A_185 = arith.constant 0 : i32
        %dma_wait3A_186 = arith.constant 0 : i32
        %dma_wait3A_187 = tpu.memref_slice %arg6[%dma_wait3A_175, %dma_wait3A_176, %dma_wait3A_185, %dma_wait3A_186] : memref<4x2x8x128xf32, #tpu.memory_space<vmem>> -> memref<1x1x8x128xf32, #tpu.memory_space<vmem>>
        %dma_wait3A_188 = tpu.memref_squeeze %dma_wait3A_187 : memref<1x1x8x128xf32, #tpu.memory_space<vmem>> -> memref<8x128xf32, #tpu.memory_space<vmem>>
        %dma_wait3A_189 = arith.constant 0 : i32
        %dma_wait3A_190 = arith.constant 0 : i32
        %dma_wait3A_191 = tpu.memref_slice %arg2[%dma_wait3A_173, %dma_wait3A_174, %dma_wait3A_189, %dma_wait3A_190] : memref<2x2500x8x128xf32, #tpu.memory_space<hbm>> -> memref<1x1x8x128xf32, #tpu.memory_space<hbm>>
        %dma_wait3A_192 = tpu.memref_squeeze %dma_wait3A_191 : memref<1x1x8x128xf32, #tpu.memory_space<hbm>> -> memref<8x128xf32, #tpu.memory_space<hbm>>
        tpu.wait_dma2 semaphore(%arg13 : memref<!tpu.dma_semaphore, #tpu.memory_space<semaphore_mem>>) src(%dma_wait3A_192 : memref<8x128xf32, #tpu.memory_space<hbm>>) dst(%dma_wait3A_188 : memref<8x128xf32, #tpu.memory_space<vmem>>)
        %dma_wait3A_193 = arith.constant 1 : i32
        %dma_wait3A_194 = arith.constant 0 : i32
        %dma_wait3A_195 = arith.constant 3 : i32
        %dma_wait3A_196 = arith.constant 1 : i32
        %dma_wait3A_197 = arith.constant 0 : i32
        %dma_wait3A_198 = arith.constant 0 : i32
        %dma_wait3A_199 = tpu.memref_slice %arg6[%dma_wait3A_195, %dma_wait3A_196, %dma_wait3A_197, %dma_wait3A_198] : memref<4x2x8x128xf32, #tpu.memory_space<vmem>> -> memref<1x1x8x128xf32, #tpu.memory_space<vmem>>
        %dma_wait3A_200 = tpu.memref_squeeze %dma_wait3A_199 : memref<1x1x8x128xf32, #tpu.memory_space<vmem>> -> memref<8x128xf32, #tpu.memory_space<vmem>>
        %dma_wait3A_201 = arith.constant 0 : i32
        %dma_wait3A_202 = arith.constant 0 : i32
        %dma_wait3A_203 = tpu.memref_slice %arg2[%dma_wait3A_193, %dma_wait3A_194, %dma_wait3A_201, %dma_wait3A_202] : memref<2x2500x8x128xf32, #tpu.memory_space<hbm>> -> memref<1x1x8x128xf32, #tpu.memory_space<hbm>>
        %dma_wait3A_204 = tpu.memref_squeeze %dma_wait3A_203 : memref<1x1x8x128xf32, #tpu.memory_space<hbm>> -> memref<8x128xf32, #tpu.memory_space<hbm>>
        %dma_wait3A_205 = arith.constant 0 : i32
        %dma_wait3A_206 = arith.constant 0 : i32
        %dma_wait3A_207 = tpu.memref_slice %arg6[%dma_wait3A_195, %dma_wait3A_196, %dma_wait3A_205, %dma_wait3A_206] : memref<4x2x8x128xf32, #tpu.memory_space<vmem>> -> memref<1x1x8x128xf32, #tpu.memory_space<vmem>>
        %dma_wait3A_208 = tpu.memref_squeeze %dma_wait3A_207 : memref<1x1x8x128xf32, #tpu.memory_space<vmem>> -> memref<8x128xf32, #tpu.memory_space<vmem>>
        %dma_wait3A_209 = arith.constant 0 : i32
        %dma_wait3A_210 = arith.constant 0 : i32
        %dma_wait3A_211 = tpu.memref_slice %arg2[%dma_wait3A_193, %dma_wait3A_194, %dma_wait3A_209, %dma_wait3A_210] : memref<2x2500x8x128xf32, #tpu.memory_space<hbm>> -> memref<1x1x8x128xf32, #tpu.memory_space<hbm>>
        %dma_wait3A_212 = tpu.memref_squeeze %dma_wait3A_211 : memref<1x1x8x128xf32, #tpu.memory_space<hbm>> -> memref<8x128xf32, #tpu.memory_space<hbm>>
        tpu.wait_dma2 semaphore(%arg13 : memref<!tpu.dma_semaphore, #tpu.memory_space<semaphore_mem>>) src(%dma_wait3A_212 : memref<8x128xf32, #tpu.memory_space<hbm>>) dst(%dma_wait3A_208 : memref<8x128xf32, #tpu.memory_space<vmem>>)
        %ge3A = arith.constant 4 : i32
        %ge3A_213 = arith.cmpi sge, %add3A_162, %ge3A : i32
        %convert_element_type3A_214 = arith.extui %ge3A_213 : i1 to i32
        %cond3A_215 = arith.constant 0 : i32
        %cond3A_216 = arith.cmpi ne, %convert_element_type3A_214, %cond3A_215 : i32
        scf.if %cond3A_216 {
          %dma_wait3A_237 = arith.constant 3 : i32
          %dma_wait3A_238 = arith.constant 0 : i32
          %dma_wait3A_239 = arith.constant 1 : i32
          %dma_wait3A_240 = arith.constant 0 : i32
          %dma_wait3A_241 = arith.constant 0 : i32
          %dma_wait3A_242 = tpu.memref_slice %arg7[%dma_wait3A_237, %dma_wait3A_240, %dma_wait3A_241] : memref<4x128x16xf32, #tpu.memory_space<vmem>> -> memref<1x128x16xf32, #tpu.memory_space<vmem>>
          %dma_wait3A_243 = tpu.memref_squeeze %dma_wait3A_242 : memref<1x128x16xf32, #tpu.memory_space<vmem>> -> memref<128x16xf32, #tpu.memory_space<vmem>>
          %dma_wait3A_244 = arith.constant 0 : i32
          %dma_wait3A_245 = tpu.memref_slice %arg5[%dma_wait3A_238, %dma_wait3A_239, %dma_wait3A_244] : memref<79x2x128xi32, #tpu.memory_space<vmem>> -> memref<1x1x128xi32, #tpu.memory_space<vmem>>
          %dma_wait3A_246 = tpu.memref_squeeze %dma_wait3A_245 : memref<1x1x128xi32, #tpu.memory_space<vmem>> -> memref<128xi32, #tpu.memory_space<vmem>>
          %dma_wait3A_247 = arith.constant 0 : i32
          %dma_wait3A_248 = arith.constant 0 : i32
          %dma_wait3A_249 = tpu.memref_slice %arg9[%dma_wait3A_247, %dma_wait3A_248] : memref<10000x16xf32, #tpu.memory_space<vmem_shared>> -> memref<10000x16xf32, #tpu.memory_space<vmem_shared>>
          tpu.wait_indirect_dma semaphore(%arg17 : memref<!tpu.dma_semaphore, #tpu.memory_space<semaphore_mem>>) src(%dma_wait3A_243 : memref<128x16xf32, #tpu.memory_space<vmem>>) dst(%dma_wait3A_249 : memref<10000x16xf32, #tpu.memory_space<vmem_shared>>)
        } else {
        }
        %scan3A_217 = arith.constant 0 : i32
        %scan3A_218 = arith.constant 3 : i32
        %scan3A_219 = arith.constant 3 : i32
        %scan3A_220 = arith.constant 0 : i32
        %scan3A_221 = arith.constant 16 : i32
        %scan3A_222 = arith.addi %scan3A_220, %scan3A_221 : i32
        %scan3A_223 = arith.constant 1 : i32
        scf.for %scan3A_237 = %scan3A_220 to %scan3A_222 step %scan3A_223  : i32 {
          %add3A_238 = vector.broadcast %scan3A_237 : i32 to vector<16xi32>
          %add3A_239 = arith.addi %iota3A, %add3A_238 : vector<16xi32>
          %and3A = arith.constant 15 : i32
          %and3A_240 = vector.broadcast %and3A : i32 to vector<16xi32>
          %and3A_241 = arith.andi %add3A_239, %and3A_240 : vector<16xi32>
          %shift_right_arithmetic3A = arith.constant 3 : i32
          %shift_right_arithmetic3A_242 = vector.broadcast %shift_right_arithmetic3A : i32 to vector<16xi32>
          %shift_right_arithmetic3A_243 = arith.shrsi %and3A_241, %shift_right_arithmetic3A_242 : vector<16xi32>
          %and3A_244 = arith.constant 7 : i32
          %and3A_245 = vector.broadcast %and3A_244 : i32 to vector<16xi32>
          %and3A_246 = arith.andi %and3A_241, %and3A_245 : vector<16xi32>
          %add3A_247 = arith.constant 0 : i32
          %add3A_248 = vector.broadcast %add3A_247 : i32 to vector<16xi32>
          %add3A_249 = arith.addi %add3A_248, %iota3A : vector<16xi32>
          %gather3A = arith.constant 0 : i32
          %gather3A_250 = arith.constant 0 : i32
          %gather3A_251 = arith.constant 0 : i32
          %gather3A_252 = tpu.memref_slice %arg6[%scan3A_218, %gather3A, %gather3A_250, %gather3A_251] : memref<4x2x8x128xf32, #tpu.memory_space<vmem>> -> memref<1x2x8x128xf32, #tpu.memory_space<vmem>>
          %gather3A_253 = tpu.memref_squeeze %gather3A_252 : memref<1x2x8x128xf32, #tpu.memory_space<vmem>> -> memref<2x8x128xf32, #tpu.memory_space<vmem>>
          %gather3A_254 = tpu.vector_load_idx %gather3A_253[%shift_right_arithmetic3A_243, %and3A_246, %add3A_249] : memref<2x8x128xf32, #tpu.memory_space<vmem>>[vector<16xi32>, vector<16xi32>, vector<16xi32>], vector<16xf32>,
          %scatter3A = arith.constant 0 : i32
          %scatter3A_255 = arith.constant 0 : i32
          %scatter3A_256 = tpu.memref_slice %arg7[%scan3A_219, %scatter3A, %scatter3A_255] : memref<4x128x16xf32, #tpu.memory_space<vmem>> -> memref<1x128x16xf32, #tpu.memory_space<vmem>>
          %scatter3A_257 = tpu.memref_squeeze %scatter3A_256 : memref<1x128x16xf32, #tpu.memory_space<vmem>> -> memref<128x16xf32, #tpu.memory_space<vmem>>
          tpu.vector_store_idx %scatter3A_257[%add3A_249, %and3A_241], %gather3A_254 : memref<128x16xf32, #tpu.memory_space<vmem>>[vector<16xi32>, vector<16xi32>], vector<16xf32>,
          %add3A_258 = arith.constant 16 : i32
          %add3A_259 = vector.broadcast %add3A_258 : i32 to vector<16xi32>
          %add3A_260 = arith.addi %add3A_259, %iota3A : vector<16xi32>
          %gather3A_261 = arith.constant 0 : i32
          %gather3A_262 = arith.constant 0 : i32
          %gather3A_263 = arith.constant 0 : i32
          %gather3A_264 = tpu.memref_slice %arg6[%scan3A_218, %gather3A_261, %gather3A_262, %gather3A_263] : memref<4x2x8x128xf32, #tpu.memory_space<vmem>> -> memref<1x2x8x128xf32, #tpu.memory_space<vmem>>
          %gather3A_265 = tpu.memref_squeeze %gather3A_264 : memref<1x2x8x128xf32, #tpu.memory_space<vmem>> -> memref<2x8x128xf32, #tpu.memory_space<vmem>>
          %gather3A_266 = tpu.vector_load_idx %gather3A_265[%shift_right_arithmetic3A_243, %and3A_246, %add3A_260] : memref<2x8x128xf32, #tpu.memory_space<vmem>>[vector<16xi32>, vector<16xi32>, vector<16xi32>], vector<16xf32>,
          %scatter3A_267 = arith.constant 0 : i32
          %scatter3A_268 = arith.constant 0 : i32
          %scatter3A_269 = tpu.memref_slice %arg7[%scan3A_219, %scatter3A_267, %scatter3A_268] : memref<4x128x16xf32, #tpu.memory_space<vmem>> -> memref<1x128x16xf32, #tpu.memory_space<vmem>>
          %scatter3A_270 = tpu.memref_squeeze %scatter3A_269 : memref<1x128x16xf32, #tpu.memory_space<vmem>> -> memref<128x16xf32, #tpu.memory_space<vmem>>
          tpu.vector_store_idx %scatter3A_270[%add3A_260, %and3A_241], %gather3A_266 : memref<128x16xf32, #tpu.memory_space<vmem>>[vector<16xi32>, vector<16xi32>], vector<16xf32>,
          %add3A_271 = arith.constant 32 : i32
          %add3A_272 = vector.broadcast %add3A_271 : i32 to vector<16xi32>
          %add3A_273 = arith.addi %add3A_272, %iota3A : vector<16xi32>
          %gather3A_274 = arith.constant 0 : i32
          %gather3A_275 = arith.constant 0 : i32
          %gather3A_276 = arith.constant 0 : i32
          %gather3A_277 = tpu.memref_slice %arg6[%scan3A_218, %gather3A_274, %gather3A_275, %gather3A_276] : memref<4x2x8x128xf32, #tpu.memory_space<vmem>> -> memref<1x2x8x128xf32, #tpu.memory_space<vmem>>
          %gather3A_278 = tpu.memref_squeeze %gather3A_277 : memref<1x2x8x128xf32, #tpu.memory_space<vmem>> -> memref<2x8x128xf32, #tpu.memory_space<vmem>>
          %gather3A_279 = tpu.vector_load_idx %gather3A_278[%shift_right_arithmetic3A_243, %and3A_246, %add3A_273] : memref<2x8x128xf32, #tpu.memory_space<vmem>>[vector<16xi32>, vector<16xi32>, vector<16xi32>], vector<16xf32>,
          %scatter3A_280 = arith.constant 0 : i32
          %scatter3A_281 = arith.constant 0 : i32
          %scatter3A_282 = tpu.memref_slice %arg7[%scan3A_219, %scatter3A_280, %scatter3A_281] : memref<4x128x16xf32, #tpu.memory_space<vmem>> -> memref<1x128x16xf32, #tpu.memory_space<vmem>>
          %scatter3A_283 = tpu.memref_squeeze %scatter3A_282 : memref<1x128x16xf32, #tpu.memory_space<vmem>> -> memref<128x16xf32, #tpu.memory_space<vmem>>
          tpu.vector_store_idx %scatter3A_283[%add3A_273, %and3A_241], %gather3A_279 : memref<128x16xf32, #tpu.memory_space<vmem>>[vector<16xi32>, vector<16xi32>], vector<16xf32>,
          %add3A_284 = arith.constant 48 : i32
          %add3A_285 = vector.broadcast %add3A_284 : i32 to vector<16xi32>
          %add3A_286 = arith.addi %add3A_285, %iota3A : vector<16xi32>
          %gather3A_287 = arith.constant 0 : i32
          %gather3A_288 = arith.constant 0 : i32
          %gather3A_289 = arith.constant 0 : i32
          %gather3A_290 = tpu.memref_slice %arg6[%scan3A_218, %gather3A_287, %gather3A_288, %gather3A_289] : memref<4x2x8x128xf32, #tpu.memory_space<vmem>> -> memref<1x2x8x128xf32, #tpu.memory_space<vmem>>
          %gather3A_291 = tpu.memref_squeeze %gather3A_290 : memref<1x2x8x128xf32, #tpu.memory_space<vmem>> -> memref<2x8x128xf32, #tpu.memory_space<vmem>>
          %gather3A_292 = tpu.vector_load_idx %gather3A_291[%shift_right_arithmetic3A_243, %and3A_246, %add3A_286] : memref<2x8x128xf32, #tpu.memory_space<vmem>>[vector<16xi32>, vector<16xi32>, vector<16xi32>], vector<16xf32>,
          %scatter3A_293 = arith.constant 0 : i32
          %scatter3A_294 = arith.constant 0 : i32
          %scatter3A_295 = tpu.memref_slice %arg7[%scan3A_219, %scatter3A_293, %scatter3A_294] : memref<4x128x16xf32, #tpu.memory_space<vmem>> -> memref<1x128x16xf32, #tpu.memory_space<vmem>>
          %scatter3A_296 = tpu.memref_squeeze %scatter3A_295 : memref<1x128x16xf32, #tpu.memory_space<vmem>> -> memref<128x16xf32, #tpu.memory_space<vmem>>
          tpu.vector_store_idx %scatter3A_296[%add3A_286, %and3A_241], %gather3A_292 : memref<128x16xf32, #tpu.memory_space<vmem>>[vector<16xi32>, vector<16xi32>], vector<16xf32>,
          %add3A_297 = arith.constant 64 : i32
          %add3A_298 = vector.broadcast %add3A_297 : i32 to vector<16xi32>
          %add3A_299 = arith.addi %add3A_298, %iota3A : vector<16xi32>
          %gather3A_300 = arith.constant 0 : i32
          %gather3A_301 = arith.constant 0 : i32
          %gather3A_302 = arith.constant 0 : i32
          %gather3A_303 = tpu.memref_slice %arg6[%scan3A_218, %gather3A_300, %gather3A_301, %gather3A_302] : memref<4x2x8x128xf32, #tpu.memory_space<vmem>> -> memref<1x2x8x128xf32, #tpu.memory_space<vmem>>
          %gather3A_304 = tpu.memref_squeeze %gather3A_303 : memref<1x2x8x128xf32, #tpu.memory_space<vmem>> -> memref<2x8x128xf32, #tpu.memory_space<vmem>>
          %gather3A_305 = tpu.vector_load_idx %gather3A_304[%shift_right_arithmetic3A_243, %and3A_246, %add3A_299] : memref<2x8x128xf32, #tpu.memory_space<vmem>>[vector<16xi32>, vector<16xi32>, vector<16xi32>], vector<16xf32>,
          %scatter3A_306 = arith.constant 0 : i32
          %scatter3A_307 = arith.constant 0 : i32
          %scatter3A_308 = tpu.memref_slice %arg7[%scan3A_219, %scatter3A_306, %scatter3A_307] : memref<4x128x16xf32, #tpu.memory_space<vmem>> -> memref<1x128x16xf32, #tpu.memory_space<vmem>>
          %scatter3A_309 = tpu.memref_squeeze %scatter3A_308 : memref<1x128x16xf32, #tpu.memory_space<vmem>> -> memref<128x16xf32, #tpu.memory_space<vmem>>
          tpu.vector_store_idx %scatter3A_309[%add3A_299, %and3A_241], %gather3A_305 : memref<128x16xf32, #tpu.memory_space<vmem>>[vector<16xi32>, vector<16xi32>], vector<16xf32>,
          %add3A_310 = arith.constant 80 : i32
          %add3A_311 = vector.broadcast %add3A_310 : i32 to vector<16xi32>
          %add3A_312 = arith.addi %add3A_311, %iota3A : vector<16xi32>
          %gather3A_313 = arith.constant 0 : i32
          %gather3A_314 = arith.constant 0 : i32
          %gather3A_315 = arith.constant 0 : i32
          %gather3A_316 = tpu.memref_slice %arg6[%scan3A_218, %gather3A_313, %gather3A_314, %gather3A_315] : memref<4x2x8x128xf32, #tpu.memory_space<vmem>> -> memref<1x2x8x128xf32, #tpu.memory_space<vmem>>
          %gather3A_317 = tpu.memref_squeeze %gather3A_316 : memref<1x2x8x128xf32, #tpu.memory_space<vmem>> -> memref<2x8x128xf32, #tpu.memory_space<vmem>>
          %gather3A_318 = tpu.vector_load_idx %gather3A_317[%shift_right_arithmetic3A_243, %and3A_246, %add3A_312] : memref<2x8x128xf32, #tpu.memory_space<vmem>>[vector<16xi32>, vector<16xi32>, vector<16xi32>], vector<16xf32>,
          %scatter3A_319 = arith.constant 0 : i32
          %scatter3A_320 = arith.constant 0 : i32
          %scatter3A_321 = tpu.memref_slice %arg7[%scan3A_219, %scatter3A_319, %scatter3A_320] : memref<4x128x16xf32, #tpu.memory_space<vmem>> -> memref<1x128x16xf32, #tpu.memory_space<vmem>>
          %scatter3A_322 = tpu.memref_squeeze %scatter3A_321 : memref<1x128x16xf32, #tpu.memory_space<vmem>> -> memref<128x16xf32, #tpu.memory_space<vmem>>
          tpu.vector_store_idx %scatter3A_322[%add3A_312, %and3A_241], %gather3A_318 : memref<128x16xf32, #tpu.memory_space<vmem>>[vector<16xi32>, vector<16xi32>], vector<16xf32>,
          %add3A_323 = arith.constant 96 : i32
          %add3A_324 = vector.broadcast %add3A_323 : i32 to vector<16xi32>
          %add3A_325 = arith.addi %add3A_324, %iota3A : vector<16xi32>
          %gather3A_326 = arith.constant 0 : i32
          %gather3A_327 = arith.constant 0 : i32
          %gather3A_328 = arith.constant 0 : i32
          %gather3A_329 = tpu.memref_slice %arg6[%scan3A_218, %gather3A_326, %gather3A_327, %gather3A_328] : memref<4x2x8x128xf32, #tpu.memory_space<vmem>> -> memref<1x2x8x128xf32, #tpu.memory_space<vmem>>
          %gather3A_330 = tpu.memref_squeeze %gather3A_329 : memref<1x2x8x128xf32, #tpu.memory_space<vmem>> -> memref<2x8x128xf32, #tpu.memory_space<vmem>>
          %gather3A_331 = tpu.vector_load_idx %gather3A_330[%shift_right_arithmetic3A_243, %and3A_246, %add3A_325] : memref<2x8x128xf32, #tpu.memory_space<vmem>>[vector<16xi32>, vector<16xi32>, vector<16xi32>], vector<16xf32>,
          %scatter3A_332 = arith.constant 0 : i32
          %scatter3A_333 = arith.constant 0 : i32
          %scatter3A_334 = tpu.memref_slice %arg7[%scan3A_219, %scatter3A_332, %scatter3A_333] : memref<4x128x16xf32, #tpu.memory_space<vmem>> -> memref<1x128x16xf32, #tpu.memory_space<vmem>>
          %scatter3A_335 = tpu.memref_squeeze %scatter3A_334 : memref<1x128x16xf32, #tpu.memory_space<vmem>> -> memref<128x16xf32, #tpu.memory_space<vmem>>
          tpu.vector_store_idx %scatter3A_335[%add3A_325, %and3A_241], %gather3A_331 : memref<128x16xf32, #tpu.memory_space<vmem>>[vector<16xi32>, vector<16xi32>], vector<16xf32>,
          %add3A_336 = arith.constant 112 : i32
          %add3A_337 = vector.broadcast %add3A_336 : i32 to vector<16xi32>
          %add3A_338 = arith.addi %add3A_337, %iota3A : vector<16xi32>
          %gather3A_339 = arith.constant 0 : i32
          %gather3A_340 = arith.constant 0 : i32
          %gather3A_341 = arith.constant 0 : i32
          %gather3A_342 = tpu.memref_slice %arg6[%scan3A_218, %gather3A_339, %gather3A_340, %gather3A_341] : memref<4x2x8x128xf32, #tpu.memory_space<vmem>> -> memref<1x2x8x128xf32, #tpu.memory_space<vmem>>
          %gather3A_343 = tpu.memref_squeeze %gather3A_342 : memref<1x2x8x128xf32, #tpu.memory_space<vmem>> -> memref<2x8x128xf32, #tpu.memory_space<vmem>>
          %gather3A_344 = tpu.vector_load_idx %gather3A_343[%shift_right_arithmetic3A_243, %and3A_246, %add3A_338] : memref<2x8x128xf32, #tpu.memory_space<vmem>>[vector<16xi32>, vector<16xi32>, vector<16xi32>], vector<16xf32>,
          %scatter3A_345 = arith.constant 0 : i32
          %scatter3A_346 = arith.constant 0 : i32
          %scatter3A_347 = tpu.memref_slice %arg7[%scan3A_219, %scatter3A_345, %scatter3A_346] : memref<4x128x16xf32, #tpu.memory_space<vmem>> -> memref<1x128x16xf32, #tpu.memory_space<vmem>>
          %scatter3A_348 = tpu.memref_squeeze %scatter3A_347 : memref<1x128x16xf32, #tpu.memory_space<vmem>> -> memref<128x16xf32, #tpu.memory_space<vmem>>
          tpu.vector_store_idx %scatter3A_348[%add3A_338, %and3A_241], %gather3A_344 : memref<128x16xf32, #tpu.memory_space<vmem>>[vector<16xi32>, vector<16xi32>], vector<16xf32>,
        }
        %scan3A_224 = arith.constant 16 : i32
        %add3A_225 = arith.addi %sub3A, %add3A_162 : i32
        %dma_start3A = arith.constant 3 : i32
        %dma_start3A_226 = arith.constant 1 : i32
        %dma_start3A_227 = arith.constant 0 : i32
        %dma_start3A_228 = arith.constant 0 : i32
        %dma_start3A_229 = tpu.memref_slice %arg7[%dma_start3A, %dma_start3A_227, %dma_start3A_228] : memref<4x128x16xf32, #tpu.memory_space<vmem>> -> memref<1x128x16xf32, #tpu.memory_space<vmem>>
        %dma_start3A_230 = tpu.memref_squeeze %dma_start3A_229 : memref<1x128x16xf32, #tpu.memory_space<vmem>> -> memref<128x16xf32, #tpu.memory_space<vmem>>
        %dma_start3A_231 = arith.constant 0 : i32
        %dma_start3A_232 = tpu.memref_slice %arg5[%add3A_225, %dma_start3A_226, %dma_start3A_231] : memref<79x2x128xi32, #tpu.memory_space<vmem>> -> memref<1x1x128xi32, #tpu.memory_space<vmem>>
        %dma_start3A_233 = tpu.memref_squeeze %dma_start3A_232 : memref<1x1x128xi32, #tpu.memory_space<vmem>> -> memref<128xi32, #tpu.memory_space<vmem>>
        %dma_start3A_234 = arith.constant 0 : i32
        %dma_start3A_235 = arith.constant 0 : i32
        %dma_start3A_236 = tpu.memref_slice %arg9[%dma_start3A_234, %dma_start3A_235] : memref<10000x16xf32, #tpu.memory_space<vmem_shared>> -> memref<10000x16xf32, #tpu.memory_space<vmem_shared>>
        tpu.enqueue_indirect_dma source(%dma_start3A_230 : memref<128x16xf32, #tpu.memory_space<vmem>>) target(%dma_start3A_236 : memref<10000x16xf32, #tpu.memory_space<vmem_shared>>) offsets(%dma_start3A_233 : memref<128xi32, #tpu.memory_space<vmem>>) semaphore(%arg17 : memref<!tpu.dma_semaphore, #tpu.memory_space<semaphore_mem>>) {add = true}
      } else {
      }
    }
    %scan3A_59 = arith.constant 20 : i32
    %dma_wait3A = arith.constant 0 : i32
    %dma_wait3A_60 = arith.constant 0 : i32
    %dma_wait3A_61 = arith.constant 1 : i32
    %dma_wait3A_62 = arith.constant 0 : i32
    %dma_wait3A_63 = arith.constant 0 : i32
    %dma_wait3A_64 = tpu.memref_slice %arg7[%dma_wait3A, %dma_wait3A_62, %dma_wait3A_63] : memref<4x128x16xf32, #tpu.memory_space<vmem>> -> memref<1x128x16xf32, #tpu.memory_space<vmem>>
    %dma_wait3A_65 = tpu.memref_squeeze %dma_wait3A_64 : memref<1x128x16xf32, #tpu.memory_space<vmem>> -> memref<128x16xf32, #tpu.memory_space<vmem>>
    %dma_wait3A_66 = arith.constant 0 : i32
    %dma_wait3A_67 = tpu.memref_slice %arg5[%dma_wait3A_60, %dma_wait3A_61, %dma_wait3A_66] : memref<79x2x128xi32, #tpu.memory_space<vmem>> -> memref<1x1x128xi32, #tpu.memory_space<vmem>>
    %dma_wait3A_68 = tpu.memref_squeeze %dma_wait3A_67 : memref<1x1x128xi32, #tpu.memory_space<vmem>> -> memref<128xi32, #tpu.memory_space<vmem>>
    %dma_wait3A_69 = arith.constant 0 : i32
    %dma_wait3A_70 = arith.constant 0 : i32
    %dma_wait3A_71 = tpu.memref_slice %arg9[%dma_wait3A_69, %dma_wait3A_70] : memref<10000x16xf32, #tpu.memory_space<vmem_shared>> -> memref<10000x16xf32, #tpu.memory_space<vmem_shared>>
    tpu.wait_indirect_dma semaphore(%arg14 : memref<!tpu.dma_semaphore, #tpu.memory_space<semaphore_mem>>) src(%dma_wait3A_65 : memref<128x16xf32, #tpu.memory_space<vmem>>) dst(%dma_wait3A_71 : memref<10000x16xf32, #tpu.memory_space<vmem_shared>>)
    %dma_wait3A_72 = arith.constant 1 : i32
    %dma_wait3A_73 = arith.constant 0 : i32
    %dma_wait3A_74 = arith.constant 1 : i32
    %dma_wait3A_75 = arith.constant 0 : i32
    %dma_wait3A_76 = arith.constant 0 : i32
    %dma_wait3A_77 = tpu.memref_slice %arg7[%dma_wait3A_72, %dma_wait3A_75, %dma_wait3A_76] : memref<4x128x16xf32, #tpu.memory_space<vmem>> -> memref<1x128x16xf32, #tpu.memory_space<vmem>>
    %dma_wait3A_78 = tpu.memref_squeeze %dma_wait3A_77 : memref<1x128x16xf32, #tpu.memory_space<vmem>> -> memref<128x16xf32, #tpu.memory_space<vmem>>
    %dma_wait3A_79 = arith.constant 0 : i32
    %dma_wait3A_80 = tpu.memref_slice %arg5[%dma_wait3A_73, %dma_wait3A_74, %dma_wait3A_79] : memref<79x2x128xi32, #tpu.memory_space<vmem>> -> memref<1x1x128xi32, #tpu.memory_space<vmem>>
    %dma_wait3A_81 = tpu.memref_squeeze %dma_wait3A_80 : memref<1x1x128xi32, #tpu.memory_space<vmem>> -> memref<128xi32, #tpu.memory_space<vmem>>
    %dma_wait3A_82 = arith.constant 0 : i32
    %dma_wait3A_83 = arith.constant 0 : i32
    %dma_wait3A_84 = tpu.memref_slice %arg9[%dma_wait3A_82, %dma_wait3A_83] : memref<10000x16xf32, #tpu.memory_space<vmem_shared>> -> memref<10000x16xf32, #tpu.memory_space<vmem_shared>>
    tpu.wait_indirect_dma semaphore(%arg15 : memref<!tpu.dma_semaphore, #tpu.memory_space<semaphore_mem>>) src(%dma_wait3A_78 : memref<128x16xf32, #tpu.memory_space<vmem>>) dst(%dma_wait3A_84 : memref<10000x16xf32, #tpu.memory_space<vmem_shared>>)
    %dma_wait3A_85 = arith.constant 2 : i32
    %dma_wait3A_86 = arith.constant 0 : i32
    %dma_wait3A_87 = arith.constant 1 : i32
    %dma_wait3A_88 = arith.constant 0 : i32
    %dma_wait3A_89 = arith.constant 0 : i32
    %dma_wait3A_90 = tpu.memref_slice %arg7[%dma_wait3A_85, %dma_wait3A_88, %dma_wait3A_89] : memref<4x128x16xf32, #tpu.memory_space<vmem>> -> memref<1x128x16xf32, #tpu.memory_space<vmem>>
    %dma_wait3A_91 = tpu.memref_squeeze %dma_wait3A_90 : memref<1x128x16xf32, #tpu.memory_space<vmem>> -> memref<128x16xf32, #tpu.memory_space<vmem>>
    %dma_wait3A_92 = arith.constant 0 : i32
    %dma_wait3A_93 = tpu.memref_slice %arg5[%dma_wait3A_86, %dma_wait3A_87, %dma_wait3A_92] : memref<79x2x128xi32, #tpu.memory_space<vmem>> -> memref<1x1x128xi32, #tpu.memory_space<vmem>>
    %dma_wait3A_94 = tpu.memref_squeeze %dma_wait3A_93 : memref<1x1x128xi32, #tpu.memory_space<vmem>> -> memref<128xi32, #tpu.memory_space<vmem>>
    %dma_wait3A_95 = arith.constant 0 : i32
    %dma_wait3A_96 = arith.constant 0 : i32
    %dma_wait3A_97 = tpu.memref_slice %arg9[%dma_wait3A_95, %dma_wait3A_96] : memref<10000x16xf32, #tpu.memory_space<vmem_shared>> -> memref<10000x16xf32, #tpu.memory_space<vmem_shared>>
    tpu.wait_indirect_dma semaphore(%arg16 : memref<!tpu.dma_semaphore, #tpu.memory_space<semaphore_mem>>) src(%dma_wait3A_91 : memref<128x16xf32, #tpu.memory_space<vmem>>) dst(%dma_wait3A_97 : memref<10000x16xf32, #tpu.memory_space<vmem_shared>>)
    %dma_wait3A_98 = arith.constant 3 : i32
    %dma_wait3A_99 = arith.constant 0 : i32
    %dma_wait3A_100 = arith.constant 1 : i32
    %dma_wait3A_101 = arith.constant 0 : i32
    %dma_wait3A_102 = arith.constant 0 : i32
    %dma_wait3A_103 = tpu.memref_slice %arg7[%dma_wait3A_98, %dma_wait3A_101, %dma_wait3A_102] : memref<4x128x16xf32, #tpu.memory_space<vmem>> -> memref<1x128x16xf32, #tpu.memory_space<vmem>>
    %dma_wait3A_104 = tpu.memref_squeeze %dma_wait3A_103 : memref<1x128x16xf32, #tpu.memory_space<vmem>> -> memref<128x16xf32, #tpu.memory_space<vmem>>
    %dma_wait3A_105 = arith.constant 0 : i32
    %dma_wait3A_106 = tpu.memref_slice %arg5[%dma_wait3A_99, %dma_wait3A_100, %dma_wait3A_105] : memref<79x2x128xi32, #tpu.memory_space<vmem>> -> memref<1x1x128xi32, #tpu.memory_space<vmem>>
    %dma_wait3A_107 = tpu.memref_squeeze %dma_wait3A_106 : memref<1x1x128xi32, #tpu.memory_space<vmem>> -> memref<128xi32, #tpu.memory_space<vmem>>
    %dma_wait3A_108 = arith.constant 0 : i32
    %dma_wait3A_109 = arith.constant 0 : i32
    %dma_wait3A_110 = tpu.memref_slice %arg9[%dma_wait3A_108, %dma_wait3A_109] : memref<10000x16xf32, #tpu.memory_space<vmem_shared>> -> memref<10000x16xf32, #tpu.memory_space<vmem_shared>>
    tpu.wait_indirect_dma semaphore(%arg17 : memref<!tpu.dma_semaphore, #tpu.memory_space<semaphore_mem>>) src(%dma_wait3A_104 : memref<128x16xf32, #tpu.memory_space<vmem>>) dst(%dma_wait3A_110 : memref<10000x16xf32, #tpu.memory_space<vmem_shared>>)
    %barrier3A_111 = arith.constant 0 : index
    tpu.barrier barrier_id(%barrier3A_111)
    %mul3A_112 = arith.constant 625 : i32
    %mul3A_113 = arith.muli %arg1, %mul3A_112 : i32
    %mul3A_114 = arith.constant 625 : i32
    %mul3A_115 = arith.muli %arg1, %mul3A_114 : i32
    "tpu.region"() ({
      %run_scoped3A = tpu.sem_alloc : memref<!tpu.dma_semaphore, #tpu.memory_space<semaphore_mem>>
      %dma_start3A = arith.constant 0 : i32
      %dma_start3A_116 = tpu.memref_slice %arg4[%arg0, %mul3A_115, %dma_start3A] : memref<2x10000x16xf32, #tpu.memory_space<hbm>> -> memref<1x625x16xf32, #tpu.memory_space<hbm>>
      %dma_start3A_117 = tpu.memref_squeeze %dma_start3A_116 : memref<1x625x16xf32, #tpu.memory_space<hbm>> -> memref<625x16xf32, #tpu.memory_space<hbm>>
      %dma_start3A_118 = arith.constant 0 : i32
      %dma_start3A_119 = tpu.memref_slice %arg9[%mul3A_113, %dma_start3A_118] : memref<10000x16xf32, #tpu.memory_space<vmem_shared>> -> memref<625x16xf32, #tpu.memory_space<vmem_shared>>
      tpu.enqueue_dma source(%dma_start3A_119 : memref<625x16xf32, #tpu.memory_space<vmem_shared>>) target(%dma_start3A_117 : memref<625x16xf32, #tpu.memory_space<hbm>>) target_semaphore(%run_scoped3A : memref<!tpu.dma_semaphore, #tpu.memory_space<semaphore_mem>>)
      %dma_wait3A_120 = arith.constant 0 : i32
      %dma_wait3A_121 = tpu.memref_slice %arg4[%arg0, %mul3A_115, %dma_wait3A_120] : memref<2x10000x16xf32, #tpu.memory_space<hbm>> -> memref<1x625x16xf32, #tpu.memory_space<hbm>>
      %dma_wait3A_122 = tpu.memref_squeeze %dma_wait3A_121 : memref<1x625x16xf32, #tpu.memory_space<hbm>> -> memref<625x16xf32, #tpu.memory_space<hbm>>
      %dma_wait3A_123 = arith.constant 0 : i32
      %dma_wait3A_124 = tpu.memref_slice %arg9[%mul3A_113, %dma_wait3A_123] : memref<10000x16xf32, #tpu.memory_space<vmem_shared>> -> memref<625x16xf32, #tpu.memory_space<vmem_shared>>
      tpu.wait_dma2 semaphore(%run_scoped3A : memref<!tpu.dma_semaphore, #tpu.memory_space<semaphore_mem>>) src(%dma_wait3A_124 : memref<625x16xf32, #tpu.memory_space<vmem_shared>>) dst(%dma_wait3A_122 : memref<625x16xf32, #tpu.memory_space<hbm>>)
      tpu.yield
    }) : () -> ()
    return
  }
}

#map = affine_map<(d0, d1) -> (0, 0)>
#map1 = affine_map<(d0, d1) -> (0, 0, 0)>
#map2 = affine_map<(d0, d1) -> (0, 0, 0, 0)>
module attributes {stable_mosaic.version = 14 : i64} {
  func.func @_gather_body(%arg0: i32, %arg1: i32, %arg2: memref<10000x16xf32, #tpu.memory_space<hbm>>, %arg3: memref<10000x16xf32, #tpu.memory_space<hbm>>, %arg4: memref<2500x2x128xi32, #tpu.memory_space<hbm>>, %arg5: memref<2x2500x8x128xf32, #tpu.memory_space<hbm>>, %arg6: memref<79x2x128xi32, #tpu.memory_space<vmem>>, %arg7: memref<4x128x16xf32, #tpu.memory_space<vmem>>, %arg8: memref<4x128x16xf32, #tpu.memory_space<vmem>>, %arg9: memref<4x2x8x128xf32, #tpu.memory_space<vmem>>, %arg10: memref<!tpu.dma_semaphore, #tpu.memory_space<semaphore_mem>>, %arg11: memref<!tpu.dma_semaphore, #tpu.memory_space<semaphore_mem>>, %arg12: memref<!tpu.dma_semaphore, #tpu.memory_space<semaphore_mem>>, %arg13: memref<!tpu.dma_semaphore, #tpu.memory_space<semaphore_mem>>, %arg14: memref<!tpu.dma_semaphore, #tpu.memory_space<semaphore_mem>>, %arg15: memref<!tpu.dma_semaphore, #tpu.memory_space<semaphore_mem>>, %arg16: memref<!tpu.dma_semaphore, #tpu.memory_space<semaphore_mem>>, %arg17: memref<!tpu.dma_semaphore, #tpu.memory_space<semaphore_mem>>, %arg18: memref<!tpu.dma_semaphore, #tpu.memory_space<semaphore_mem>>, %arg19: memref<!tpu.dma_semaphore, #tpu.memory_space<semaphore_mem>>, %arg20: memref<!tpu.dma_semaphore, #tpu.memory_space<semaphore_mem>>, %arg21: memref<!tpu.dma_semaphore, #tpu.memory_space<semaphore_mem>>) attributes {dimension_semantics = [#tpu.dimension_semantics<core_parallel>, #tpu.dimension_semantics<subcore_parallel>], iteration_bounds = array<i64: 2, 16>, scalar_prefetch = 0 : i64, scratch_operands = 16 : i64, tpu.core_type = #tpu.core_type<sc_vector_subcore>, window_params = [{transform_indices = #map}, {transform_indices = #map}, {transform_indices = #map1}, {transform_indices = #map2}]} {
    %mul3A = arith.constant 2 : i32
    %mul3A_0 = arith.muli %arg1, %mul3A : i32
    %add3A = arith.addi %mul3A_0, %arg0 : i32
    %lt3A = arith.constant 4 : i32
    %lt3A_1 = arith.cmpi slt, %add3A, %lt3A : i32
    %jit3A = arith.constant 1 : i32
    %jit3A_2 = arith.constant 0 : i32
    %select_n3A = arith.select %lt3A_1, %jit3A, %jit3A_2 : i32
    %add3A_3 = arith.constant 78 : i32
    %add3A_4 = arith.addi %add3A_3, %select_n3A : i32
    %mul3A_5 = arith.constant 78 : i32
    %mul3A_6 = arith.muli %add3A, %mul3A_5 : i32
    %min3A = arith.constant 4 : i32
    %min3A_7 = arith.minsi %add3A, %min3A : i32
    %add3A_8 = arith.addi %mul3A_6, %min3A_7 : i32
    %min3A_9 = arith.constant 2421 : i32
    %min3A_10 = arith.minsi %add3A_8, %min3A_9 : i32
    %sub3A = arith.subi %add3A_8, %min3A_10 : i32
    %sub3A_11 = arith.subi %add3A_8, %sub3A : i32
    "tpu.region"() ({
      %run_scoped3A = tpu.sem_alloc : memref<!tpu.dma_semaphore, #tpu.memory_space<semaphore_mem>>
      %dma_start3A = arith.constant 0 : i32
      %dma_start3A_188 = arith.constant 0 : i32
      %dma_start3A_189 = tpu.memref_slice %arg4[%sub3A_11, %dma_start3A, %dma_start3A_188] : memref<2500x2x128xi32, #tpu.memory_space<hbm>> -> memref<79x2x128xi32, #tpu.memory_space<hbm>>
      %dma_start3A_190 = arith.constant 0 : i32
      %dma_start3A_191 = arith.constant 0 : i32
      %dma_start3A_192 = tpu.memref_slice %arg4[%sub3A_11, %dma_start3A_190, %dma_start3A_191] : memref<2500x2x128xi32, #tpu.memory_space<hbm>> -> memref<79x2x128xi32, #tpu.memory_space<hbm>>
      tpu.enqueue_dma source(%dma_start3A_192 : memref<79x2x128xi32, #tpu.memory_space<hbm>>) target(%arg6 : memref<79x2x128xi32, #tpu.memory_space<vmem>>) target_semaphore(%run_scoped3A : memref<!tpu.dma_semaphore, #tpu.memory_space<semaphore_mem>>)
      %dma_wait3A_193 = arith.constant 0 : i32
      %dma_wait3A_194 = arith.constant 0 : i32
      %dma_wait3A_195 = tpu.memref_slice %arg4[%sub3A_11, %dma_wait3A_193, %dma_wait3A_194] : memref<2500x2x128xi32, #tpu.memory_space<hbm>> -> memref<79x2x128xi32, #tpu.memory_space<hbm>>
      %dma_wait3A_196 = arith.constant 0 : i32
      %dma_wait3A_197 = arith.constant 0 : i32
      %dma_wait3A_198 = tpu.memref_slice %arg4[%sub3A_11, %dma_wait3A_196, %dma_wait3A_197] : memref<2500x2x128xi32, #tpu.memory_space<hbm>> -> memref<79x2x128xi32, #tpu.memory_space<hbm>>
      tpu.wait_dma2 semaphore(%run_scoped3A : memref<!tpu.dma_semaphore, #tpu.memory_space<semaphore_mem>>) src(%dma_wait3A_198 : memref<79x2x128xi32, #tpu.memory_space<hbm>>) dst(%arg6 : memref<79x2x128xi32, #tpu.memory_space<vmem>>)
      tpu.yield
    }) : () -> ()
    %iota3A = tpu.iota {dimensions = array<i32: 0>} : vector<16xi32>
    %gt3A = arith.constant 0 : i32
    %gt3A_12 = arith.cmpi sgt, %add3A_4, %gt3A : i32
    %convert_element_type3A = arith.extui %gt3A_12 : i1 to i32
    %cond3A = arith.constant 0 : i32
    %cond3A_13 = arith.cmpi ne, %convert_element_type3A, %cond3A : i32
    scf.if %cond3A_13 {
      %add3A_188 = arith.constant 0 : i32
      %add3A_189 = arith.addi %sub3A, %add3A_188 : i32
      %dma_start3A = arith.constant 0 : i32
      %dma_start3A_190 = arith.constant 0 : i32
      %dma_start3A_191 = arith.constant 0 : i32
      %dma_start3A_192 = arith.constant 0 : i32
      %dma_start3A_193 = tpu.memref_slice %arg7[%dma_start3A_190, %dma_start3A_191, %dma_start3A_192] : memref<4x128x16xf32, #tpu.memory_space<vmem>> -> memref<1x128x16xf32, #tpu.memory_space<vmem>>
      %dma_start3A_194 = tpu.memref_squeeze %dma_start3A_193 : memref<1x128x16xf32, #tpu.memory_space<vmem>> -> memref<128x16xf32, #tpu.memory_space<vmem>>
      %dma_start3A_195 = arith.constant 0 : i32
      %dma_start3A_196 = tpu.memref_slice %arg6[%add3A_189, %dma_start3A, %dma_start3A_195] : memref<79x2x128xi32, #tpu.memory_space<vmem>> -> memref<1x1x128xi32, #tpu.memory_space<vmem>>
      %dma_start3A_197 = tpu.memref_squeeze %dma_start3A_196 : memref<1x1x128xi32, #tpu.memory_space<vmem>> -> memref<128xi32, #tpu.memory_space<vmem>>
      %dma_start3A_198 = arith.constant 0 : i32
      %dma_start3A_199 = arith.constant 0 : i32
      %dma_start3A_200 = tpu.memref_slice %arg2[%dma_start3A_198, %dma_start3A_199] : memref<10000x16xf32, #tpu.memory_space<hbm>> -> memref<10000x16xf32, #tpu.memory_space<hbm>>
      tpu.enqueue_indirect_dma source(%dma_start3A_200 : memref<10000x16xf32, #tpu.memory_space<hbm>>) target(%dma_start3A_194 : memref<128x16xf32, #tpu.memory_space<vmem>>) offsets(%dma_start3A_197 : memref<128xi32, #tpu.memory_space<vmem>>) semaphore(%arg10 : memref<!tpu.dma_semaphore, #tpu.memory_space<semaphore_mem>>)
      %add3A_201 = arith.constant 0 : i32
      %add3A_202 = arith.addi %sub3A, %add3A_201 : i32
      %dma_start3A_203 = arith.constant 1 : i32
      %dma_start3A_204 = arith.constant 0 : i32
      %dma_start3A_205 = arith.constant 0 : i32
      %dma_start3A_206 = arith.constant 0 : i32
      %dma_start3A_207 = tpu.memref_slice %arg8[%dma_start3A_204, %dma_start3A_205, %dma_start3A_206] : memref<4x128x16xf32, #tpu.memory_space<vmem>> -> memref<1x128x16xf32, #tpu.memory_space<vmem>>
      %dma_start3A_208 = tpu.memref_squeeze %dma_start3A_207 : memref<1x128x16xf32, #tpu.memory_space<vmem>> -> memref<128x16xf32, #tpu.memory_space<vmem>>
      %dma_start3A_209 = arith.constant 0 : i32
      %dma_start3A_210 = tpu.memref_slice %arg6[%add3A_202, %dma_start3A_203, %dma_start3A_209] : memref<79x2x128xi32, #tpu.memory_space<vmem>> -> memref<1x1x128xi32, #tpu.memory_space<vmem>>
      %dma_start3A_211 = tpu.memref_squeeze %dma_start3A_210 : memref<1x1x128xi32, #tpu.memory_space<vmem>> -> memref<128xi32, #tpu.memory_space<vmem>>
      %dma_start3A_212 = arith.constant 0 : i32
      %dma_start3A_213 = arith.constant 0 : i32
      %dma_start3A_214 = tpu.memref_slice %arg3[%dma_start3A_212, %dma_start3A_213] : memref<10000x16xf32, #tpu.memory_space<hbm>> -> memref<10000x16xf32, #tpu.memory_space<hbm>>
      tpu.enqueue_indirect_dma source(%dma_start3A_214 : memref<10000x16xf32, #tpu.memory_space<hbm>>) target(%dma_start3A_208 : memref<128x16xf32, #tpu.memory_space<vmem>>) offsets(%dma_start3A_211 : memref<128xi32, #tpu.memory_space<vmem>>) semaphore(%arg14 : memref<!tpu.dma_semaphore, #tpu.memory_space<semaphore_mem>>)
    } else {
    }
    %gt3A_14 = arith.constant 1 : i32
    %gt3A_15 = arith.cmpi sgt, %add3A_4, %gt3A_14 : i32
    %convert_element_type3A_16 = arith.extui %gt3A_15 : i1 to i32
    %cond3A_17 = arith.constant 0 : i32
    %cond3A_18 = arith.cmpi ne, %convert_element_type3A_16, %cond3A_17 : i32
    scf.if %cond3A_18 {
      %add3A_188 = arith.constant 1 : i32
      %add3A_189 = arith.addi %sub3A, %add3A_188 : i32
      %dma_start3A = arith.constant 0 : i32
      %dma_start3A_190 = arith.constant 1 : i32
      %dma_start3A_191 = arith.constant 0 : i32
      %dma_start3A_192 = arith.constant 0 : i32
      %dma_start3A_193 = tpu.memref_slice %arg7[%dma_start3A_190, %dma_start3A_191, %dma_start3A_192] : memref<4x128x16xf32, #tpu.memory_space<vmem>> -> memref<1x128x16xf32, #tpu.memory_space<vmem>>
      %dma_start3A_194 = tpu.memref_squeeze %dma_start3A_193 : memref<1x128x16xf32, #tpu.memory_space<vmem>> -> memref<128x16xf32, #tpu.memory_space<vmem>>
      %dma_start3A_195 = arith.constant 0 : i32
      %dma_start3A_196 = tpu.memref_slice %arg6[%add3A_189, %dma_start3A, %dma_start3A_195] : memref<79x2x128xi32, #tpu.memory_space<vmem>> -> memref<1x1x128xi32, #tpu.memory_space<vmem>>
      %dma_start3A_197 = tpu.memref_squeeze %dma_start3A_196 : memref<1x1x128xi32, #tpu.memory_space<vmem>> -> memref<128xi32, #tpu.memory_space<vmem>>
      %dma_start3A_198 = arith.constant 0 : i32
      %dma_start3A_199 = arith.constant 0 : i32
      %dma_start3A_200 = tpu.memref_slice %arg2[%dma_start3A_198, %dma_start3A_199] : memref<10000x16xf32, #tpu.memory_space<hbm>> -> memref<10000x16xf32, #tpu.memory_space<hbm>>
      tpu.enqueue_indirect_dma source(%dma_start3A_200 : memref<10000x16xf32, #tpu.memory_space<hbm>>) target(%dma_start3A_194 : memref<128x16xf32, #tpu.memory_space<vmem>>) offsets(%dma_start3A_197 : memref<128xi32, #tpu.memory_space<vmem>>) semaphore(%arg11 : memref<!tpu.dma_semaphore, #tpu.memory_space<semaphore_mem>>)
      %add3A_201 = arith.constant 1 : i32
      %add3A_202 = arith.addi %sub3A, %add3A_201 : i32
      %dma_start3A_203 = arith.constant 1 : i32
      %dma_start3A_204 = arith.constant 1 : i32
      %dma_start3A_205 = arith.constant 0 : i32
      %dma_start3A_206 = arith.constant 0 : i32
      %dma_start3A_207 = tpu.memref_slice %arg8[%dma_start3A_204, %dma_start3A_205, %dma_start3A_206] : memref<4x128x16xf32, #tpu.memory_space<vmem>> -> memref<1x128x16xf32, #tpu.memory_space<vmem>>
      %dma_start3A_208 = tpu.memref_squeeze %dma_start3A_207 : memref<1x128x16xf32, #tpu.memory_space<vmem>> -> memref<128x16xf32, #tpu.memory_space<vmem>>
      %dma_start3A_209 = arith.constant 0 : i32
      %dma_start3A_210 = tpu.memref_slice %arg6[%add3A_202, %dma_start3A_203, %dma_start3A_209] : memref<79x2x128xi32, #tpu.memory_space<vmem>> -> memref<1x1x128xi32, #tpu.memory_space<vmem>>
      %dma_start3A_211 = tpu.memref_squeeze %dma_start3A_210 : memref<1x1x128xi32, #tpu.memory_space<vmem>> -> memref<128xi32, #tpu.memory_space<vmem>>
      %dma_start3A_212 = arith.constant 0 : i32
      %dma_start3A_213 = arith.constant 0 : i32
      %dma_start3A_214 = tpu.memref_slice %arg3[%dma_start3A_212, %dma_start3A_213] : memref<10000x16xf32, #tpu.memory_space<hbm>> -> memref<10000x16xf32, #tpu.memory_space<hbm>>
      tpu.enqueue_indirect_dma source(%dma_start3A_214 : memref<10000x16xf32, #tpu.memory_space<hbm>>) target(%dma_start3A_208 : memref<128x16xf32, #tpu.memory_space<vmem>>) offsets(%dma_start3A_211 : memref<128xi32, #tpu.memory_space<vmem>>) semaphore(%arg15 : memref<!tpu.dma_semaphore, #tpu.memory_space<semaphore_mem>>)
    } else {
    }
    %gt3A_19 = arith.constant 2 : i32
    %gt3A_20 = arith.cmpi sgt, %add3A_4, %gt3A_19 : i32
    %convert_element_type3A_21 = arith.extui %gt3A_20 : i1 to i32
    %cond3A_22 = arith.constant 0 : i32
    %cond3A_23 = arith.cmpi ne, %convert_element_type3A_21, %cond3A_22 : i32
    scf.if %cond3A_23 {
      %add3A_188 = arith.constant 2 : i32
      %add3A_189 = arith.addi %sub3A, %add3A_188 : i32
      %dma_start3A = arith.constant 0 : i32
      %dma_start3A_190 = arith.constant 2 : i32
      %dma_start3A_191 = arith.constant 0 : i32
      %dma_start3A_192 = arith.constant 0 : i32
      %dma_start3A_193 = tpu.memref_slice %arg7[%dma_start3A_190, %dma_start3A_191, %dma_start3A_192] : memref<4x128x16xf32, #tpu.memory_space<vmem>> -> memref<1x128x16xf32, #tpu.memory_space<vmem>>
      %dma_start3A_194 = tpu.memref_squeeze %dma_start3A_193 : memref<1x128x16xf32, #tpu.memory_space<vmem>> -> memref<128x16xf32, #tpu.memory_space<vmem>>
      %dma_start3A_195 = arith.constant 0 : i32
      %dma_start3A_196 = tpu.memref_slice %arg6[%add3A_189, %dma_start3A, %dma_start3A_195] : memref<79x2x128xi32, #tpu.memory_space<vmem>> -> memref<1x1x128xi32, #tpu.memory_space<vmem>>
      %dma_start3A_197 = tpu.memref_squeeze %dma_start3A_196 : memref<1x1x128xi32, #tpu.memory_space<vmem>> -> memref<128xi32, #tpu.memory_space<vmem>>
      %dma_start3A_198 = arith.constant 0 : i32
      %dma_start3A_199 = arith.constant 0 : i32
      %dma_start3A_200 = tpu.memref_slice %arg2[%dma_start3A_198, %dma_start3A_199] : memref<10000x16xf32, #tpu.memory_space<hbm>> -> memref<10000x16xf32, #tpu.memory_space<hbm>>
      tpu.enqueue_indirect_dma source(%dma_start3A_200 : memref<10000x16xf32, #tpu.memory_space<hbm>>) target(%dma_start3A_194 : memref<128x16xf32, #tpu.memory_space<vmem>>) offsets(%dma_start3A_197 : memref<128xi32, #tpu.memory_space<vmem>>) semaphore(%arg12 : memref<!tpu.dma_semaphore, #tpu.memory_space<semaphore_mem>>)
      %add3A_201 = arith.constant 2 : i32
      %add3A_202 = arith.addi %sub3A, %add3A_201 : i32
      %dma_start3A_203 = arith.constant 1 : i32
      %dma_start3A_204 = arith.constant 2 : i32
      %dma_start3A_205 = arith.constant 0 : i32
      %dma_start3A_206 = arith.constant 0 : i32
      %dma_start3A_207 = tpu.memref_slice %arg8[%dma_start3A_204, %dma_start3A_205, %dma_start3A_206] : memref<4x128x16xf32, #tpu.memory_space<vmem>> -> memref<1x128x16xf32, #tpu.memory_space<vmem>>
      %dma_start3A_208 = tpu.memref_squeeze %dma_start3A_207 : memref<1x128x16xf32, #tpu.memory_space<vmem>> -> memref<128x16xf32, #tpu.memory_space<vmem>>
      %dma_start3A_209 = arith.constant 0 : i32
      %dma_start3A_210 = tpu.memref_slice %arg6[%add3A_202, %dma_start3A_203, %dma_start3A_209] : memref<79x2x128xi32, #tpu.memory_space<vmem>> -> memref<1x1x128xi32, #tpu.memory_space<vmem>>
      %dma_start3A_211 = tpu.memref_squeeze %dma_start3A_210 : memref<1x1x128xi32, #tpu.memory_space<vmem>> -> memref<128xi32, #tpu.memory_space<vmem>>
      %dma_start3A_212 = arith.constant 0 : i32
      %dma_start3A_213 = arith.constant 0 : i32
      %dma_start3A_214 = tpu.memref_slice %arg3[%dma_start3A_212, %dma_start3A_213] : memref<10000x16xf32, #tpu.memory_space<hbm>> -> memref<10000x16xf32, #tpu.memory_space<hbm>>
      tpu.enqueue_indirect_dma source(%dma_start3A_214 : memref<10000x16xf32, #tpu.memory_space<hbm>>) target(%dma_start3A_208 : memref<128x16xf32, #tpu.memory_space<vmem>>) offsets(%dma_start3A_211 : memref<128xi32, #tpu.memory_space<vmem>>) semaphore(%arg16 : memref<!tpu.dma_semaphore, #tpu.memory_space<semaphore_mem>>)
    } else {
    }
    %scan3A = arith.constant 0 : i32
    %scan3A_24 = arith.constant 0 : i32
    %scan3A_25 = arith.constant 20 : i32
    %scan3A_26 = arith.addi %scan3A_24, %scan3A_25 : i32
    %scan3A_27 = arith.constant 1 : i32
    scf.for %scan3A_188 = %scan3A_24 to %scan3A_26 step %scan3A_27  : i32 {
      %mul3A_189 = arith.constant 4 : i32
      %mul3A_190 = arith.muli %scan3A_188, %mul3A_189 : i32
      %add3A_191 = arith.constant 0 : i32
      %add3A_192 = arith.addi %mul3A_190, %add3A_191 : i32
      %add3A_193 = arith.constant 3 : i32
      %add3A_194 = arith.addi %add3A_192, %add3A_193 : i32
      %lt3A_195 = arith.cmpi slt, %add3A_194, %add3A_4 : i32
      %convert_element_type3A_196 = arith.extui %lt3A_195 : i1 to i32
      %cond3A_197 = arith.constant 0 : i32
      %cond3A_198 = arith.cmpi ne, %convert_element_type3A_196, %cond3A_197 : i32
      scf.if %cond3A_198 {
        %add3A_245 = arith.addi %sub3A, %add3A_194 : i32
        %dma_start3A = arith.constant 0 : i32
        %dma_start3A_246 = arith.constant 3 : i32
        %dma_start3A_247 = arith.constant 0 : i32
        %dma_start3A_248 = arith.constant 0 : i32
        %dma_start3A_249 = tpu.memref_slice %arg7[%dma_start3A_246, %dma_start3A_247, %dma_start3A_248] : memref<4x128x16xf32, #tpu.memory_space<vmem>> -> memref<1x128x16xf32, #tpu.memory_space<vmem>>
        %dma_start3A_250 = tpu.memref_squeeze %dma_start3A_249 : memref<1x128x16xf32, #tpu.memory_space<vmem>> -> memref<128x16xf32, #tpu.memory_space<vmem>>
        %dma_start3A_251 = arith.constant 0 : i32
        %dma_start3A_252 = tpu.memref_slice %arg6[%add3A_245, %dma_start3A, %dma_start3A_251] : memref<79x2x128xi32, #tpu.memory_space<vmem>> -> memref<1x1x128xi32, #tpu.memory_space<vmem>>
        %dma_start3A_253 = tpu.memref_squeeze %dma_start3A_252 : memref<1x1x128xi32, #tpu.memory_space<vmem>> -> memref<128xi32, #tpu.memory_space<vmem>>
        %dma_start3A_254 = arith.constant 0 : i32
        %dma_start3A_255 = arith.constant 0 : i32
        %dma_start3A_256 = tpu.memref_slice %arg2[%dma_start3A_254, %dma_start3A_255] : memref<10000x16xf32, #tpu.memory_space<hbm>> -> memref<10000x16xf32, #tpu.memory_space<hbm>>
        tpu.enqueue_indirect_dma source(%dma_start3A_256 : memref<10000x16xf32, #tpu.memory_space<hbm>>) target(%dma_start3A_250 : memref<128x16xf32, #tpu.memory_space<vmem>>) offsets(%dma_start3A_253 : memref<128xi32, #tpu.memory_space<vmem>>) semaphore(%arg13 : memref<!tpu.dma_semaphore, #tpu.memory_space<semaphore_mem>>)
        %add3A_257 = arith.addi %sub3A, %add3A_194 : i32
        %dma_start3A_258 = arith.constant 1 : i32
        %dma_start3A_259 = arith.constant 3 : i32
        %dma_start3A_260 = arith.constant 0 : i32
        %dma_start3A_261 = arith.constant 0 : i32
        %dma_start3A_262 = tpu.memref_slice %arg8[%dma_start3A_259, %dma_start3A_260, %dma_start3A_261] : memref<4x128x16xf32, #tpu.memory_space<vmem>> -> memref<1x128x16xf32, #tpu.memory_space<vmem>>
        %dma_start3A_263 = tpu.memref_squeeze %dma_start3A_262 : memref<1x128x16xf32, #tpu.memory_space<vmem>> -> memref<128x16xf32, #tpu.memory_space<vmem>>
        %dma_start3A_264 = arith.constant 0 : i32
        %dma_start3A_265 = tpu.memref_slice %arg6[%add3A_257, %dma_start3A_258, %dma_start3A_264] : memref<79x2x128xi32, #tpu.memory_space<vmem>> -> memref<1x1x128xi32, #tpu.memory_space<vmem>>
        %dma_start3A_266 = tpu.memref_squeeze %dma_start3A_265 : memref<1x1x128xi32, #tpu.memory_space<vmem>> -> memref<128xi32, #tpu.memory_space<vmem>>
        %dma_start3A_267 = arith.constant 0 : i32
        %dma_start3A_268 = arith.constant 0 : i32
        %dma_start3A_269 = tpu.memref_slice %arg3[%dma_start3A_267, %dma_start3A_268] : memref<10000x16xf32, #tpu.memory_space<hbm>> -> memref<10000x16xf32, #tpu.memory_space<hbm>>
        tpu.enqueue_indirect_dma source(%dma_start3A_269 : memref<10000x16xf32, #tpu.memory_space<hbm>>) target(%dma_start3A_263 : memref<128x16xf32, #tpu.memory_space<vmem>>) offsets(%dma_start3A_266 : memref<128xi32, #tpu.memory_space<vmem>>) semaphore(%arg17 : memref<!tpu.dma_semaphore, #tpu.memory_space<semaphore_mem>>)
      } else {
      }
      %lt3A_199 = arith.cmpi slt, %add3A_192, %add3A_4 : i32
      %convert_element_type3A_200 = arith.extui %lt3A_199 : i1 to i32
      %cond3A_201 = arith.constant 0 : i32
      %cond3A_202 = arith.cmpi ne, %convert_element_type3A_200, %cond3A_201 : i32
      scf.if %cond3A_202 {
        %dma_wait3A_245 = arith.constant 0 : i32
        %dma_wait3A_246 = arith.constant 0 : i32
        %dma_wait3A_247 = arith.constant 0 : i32
        %dma_wait3A_248 = tpu.memref_slice %arg7[%dma_wait3A_245, %dma_wait3A_246, %dma_wait3A_247] : memref<4x128x16xf32, #tpu.memory_space<vmem>> -> memref<1x128x16xf32, #tpu.memory_space<vmem>>
        %dma_wait3A_249 = tpu.memref_squeeze %dma_wait3A_248 : memref<1x128x16xf32, #tpu.memory_space<vmem>> -> memref<128x16xf32, #tpu.memory_space<vmem>>
        %dma_wait3A_250 = arith.constant 0 : i32
        %dma_wait3A_251 = arith.constant 0 : i32
        %dma_wait3A_252 = tpu.memref_slice %arg2[%dma_wait3A_250, %dma_wait3A_251] : memref<10000x16xf32, #tpu.memory_space<hbm>> -> memref<128x16xf32, #tpu.memory_space<hbm>>
        %dma_wait3A_253 = arith.constant 0 : i32
        %dma_wait3A_254 = arith.constant 0 : i32
        %dma_wait3A_255 = tpu.memref_slice %arg7[%dma_wait3A_245, %dma_wait3A_253, %dma_wait3A_254] : memref<4x128x16xf32, #tpu.memory_space<vmem>> -> memref<1x128x16xf32, #tpu.memory_space<vmem>>
        %dma_wait3A_256 = tpu.memref_squeeze %dma_wait3A_255 : memref<1x128x16xf32, #tpu.memory_space<vmem>> -> memref<128x16xf32, #tpu.memory_space<vmem>>
        %dma_wait3A_257 = arith.constant 0 : i32
        %dma_wait3A_258 = arith.constant 0 : i32
        %dma_wait3A_259 = tpu.memref_slice %arg2[%dma_wait3A_257, %dma_wait3A_258] : memref<10000x16xf32, #tpu.memory_space<hbm>> -> memref<128x16xf32, #tpu.memory_space<hbm>>
        tpu.wait_dma2 semaphore(%arg10 : memref<!tpu.dma_semaphore, #tpu.memory_space<semaphore_mem>>) src(%dma_wait3A_259 : memref<128x16xf32, #tpu.memory_space<hbm>>) dst(%dma_wait3A_256 : memref<128x16xf32, #tpu.memory_space<vmem>>)
        %dma_wait3A_260 = arith.constant 0 : i32
        %dma_wait3A_261 = arith.constant 0 : i32
        %dma_wait3A_262 = arith.constant 0 : i32
        %dma_wait3A_263 = tpu.memref_slice %arg8[%dma_wait3A_260, %dma_wait3A_261, %dma_wait3A_262] : memref<4x128x16xf32, #tpu.memory_space<vmem>> -> memref<1x128x16xf32, #tpu.memory_space<vmem>>
        %dma_wait3A_264 = tpu.memref_squeeze %dma_wait3A_263 : memref<1x128x16xf32, #tpu.memory_space<vmem>> -> memref<128x16xf32, #tpu.memory_space<vmem>>
        %dma_wait3A_265 = arith.constant 0 : i32
        %dma_wait3A_266 = arith.constant 0 : i32
        %dma_wait3A_267 = tpu.memref_slice %arg3[%dma_wait3A_265, %dma_wait3A_266] : memref<10000x16xf32, #tpu.memory_space<hbm>> -> memref<128x16xf32, #tpu.memory_space<hbm>>
        %dma_wait3A_268 = arith.constant 0 : i32
        %dma_wait3A_269 = arith.constant 0 : i32
        %dma_wait3A_270 = tpu.memref_slice %arg8[%dma_wait3A_260, %dma_wait3A_268, %dma_wait3A_269] : memref<4x128x16xf32, #tpu.memory_space<vmem>> -> memref<1x128x16xf32, #tpu.memory_space<vmem>>
        %dma_wait3A_271 = tpu.memref_squeeze %dma_wait3A_270 : memref<1x128x16xf32, #tpu.memory_space<vmem>> -> memref<128x16xf32, #tpu.memory_space<vmem>>
        %dma_wait3A_272 = arith.constant 0 : i32
        %dma_wait3A_273 = arith.constant 0 : i32
        %dma_wait3A_274 = tpu.memref_slice %arg3[%dma_wait3A_272, %dma_wait3A_273] : memref<10000x16xf32, #tpu.memory_space<hbm>> -> memref<128x16xf32, #tpu.memory_space<hbm>>
        tpu.wait_dma2 semaphore(%arg14 : memref<!tpu.dma_semaphore, #tpu.memory_space<semaphore_mem>>) src(%dma_wait3A_274 : memref<128x16xf32, #tpu.memory_space<hbm>>) dst(%dma_wait3A_271 : memref<128x16xf32, #tpu.memory_space<vmem>>)
        %ge3A = arith.constant 4 : i32
        %ge3A_275 = arith.cmpi sge, %add3A_192, %ge3A : i32
        %convert_element_type3A_276 = arith.extui %ge3A_275 : i1 to i32
        %cond3A_277 = arith.constant 0 : i32
        %cond3A_278 = arith.cmpi ne, %convert_element_type3A_276, %cond3A_277 : i32
        scf.if %cond3A_278 {
          %dma_wait3A_346 = arith.constant 0 : i32
          %dma_wait3A_347 = arith.constant 0 : i32
          %dma_wait3A_348 = arith.constant 0 : i32
          %dma_wait3A_349 = arith.constant 0 : i32
          %dma_wait3A_350 = arith.constant 0 : i32
          %dma_wait3A_351 = arith.constant 0 : i32
          %dma_wait3A_352 = tpu.memref_slice %arg9[%dma_wait3A_346, %dma_wait3A_347, %dma_wait3A_350, %dma_wait3A_351] : memref<4x2x8x128xf32, #tpu.memory_space<vmem>> -> memref<1x1x8x128xf32, #tpu.memory_space<vmem>>
          %dma_wait3A_353 = tpu.memref_squeeze %dma_wait3A_352 : memref<1x1x8x128xf32, #tpu.memory_space<vmem>> -> memref<8x128xf32, #tpu.memory_space<vmem>>
          %dma_wait3A_354 = arith.constant 0 : i32
          %dma_wait3A_355 = arith.constant 0 : i32
          %dma_wait3A_356 = tpu.memref_slice %arg5[%dma_wait3A_348, %dma_wait3A_349, %dma_wait3A_354, %dma_wait3A_355] : memref<2x2500x8x128xf32, #tpu.memory_space<hbm>> -> memref<1x1x8x128xf32, #tpu.memory_space<hbm>>
          %dma_wait3A_357 = tpu.memref_squeeze %dma_wait3A_356 : memref<1x1x8x128xf32, #tpu.memory_space<hbm>> -> memref<8x128xf32, #tpu.memory_space<hbm>>
          %dma_wait3A_358 = arith.constant 0 : i32
          %dma_wait3A_359 = arith.constant 0 : i32
          %dma_wait3A_360 = tpu.memref_slice %arg5[%dma_wait3A_348, %dma_wait3A_349, %dma_wait3A_358, %dma_wait3A_359] : memref<2x2500x8x128xf32, #tpu.memory_space<hbm>> -> memref<1x1x8x128xf32, #tpu.memory_space<hbm>>
          %dma_wait3A_361 = tpu.memref_squeeze %dma_wait3A_360 : memref<1x1x8x128xf32, #tpu.memory_space<hbm>> -> memref<8x128xf32, #tpu.memory_space<hbm>>
          %dma_wait3A_362 = arith.constant 0 : i32
          %dma_wait3A_363 = arith.constant 0 : i32
          %dma_wait3A_364 = tpu.memref_slice %arg9[%dma_wait3A_346, %dma_wait3A_347, %dma_wait3A_362, %dma_wait3A_363] : memref<4x2x8x128xf32, #tpu.memory_space<vmem>> -> memref<1x1x8x128xf32, #tpu.memory_space<vmem>>
          %dma_wait3A_365 = tpu.memref_squeeze %dma_wait3A_364 : memref<1x1x8x128xf32, #tpu.memory_space<vmem>> -> memref<8x128xf32, #tpu.memory_space<vmem>>
          tpu.wait_dma2 semaphore(%arg18 : memref<!tpu.dma_semaphore, #tpu.memory_space<semaphore_mem>>) src(%dma_wait3A_365 : memref<8x128xf32, #tpu.memory_space<vmem>>) dst(%dma_wait3A_361 : memref<8x128xf32, #tpu.memory_space<hbm>>)
          %dma_wait3A_366 = arith.constant 0 : i32
          %dma_wait3A_367 = arith.constant 1 : i32
          %dma_wait3A_368 = arith.constant 1 : i32
          %dma_wait3A_369 = arith.constant 0 : i32
          %dma_wait3A_370 = arith.constant 0 : i32
          %dma_wait3A_371 = arith.constant 0 : i32
          %dma_wait3A_372 = tpu.memref_slice %arg9[%dma_wait3A_366, %dma_wait3A_367, %dma_wait3A_370, %dma_wait3A_371] : memref<4x2x8x128xf32, #tpu.memory_space<vmem>> -> memref<1x1x8x128xf32, #tpu.memory_space<vmem>>
          %dma_wait3A_373 = tpu.memref_squeeze %dma_wait3A_372 : memref<1x1x8x128xf32, #tpu.memory_space<vmem>> -> memref<8x128xf32, #tpu.memory_space<vmem>>
          %dma_wait3A_374 = arith.constant 0 : i32
          %dma_wait3A_375 = arith.constant 0 : i32
          %dma_wait3A_376 = tpu.memref_slice %arg5[%dma_wait3A_368, %dma_wait3A_369, %dma_wait3A_374, %dma_wait3A_375] : memref<2x2500x8x128xf32, #tpu.memory_space<hbm>> -> memref<1x1x8x128xf32, #tpu.memory_space<hbm>>
          %dma_wait3A_377 = tpu.memref_squeeze %dma_wait3A_376 : memref<1x1x8x128xf32, #tpu.memory_space<hbm>> -> memref<8x128xf32, #tpu.memory_space<hbm>>
          %dma_wait3A_378 = arith.constant 0 : i32
          %dma_wait3A_379 = arith.constant 0 : i32
          %dma_wait3A_380 = tpu.memref_slice %arg5[%dma_wait3A_368, %dma_wait3A_369, %dma_wait3A_378, %dma_wait3A_379] : memref<2x2500x8x128xf32, #tpu.memory_space<hbm>> -> memref<1x1x8x128xf32, #tpu.memory_space<hbm>>
          %dma_wait3A_381 = tpu.memref_squeeze %dma_wait3A_380 : memref<1x1x8x128xf32, #tpu.memory_space<hbm>> -> memref<8x128xf32, #tpu.memory_space<hbm>>
          %dma_wait3A_382 = arith.constant 0 : i32
          %dma_wait3A_383 = arith.constant 0 : i32
          %dma_wait3A_384 = tpu.memref_slice %arg9[%dma_wait3A_366, %dma_wait3A_367, %dma_wait3A_382, %dma_wait3A_383] : memref<4x2x8x128xf32, #tpu.memory_space<vmem>> -> memref<1x1x8x128xf32, #tpu.memory_space<vmem>>
          %dma_wait3A_385 = tpu.memref_squeeze %dma_wait3A_384 : memref<1x1x8x128xf32, #tpu.memory_space<vmem>> -> memref<8x128xf32, #tpu.memory_space<vmem>>
          tpu.wait_dma2 semaphore(%arg18 : memref<!tpu.dma_semaphore, #tpu.memory_space<semaphore_mem>>) src(%dma_wait3A_385 : memref<8x128xf32, #tpu.memory_space<vmem>>) dst(%dma_wait3A_381 : memref<8x128xf32, #tpu.memory_space<hbm>>)
        } else {
        }
        %scan3A_279 = arith.constant 0 : i32
        %scan3A_280 = arith.constant 0 : i32
        %scan3A_281 = arith.constant 0 : i32
        %scan3A_282 = arith.constant 0 : i32
        %scan3A_283 = arith.constant 0 : i32
        %scan3A_284 = arith.constant 16 : i32
        %scan3A_285 = arith.addi %scan3A_283, %scan3A_284 : i32
        %scan3A_286 = arith.constant 1 : i32
        scf.for %scan3A_346 = %scan3A_283 to %scan3A_285 step %scan3A_286  : i32 {
          %add3A_347 = vector.broadcast %scan3A_346 : i32 to vector<16xi32>
          %add3A_348 = arith.addi %iota3A, %add3A_347 : vector<16xi32>
          %and3A = arith.constant 15 : i32
          %and3A_349 = vector.broadcast %and3A : i32 to vector<16xi32>
          %and3A_350 = arith.andi %add3A_348, %and3A_349 : vector<16xi32>
          %shift_right_arithmetic3A = arith.constant 3 : i32
          %shift_right_arithmetic3A_351 = vector.broadcast %shift_right_arithmetic3A : i32 to vector<16xi32>
          %shift_right_arithmetic3A_352 = arith.shrsi %and3A_350, %shift_right_arithmetic3A_351 : vector<16xi32>
          %and3A_353 = arith.constant 7 : i32
          %and3A_354 = vector.broadcast %and3A_353 : i32 to vector<16xi32>
          %and3A_355 = arith.andi %and3A_350, %and3A_354 : vector<16xi32>
          %add3A_356 = arith.constant 0 : i32
          %add3A_357 = vector.broadcast %add3A_356 : i32 to vector<16xi32>
          %add3A_358 = arith.addi %add3A_357, %iota3A : vector<16xi32>
          %gather3A = arith.constant 0 : i32
          %gather3A_359 = arith.constant 0 : i32
          %gather3A_360 = tpu.memref_slice %arg7[%scan3A_280, %gather3A, %gather3A_359] : memref<4x128x16xf32, #tpu.memory_space<vmem>> -> memref<1x128x16xf32, #tpu.memory_space<vmem>>
          %gather3A_361 = tpu.memref_squeeze %gather3A_360 : memref<1x128x16xf32, #tpu.memory_space<vmem>> -> memref<128x16xf32, #tpu.memory_space<vmem>>
          %gather3A_362 = tpu.vector_load_idx %gather3A_361[%add3A_358, %and3A_350] : memref<128x16xf32, #tpu.memory_space<vmem>>[vector<16xi32>, vector<16xi32>], vector<16xf32>,
          %gather3A_363 = arith.constant 0 : i32
          %gather3A_364 = arith.constant 0 : i32
          %gather3A_365 = tpu.memref_slice %arg8[%scan3A_281, %gather3A_363, %gather3A_364] : memref<4x128x16xf32, #tpu.memory_space<vmem>> -> memref<1x128x16xf32, #tpu.memory_space<vmem>>
          %gather3A_366 = tpu.memref_squeeze %gather3A_365 : memref<1x128x16xf32, #tpu.memory_space<vmem>> -> memref<128x16xf32, #tpu.memory_space<vmem>>
          %gather3A_367 = tpu.vector_load_idx %gather3A_366[%add3A_358, %and3A_350] : memref<128x16xf32, #tpu.memory_space<vmem>>[vector<16xi32>, vector<16xi32>], vector<16xf32>,
          %add3A_368 = arith.addf %gather3A_362, %gather3A_367 : vector<16xf32>
          %scatter3A = arith.constant 0 : i32
          %scatter3A_369 = arith.constant 0 : i32
          %scatter3A_370 = arith.constant 0 : i32
          %scatter3A_371 = tpu.memref_slice %arg9[%scan3A_282, %scatter3A, %scatter3A_369, %scatter3A_370] : memref<4x2x8x128xf32, #tpu.memory_space<vmem>> -> memref<1x2x8x128xf32, #tpu.memory_space<vmem>>
          %scatter3A_372 = tpu.memref_squeeze %scatter3A_371 : memref<1x2x8x128xf32, #tpu.memory_space<vmem>> -> memref<2x8x128xf32, #tpu.memory_space<vmem>>
          tpu.vector_store_idx %scatter3A_372[%shift_right_arithmetic3A_352, %and3A_355, %add3A_358], %add3A_368 : memref<2x8x128xf32, #tpu.memory_space<vmem>>[vector<16xi32>, vector<16xi32>, vector<16xi32>], vector<16xf32>,
          %add3A_373 = arith.constant 16 : i32
          %add3A_374 = vector.broadcast %add3A_373 : i32 to vector<16xi32>
          %add3A_375 = arith.addi %add3A_374, %iota3A : vector<16xi32>
          %gather3A_376 = arith.constant 0 : i32
          %gather3A_377 = arith.constant 0 : i32
          %gather3A_378 = tpu.memref_slice %arg7[%scan3A_280, %gather3A_376, %gather3A_377] : memref<4x128x16xf32, #tpu.memory_space<vmem>> -> memref<1x128x16xf32, #tpu.memory_space<vmem>>
          %gather3A_379 = tpu.memref_squeeze %gather3A_378 : memref<1x128x16xf32, #tpu.memory_space<vmem>> -> memref<128x16xf32, #tpu.memory_space<vmem>>
          %gather3A_380 = tpu.vector_load_idx %gather3A_379[%add3A_375, %and3A_350] : memref<128x16xf32, #tpu.memory_space<vmem>>[vector<16xi32>, vector<16xi32>], vector<16xf32>,
          %gather3A_381 = arith.constant 0 : i32
          %gather3A_382 = arith.constant 0 : i32
          %gather3A_383 = tpu.memref_slice %arg8[%scan3A_281, %gather3A_381, %gather3A_382] : memref<4x128x16xf32, #tpu.memory_space<vmem>> -> memref<1x128x16xf32, #tpu.memory_space<vmem>>
          %gather3A_384 = tpu.memref_squeeze %gather3A_383 : memref<1x128x16xf32, #tpu.memory_space<vmem>> -> memref<128x16xf32, #tpu.memory_space<vmem>>
          %gather3A_385 = tpu.vector_load_idx %gather3A_384[%add3A_375, %and3A_350] : memref<128x16xf32, #tpu.memory_space<vmem>>[vector<16xi32>, vector<16xi32>], vector<16xf32>,
          %add3A_386 = arith.addf %gather3A_380, %gather3A_385 : vector<16xf32>
          %scatter3A_387 = arith.constant 0 : i32
          %scatter3A_388 = arith.constant 0 : i32
          %scatter3A_389 = arith.constant 0 : i32
          %scatter3A_390 = tpu.memref_slice %arg9[%scan3A_282, %scatter3A_387, %scatter3A_388, %scatter3A_389] : memref<4x2x8x128xf32, #tpu.memory_space<vmem>> -> memref<1x2x8x128xf32, #tpu.memory_space<vmem>>
          %scatter3A_391 = tpu.memref_squeeze %scatter3A_390 : memref<1x2x8x128xf32, #tpu.memory_space<vmem>> -> memref<2x8x128xf32, #tpu.memory_space<vmem>>
          tpu.vector_store_idx %scatter3A_391[%shift_right_arithmetic3A_352, %and3A_355, %add3A_375], %add3A_386 : memref<2x8x128xf32, #tpu.memory_space<vmem>>[vector<16xi32>, vector<16xi32>, vector<16xi32>], vector<16xf32>,
          %add3A_392 = arith.constant 32 : i32
          %add3A_393 = vector.broadcast %add3A_392 : i32 to vector<16xi32>
          %add3A_394 = arith.addi %add3A_393, %iota3A : vector<16xi32>
          %gather3A_395 = arith.constant 0 : i32
          %gather3A_396 = arith.constant 0 : i32
          %gather3A_397 = tpu.memref_slice %arg7[%scan3A_280, %gather3A_395, %gather3A_396] : memref<4x128x16xf32, #tpu.memory_space<vmem>> -> memref<1x128x16xf32, #tpu.memory_space<vmem>>
          %gather3A_398 = tpu.memref_squeeze %gather3A_397 : memref<1x128x16xf32, #tpu.memory_space<vmem>> -> memref<128x16xf32, #tpu.memory_space<vmem>>
          %gather3A_399 = tpu.vector_load_idx %gather3A_398[%add3A_394, %and3A_350] : memref<128x16xf32, #tpu.memory_space<vmem>>[vector<16xi32>, vector<16xi32>], vector<16xf32>,
          %gather3A_400 = arith.constant 0 : i32
          %gather3A_401 = arith.constant 0 : i32
          %gather3A_402 = tpu.memref_slice %arg8[%scan3A_281, %gather3A_400, %gather3A_401] : memref<4x128x16xf32, #tpu.memory_space<vmem>> -> memref<1x128x16xf32, #tpu.memory_space<vmem>>
          %gather3A_403 = tpu.memref_squeeze %gather3A_402 : memref<1x128x16xf32, #tpu.memory_space<vmem>> -> memref<128x16xf32, #tpu.memory_space<vmem>>
          %gather3A_404 = tpu.vector_load_idx %gather3A_403[%add3A_394, %and3A_350] : memref<128x16xf32, #tpu.memory_space<vmem>>[vector<16xi32>, vector<16xi32>], vector<16xf32>,
          %add3A_405 = arith.addf %gather3A_399, %gather3A_404 : vector<16xf32>
          %scatter3A_406 = arith.constant 0 : i32
          %scatter3A_407 = arith.constant 0 : i32
          %scatter3A_408 = arith.constant 0 : i32
          %scatter3A_409 = tpu.memref_slice %arg9[%scan3A_282, %scatter3A_406, %scatter3A_407, %scatter3A_408] : memref<4x2x8x128xf32, #tpu.memory_space<vmem>> -> memref<1x2x8x128xf32, #tpu.memory_space<vmem>>
          %scatter3A_410 = tpu.memref_squeeze %scatter3A_409 : memref<1x2x8x128xf32, #tpu.memory_space<vmem>> -> memref<2x8x128xf32, #tpu.memory_space<vmem>>
          tpu.vector_store_idx %scatter3A_410[%shift_right_arithmetic3A_352, %and3A_355, %add3A_394], %add3A_405 : memref<2x8x128xf32, #tpu.memory_space<vmem>>[vector<16xi32>, vector<16xi32>, vector<16xi32>], vector<16xf32>,
          %add3A_411 = arith.constant 48 : i32
          %add3A_412 = vector.broadcast %add3A_411 : i32 to vector<16xi32>
          %add3A_413 = arith.addi %add3A_412, %iota3A : vector<16xi32>
          %gather3A_414 = arith.constant 0 : i32
          %gather3A_415 = arith.constant 0 : i32
          %gather3A_416 = tpu.memref_slice %arg7[%scan3A_280, %gather3A_414, %gather3A_415] : memref<4x128x16xf32, #tpu.memory_space<vmem>> -> memref<1x128x16xf32, #tpu.memory_space<vmem>>
          %gather3A_417 = tpu.memref_squeeze %gather3A_416 : memref<1x128x16xf32, #tpu.memory_space<vmem>> -> memref<128x16xf32, #tpu.memory_space<vmem>>
          %gather3A_418 = tpu.vector_load_idx %gather3A_417[%add3A_413, %and3A_350] : memref<128x16xf32, #tpu.memory_space<vmem>>[vector<16xi32>, vector<16xi32>], vector<16xf32>,
          %gather3A_419 = arith.constant 0 : i32
          %gather3A_420 = arith.constant 0 : i32
          %gather3A_421 = tpu.memref_slice %arg8[%scan3A_281, %gather3A_419, %gather3A_420] : memref<4x128x16xf32, #tpu.memory_space<vmem>> -> memref<1x128x16xf32, #tpu.memory_space<vmem>>
          %gather3A_422 = tpu.memref_squeeze %gather3A_421 : memref<1x128x16xf32, #tpu.memory_space<vmem>> -> memref<128x16xf32, #tpu.memory_space<vmem>>
          %gather3A_423 = tpu.vector_load_idx %gather3A_422[%add3A_413, %and3A_350] : memref<128x16xf32, #tpu.memory_space<vmem>>[vector<16xi32>, vector<16xi32>], vector<16xf32>,
          %add3A_424 = arith.addf %gather3A_418, %gather3A_423 : vector<16xf32>
          %scatter3A_425 = arith.constant 0 : i32
          %scatter3A_426 = arith.constant 0 : i32
          %scatter3A_427 = arith.constant 0 : i32
          %scatter3A_428 = tpu.memref_slice %arg9[%scan3A_282, %scatter3A_425, %scatter3A_426, %scatter3A_427] : memref<4x2x8x128xf32, #tpu.memory_space<vmem>> -> memref<1x2x8x128xf32, #tpu.memory_space<vmem>>
          %scatter3A_429 = tpu.memref_squeeze %scatter3A_428 : memref<1x2x8x128xf32, #tpu.memory_space<vmem>> -> memref<2x8x128xf32, #tpu.memory_space<vmem>>
          tpu.vector_store_idx %scatter3A_429[%shift_right_arithmetic3A_352, %and3A_355, %add3A_413], %add3A_424 : memref<2x8x128xf32, #tpu.memory_space<vmem>>[vector<16xi32>, vector<16xi32>, vector<16xi32>], vector<16xf32>,
          %add3A_430 = arith.constant 64 : i32
          %add3A_431 = vector.broadcast %add3A_430 : i32 to vector<16xi32>
          %add3A_432 = arith.addi %add3A_431, %iota3A : vector<16xi32>
          %gather3A_433 = arith.constant 0 : i32
          %gather3A_434 = arith.constant 0 : i32
          %gather3A_435 = tpu.memref_slice %arg7[%scan3A_280, %gather3A_433, %gather3A_434] : memref<4x128x16xf32, #tpu.memory_space<vmem>> -> memref<1x128x16xf32, #tpu.memory_space<vmem>>
          %gather3A_436 = tpu.memref_squeeze %gather3A_435 : memref<1x128x16xf32, #tpu.memory_space<vmem>> -> memref<128x16xf32, #tpu.memory_space<vmem>>
          %gather3A_437 = tpu.vector_load_idx %gather3A_436[%add3A_432, %and3A_350] : memref<128x16xf32, #tpu.memory_space<vmem>>[vector<16xi32>, vector<16xi32>], vector<16xf32>,
          %gather3A_438 = arith.constant 0 : i32
          %gather3A_439 = arith.constant 0 : i32
          %gather3A_440 = tpu.memref_slice %arg8[%scan3A_281, %gather3A_438, %gather3A_439] : memref<4x128x16xf32, #tpu.memory_space<vmem>> -> memref<1x128x16xf32, #tpu.memory_space<vmem>>
          %gather3A_441 = tpu.memref_squeeze %gather3A_440 : memref<1x128x16xf32, #tpu.memory_space<vmem>> -> memref<128x16xf32, #tpu.memory_space<vmem>>
          %gather3A_442 = tpu.vector_load_idx %gather3A_441[%add3A_432, %and3A_350] : memref<128x16xf32, #tpu.memory_space<vmem>>[vector<16xi32>, vector<16xi32>], vector<16xf32>,
          %add3A_443 = arith.addf %gather3A_437, %gather3A_442 : vector<16xf32>
          %scatter3A_444 = arith.constant 0 : i32
          %scatter3A_445 = arith.constant 0 : i32
          %scatter3A_446 = arith.constant 0 : i32
          %scatter3A_447 = tpu.memref_slice %arg9[%scan3A_282, %scatter3A_444, %scatter3A_445, %scatter3A_446] : memref<4x2x8x128xf32, #tpu.memory_space<vmem>> -> memref<1x2x8x128xf32, #tpu.memory_space<vmem>>
          %scatter3A_448 = tpu.memref_squeeze %scatter3A_447 : memref<1x2x8x128xf32, #tpu.memory_space<vmem>> -> memref<2x8x128xf32, #tpu.memory_space<vmem>>
          tpu.vector_store_idx %scatter3A_448[%shift_right_arithmetic3A_352, %and3A_355, %add3A_432], %add3A_443 : memref<2x8x128xf32, #tpu.memory_space<vmem>>[vector<16xi32>, vector<16xi32>, vector<16xi32>], vector<16xf32>,
          %add3A_449 = arith.constant 80 : i32
          %add3A_450 = vector.broadcast %add3A_449 : i32 to vector<16xi32>
          %add3A_451 = arith.addi %add3A_450, %iota3A : vector<16xi32>
          %gather3A_452 = arith.constant 0 : i32
          %gather3A_453 = arith.constant 0 : i32
          %gather3A_454 = tpu.memref_slice %arg7[%scan3A_280, %gather3A_452, %gather3A_453] : memref<4x128x16xf32, #tpu.memory_space<vmem>> -> memref<1x128x16xf32, #tpu.memory_space<vmem>>
          %gather3A_455 = tpu.memref_squeeze %gather3A_454 : memref<1x128x16xf32, #tpu.memory_space<vmem>> -> memref<128x16xf32, #tpu.memory_space<vmem>>
          %gather3A_456 = tpu.vector_load_idx %gather3A_455[%add3A_451, %and3A_350] : memref<128x16xf32, #tpu.memory_space<vmem>>[vector<16xi32>, vector<16xi32>], vector<16xf32>,
          %gather3A_457 = arith.constant 0 : i32
          %gather3A_458 = arith.constant 0 : i32
          %gather3A_459 = tpu.memref_slice %arg8[%scan3A_281, %gather3A_457, %gather3A_458] : memref<4x128x16xf32, #tpu.memory_space<vmem>> -> memref<1x128x16xf32, #tpu.memory_space<vmem>>
          %gather3A_460 = tpu.memref_squeeze %gather3A_459 : memref<1x128x16xf32, #tpu.memory_space<vmem>> -> memref<128x16xf32, #tpu.memory_space<vmem>>
          %gather3A_461 = tpu.vector_load_idx %gather3A_460[%add3A_451, %and3A_350] : memref<128x16xf32, #tpu.memory_space<vmem>>[vector<16xi32>, vector<16xi32>], vector<16xf32>,
          %add3A_462 = arith.addf %gather3A_456, %gather3A_461 : vector<16xf32>
          %scatter3A_463 = arith.constant 0 : i32
          %scatter3A_464 = arith.constant 0 : i32
          %scatter3A_465 = arith.constant 0 : i32
          %scatter3A_466 = tpu.memref_slice %arg9[%scan3A_282, %scatter3A_463, %scatter3A_464, %scatter3A_465] : memref<4x2x8x128xf32, #tpu.memory_space<vmem>> -> memref<1x2x8x128xf32, #tpu.memory_space<vmem>>
          %scatter3A_467 = tpu.memref_squeeze %scatter3A_466 : memref<1x2x8x128xf32, #tpu.memory_space<vmem>> -> memref<2x8x128xf32, #tpu.memory_space<vmem>>
          tpu.vector_store_idx %scatter3A_467[%shift_right_arithmetic3A_352, %and3A_355, %add3A_451], %add3A_462 : memref<2x8x128xf32, #tpu.memory_space<vmem>>[vector<16xi32>, vector<16xi32>, vector<16xi32>], vector<16xf32>,
          %add3A_468 = arith.constant 96 : i32
          %add3A_469 = vector.broadcast %add3A_468 : i32 to vector<16xi32>
          %add3A_470 = arith.addi %add3A_469, %iota3A : vector<16xi32>
          %gather3A_471 = arith.constant 0 : i32
          %gather3A_472 = arith.constant 0 : i32
          %gather3A_473 = tpu.memref_slice %arg7[%scan3A_280, %gather3A_471, %gather3A_472] : memref<4x128x16xf32, #tpu.memory_space<vmem>> -> memref<1x128x16xf32, #tpu.memory_space<vmem>>
          %gather3A_474 = tpu.memref_squeeze %gather3A_473 : memref<1x128x16xf32, #tpu.memory_space<vmem>> -> memref<128x16xf32, #tpu.memory_space<vmem>>
          %gather3A_475 = tpu.vector_load_idx %gather3A_474[%add3A_470, %and3A_350] : memref<128x16xf32, #tpu.memory_space<vmem>>[vector<16xi32>, vector<16xi32>], vector<16xf32>,
          %gather3A_476 = arith.constant 0 : i32
          %gather3A_477 = arith.constant 0 : i32
          %gather3A_478 = tpu.memref_slice %arg8[%scan3A_281, %gather3A_476, %gather3A_477] : memref<4x128x16xf32, #tpu.memory_space<vmem>> -> memref<1x128x16xf32, #tpu.memory_space<vmem>>
          %gather3A_479 = tpu.memref_squeeze %gather3A_478 : memref<1x128x16xf32, #tpu.memory_space<vmem>> -> memref<128x16xf32, #tpu.memory_space<vmem>>
          %gather3A_480 = tpu.vector_load_idx %gather3A_479[%add3A_470, %and3A_350] : memref<128x16xf32, #tpu.memory_space<vmem>>[vector<16xi32>, vector<16xi32>], vector<16xf32>,
          %add3A_481 = arith.addf %gather3A_475, %gather3A_480 : vector<16xf32>
          %scatter3A_482 = arith.constant 0 : i32
          %scatter3A_483 = arith.constant 0 : i32
          %scatter3A_484 = arith.constant 0 : i32
          %scatter3A_485 = tpu.memref_slice %arg9[%scan3A_282, %scatter3A_482, %scatter3A_483, %scatter3A_484] : memref<4x2x8x128xf32, #tpu.memory_space<vmem>> -> memref<1x2x8x128xf32, #tpu.memory_space<vmem>>
          %scatter3A_486 = tpu.memref_squeeze %scatter3A_485 : memref<1x2x8x128xf32, #tpu.memory_space<vmem>> -> memref<2x8x128xf32, #tpu.memory_space<vmem>>
          tpu.vector_store_idx %scatter3A_486[%shift_right_arithmetic3A_352, %and3A_355, %add3A_470], %add3A_481 : memref<2x8x128xf32, #tpu.memory_space<vmem>>[vector<16xi32>, vector<16xi32>, vector<16xi32>], vector<16xf32>,
          %add3A_487 = arith.constant 112 : i32
          %add3A_488 = vector.broadcast %add3A_487 : i32 to vector<16xi32>
          %add3A_489 = arith.addi %add3A_488, %iota3A : vector<16xi32>
          %gather3A_490 = arith.constant 0 : i32
          %gather3A_491 = arith.constant 0 : i32
          %gather3A_492 = tpu.memref_slice %arg7[%scan3A_280, %gather3A_490, %gather3A_491] : memref<4x128x16xf32, #tpu.memory_space<vmem>> -> memref<1x128x16xf32, #tpu.memory_space<vmem>>
          %gather3A_493 = tpu.memref_squeeze %gather3A_492 : memref<1x128x16xf32, #tpu.memory_space<vmem>> -> memref<128x16xf32, #tpu.memory_space<vmem>>
          %gather3A_494 = tpu.vector_load_idx %gather3A_493[%add3A_489, %and3A_350] : memref<128x16xf32, #tpu.memory_space<vmem>>[vector<16xi32>, vector<16xi32>], vector<16xf32>,
          %gather3A_495 = arith.constant 0 : i32
          %gather3A_496 = arith.constant 0 : i32
          %gather3A_497 = tpu.memref_slice %arg8[%scan3A_281, %gather3A_495, %gather3A_496] : memref<4x128x16xf32, #tpu.memory_space<vmem>> -> memref<1x128x16xf32, #tpu.memory_space<vmem>>
          %gather3A_498 = tpu.memref_squeeze %gather3A_497 : memref<1x128x16xf32, #tpu.memory_space<vmem>> -> memref<128x16xf32, #tpu.memory_space<vmem>>
          %gather3A_499 = tpu.vector_load_idx %gather3A_498[%add3A_489, %and3A_350] : memref<128x16xf32, #tpu.memory_space<vmem>>[vector<16xi32>, vector<16xi32>], vector<16xf32>,
          %add3A_500 = arith.addf %gather3A_494, %gather3A_499 : vector<16xf32>
          %scatter3A_501 = arith.constant 0 : i32
          %scatter3A_502 = arith.constant 0 : i32
          %scatter3A_503 = arith.constant 0 : i32
          %scatter3A_504 = tpu.memref_slice %arg9[%scan3A_282, %scatter3A_501, %scatter3A_502, %scatter3A_503] : memref<4x2x8x128xf32, #tpu.memory_space<vmem>> -> memref<1x2x8x128xf32, #tpu.memory_space<vmem>>
          %scatter3A_505 = tpu.memref_squeeze %scatter3A_504 : memref<1x2x8x128xf32, #tpu.memory_space<vmem>> -> memref<2x8x128xf32, #tpu.memory_space<vmem>>
          tpu.vector_store_idx %scatter3A_505[%shift_right_arithmetic3A_352, %and3A_355, %add3A_489], %add3A_500 : memref<2x8x128xf32, #tpu.memory_space<vmem>>[vector<16xi32>, vector<16xi32>, vector<16xi32>], vector<16xf32>,
        }
        %scan3A_287 = arith.constant 16 : i32
        %add3A_288 = arith.addi %add3A_8, %add3A_192 : i32
        %dma_start3A = arith.constant 0 : i32
        %dma_start3A_289 = arith.constant 0 : i32
        %dma_start3A_290 = arith.constant 0 : i32
        %dma_start3A_291 = arith.constant 0 : i32
        %dma_start3A_292 = arith.constant 0 : i32
        %dma_start3A_293 = arith.constant 0 : i32
        %dma_start3A_294 = tpu.memref_slice %arg9[%dma_start3A, %dma_start3A_291, %dma_start3A_292, %dma_start3A_293] : memref<4x2x8x128xf32, #tpu.memory_space<vmem>> -> memref<1x2x8x128xf32, #tpu.memory_space<vmem>>
        %dma_start3A_295 = tpu.memref_squeeze %dma_start3A_294 : memref<1x2x8x128xf32, #tpu.memory_space<vmem>> -> memref<2x8x128xf32, #tpu.memory_space<vmem>>
        %dma_start3A_296 = arith.constant 0 : i32
        %dma_start3A_297 = arith.constant 0 : i32
        %dma_start3A_298 = tpu.memref_slice %dma_start3A_295[%dma_start3A_289, %dma_start3A_296, %dma_start3A_297] : memref<2x8x128xf32, #tpu.memory_space<vmem>> -> memref<1x8x128xf32, #tpu.memory_space<vmem>>
        %dma_start3A_299 = tpu.memref_squeeze %dma_start3A_298 : memref<1x8x128xf32, #tpu.memory_space<vmem>> -> memref<8x128xf32, #tpu.memory_space<vmem>>
        %dma_start3A_300 = arith.constant 0 : i32
        %dma_start3A_301 = arith.constant 0 : i32
        %dma_start3A_302 = tpu.memref_slice %arg5[%dma_start3A_290, %add3A_288, %dma_start3A_300, %dma_start3A_301] : memref<2x2500x8x128xf32, #tpu.memory_space<hbm>> -> memref<1x1x8x128xf32, #tpu.memory_space<hbm>>
        %dma_start3A_303 = tpu.memref_squeeze %dma_start3A_302 : memref<1x1x8x128xf32, #tpu.memory_space<hbm>> -> memref<8x128xf32, #tpu.memory_space<hbm>>
        %dma_start3A_304 = arith.constant 0 : i32
        %dma_start3A_305 = arith.constant 0 : i32
        %dma_start3A_306 = tpu.memref_slice %arg5[%dma_start3A_290, %add3A_288, %dma_start3A_304, %dma_start3A_305] : memref<2x2500x8x128xf32, #tpu.memory_space<hbm>> -> memref<1x1x8x128xf32, #tpu.memory_space<hbm>>
        %dma_start3A_307 = tpu.memref_squeeze %dma_start3A_306 : memref<1x1x8x128xf32, #tpu.memory_space<hbm>> -> memref<8x128xf32, #tpu.memory_space<hbm>>
        %dma_start3A_308 = arith.constant 0 : i32
        %dma_start3A_309 = arith.constant 0 : i32
        %dma_start3A_310 = arith.constant 0 : i32
        %dma_start3A_311 = tpu.memref_slice %arg9[%dma_start3A, %dma_start3A_308, %dma_start3A_309, %dma_start3A_310] : memref<4x2x8x128xf32, #tpu.memory_space<vmem>> -> memref<1x2x8x128xf32, #tpu.memory_space<vmem>>
        %dma_start3A_312 = tpu.memref_squeeze %dma_start3A_311 : memref<1x2x8x128xf32, #tpu.memory_space<vmem>> -> memref<2x8x128xf32, #tpu.memory_space<vmem>>
        %dma_start3A_313 = arith.constant 0 : i32
        %dma_start3A_314 = arith.constant 0 : i32
        %dma_start3A_315 = tpu.memref_slice %dma_start3A_312[%dma_start3A_289, %dma_start3A_313, %dma_start3A_314] : memref<2x8x128xf32, #tpu.memory_space<vmem>> -> memref<1x8x128xf32, #tpu.memory_space<vmem>>
        %dma_start3A_316 = tpu.memref_squeeze %dma_start3A_315 : memref<1x8x128xf32, #tpu.memory_space<vmem>> -> memref<8x128xf32, #tpu.memory_space<vmem>>
        tpu.enqueue_dma source(%dma_start3A_316 : memref<8x128xf32, #tpu.memory_space<vmem>>) target(%dma_start3A_307 : memref<8x128xf32, #tpu.memory_space<hbm>>) target_semaphore(%arg18 : memref<!tpu.dma_semaphore, #tpu.memory_space<semaphore_mem>>)
        %dma_start3A_317 = arith.constant 0 : i32
        %dma_start3A_318 = arith.constant 1 : i32
        %dma_start3A_319 = arith.constant 1 : i32
        %dma_start3A_320 = arith.constant 0 : i32
        %dma_start3A_321 = arith.constant 0 : i32
        %dma_start3A_322 = arith.constant 0 : i32
        %dma_start3A_323 = tpu.memref_slice %arg9[%dma_start3A_317, %dma_start3A_320, %dma_start3A_321, %dma_start3A_322] : memref<4x2x8x128xf32, #tpu.memory_space<vmem>> -> memref<1x2x8x128xf32, #tpu.memory_space<vmem>>
        %dma_start3A_324 = tpu.memref_squeeze %dma_start3A_323 : memref<1x2x8x128xf32, #tpu.memory_space<vmem>> -> memref<2x8x128xf32, #tpu.memory_space<vmem>>
        %dma_start3A_325 = arith.constant 0 : i32
        %dma_start3A_326 = arith.constant 0 : i32
        %dma_start3A_327 = tpu.memref_slice %dma_start3A_324[%dma_start3A_318, %dma_start3A_325, %dma_start3A_326] : memref<2x8x128xf32, #tpu.memory_space<vmem>> -> memref<1x8x128xf32, #tpu.memory_space<vmem>>
        %dma_start3A_328 = tpu.memref_squeeze %dma_start3A_327 : memref<1x8x128xf32, #tpu.memory_space<vmem>> -> memref<8x128xf32, #tpu.memory_space<vmem>>
        %dma_start3A_329 = arith.constant 0 : i32
        %dma_start3A_330 = arith.constant 0 : i32
        %dma_start3A_331 = tpu.memref_slice %arg5[%dma_start3A_319, %add3A_288, %dma_start3A_329, %dma_start3A_330] : memref<2x2500x8x128xf32, #tpu.memory_space<hbm>> -> memref<1x1x8x128xf32, #tpu.memory_space<hbm>>
        %dma_start3A_332 = tpu.memref_squeeze %dma_start3A_331 : memref<1x1x8x128xf32, #tpu.memory_space<hbm>> -> memref<8x128xf32, #tpu.memory_space<hbm>>
        %dma_start3A_333 = arith.constant 0 : i32
        %dma_start3A_334 = arith.constant 0 : i32
        %dma_start3A_335 = tpu.memref_slice %arg5[%dma_start3A_319, %add3A_288, %dma_start3A_333, %dma_start3A_334] : memref<2x2500x8x128xf32, #tpu.memory_space<hbm>> -> memref<1x1x8x128xf32, #tpu.memory_space<hbm>>
        %dma_start3A_336 = tpu.memref_squeeze %dma_start3A_335 : memref<1x1x8x128xf32, #tpu.memory_space<hbm>> -> memref<8x128xf32, #tpu.memory_space<hbm>>
        %dma_start3A_337 = arith.constant 0 : i32
        %dma_start3A_338 = arith.constant 0 : i32
        %dma_start3A_339 = arith.constant 0 : i32
        %dma_start3A_340 = tpu.memref_slice %arg9[%dma_start3A_317, %dma_start3A_337, %dma_start3A_338, %dma_start3A_339] : memref<4x2x8x128xf32, #tpu.memory_space<vmem>> -> memref<1x2x8x128xf32, #tpu.memory_space<vmem>>
        %dma_start3A_341 = tpu.memref_squeeze %dma_start3A_340 : memref<1x2x8x128xf32, #tpu.memory_space<vmem>> -> memref<2x8x128xf32, #tpu.memory_space<vmem>>
        %dma_start3A_342 = arith.constant 0 : i32
        %dma_start3A_343 = arith.constant 0 : i32
        %dma_start3A_344 = tpu.memref_slice %dma_start3A_341[%dma_start3A_318, %dma_start3A_342, %dma_start3A_343] : memref<2x8x128xf32, #tpu.memory_space<vmem>> -> memref<1x8x128xf32, #tpu.memory_space<vmem>>
        %dma_start3A_345 = tpu.memref_squeeze %dma_start3A_344 : memref<1x8x128xf32, #tpu.memory_space<vmem>> -> memref<8x128xf32, #tpu.memory_space<vmem>>
        tpu.enqueue_dma source(%dma_start3A_345 : memref<8x128xf32, #tpu.memory_space<vmem>>) target(%dma_start3A_336 : memref<8x128xf32, #tpu.memory_space<hbm>>) target_semaphore(%arg18 : memref<!tpu.dma_semaphore, #tpu.memory_space<semaphore_mem>>)
      } else {
      }
      %mul3A_203 = arith.constant 4 : i32
      %mul3A_204 = arith.muli %scan3A_188, %mul3A_203 : i32
      %add3A_205 = arith.constant 1 : i32
      %add3A_206 = arith.addi %mul3A_204, %add3A_205 : i32
      %add3A_207 = arith.constant 3 : i32
      %add3A_208 = arith.addi %add3A_206, %add3A_207 : i32
      %lt3A_209 = arith.cmpi slt, %add3A_208, %add3A_4 : i32
      %convert_element_type3A_210 = arith.extui %lt3A_209 : i1 to i32
      %cond3A_211 = arith.constant 0 : i32
      %cond3A_212 = arith.cmpi ne, %convert_element_type3A_210, %cond3A_211 : i32
      scf.if %cond3A_212 {
        %add3A_245 = arith.addi %sub3A, %add3A_208 : i32
        %dma_start3A = arith.constant 0 : i32
        %dma_start3A_246 = arith.constant 0 : i32
        %dma_start3A_247 = arith.constant 0 : i32
        %dma_start3A_248 = arith.constant 0 : i32
        %dma_start3A_249 = tpu.memref_slice %arg7[%dma_start3A_246, %dma_start3A_247, %dma_start3A_248] : memref<4x128x16xf32, #tpu.memory_space<vmem>> -> memref<1x128x16xf32, #tpu.memory_space<vmem>>
        %dma_start3A_250 = tpu.memref_squeeze %dma_start3A_249 : memref<1x128x16xf32, #tpu.memory_space<vmem>> -> memref<128x16xf32, #tpu.memory_space<vmem>>
        %dma_start3A_251 = arith.constant 0 : i32
        %dma_start3A_252 = tpu.memref_slice %arg6[%add3A_245, %dma_start3A, %dma_start3A_251] : memref<79x2x128xi32, #tpu.memory_space<vmem>> -> memref<1x1x128xi32, #tpu.memory_space<vmem>>
        %dma_start3A_253 = tpu.memref_squeeze %dma_start3A_252 : memref<1x1x128xi32, #tpu.memory_space<vmem>> -> memref<128xi32, #tpu.memory_space<vmem>>
        %dma_start3A_254 = arith.constant 0 : i32
        %dma_start3A_255 = arith.constant 0 : i32
        %dma_start3A_256 = tpu.memref_slice %arg2[%dma_start3A_254, %dma_start3A_255] : memref<10000x16xf32, #tpu.memory_space<hbm>> -> memref<10000x16xf32, #tpu.memory_space<hbm>>
        tpu.enqueue_indirect_dma source(%dma_start3A_256 : memref<10000x16xf32, #tpu.memory_space<hbm>>) target(%dma_start3A_250 : memref<128x16xf32, #tpu.memory_space<vmem>>) offsets(%dma_start3A_253 : memref<128xi32, #tpu.memory_space<vmem>>) semaphore(%arg10 : memref<!tpu.dma_semaphore, #tpu.memory_space<semaphore_mem>>)
        %add3A_257 = arith.addi %sub3A, %add3A_208 : i32
        %dma_start3A_258 = arith.constant 1 : i32
        %dma_start3A_259 = arith.constant 0 : i32
        %dma_start3A_260 = arith.constant 0 : i32
        %dma_start3A_261 = arith.constant 0 : i32
        %dma_start3A_262 = tpu.memref_slice %arg8[%dma_start3A_259, %dma_start3A_260, %dma_start3A_261] : memref<4x128x16xf32, #tpu.memory_space<vmem>> -> memref<1x128x16xf32, #tpu.memory_space<vmem>>
        %dma_start3A_263 = tpu.memref_squeeze %dma_start3A_262 : memref<1x128x16xf32, #tpu.memory_space<vmem>> -> memref<128x16xf32, #tpu.memory_space<vmem>>
        %dma_start3A_264 = arith.constant 0 : i32
        %dma_start3A_265 = tpu.memref_slice %arg6[%add3A_257, %dma_start3A_258, %dma_start3A_264] : memref<79x2x128xi32, #tpu.memory_space<vmem>> -> memref<1x1x128xi32, #tpu.memory_space<vmem>>
        %dma_start3A_266 = tpu.memref_squeeze %dma_start3A_265 : memref<1x1x128xi32, #tpu.memory_space<vmem>> -> memref<128xi32, #tpu.memory_space<vmem>>
        %dma_start3A_267 = arith.constant 0 : i32
        %dma_start3A_268 = arith.constant 0 : i32
        %dma_start3A_269 = tpu.memref_slice %arg3[%dma_start3A_267, %dma_start3A_268] : memref<10000x16xf32, #tpu.memory_space<hbm>> -> memref<10000x16xf32, #tpu.memory_space<hbm>>
        tpu.enqueue_indirect_dma source(%dma_start3A_269 : memref<10000x16xf32, #tpu.memory_space<hbm>>) target(%dma_start3A_263 : memref<128x16xf32, #tpu.memory_space<vmem>>) offsets(%dma_start3A_266 : memref<128xi32, #tpu.memory_space<vmem>>) semaphore(%arg14 : memref<!tpu.dma_semaphore, #tpu.memory_space<semaphore_mem>>)
      } else {
      }
      %lt3A_213 = arith.cmpi slt, %add3A_206, %add3A_4 : i32
      %convert_element_type3A_214 = arith.extui %lt3A_213 : i1 to i32
      %cond3A_215 = arith.constant 0 : i32
      %cond3A_216 = arith.cmpi ne, %convert_element_type3A_214, %cond3A_215 : i32
      scf.if %cond3A_216 {
        %dma_wait3A_245 = arith.constant 1 : i32
        %dma_wait3A_246 = arith.constant 0 : i32
        %dma_wait3A_247 = arith.constant 0 : i32
        %dma_wait3A_248 = tpu.memref_slice %arg7[%dma_wait3A_245, %dma_wait3A_246, %dma_wait3A_247] : memref<4x128x16xf32, #tpu.memory_space<vmem>> -> memref<1x128x16xf32, #tpu.memory_space<vmem>>
        %dma_wait3A_249 = tpu.memref_squeeze %dma_wait3A_248 : memref<1x128x16xf32, #tpu.memory_space<vmem>> -> memref<128x16xf32, #tpu.memory_space<vmem>>
        %dma_wait3A_250 = arith.constant 0 : i32
        %dma_wait3A_251 = arith.constant 0 : i32
        %dma_wait3A_252 = tpu.memref_slice %arg2[%dma_wait3A_250, %dma_wait3A_251] : memref<10000x16xf32, #tpu.memory_space<hbm>> -> memref<128x16xf32, #tpu.memory_space<hbm>>
        %dma_wait3A_253 = arith.constant 0 : i32
        %dma_wait3A_254 = arith.constant 0 : i32
        %dma_wait3A_255 = tpu.memref_slice %arg7[%dma_wait3A_245, %dma_wait3A_253, %dma_wait3A_254] : memref<4x128x16xf32, #tpu.memory_space<vmem>> -> memref<1x128x16xf32, #tpu.memory_space<vmem>>
        %dma_wait3A_256 = tpu.memref_squeeze %dma_wait3A_255 : memref<1x128x16xf32, #tpu.memory_space<vmem>> -> memref<128x16xf32, #tpu.memory_space<vmem>>
        %dma_wait3A_257 = arith.constant 0 : i32
        %dma_wait3A_258 = arith.constant 0 : i32
        %dma_wait3A_259 = tpu.memref_slice %arg2[%dma_wait3A_257, %dma_wait3A_258] : memref<10000x16xf32, #tpu.memory_space<hbm>> -> memref<128x16xf32, #tpu.memory_space<hbm>>
        tpu.wait_dma2 semaphore(%arg11 : memref<!tpu.dma_semaphore, #tpu.memory_space<semaphore_mem>>) src(%dma_wait3A_259 : memref<128x16xf32, #tpu.memory_space<hbm>>) dst(%dma_wait3A_256 : memref<128x16xf32, #tpu.memory_space<vmem>>)
        %dma_wait3A_260 = arith.constant 1 : i32
        %dma_wait3A_261 = arith.constant 0 : i32
        %dma_wait3A_262 = arith.constant 0 : i32
        %dma_wait3A_263 = tpu.memref_slice %arg8[%dma_wait3A_260, %dma_wait3A_261, %dma_wait3A_262] : memref<4x128x16xf32, #tpu.memory_space<vmem>> -> memref<1x128x16xf32, #tpu.memory_space<vmem>>
        %dma_wait3A_264 = tpu.memref_squeeze %dma_wait3A_263 : memref<1x128x16xf32, #tpu.memory_space<vmem>> -> memref<128x16xf32, #tpu.memory_space<vmem>>
        %dma_wait3A_265 = arith.constant 0 : i32
        %dma_wait3A_266 = arith.constant 0 : i32
        %dma_wait3A_267 = tpu.memref_slice %arg3[%dma_wait3A_265, %dma_wait3A_266] : memref<10000x16xf32, #tpu.memory_space<hbm>> -> memref<128x16xf32, #tpu.memory_space<hbm>>
        %dma_wait3A_268 = arith.constant 0 : i32
        %dma_wait3A_269 = arith.constant 0 : i32
        %dma_wait3A_270 = tpu.memref_slice %arg8[%dma_wait3A_260, %dma_wait3A_268, %dma_wait3A_269] : memref<4x128x16xf32, #tpu.memory_space<vmem>> -> memref<1x128x16xf32, #tpu.memory_space<vmem>>
        %dma_wait3A_271 = tpu.memref_squeeze %dma_wait3A_270 : memref<1x128x16xf32, #tpu.memory_space<vmem>> -> memref<128x16xf32, #tpu.memory_space<vmem>>
        %dma_wait3A_272 = arith.constant 0 : i32
        %dma_wait3A_273 = arith.constant 0 : i32
        %dma_wait3A_274 = tpu.memref_slice %arg3[%dma_wait3A_272, %dma_wait3A_273] : memref<10000x16xf32, #tpu.memory_space<hbm>> -> memref<128x16xf32, #tpu.memory_space<hbm>>
        tpu.wait_dma2 semaphore(%arg15 : memref<!tpu.dma_semaphore, #tpu.memory_space<semaphore_mem>>) src(%dma_wait3A_274 : memref<128x16xf32, #tpu.memory_space<hbm>>) dst(%dma_wait3A_271 : memref<128x16xf32, #tpu.memory_space<vmem>>)
        %ge3A = arith.constant 4 : i32
        %ge3A_275 = arith.cmpi sge, %add3A_206, %ge3A : i32
        %convert_element_type3A_276 = arith.extui %ge3A_275 : i1 to i32
        %cond3A_277 = arith.constant 0 : i32
        %cond3A_278 = arith.cmpi ne, %convert_element_type3A_276, %cond3A_277 : i32
        scf.if %cond3A_278 {
          %dma_wait3A_346 = arith.constant 1 : i32
          %dma_wait3A_347 = arith.constant 0 : i32
          %dma_wait3A_348 = arith.constant 0 : i32
          %dma_wait3A_349 = arith.constant 0 : i32
          %dma_wait3A_350 = arith.constant 0 : i32
          %dma_wait3A_351 = arith.constant 0 : i32
          %dma_wait3A_352 = tpu.memref_slice %arg9[%dma_wait3A_346, %dma_wait3A_347, %dma_wait3A_350, %dma_wait3A_351] : memref<4x2x8x128xf32, #tpu.memory_space<vmem>> -> memref<1x1x8x128xf32, #tpu.memory_space<vmem>>
          %dma_wait3A_353 = tpu.memref_squeeze %dma_wait3A_352 : memref<1x1x8x128xf32, #tpu.memory_space<vmem>> -> memref<8x128xf32, #tpu.memory_space<vmem>>
          %dma_wait3A_354 = arith.constant 0 : i32
          %dma_wait3A_355 = arith.constant 0 : i32
          %dma_wait3A_356 = tpu.memref_slice %arg5[%dma_wait3A_348, %dma_wait3A_349, %dma_wait3A_354, %dma_wait3A_355] : memref<2x2500x8x128xf32, #tpu.memory_space<hbm>> -> memref<1x1x8x128xf32, #tpu.memory_space<hbm>>
          %dma_wait3A_357 = tpu.memref_squeeze %dma_wait3A_356 : memref<1x1x8x128xf32, #tpu.memory_space<hbm>> -> memref<8x128xf32, #tpu.memory_space<hbm>>
          %dma_wait3A_358 = arith.constant 0 : i32
          %dma_wait3A_359 = arith.constant 0 : i32
          %dma_wait3A_360 = tpu.memref_slice %arg5[%dma_wait3A_348, %dma_wait3A_349, %dma_wait3A_358, %dma_wait3A_359] : memref<2x2500x8x128xf32, #tpu.memory_space<hbm>> -> memref<1x1x8x128xf32, #tpu.memory_space<hbm>>
          %dma_wait3A_361 = tpu.memref_squeeze %dma_wait3A_360 : memref<1x1x8x128xf32, #tpu.memory_space<hbm>> -> memref<8x128xf32, #tpu.memory_space<hbm>>
          %dma_wait3A_362 = arith.constant 0 : i32
          %dma_wait3A_363 = arith.constant 0 : i32
          %dma_wait3A_364 = tpu.memref_slice %arg9[%dma_wait3A_346, %dma_wait3A_347, %dma_wait3A_362, %dma_wait3A_363] : memref<4x2x8x128xf32, #tpu.memory_space<vmem>> -> memref<1x1x8x128xf32, #tpu.memory_space<vmem>>
          %dma_wait3A_365 = tpu.memref_squeeze %dma_wait3A_364 : memref<1x1x8x128xf32, #tpu.memory_space<vmem>> -> memref<8x128xf32, #tpu.memory_space<vmem>>
          tpu.wait_dma2 semaphore(%arg19 : memref<!tpu.dma_semaphore, #tpu.memory_space<semaphore_mem>>) src(%dma_wait3A_365 : memref<8x128xf32, #tpu.memory_space<vmem>>) dst(%dma_wait3A_361 : memref<8x128xf32, #tpu.memory_space<hbm>>)
          %dma_wait3A_366 = arith.constant 1 : i32
          %dma_wait3A_367 = arith.constant 1 : i32
          %dma_wait3A_368 = arith.constant 1 : i32
          %dma_wait3A_369 = arith.constant 0 : i32
          %dma_wait3A_370 = arith.constant 0 : i32
          %dma_wait3A_371 = arith.constant 0 : i32
          %dma_wait3A_372 = tpu.memref_slice %arg9[%dma_wait3A_366, %dma_wait3A_367, %dma_wait3A_370, %dma_wait3A_371] : memref<4x2x8x128xf32, #tpu.memory_space<vmem>> -> memref<1x1x8x128xf32, #tpu.memory_space<vmem>>
          %dma_wait3A_373 = tpu.memref_squeeze %dma_wait3A_372 : memref<1x1x8x128xf32, #tpu.memory_space<vmem>> -> memref<8x128xf32, #tpu.memory_space<vmem>>
          %dma_wait3A_374 = arith.constant 0 : i32
          %dma_wait3A_375 = arith.constant 0 : i32
          %dma_wait3A_376 = tpu.memref_slice %arg5[%dma_wait3A_368, %dma_wait3A_369, %dma_wait3A_374, %dma_wait3A_375] : memref<2x2500x8x128xf32, #tpu.memory_space<hbm>> -> memref<1x1x8x128xf32, #tpu.memory_space<hbm>>
          %dma_wait3A_377 = tpu.memref_squeeze %dma_wait3A_376 : memref<1x1x8x128xf32, #tpu.memory_space<hbm>> -> memref<8x128xf32, #tpu.memory_space<hbm>>
          %dma_wait3A_378 = arith.constant 0 : i32
          %dma_wait3A_379 = arith.constant 0 : i32
          %dma_wait3A_380 = tpu.memref_slice %arg5[%dma_wait3A_368, %dma_wait3A_369, %dma_wait3A_378, %dma_wait3A_379] : memref<2x2500x8x128xf32, #tpu.memory_space<hbm>> -> memref<1x1x8x128xf32, #tpu.memory_space<hbm>>
          %dma_wait3A_381 = tpu.memref_squeeze %dma_wait3A_380 : memref<1x1x8x128xf32, #tpu.memory_space<hbm>> -> memref<8x128xf32, #tpu.memory_space<hbm>>
          %dma_wait3A_382 = arith.constant 0 : i32
          %dma_wait3A_383 = arith.constant 0 : i32
          %dma_wait3A_384 = tpu.memref_slice %arg9[%dma_wait3A_366, %dma_wait3A_367, %dma_wait3A_382, %dma_wait3A_383] : memref<4x2x8x128xf32, #tpu.memory_space<vmem>> -> memref<1x1x8x128xf32, #tpu.memory_space<vmem>>
          %dma_wait3A_385 = tpu.memref_squeeze %dma_wait3A_384 : memref<1x1x8x128xf32, #tpu.memory_space<vmem>> -> memref<8x128xf32, #tpu.memory_space<vmem>>
          tpu.wait_dma2 semaphore(%arg19 : memref<!tpu.dma_semaphore, #tpu.memory_space<semaphore_mem>>) src(%dma_wait3A_385 : memref<8x128xf32, #tpu.memory_space<vmem>>) dst(%dma_wait3A_381 : memref<8x128xf32, #tpu.memory_space<hbm>>)
        } else {
        }
        %scan3A_279 = arith.constant 0 : i32
        %scan3A_280 = arith.constant 1 : i32
        %scan3A_281 = arith.constant 1 : i32
        %scan3A_282 = arith.constant 1 : i32
        %scan3A_283 = arith.constant 0 : i32
        %scan3A_284 = arith.constant 16 : i32
        %scan3A_285 = arith.addi %scan3A_283, %scan3A_284 : i32
        %scan3A_286 = arith.constant 1 : i32
        scf.for %scan3A_346 = %scan3A_283 to %scan3A_285 step %scan3A_286  : i32 {
          %add3A_347 = vector.broadcast %scan3A_346 : i32 to vector<16xi32>
          %add3A_348 = arith.addi %iota3A, %add3A_347 : vector<16xi32>
          %and3A = arith.constant 15 : i32
          %and3A_349 = vector.broadcast %and3A : i32 to vector<16xi32>
          %and3A_350 = arith.andi %add3A_348, %and3A_349 : vector<16xi32>
          %shift_right_arithmetic3A = arith.constant 3 : i32
          %shift_right_arithmetic3A_351 = vector.broadcast %shift_right_arithmetic3A : i32 to vector<16xi32>
          %shift_right_arithmetic3A_352 = arith.shrsi %and3A_350, %shift_right_arithmetic3A_351 : vector<16xi32>
          %and3A_353 = arith.constant 7 : i32
          %and3A_354 = vector.broadcast %and3A_353 : i32 to vector<16xi32>
          %and3A_355 = arith.andi %and3A_350, %and3A_354 : vector<16xi32>
          %add3A_356 = arith.constant 0 : i32
          %add3A_357 = vector.broadcast %add3A_356 : i32 to vector<16xi32>
          %add3A_358 = arith.addi %add3A_357, %iota3A : vector<16xi32>
          %gather3A = arith.constant 0 : i32
          %gather3A_359 = arith.constant 0 : i32
          %gather3A_360 = tpu.memref_slice %arg7[%scan3A_280, %gather3A, %gather3A_359] : memref<4x128x16xf32, #tpu.memory_space<vmem>> -> memref<1x128x16xf32, #tpu.memory_space<vmem>>
          %gather3A_361 = tpu.memref_squeeze %gather3A_360 : memref<1x128x16xf32, #tpu.memory_space<vmem>> -> memref<128x16xf32, #tpu.memory_space<vmem>>
          %gather3A_362 = tpu.vector_load_idx %gather3A_361[%add3A_358, %and3A_350] : memref<128x16xf32, #tpu.memory_space<vmem>>[vector<16xi32>, vector<16xi32>], vector<16xf32>,
          %gather3A_363 = arith.constant 0 : i32
          %gather3A_364 = arith.constant 0 : i32
          %gather3A_365 = tpu.memref_slice %arg8[%scan3A_281, %gather3A_363, %gather3A_364] : memref<4x128x16xf32, #tpu.memory_space<vmem>> -> memref<1x128x16xf32, #tpu.memory_space<vmem>>
          %gather3A_366 = tpu.memref_squeeze %gather3A_365 : memref<1x128x16xf32, #tpu.memory_space<vmem>> -> memref<128x16xf32, #tpu.memory_space<vmem>>
          %gather3A_367 = tpu.vector_load_idx %gather3A_366[%add3A_358, %and3A_350] : memref<128x16xf32, #tpu.memory_space<vmem>>[vector<16xi32>, vector<16xi32>], vector<16xf32>,
          %add3A_368 = arith.addf %gather3A_362, %gather3A_367 : vector<16xf32>
          %scatter3A = arith.constant 0 : i32
          %scatter3A_369 = arith.constant 0 : i32
          %scatter3A_370 = arith.constant 0 : i32
          %scatter3A_371 = tpu.memref_slice %arg9[%scan3A_282, %scatter3A, %scatter3A_369, %scatter3A_370] : memref<4x2x8x128xf32, #tpu.memory_space<vmem>> -> memref<1x2x8x128xf32, #tpu.memory_space<vmem>>
          %scatter3A_372 = tpu.memref_squeeze %scatter3A_371 : memref<1x2x8x128xf32, #tpu.memory_space<vmem>> -> memref<2x8x128xf32, #tpu.memory_space<vmem>>
          tpu.vector_store_idx %scatter3A_372[%shift_right_arithmetic3A_352, %and3A_355, %add3A_358], %add3A_368 : memref<2x8x128xf32, #tpu.memory_space<vmem>>[vector<16xi32>, vector<16xi32>, vector<16xi32>], vector<16xf32>,
          %add3A_373 = arith.constant 16 : i32
          %add3A_374 = vector.broadcast %add3A_373 : i32 to vector<16xi32>
          %add3A_375 = arith.addi %add3A_374, %iota3A : vector<16xi32>
          %gather3A_376 = arith.constant 0 : i32
          %gather3A_377 = arith.constant 0 : i32
          %gather3A_378 = tpu.memref_slice %arg7[%scan3A_280, %gather3A_376, %gather3A_377] : memref<4x128x16xf32, #tpu.memory_space<vmem>> -> memref<1x128x16xf32, #tpu.memory_space<vmem>>
          %gather3A_379 = tpu.memref_squeeze %gather3A_378 : memref<1x128x16xf32, #tpu.memory_space<vmem>> -> memref<128x16xf32, #tpu.memory_space<vmem>>
          %gather3A_380 = tpu.vector_load_idx %gather3A_379[%add3A_375, %and3A_350] : memref<128x16xf32, #tpu.memory_space<vmem>>[vector<16xi32>, vector<16xi32>], vector<16xf32>,
          %gather3A_381 = arith.constant 0 : i32
          %gather3A_382 = arith.constant 0 : i32
          %gather3A_383 = tpu.memref_slice %arg8[%scan3A_281, %gather3A_381, %gather3A_382] : memref<4x128x16xf32, #tpu.memory_space<vmem>> -> memref<1x128x16xf32, #tpu.memory_space<vmem>>
          %gather3A_384 = tpu.memref_squeeze %gather3A_383 : memref<1x128x16xf32, #tpu.memory_space<vmem>> -> memref<128x16xf32, #tpu.memory_space<vmem>>
          %gather3A_385 = tpu.vector_load_idx %gather3A_384[%add3A_375, %and3A_350] : memref<128x16xf32, #tpu.memory_space<vmem>>[vector<16xi32>, vector<16xi32>], vector<16xf32>,
          %add3A_386 = arith.addf %gather3A_380, %gather3A_385 : vector<16xf32>
          %scatter3A_387 = arith.constant 0 : i32
          %scatter3A_388 = arith.constant 0 : i32
          %scatter3A_389 = arith.constant 0 : i32
          %scatter3A_390 = tpu.memref_slice %arg9[%scan3A_282, %scatter3A_387, %scatter3A_388, %scatter3A_389] : memref<4x2x8x128xf32, #tpu.memory_space<vmem>> -> memref<1x2x8x128xf32, #tpu.memory_space<vmem>>
          %scatter3A_391 = tpu.memref_squeeze %scatter3A_390 : memref<1x2x8x128xf32, #tpu.memory_space<vmem>> -> memref<2x8x128xf32, #tpu.memory_space<vmem>>
          tpu.vector_store_idx %scatter3A_391[%shift_right_arithmetic3A_352, %and3A_355, %add3A_375], %add3A_386 : memref<2x8x128xf32, #tpu.memory_space<vmem>>[vector<16xi32>, vector<16xi32>, vector<16xi32>], vector<16xf32>,
          %add3A_392 = arith.constant 32 : i32
          %add3A_393 = vector.broadcast %add3A_392 : i32 to vector<16xi32>
          %add3A_394 = arith.addi %add3A_393, %iota3A : vector<16xi32>
          %gather3A_395 = arith.constant 0 : i32
          %gather3A_396 = arith.constant 0 : i32
          %gather3A_397 = tpu.memref_slice %arg7[%scan3A_280, %gather3A_395, %gather3A_396] : memref<4x128x16xf32, #tpu.memory_space<vmem>> -> memref<1x128x16xf32, #tpu.memory_space<vmem>>
          %gather3A_398 = tpu.memref_squeeze %gather3A_397 : memref<1x128x16xf32, #tpu.memory_space<vmem>> -> memref<128x16xf32, #tpu.memory_space<vmem>>
          %gather3A_399 = tpu.vector_load_idx %gather3A_398[%add3A_394, %and3A_350] : memref<128x16xf32, #tpu.memory_space<vmem>>[vector<16xi32>, vector<16xi32>], vector<16xf32>,
          %gather3A_400 = arith.constant 0 : i32
          %gather3A_401 = arith.constant 0 : i32
          %gather3A_402 = tpu.memref_slice %arg8[%scan3A_281, %gather3A_400, %gather3A_401] : memref<4x128x16xf32, #tpu.memory_space<vmem>> -> memref<1x128x16xf32, #tpu.memory_space<vmem>>
          %gather3A_403 = tpu.memref_squeeze %gather3A_402 : memref<1x128x16xf32, #tpu.memory_space<vmem>> -> memref<128x16xf32, #tpu.memory_space<vmem>>
          %gather3A_404 = tpu.vector_load_idx %gather3A_403[%add3A_394, %and3A_350] : memref<128x16xf32, #tpu.memory_space<vmem>>[vector<16xi32>, vector<16xi32>], vector<16xf32>,
          %add3A_405 = arith.addf %gather3A_399, %gather3A_404 : vector<16xf32>
          %scatter3A_406 = arith.constant 0 : i32
          %scatter3A_407 = arith.constant 0 : i32
          %scatter3A_408 = arith.constant 0 : i32
          %scatter3A_409 = tpu.memref_slice %arg9[%scan3A_282, %scatter3A_406, %scatter3A_407, %scatter3A_408] : memref<4x2x8x128xf32, #tpu.memory_space<vmem>> -> memref<1x2x8x128xf32, #tpu.memory_space<vmem>>
          %scatter3A_410 = tpu.memref_squeeze %scatter3A_409 : memref<1x2x8x128xf32, #tpu.memory_space<vmem>> -> memref<2x8x128xf32, #tpu.memory_space<vmem>>
          tpu.vector_store_idx %scatter3A_410[%shift_right_arithmetic3A_352, %and3A_355, %add3A_394], %add3A_405 : memref<2x8x128xf32, #tpu.memory_space<vmem>>[vector<16xi32>, vector<16xi32>, vector<16xi32>], vector<16xf32>,
          %add3A_411 = arith.constant 48 : i32
          %add3A_412 = vector.broadcast %add3A_411 : i32 to vector<16xi32>
          %add3A_413 = arith.addi %add3A_412, %iota3A : vector<16xi32>
          %gather3A_414 = arith.constant 0 : i32
          %gather3A_415 = arith.constant 0 : i32
          %gather3A_416 = tpu.memref_slice %arg7[%scan3A_280, %gather3A_414, %gather3A_415] : memref<4x128x16xf32, #tpu.memory_space<vmem>> -> memref<1x128x16xf32, #tpu.memory_space<vmem>>
          %gather3A_417 = tpu.memref_squeeze %gather3A_416 : memref<1x128x16xf32, #tpu.memory_space<vmem>> -> memref<128x16xf32, #tpu.memory_space<vmem>>
          %gather3A_418 = tpu.vector_load_idx %gather3A_417[%add3A_413, %and3A_350] : memref<128x16xf32, #tpu.memory_space<vmem>>[vector<16xi32>, vector<16xi32>], vector<16xf32>,
          %gather3A_419 = arith.constant 0 : i32
          %gather3A_420 = arith.constant 0 : i32
          %gather3A_421 = tpu.memref_slice %arg8[%scan3A_281, %gather3A_419, %gather3A_420] : memref<4x128x16xf32, #tpu.memory_space<vmem>> -> memref<1x128x16xf32, #tpu.memory_space<vmem>>
          %gather3A_422 = tpu.memref_squeeze %gather3A_421 : memref<1x128x16xf32, #tpu.memory_space<vmem>> -> memref<128x16xf32, #tpu.memory_space<vmem>>
          %gather3A_423 = tpu.vector_load_idx %gather3A_422[%add3A_413, %and3A_350] : memref<128x16xf32, #tpu.memory_space<vmem>>[vector<16xi32>, vector<16xi32>], vector<16xf32>,
          %add3A_424 = arith.addf %gather3A_418, %gather3A_423 : vector<16xf32>
          %scatter3A_425 = arith.constant 0 : i32
          %scatter3A_426 = arith.constant 0 : i32
          %scatter3A_427 = arith.constant 0 : i32
          %scatter3A_428 = tpu.memref_slice %arg9[%scan3A_282, %scatter3A_425, %scatter3A_426, %scatter3A_427] : memref<4x2x8x128xf32, #tpu.memory_space<vmem>> -> memref<1x2x8x128xf32, #tpu.memory_space<vmem>>
          %scatter3A_429 = tpu.memref_squeeze %scatter3A_428 : memref<1x2x8x128xf32, #tpu.memory_space<vmem>> -> memref<2x8x128xf32, #tpu.memory_space<vmem>>
          tpu.vector_store_idx %scatter3A_429[%shift_right_arithmetic3A_352, %and3A_355, %add3A_413], %add3A_424 : memref<2x8x128xf32, #tpu.memory_space<vmem>>[vector<16xi32>, vector<16xi32>, vector<16xi32>], vector<16xf32>,
          %add3A_430 = arith.constant 64 : i32
          %add3A_431 = vector.broadcast %add3A_430 : i32 to vector<16xi32>
          %add3A_432 = arith.addi %add3A_431, %iota3A : vector<16xi32>
          %gather3A_433 = arith.constant 0 : i32
          %gather3A_434 = arith.constant 0 : i32
          %gather3A_435 = tpu.memref_slice %arg7[%scan3A_280, %gather3A_433, %gather3A_434] : memref<4x128x16xf32, #tpu.memory_space<vmem>> -> memref<1x128x16xf32, #tpu.memory_space<vmem>>
          %gather3A_436 = tpu.memref_squeeze %gather3A_435 : memref<1x128x16xf32, #tpu.memory_space<vmem>> -> memref<128x16xf32, #tpu.memory_space<vmem>>
          %gather3A_437 = tpu.vector_load_idx %gather3A_436[%add3A_432, %and3A_350] : memref<128x16xf32, #tpu.memory_space<vmem>>[vector<16xi32>, vector<16xi32>], vector<16xf32>,
          %gather3A_438 = arith.constant 0 : i32
          %gather3A_439 = arith.constant 0 : i32
          %gather3A_440 = tpu.memref_slice %arg8[%scan3A_281, %gather3A_438, %gather3A_439] : memref<4x128x16xf32, #tpu.memory_space<vmem>> -> memref<1x128x16xf32, #tpu.memory_space<vmem>>
          %gather3A_441 = tpu.memref_squeeze %gather3A_440 : memref<1x128x16xf32, #tpu.memory_space<vmem>> -> memref<128x16xf32, #tpu.memory_space<vmem>>
          %gather3A_442 = tpu.vector_load_idx %gather3A_441[%add3A_432, %and3A_350] : memref<128x16xf32, #tpu.memory_space<vmem>>[vector<16xi32>, vector<16xi32>], vector<16xf32>,
          %add3A_443 = arith.addf %gather3A_437, %gather3A_442 : vector<16xf32>
          %scatter3A_444 = arith.constant 0 : i32
          %scatter3A_445 = arith.constant 0 : i32
          %scatter3A_446 = arith.constant 0 : i32
          %scatter3A_447 = tpu.memref_slice %arg9[%scan3A_282, %scatter3A_444, %scatter3A_445, %scatter3A_446] : memref<4x2x8x128xf32, #tpu.memory_space<vmem>> -> memref<1x2x8x128xf32, #tpu.memory_space<vmem>>
          %scatter3A_448 = tpu.memref_squeeze %scatter3A_447 : memref<1x2x8x128xf32, #tpu.memory_space<vmem>> -> memref<2x8x128xf32, #tpu.memory_space<vmem>>
          tpu.vector_store_idx %scatter3A_448[%shift_right_arithmetic3A_352, %and3A_355, %add3A_432], %add3A_443 : memref<2x8x128xf32, #tpu.memory_space<vmem>>[vector<16xi32>, vector<16xi32>, vector<16xi32>], vector<16xf32>,
          %add3A_449 = arith.constant 80 : i32
          %add3A_450 = vector.broadcast %add3A_449 : i32 to vector<16xi32>
          %add3A_451 = arith.addi %add3A_450, %iota3A : vector<16xi32>
          %gather3A_452 = arith.constant 0 : i32
          %gather3A_453 = arith.constant 0 : i32
          %gather3A_454 = tpu.memref_slice %arg7[%scan3A_280, %gather3A_452, %gather3A_453] : memref<4x128x16xf32, #tpu.memory_space<vmem>> -> memref<1x128x16xf32, #tpu.memory_space<vmem>>
          %gather3A_455 = tpu.memref_squeeze %gather3A_454 : memref<1x128x16xf32, #tpu.memory_space<vmem>> -> memref<128x16xf32, #tpu.memory_space<vmem>>
          %gather3A_456 = tpu.vector_load_idx %gather3A_455[%add3A_451, %and3A_350] : memref<128x16xf32, #tpu.memory_space<vmem>>[vector<16xi32>, vector<16xi32>], vector<16xf32>,
          %gather3A_457 = arith.constant 0 : i32
          %gather3A_458 = arith.constant 0 : i32
          %gather3A_459 = tpu.memref_slice %arg8[%scan3A_281, %gather3A_457, %gather3A_458] : memref<4x128x16xf32, #tpu.memory_space<vmem>> -> memref<1x128x16xf32, #tpu.memory_space<vmem>>
          %gather3A_460 = tpu.memref_squeeze %gather3A_459 : memref<1x128x16xf32, #tpu.memory_space<vmem>> -> memref<128x16xf32, #tpu.memory_space<vmem>>
          %gather3A_461 = tpu.vector_load_idx %gather3A_460[%add3A_451, %and3A_350] : memref<128x16xf32, #tpu.memory_space<vmem>>[vector<16xi32>, vector<16xi32>], vector<16xf32>,
          %add3A_462 = arith.addf %gather3A_456, %gather3A_461 : vector<16xf32>
          %scatter3A_463 = arith.constant 0 : i32
          %scatter3A_464 = arith.constant 0 : i32
          %scatter3A_465 = arith.constant 0 : i32
          %scatter3A_466 = tpu.memref_slice %arg9[%scan3A_282, %scatter3A_463, %scatter3A_464, %scatter3A_465] : memref<4x2x8x128xf32, #tpu.memory_space<vmem>> -> memref<1x2x8x128xf32, #tpu.memory_space<vmem>>
          %scatter3A_467 = tpu.memref_squeeze %scatter3A_466 : memref<1x2x8x128xf32, #tpu.memory_space<vmem>> -> memref<2x8x128xf32, #tpu.memory_space<vmem>>
          tpu.vector_store_idx %scatter3A_467[%shift_right_arithmetic3A_352, %and3A_355, %add3A_451], %add3A_462 : memref<2x8x128xf32, #tpu.memory_space<vmem>>[vector<16xi32>, vector<16xi32>, vector<16xi32>], vector<16xf32>,
          %add3A_468 = arith.constant 96 : i32
          %add3A_469 = vector.broadcast %add3A_468 : i32 to vector<16xi32>
          %add3A_470 = arith.addi %add3A_469, %iota3A : vector<16xi32>
          %gather3A_471 = arith.constant 0 : i32
          %gather3A_472 = arith.constant 0 : i32
          %gather3A_473 = tpu.memref_slice %arg7[%scan3A_280, %gather3A_471, %gather3A_472] : memref<4x128x16xf32, #tpu.memory_space<vmem>> -> memref<1x128x16xf32, #tpu.memory_space<vmem>>
          %gather3A_474 = tpu.memref_squeeze %gather3A_473 : memref<1x128x16xf32, #tpu.memory_space<vmem>> -> memref<128x16xf32, #tpu.memory_space<vmem>>
          %gather3A_475 = tpu.vector_load_idx %gather3A_474[%add3A_470, %and3A_350] : memref<128x16xf32, #tpu.memory_space<vmem>>[vector<16xi32>, vector<16xi32>], vector<16xf32>,
          %gather3A_476 = arith.constant 0 : i32
          %gather3A_477 = arith.constant 0 : i32
          %gather3A_478 = tpu.memref_slice %arg8[%scan3A_281, %gather3A_476, %gather3A_477] : memref<4x128x16xf32, #tpu.memory_space<vmem>> -> memref<1x128x16xf32, #tpu.memory_space<vmem>>
          %gather3A_479 = tpu.memref_squeeze %gather3A_478 : memref<1x128x16xf32, #tpu.memory_space<vmem>> -> memref<128x16xf32, #tpu.memory_space<vmem>>
          %gather3A_480 = tpu.vector_load_idx %gather3A_479[%add3A_470, %and3A_350] : memref<128x16xf32, #tpu.memory_space<vmem>>[vector<16xi32>, vector<16xi32>], vector<16xf32>,
          %add3A_481 = arith.addf %gather3A_475, %gather3A_480 : vector<16xf32>
          %scatter3A_482 = arith.constant 0 : i32
          %scatter3A_483 = arith.constant 0 : i32
          %scatter3A_484 = arith.constant 0 : i32
          %scatter3A_485 = tpu.memref_slice %arg9[%scan3A_282, %scatter3A_482, %scatter3A_483, %scatter3A_484] : memref<4x2x8x128xf32, #tpu.memory_space<vmem>> -> memref<1x2x8x128xf32, #tpu.memory_space<vmem>>
          %scatter3A_486 = tpu.memref_squeeze %scatter3A_485 : memref<1x2x8x128xf32, #tpu.memory_space<vmem>> -> memref<2x8x128xf32, #tpu.memory_space<vmem>>
          tpu.vector_store_idx %scatter3A_486[%shift_right_arithmetic3A_352, %and3A_355, %add3A_470], %add3A_481 : memref<2x8x128xf32, #tpu.memory_space<vmem>>[vector<16xi32>, vector<16xi32>, vector<16xi32>], vector<16xf32>,
          %add3A_487 = arith.constant 112 : i32
          %add3A_488 = vector.broadcast %add3A_487 : i32 to vector<16xi32>
          %add3A_489 = arith.addi %add3A_488, %iota3A : vector<16xi32>
          %gather3A_490 = arith.constant 0 : i32
          %gather3A_491 = arith.constant 0 : i32
          %gather3A_492 = tpu.memref_slice %arg7[%scan3A_280, %gather3A_490, %gather3A_491] : memref<4x128x16xf32, #tpu.memory_space<vmem>> -> memref<1x128x16xf32, #tpu.memory_space<vmem>>
          %gather3A_493 = tpu.memref_squeeze %gather3A_492 : memref<1x128x16xf32, #tpu.memory_space<vmem>> -> memref<128x16xf32, #tpu.memory_space<vmem>>
          %gather3A_494 = tpu.vector_load_idx %gather3A_493[%add3A_489, %and3A_350] : memref<128x16xf32, #tpu.memory_space<vmem>>[vector<16xi32>, vector<16xi32>], vector<16xf32>,
          %gather3A_495 = arith.constant 0 : i32
          %gather3A_496 = arith.constant 0 : i32
          %gather3A_497 = tpu.memref_slice %arg8[%scan3A_281, %gather3A_495, %gather3A_496] : memref<4x128x16xf32, #tpu.memory_space<vmem>> -> memref<1x128x16xf32, #tpu.memory_space<vmem>>
          %gather3A_498 = tpu.memref_squeeze %gather3A_497 : memref<1x128x16xf32, #tpu.memory_space<vmem>> -> memref<128x16xf32, #tpu.memory_space<vmem>>
          %gather3A_499 = tpu.vector_load_idx %gather3A_498[%add3A_489, %and3A_350] : memref<128x16xf32, #tpu.memory_space<vmem>>[vector<16xi32>, vector<16xi32>], vector<16xf32>,
          %add3A_500 = arith.addf %gather3A_494, %gather3A_499 : vector<16xf32>
          %scatter3A_501 = arith.constant 0 : i32
          %scatter3A_502 = arith.constant 0 : i32
          %scatter3A_503 = arith.constant 0 : i32
          %scatter3A_504 = tpu.memref_slice %arg9[%scan3A_282, %scatter3A_501, %scatter3A_502, %scatter3A_503] : memref<4x2x8x128xf32, #tpu.memory_space<vmem>> -> memref<1x2x8x128xf32, #tpu.memory_space<vmem>>
          %scatter3A_505 = tpu.memref_squeeze %scatter3A_504 : memref<1x2x8x128xf32, #tpu.memory_space<vmem>> -> memref<2x8x128xf32, #tpu.memory_space<vmem>>
          tpu.vector_store_idx %scatter3A_505[%shift_right_arithmetic3A_352, %and3A_355, %add3A_489], %add3A_500 : memref<2x8x128xf32, #tpu.memory_space<vmem>>[vector<16xi32>, vector<16xi32>, vector<16xi32>], vector<16xf32>,
        }
        %scan3A_287 = arith.constant 16 : i32
        %add3A_288 = arith.addi %add3A_8, %add3A_206 : i32
        %dma_start3A = arith.constant 1 : i32
        %dma_start3A_289 = arith.constant 0 : i32
        %dma_start3A_290 = arith.constant 0 : i32
        %dma_start3A_291 = arith.constant 0 : i32
        %dma_start3A_292 = arith.constant 0 : i32
        %dma_start3A_293 = arith.constant 0 : i32
        %dma_start3A_294 = tpu.memref_slice %arg9[%dma_start3A, %dma_start3A_291, %dma_start3A_292, %dma_start3A_293] : memref<4x2x8x128xf32, #tpu.memory_space<vmem>> -> memref<1x2x8x128xf32, #tpu.memory_space<vmem>>
        %dma_start3A_295 = tpu.memref_squeeze %dma_start3A_294 : memref<1x2x8x128xf32, #tpu.memory_space<vmem>> -> memref<2x8x128xf32, #tpu.memory_space<vmem>>
        %dma_start3A_296 = arith.constant 0 : i32
        %dma_start3A_297 = arith.constant 0 : i32
        %dma_start3A_298 = tpu.memref_slice %dma_start3A_295[%dma_start3A_289, %dma_start3A_296, %dma_start3A_297] : memref<2x8x128xf32, #tpu.memory_space<vmem>> -> memref<1x8x128xf32, #tpu.memory_space<vmem>>
        %dma_start3A_299 = tpu.memref_squeeze %dma_start3A_298 : memref<1x8x128xf32, #tpu.memory_space<vmem>> -> memref<8x128xf32, #tpu.memory_space<vmem>>
        %dma_start3A_300 = arith.constant 0 : i32
        %dma_start3A_301 = arith.constant 0 : i32
        %dma_start3A_302 = tpu.memref_slice %arg5[%dma_start3A_290, %add3A_288, %dma_start3A_300, %dma_start3A_301] : memref<2x2500x8x128xf32, #tpu.memory_space<hbm>> -> memref<1x1x8x128xf32, #tpu.memory_space<hbm>>
        %dma_start3A_303 = tpu.memref_squeeze %dma_start3A_302 : memref<1x1x8x128xf32, #tpu.memory_space<hbm>> -> memref<8x128xf32, #tpu.memory_space<hbm>>
        %dma_start3A_304 = arith.constant 0 : i32
        %dma_start3A_305 = arith.constant 0 : i32
        %dma_start3A_306 = tpu.memref_slice %arg5[%dma_start3A_290, %add3A_288, %dma_start3A_304, %dma_start3A_305] : memref<2x2500x8x128xf32, #tpu.memory_space<hbm>> -> memref<1x1x8x128xf32, #tpu.memory_space<hbm>>
        %dma_start3A_307 = tpu.memref_squeeze %dma_start3A_306 : memref<1x1x8x128xf32, #tpu.memory_space<hbm>> -> memref<8x128xf32, #tpu.memory_space<hbm>>
        %dma_start3A_308 = arith.constant 0 : i32
        %dma_start3A_309 = arith.constant 0 : i32
        %dma_start3A_310 = arith.constant 0 : i32
        %dma_start3A_311 = tpu.memref_slice %arg9[%dma_start3A, %dma_start3A_308, %dma_start3A_309, %dma_start3A_310] : memref<4x2x8x128xf32, #tpu.memory_space<vmem>> -> memref<1x2x8x128xf32, #tpu.memory_space<vmem>>
        %dma_start3A_312 = tpu.memref_squeeze %dma_start3A_311 : memref<1x2x8x128xf32, #tpu.memory_space<vmem>> -> memref<2x8x128xf32, #tpu.memory_space<vmem>>
        %dma_start3A_313 = arith.constant 0 : i32
        %dma_start3A_314 = arith.constant 0 : i32
        %dma_start3A_315 = tpu.memref_slice %dma_start3A_312[%dma_start3A_289, %dma_start3A_313, %dma_start3A_314] : memref<2x8x128xf32, #tpu.memory_space<vmem>> -> memref<1x8x128xf32, #tpu.memory_space<vmem>>
        %dma_start3A_316 = tpu.memref_squeeze %dma_start3A_315 : memref<1x8x128xf32, #tpu.memory_space<vmem>> -> memref<8x128xf32, #tpu.memory_space<vmem>>
        tpu.enqueue_dma source(%dma_start3A_316 : memref<8x128xf32, #tpu.memory_space<vmem>>) target(%dma_start3A_307 : memref<8x128xf32, #tpu.memory_space<hbm>>) target_semaphore(%arg19 : memref<!tpu.dma_semaphore, #tpu.memory_space<semaphore_mem>>)
        %dma_start3A_317 = arith.constant 1 : i32
        %dma_start3A_318 = arith.constant 1 : i32
        %dma_start3A_319 = arith.constant 1 : i32
        %dma_start3A_320 = arith.constant 0 : i32
        %dma_start3A_321 = arith.constant 0 : i32
        %dma_start3A_322 = arith.constant 0 : i32
        %dma_start3A_323 = tpu.memref_slice %arg9[%dma_start3A_317, %dma_start3A_320, %dma_start3A_321, %dma_start3A_322] : memref<4x2x8x128xf32, #tpu.memory_space<vmem>> -> memref<1x2x8x128xf32, #tpu.memory_space<vmem>>
        %dma_start3A_324 = tpu.memref_squeeze %dma_start3A_323 : memref<1x2x8x128xf32, #tpu.memory_space<vmem>> -> memref<2x8x128xf32, #tpu.memory_space<vmem>>
        %dma_start3A_325 = arith.constant 0 : i32
        %dma_start3A_326 = arith.constant 0 : i32
        %dma_start3A_327 = tpu.memref_slice %dma_start3A_324[%dma_start3A_318, %dma_start3A_325, %dma_start3A_326] : memref<2x8x128xf32, #tpu.memory_space<vmem>> -> memref<1x8x128xf32, #tpu.memory_space<vmem>>
        %dma_start3A_328 = tpu.memref_squeeze %dma_start3A_327 : memref<1x8x128xf32, #tpu.memory_space<vmem>> -> memref<8x128xf32, #tpu.memory_space<vmem>>
        %dma_start3A_329 = arith.constant 0 : i32
        %dma_start3A_330 = arith.constant 0 : i32
        %dma_start3A_331 = tpu.memref_slice %arg5[%dma_start3A_319, %add3A_288, %dma_start3A_329, %dma_start3A_330] : memref<2x2500x8x128xf32, #tpu.memory_space<hbm>> -> memref<1x1x8x128xf32, #tpu.memory_space<hbm>>
        %dma_start3A_332 = tpu.memref_squeeze %dma_start3A_331 : memref<1x1x8x128xf32, #tpu.memory_space<hbm>> -> memref<8x128xf32, #tpu.memory_space<hbm>>
        %dma_start3A_333 = arith.constant 0 : i32
        %dma_start3A_334 = arith.constant 0 : i32
        %dma_start3A_335 = tpu.memref_slice %arg5[%dma_start3A_319, %add3A_288, %dma_start3A_333, %dma_start3A_334] : memref<2x2500x8x128xf32, #tpu.memory_space<hbm>> -> memref<1x1x8x128xf32, #tpu.memory_space<hbm>>
        %dma_start3A_336 = tpu.memref_squeeze %dma_start3A_335 : memref<1x1x8x128xf32, #tpu.memory_space<hbm>> -> memref<8x128xf32, #tpu.memory_space<hbm>>
        %dma_start3A_337 = arith.constant 0 : i32
        %dma_start3A_338 = arith.constant 0 : i32
        %dma_start3A_339 = arith.constant 0 : i32
        %dma_start3A_340 = tpu.memref_slice %arg9[%dma_start3A_317, %dma_start3A_337, %dma_start3A_338, %dma_start3A_339] : memref<4x2x8x128xf32, #tpu.memory_space<vmem>> -> memref<1x2x8x128xf32, #tpu.memory_space<vmem>>
        %dma_start3A_341 = tpu.memref_squeeze %dma_start3A_340 : memref<1x2x8x128xf32, #tpu.memory_space<vmem>> -> memref<2x8x128xf32, #tpu.memory_space<vmem>>
        %dma_start3A_342 = arith.constant 0 : i32
        %dma_start3A_343 = arith.constant 0 : i32
        %dma_start3A_344 = tpu.memref_slice %dma_start3A_341[%dma_start3A_318, %dma_start3A_342, %dma_start3A_343] : memref<2x8x128xf32, #tpu.memory_space<vmem>> -> memref<1x8x128xf32, #tpu.memory_space<vmem>>
        %dma_start3A_345 = tpu.memref_squeeze %dma_start3A_344 : memref<1x8x128xf32, #tpu.memory_space<vmem>> -> memref<8x128xf32, #tpu.memory_space<vmem>>
        tpu.enqueue_dma source(%dma_start3A_345 : memref<8x128xf32, #tpu.memory_space<vmem>>) target(%dma_start3A_336 : memref<8x128xf32, #tpu.memory_space<hbm>>) target_semaphore(%arg19 : memref<!tpu.dma_semaphore, #tpu.memory_space<semaphore_mem>>)
      } else {
      }
      %mul3A_217 = arith.constant 4 : i32
      %mul3A_218 = arith.muli %scan3A_188, %mul3A_217 : i32
      %add3A_219 = arith.constant 2 : i32
      %add3A_220 = arith.addi %mul3A_218, %add3A_219 : i32
      %add3A_221 = arith.constant 3 : i32
      %add3A_222 = arith.addi %add3A_220, %add3A_221 : i32
      %lt3A_223 = arith.cmpi slt, %add3A_222, %add3A_4 : i32
      %convert_element_type3A_224 = arith.extui %lt3A_223 : i1 to i32
      %cond3A_225 = arith.constant 0 : i32
      %cond3A_226 = arith.cmpi ne, %convert_element_type3A_224, %cond3A_225 : i32
      scf.if %cond3A_226 {
        %add3A_245 = arith.addi %sub3A, %add3A_222 : i32
        %dma_start3A = arith.constant 0 : i32
        %dma_start3A_246 = arith.constant 1 : i32
        %dma_start3A_247 = arith.constant 0 : i32
        %dma_start3A_248 = arith.constant 0 : i32
        %dma_start3A_249 = tpu.memref_slice %arg7[%dma_start3A_246, %dma_start3A_247, %dma_start3A_248] : memref<4x128x16xf32, #tpu.memory_space<vmem>> -> memref<1x128x16xf32, #tpu.memory_space<vmem>>
        %dma_start3A_250 = tpu.memref_squeeze %dma_start3A_249 : memref<1x128x16xf32, #tpu.memory_space<vmem>> -> memref<128x16xf32, #tpu.memory_space<vmem>>
        %dma_start3A_251 = arith.constant 0 : i32
        %dma_start3A_252 = tpu.memref_slice %arg6[%add3A_245, %dma_start3A, %dma_start3A_251] : memref<79x2x128xi32, #tpu.memory_space<vmem>> -> memref<1x1x128xi32, #tpu.memory_space<vmem>>
        %dma_start3A_253 = tpu.memref_squeeze %dma_start3A_252 : memref<1x1x128xi32, #tpu.memory_space<vmem>> -> memref<128xi32, #tpu.memory_space<vmem>>
        %dma_start3A_254 = arith.constant 0 : i32
        %dma_start3A_255 = arith.constant 0 : i32
        %dma_start3A_256 = tpu.memref_slice %arg2[%dma_start3A_254, %dma_start3A_255] : memref<10000x16xf32, #tpu.memory_space<hbm>> -> memref<10000x16xf32, #tpu.memory_space<hbm>>
        tpu.enqueue_indirect_dma source(%dma_start3A_256 : memref<10000x16xf32, #tpu.memory_space<hbm>>) target(%dma_start3A_250 : memref<128x16xf32, #tpu.memory_space<vmem>>) offsets(%dma_start3A_253 : memref<128xi32, #tpu.memory_space<vmem>>) semaphore(%arg11 : memref<!tpu.dma_semaphore, #tpu.memory_space<semaphore_mem>>)
        %add3A_257 = arith.addi %sub3A, %add3A_222 : i32
        %dma_start3A_258 = arith.constant 1 : i32
        %dma_start3A_259 = arith.constant 1 : i32
        %dma_start3A_260 = arith.constant 0 : i32
        %dma_start3A_261 = arith.constant 0 : i32
        %dma_start3A_262 = tpu.memref_slice %arg8[%dma_start3A_259, %dma_start3A_260, %dma_start3A_261] : memref<4x128x16xf32, #tpu.memory_space<vmem>> -> memref<1x128x16xf32, #tpu.memory_space<vmem>>
        %dma_start3A_263 = tpu.memref_squeeze %dma_start3A_262 : memref<1x128x16xf32, #tpu.memory_space<vmem>> -> memref<128x16xf32, #tpu.memory_space<vmem>>
        %dma_start3A_264 = arith.constant 0 : i32
        %dma_start3A_265 = tpu.memref_slice %arg6[%add3A_257, %dma_start3A_258, %dma_start3A_264] : memref<79x2x128xi32, #tpu.memory_space<vmem>> -> memref<1x1x128xi32, #tpu.memory_space<vmem>>
        %dma_start3A_266 = tpu.memref_squeeze %dma_start3A_265 : memref<1x1x128xi32, #tpu.memory_space<vmem>> -> memref<128xi32, #tpu.memory_space<vmem>>
        %dma_start3A_267 = arith.constant 0 : i32
        %dma_start3A_268 = arith.constant 0 : i32
        %dma_start3A_269 = tpu.memref_slice %arg3[%dma_start3A_267, %dma_start3A_268] : memref<10000x16xf32, #tpu.memory_space<hbm>> -> memref<10000x16xf32, #tpu.memory_space<hbm>>
        tpu.enqueue_indirect_dma source(%dma_start3A_269 : memref<10000x16xf32, #tpu.memory_space<hbm>>) target(%dma_start3A_263 : memref<128x16xf32, #tpu.memory_space<vmem>>) offsets(%dma_start3A_266 : memref<128xi32, #tpu.memory_space<vmem>>) semaphore(%arg15 : memref<!tpu.dma_semaphore, #tpu.memory_space<semaphore_mem>>)
      } else {
      }
      %lt3A_227 = arith.cmpi slt, %add3A_220, %add3A_4 : i32
      %convert_element_type3A_228 = arith.extui %lt3A_227 : i1 to i32
      %cond3A_229 = arith.constant 0 : i32
      %cond3A_230 = arith.cmpi ne, %convert_element_type3A_228, %cond3A_229 : i32
      scf.if %cond3A_230 {
        %dma_wait3A_245 = arith.constant 2 : i32
        %dma_wait3A_246 = arith.constant 0 : i32
        %dma_wait3A_247 = arith.constant 0 : i32
        %dma_wait3A_248 = tpu.memref_slice %arg7[%dma_wait3A_245, %dma_wait3A_246, %dma_wait3A_247] : memref<4x128x16xf32, #tpu.memory_space<vmem>> -> memref<1x128x16xf32, #tpu.memory_space<vmem>>
        %dma_wait3A_249 = tpu.memref_squeeze %dma_wait3A_248 : memref<1x128x16xf32, #tpu.memory_space<vmem>> -> memref<128x16xf32, #tpu.memory_space<vmem>>
        %dma_wait3A_250 = arith.constant 0 : i32
        %dma_wait3A_251 = arith.constant 0 : i32
        %dma_wait3A_252 = tpu.memref_slice %arg2[%dma_wait3A_250, %dma_wait3A_251] : memref<10000x16xf32, #tpu.memory_space<hbm>> -> memref<128x16xf32, #tpu.memory_space<hbm>>
        %dma_wait3A_253 = arith.constant 0 : i32
        %dma_wait3A_254 = arith.constant 0 : i32
        %dma_wait3A_255 = tpu.memref_slice %arg7[%dma_wait3A_245, %dma_wait3A_253, %dma_wait3A_254] : memref<4x128x16xf32, #tpu.memory_space<vmem>> -> memref<1x128x16xf32, #tpu.memory_space<vmem>>
        %dma_wait3A_256 = tpu.memref_squeeze %dma_wait3A_255 : memref<1x128x16xf32, #tpu.memory_space<vmem>> -> memref<128x16xf32, #tpu.memory_space<vmem>>
        %dma_wait3A_257 = arith.constant 0 : i32
        %dma_wait3A_258 = arith.constant 0 : i32
        %dma_wait3A_259 = tpu.memref_slice %arg2[%dma_wait3A_257, %dma_wait3A_258] : memref<10000x16xf32, #tpu.memory_space<hbm>> -> memref<128x16xf32, #tpu.memory_space<hbm>>
        tpu.wait_dma2 semaphore(%arg12 : memref<!tpu.dma_semaphore, #tpu.memory_space<semaphore_mem>>) src(%dma_wait3A_259 : memref<128x16xf32, #tpu.memory_space<hbm>>) dst(%dma_wait3A_256 : memref<128x16xf32, #tpu.memory_space<vmem>>)
        %dma_wait3A_260 = arith.constant 2 : i32
        %dma_wait3A_261 = arith.constant 0 : i32
        %dma_wait3A_262 = arith.constant 0 : i32
        %dma_wait3A_263 = tpu.memref_slice %arg8[%dma_wait3A_260, %dma_wait3A_261, %dma_wait3A_262] : memref<4x128x16xf32, #tpu.memory_space<vmem>> -> memref<1x128x16xf32, #tpu.memory_space<vmem>>
        %dma_wait3A_264 = tpu.memref_squeeze %dma_wait3A_263 : memref<1x128x16xf32, #tpu.memory_space<vmem>> -> memref<128x16xf32, #tpu.memory_space<vmem>>
        %dma_wait3A_265 = arith.constant 0 : i32
        %dma_wait3A_266 = arith.constant 0 : i32
        %dma_wait3A_267 = tpu.memref_slice %arg3[%dma_wait3A_265, %dma_wait3A_266] : memref<10000x16xf32, #tpu.memory_space<hbm>> -> memref<128x16xf32, #tpu.memory_space<hbm>>
        %dma_wait3A_268 = arith.constant 0 : i32
        %dma_wait3A_269 = arith.constant 0 : i32
        %dma_wait3A_270 = tpu.memref_slice %arg8[%dma_wait3A_260, %dma_wait3A_268, %dma_wait3A_269] : memref<4x128x16xf32, #tpu.memory_space<vmem>> -> memref<1x128x16xf32, #tpu.memory_space<vmem>>
        %dma_wait3A_271 = tpu.memref_squeeze %dma_wait3A_270 : memref<1x128x16xf32, #tpu.memory_space<vmem>> -> memref<128x16xf32, #tpu.memory_space<vmem>>
        %dma_wait3A_272 = arith.constant 0 : i32
        %dma_wait3A_273 = arith.constant 0 : i32
        %dma_wait3A_274 = tpu.memref_slice %arg3[%dma_wait3A_272, %dma_wait3A_273] : memref<10000x16xf32, #tpu.memory_space<hbm>> -> memref<128x16xf32, #tpu.memory_space<hbm>>
        tpu.wait_dma2 semaphore(%arg16 : memref<!tpu.dma_semaphore, #tpu.memory_space<semaphore_mem>>) src(%dma_wait3A_274 : memref<128x16xf32, #tpu.memory_space<hbm>>) dst(%dma_wait3A_271 : memref<128x16xf32, #tpu.memory_space<vmem>>)
        %ge3A = arith.constant 4 : i32
        %ge3A_275 = arith.cmpi sge, %add3A_220, %ge3A : i32
        %convert_element_type3A_276 = arith.extui %ge3A_275 : i1 to i32
        %cond3A_277 = arith.constant 0 : i32
        %cond3A_278 = arith.cmpi ne, %convert_element_type3A_276, %cond3A_277 : i32
        scf.if %cond3A_278 {
          %dma_wait3A_346 = arith.constant 2 : i32
          %dma_wait3A_347 = arith.constant 0 : i32
          %dma_wait3A_348 = arith.constant 0 : i32
          %dma_wait3A_349 = arith.constant 0 : i32
          %dma_wait3A_350 = arith.constant 0 : i32
          %dma_wait3A_351 = arith.constant 0 : i32
          %dma_wait3A_352 = tpu.memref_slice %arg9[%dma_wait3A_346, %dma_wait3A_347, %dma_wait3A_350, %dma_wait3A_351] : memref<4x2x8x128xf32, #tpu.memory_space<vmem>> -> memref<1x1x8x128xf32, #tpu.memory_space<vmem>>
          %dma_wait3A_353 = tpu.memref_squeeze %dma_wait3A_352 : memref<1x1x8x128xf32, #tpu.memory_space<vmem>> -> memref<8x128xf32, #tpu.memory_space<vmem>>
          %dma_wait3A_354 = arith.constant 0 : i32
          %dma_wait3A_355 = arith.constant 0 : i32
          %dma_wait3A_356 = tpu.memref_slice %arg5[%dma_wait3A_348, %dma_wait3A_349, %dma_wait3A_354, %dma_wait3A_355] : memref<2x2500x8x128xf32, #tpu.memory_space<hbm>> -> memref<1x1x8x128xf32, #tpu.memory_space<hbm>>
          %dma_wait3A_357 = tpu.memref_squeeze %dma_wait3A_356 : memref<1x1x8x128xf32, #tpu.memory_space<hbm>> -> memref<8x128xf32, #tpu.memory_space<hbm>>
          %dma_wait3A_358 = arith.constant 0 : i32
          %dma_wait3A_359 = arith.constant 0 : i32
          %dma_wait3A_360 = tpu.memref_slice %arg5[%dma_wait3A_348, %dma_wait3A_349, %dma_wait3A_358, %dma_wait3A_359] : memref<2x2500x8x128xf32, #tpu.memory_space<hbm>> -> memref<1x1x8x128xf32, #tpu.memory_space<hbm>>
          %dma_wait3A_361 = tpu.memref_squeeze %dma_wait3A_360 : memref<1x1x8x128xf32, #tpu.memory_space<hbm>> -> memref<8x128xf32, #tpu.memory_space<hbm>>
          %dma_wait3A_362 = arith.constant 0 : i32
          %dma_wait3A_363 = arith.constant 0 : i32
          %dma_wait3A_364 = tpu.memref_slice %arg9[%dma_wait3A_346, %dma_wait3A_347, %dma_wait3A_362, %dma_wait3A_363] : memref<4x2x8x128xf32, #tpu.memory_space<vmem>> -> memref<1x1x8x128xf32, #tpu.memory_space<vmem>>
          %dma_wait3A_365 = tpu.memref_squeeze %dma_wait3A_364 : memref<1x1x8x128xf32, #tpu.memory_space<vmem>> -> memref<8x128xf32, #tpu.memory_space<vmem>>
          tpu.wait_dma2 semaphore(%arg20 : memref<!tpu.dma_semaphore, #tpu.memory_space<semaphore_mem>>) src(%dma_wait3A_365 : memref<8x128xf32, #tpu.memory_space<vmem>>) dst(%dma_wait3A_361 : memref<8x128xf32, #tpu.memory_space<hbm>>)
          %dma_wait3A_366 = arith.constant 2 : i32
          %dma_wait3A_367 = arith.constant 1 : i32
          %dma_wait3A_368 = arith.constant 1 : i32
          %dma_wait3A_369 = arith.constant 0 : i32
          %dma_wait3A_370 = arith.constant 0 : i32
          %dma_wait3A_371 = arith.constant 0 : i32
          %dma_wait3A_372 = tpu.memref_slice %arg9[%dma_wait3A_366, %dma_wait3A_367, %dma_wait3A_370, %dma_wait3A_371] : memref<4x2x8x128xf32, #tpu.memory_space<vmem>> -> memref<1x1x8x128xf32, #tpu.memory_space<vmem>>
          %dma_wait3A_373 = tpu.memref_squeeze %dma_wait3A_372 : memref<1x1x8x128xf32, #tpu.memory_space<vmem>> -> memref<8x128xf32, #tpu.memory_space<vmem>>
          %dma_wait3A_374 = arith.constant 0 : i32
          %dma_wait3A_375 = arith.constant 0 : i32
          %dma_wait3A_376 = tpu.memref_slice %arg5[%dma_wait3A_368, %dma_wait3A_369, %dma_wait3A_374, %dma_wait3A_375] : memref<2x2500x8x128xf32, #tpu.memory_space<hbm>> -> memref<1x1x8x128xf32, #tpu.memory_space<hbm>>
          %dma_wait3A_377 = tpu.memref_squeeze %dma_wait3A_376 : memref<1x1x8x128xf32, #tpu.memory_space<hbm>> -> memref<8x128xf32, #tpu.memory_space<hbm>>
          %dma_wait3A_378 = arith.constant 0 : i32
          %dma_wait3A_379 = arith.constant 0 : i32
          %dma_wait3A_380 = tpu.memref_slice %arg5[%dma_wait3A_368, %dma_wait3A_369, %dma_wait3A_378, %dma_wait3A_379] : memref<2x2500x8x128xf32, #tpu.memory_space<hbm>> -> memref<1x1x8x128xf32, #tpu.memory_space<hbm>>
          %dma_wait3A_381 = tpu.memref_squeeze %dma_wait3A_380 : memref<1x1x8x128xf32, #tpu.memory_space<hbm>> -> memref<8x128xf32, #tpu.memory_space<hbm>>
          %dma_wait3A_382 = arith.constant 0 : i32
          %dma_wait3A_383 = arith.constant 0 : i32
          %dma_wait3A_384 = tpu.memref_slice %arg9[%dma_wait3A_366, %dma_wait3A_367, %dma_wait3A_382, %dma_wait3A_383] : memref<4x2x8x128xf32, #tpu.memory_space<vmem>> -> memref<1x1x8x128xf32, #tpu.memory_space<vmem>>
          %dma_wait3A_385 = tpu.memref_squeeze %dma_wait3A_384 : memref<1x1x8x128xf32, #tpu.memory_space<vmem>> -> memref<8x128xf32, #tpu.memory_space<vmem>>
          tpu.wait_dma2 semaphore(%arg20 : memref<!tpu.dma_semaphore, #tpu.memory_space<semaphore_mem>>) src(%dma_wait3A_385 : memref<8x128xf32, #tpu.memory_space<vmem>>) dst(%dma_wait3A_381 : memref<8x128xf32, #tpu.memory_space<hbm>>)
        } else {
        }
        %scan3A_279 = arith.constant 0 : i32
        %scan3A_280 = arith.constant 2 : i32
        %scan3A_281 = arith.constant 2 : i32
        %scan3A_282 = arith.constant 2 : i32
        %scan3A_283 = arith.constant 0 : i32
        %scan3A_284 = arith.constant 16 : i32
        %scan3A_285 = arith.addi %scan3A_283, %scan3A_284 : i32
        %scan3A_286 = arith.constant 1 : i32
        scf.for %scan3A_346 = %scan3A_283 to %scan3A_285 step %scan3A_286  : i32 {
          %add3A_347 = vector.broadcast %scan3A_346 : i32 to vector<16xi32>
          %add3A_348 = arith.addi %iota3A, %add3A_347 : vector<16xi32>
          %and3A = arith.constant 15 : i32
          %and3A_349 = vector.broadcast %and3A : i32 to vector<16xi32>
          %and3A_350 = arith.andi %add3A_348, %and3A_349 : vector<16xi32>
          %shift_right_arithmetic3A = arith.constant 3 : i32
          %shift_right_arithmetic3A_351 = vector.broadcast %shift_right_arithmetic3A : i32 to vector<16xi32>
          %shift_right_arithmetic3A_352 = arith.shrsi %and3A_350, %shift_right_arithmetic3A_351 : vector<16xi32>
          %and3A_353 = arith.constant 7 : i32
          %and3A_354 = vector.broadcast %and3A_353 : i32 to vector<16xi32>
          %and3A_355 = arith.andi %and3A_350, %and3A_354 : vector<16xi32>
          %add3A_356 = arith.constant 0 : i32
          %add3A_357 = vector.broadcast %add3A_356 : i32 to vector<16xi32>
          %add3A_358 = arith.addi %add3A_357, %iota3A : vector<16xi32>
          %gather3A = arith.constant 0 : i32
          %gather3A_359 = arith.constant 0 : i32
          %gather3A_360 = tpu.memref_slice %arg7[%scan3A_280, %gather3A, %gather3A_359] : memref<4x128x16xf32, #tpu.memory_space<vmem>> -> memref<1x128x16xf32, #tpu.memory_space<vmem>>
          %gather3A_361 = tpu.memref_squeeze %gather3A_360 : memref<1x128x16xf32, #tpu.memory_space<vmem>> -> memref<128x16xf32, #tpu.memory_space<vmem>>
          %gather3A_362 = tpu.vector_load_idx %gather3A_361[%add3A_358, %and3A_350] : memref<128x16xf32, #tpu.memory_space<vmem>>[vector<16xi32>, vector<16xi32>], vector<16xf32>,
          %gather3A_363 = arith.constant 0 : i32
          %gather3A_364 = arith.constant 0 : i32
          %gather3A_365 = tpu.memref_slice %arg8[%scan3A_281, %gather3A_363, %gather3A_364] : memref<4x128x16xf32, #tpu.memory_space<vmem>> -> memref<1x128x16xf32, #tpu.memory_space<vmem>>
          %gather3A_366 = tpu.memref_squeeze %gather3A_365 : memref<1x128x16xf32, #tpu.memory_space<vmem>> -> memref<128x16xf32, #tpu.memory_space<vmem>>
          %gather3A_367 = tpu.vector_load_idx %gather3A_366[%add3A_358, %and3A_350] : memref<128x16xf32, #tpu.memory_space<vmem>>[vector<16xi32>, vector<16xi32>], vector<16xf32>,
          %add3A_368 = arith.addf %gather3A_362, %gather3A_367 : vector<16xf32>
          %scatter3A = arith.constant 0 : i32
          %scatter3A_369 = arith.constant 0 : i32
          %scatter3A_370 = arith.constant 0 : i32
          %scatter3A_371 = tpu.memref_slice %arg9[%scan3A_282, %scatter3A, %scatter3A_369, %scatter3A_370] : memref<4x2x8x128xf32, #tpu.memory_space<vmem>> -> memref<1x2x8x128xf32, #tpu.memory_space<vmem>>
          %scatter3A_372 = tpu.memref_squeeze %scatter3A_371 : memref<1x2x8x128xf32, #tpu.memory_space<vmem>> -> memref<2x8x128xf32, #tpu.memory_space<vmem>>
          tpu.vector_store_idx %scatter3A_372[%shift_right_arithmetic3A_352, %and3A_355, %add3A_358], %add3A_368 : memref<2x8x128xf32, #tpu.memory_space<vmem>>[vector<16xi32>, vector<16xi32>, vector<16xi32>], vector<16xf32>,
          %add3A_373 = arith.constant 16 : i32
          %add3A_374 = vector.broadcast %add3A_373 : i32 to vector<16xi32>
          %add3A_375 = arith.addi %add3A_374, %iota3A : vector<16xi32>
          %gather3A_376 = arith.constant 0 : i32
          %gather3A_377 = arith.constant 0 : i32
          %gather3A_378 = tpu.memref_slice %arg7[%scan3A_280, %gather3A_376, %gather3A_377] : memref<4x128x16xf32, #tpu.memory_space<vmem>> -> memref<1x128x16xf32, #tpu.memory_space<vmem>>
          %gather3A_379 = tpu.memref_squeeze %gather3A_378 : memref<1x128x16xf32, #tpu.memory_space<vmem>> -> memref<128x16xf32, #tpu.memory_space<vmem>>
          %gather3A_380 = tpu.vector_load_idx %gather3A_379[%add3A_375, %and3A_350] : memref<128x16xf32, #tpu.memory_space<vmem>>[vector<16xi32>, vector<16xi32>], vector<16xf32>,
          %gather3A_381 = arith.constant 0 : i32
          %gather3A_382 = arith.constant 0 : i32
          %gather3A_383 = tpu.memref_slice %arg8[%scan3A_281, %gather3A_381, %gather3A_382] : memref<4x128x16xf32, #tpu.memory_space<vmem>> -> memref<1x128x16xf32, #tpu.memory_space<vmem>>
          %gather3A_384 = tpu.memref_squeeze %gather3A_383 : memref<1x128x16xf32, #tpu.memory_space<vmem>> -> memref<128x16xf32, #tpu.memory_space<vmem>>
          %gather3A_385 = tpu.vector_load_idx %gather3A_384[%add3A_375, %and3A_350] : memref<128x16xf32, #tpu.memory_space<vmem>>[vector<16xi32>, vector<16xi32>], vector<16xf32>,
          %add3A_386 = arith.addf %gather3A_380, %gather3A_385 : vector<16xf32>
          %scatter3A_387 = arith.constant 0 : i32
          %scatter3A_388 = arith.constant 0 : i32
          %scatter3A_389 = arith.constant 0 : i32
          %scatter3A_390 = tpu.memref_slice %arg9[%scan3A_282, %scatter3A_387, %scatter3A_388, %scatter3A_389] : memref<4x2x8x128xf32, #tpu.memory_space<vmem>> -> memref<1x2x8x128xf32, #tpu.memory_space<vmem>>
          %scatter3A_391 = tpu.memref_squeeze %scatter3A_390 : memref<1x2x8x128xf32, #tpu.memory_space<vmem>> -> memref<2x8x128xf32, #tpu.memory_space<vmem>>
          tpu.vector_store_idx %scatter3A_391[%shift_right_arithmetic3A_352, %and3A_355, %add3A_375], %add3A_386 : memref<2x8x128xf32, #tpu.memory_space<vmem>>[vector<16xi32>, vector<16xi32>, vector<16xi32>], vector<16xf32>,
          %add3A_392 = arith.constant 32 : i32
          %add3A_393 = vector.broadcast %add3A_392 : i32 to vector<16xi32>
          %add3A_394 = arith.addi %add3A_393, %iota3A : vector<16xi32>
          %gather3A_395 = arith.constant 0 : i32
          %gather3A_396 = arith.constant 0 : i32
          %gather3A_397 = tpu.memref_slice %arg7[%scan3A_280, %gather3A_395, %gather3A_396] : memref<4x128x16xf32, #tpu.memory_space<vmem>> -> memref<1x128x16xf32, #tpu.memory_space<vmem>>
          %gather3A_398 = tpu.memref_squeeze %gather3A_397 : memref<1x128x16xf32, #tpu.memory_space<vmem>> -> memref<128x16xf32, #tpu.memory_space<vmem>>
          %gather3A_399 = tpu.vector_load_idx %gather3A_398[%add3A_394, %and3A_350] : memref<128x16xf32, #tpu.memory_space<vmem>>[vector<16xi32>, vector<16xi32>], vector<16xf32>,
          %gather3A_400 = arith.constant 0 : i32
          %gather3A_401 = arith.constant 0 : i32
          %gather3A_402 = tpu.memref_slice %arg8[%scan3A_281, %gather3A_400, %gather3A_401] : memref<4x128x16xf32, #tpu.memory_space<vmem>> -> memref<1x128x16xf32, #tpu.memory_space<vmem>>
          %gather3A_403 = tpu.memref_squeeze %gather3A_402 : memref<1x128x16xf32, #tpu.memory_space<vmem>> -> memref<128x16xf32, #tpu.memory_space<vmem>>
          %gather3A_404 = tpu.vector_load_idx %gather3A_403[%add3A_394, %and3A_350] : memref<128x16xf32, #tpu.memory_space<vmem>>[vector<16xi32>, vector<16xi32>], vector<16xf32>,
          %add3A_405 = arith.addf %gather3A_399, %gather3A_404 : vector<16xf32>
          %scatter3A_406 = arith.constant 0 : i32
          %scatter3A_407 = arith.constant 0 : i32
          %scatter3A_408 = arith.constant 0 : i32
          %scatter3A_409 = tpu.memref_slice %arg9[%scan3A_282, %scatter3A_406, %scatter3A_407, %scatter3A_408] : memref<4x2x8x128xf32, #tpu.memory_space<vmem>> -> memref<1x2x8x128xf32, #tpu.memory_space<vmem>>
          %scatter3A_410 = tpu.memref_squeeze %scatter3A_409 : memref<1x2x8x128xf32, #tpu.memory_space<vmem>> -> memref<2x8x128xf32, #tpu.memory_space<vmem>>
          tpu.vector_store_idx %scatter3A_410[%shift_right_arithmetic3A_352, %and3A_355, %add3A_394], %add3A_405 : memref<2x8x128xf32, #tpu.memory_space<vmem>>[vector<16xi32>, vector<16xi32>, vector<16xi32>], vector<16xf32>,
          %add3A_411 = arith.constant 48 : i32
          %add3A_412 = vector.broadcast %add3A_411 : i32 to vector<16xi32>
          %add3A_413 = arith.addi %add3A_412, %iota3A : vector<16xi32>
          %gather3A_414 = arith.constant 0 : i32
          %gather3A_415 = arith.constant 0 : i32
          %gather3A_416 = tpu.memref_slice %arg7[%scan3A_280, %gather3A_414, %gather3A_415] : memref<4x128x16xf32, #tpu.memory_space<vmem>> -> memref<1x128x16xf32, #tpu.memory_space<vmem>>
          %gather3A_417 = tpu.memref_squeeze %gather3A_416 : memref<1x128x16xf32, #tpu.memory_space<vmem>> -> memref<128x16xf32, #tpu.memory_space<vmem>>
          %gather3A_418 = tpu.vector_load_idx %gather3A_417[%add3A_413, %and3A_350] : memref<128x16xf32, #tpu.memory_space<vmem>>[vector<16xi32>, vector<16xi32>], vector<16xf32>,
          %gather3A_419 = arith.constant 0 : i32
          %gather3A_420 = arith.constant 0 : i32
          %gather3A_421 = tpu.memref_slice %arg8[%scan3A_281, %gather3A_419, %gather3A_420] : memref<4x128x16xf32, #tpu.memory_space<vmem>> -> memref<1x128x16xf32, #tpu.memory_space<vmem>>
          %gather3A_422 = tpu.memref_squeeze %gather3A_421 : memref<1x128x16xf32, #tpu.memory_space<vmem>> -> memref<128x16xf32, #tpu.memory_space<vmem>>
          %gather3A_423 = tpu.vector_load_idx %gather3A_422[%add3A_413, %and3A_350] : memref<128x16xf32, #tpu.memory_space<vmem>>[vector<16xi32>, vector<16xi32>], vector<16xf32>,
          %add3A_424 = arith.addf %gather3A_418, %gather3A_423 : vector<16xf32>
          %scatter3A_425 = arith.constant 0 : i32
          %scatter3A_426 = arith.constant 0 : i32
          %scatter3A_427 = arith.constant 0 : i32
          %scatter3A_428 = tpu.memref_slice %arg9[%scan3A_282, %scatter3A_425, %scatter3A_426, %scatter3A_427] : memref<4x2x8x128xf32, #tpu.memory_space<vmem>> -> memref<1x2x8x128xf32, #tpu.memory_space<vmem>>
          %scatter3A_429 = tpu.memref_squeeze %scatter3A_428 : memref<1x2x8x128xf32, #tpu.memory_space<vmem>> -> memref<2x8x128xf32, #tpu.memory_space<vmem>>
          tpu.vector_store_idx %scatter3A_429[%shift_right_arithmetic3A_352, %and3A_355, %add3A_413], %add3A_424 : memref<2x8x128xf32, #tpu.memory_space<vmem>>[vector<16xi32>, vector<16xi32>, vector<16xi32>], vector<16xf32>,
          %add3A_430 = arith.constant 64 : i32
          %add3A_431 = vector.broadcast %add3A_430 : i32 to vector<16xi32>
          %add3A_432 = arith.addi %add3A_431, %iota3A : vector<16xi32>
          %gather3A_433 = arith.constant 0 : i32
          %gather3A_434 = arith.constant 0 : i32
          %gather3A_435 = tpu.memref_slice %arg7[%scan3A_280, %gather3A_433, %gather3A_434] : memref<4x128x16xf32, #tpu.memory_space<vmem>> -> memref<1x128x16xf32, #tpu.memory_space<vmem>>
          %gather3A_436 = tpu.memref_squeeze %gather3A_435 : memref<1x128x16xf32, #tpu.memory_space<vmem>> -> memref<128x16xf32, #tpu.memory_space<vmem>>
          %gather3A_437 = tpu.vector_load_idx %gather3A_436[%add3A_432, %and3A_350] : memref<128x16xf32, #tpu.memory_space<vmem>>[vector<16xi32>, vector<16xi32>], vector<16xf32>,
          %gather3A_438 = arith.constant 0 : i32
          %gather3A_439 = arith.constant 0 : i32
          %gather3A_440 = tpu.memref_slice %arg8[%scan3A_281, %gather3A_438, %gather3A_439] : memref<4x128x16xf32, #tpu.memory_space<vmem>> -> memref<1x128x16xf32, #tpu.memory_space<vmem>>
          %gather3A_441 = tpu.memref_squeeze %gather3A_440 : memref<1x128x16xf32, #tpu.memory_space<vmem>> -> memref<128x16xf32, #tpu.memory_space<vmem>>
          %gather3A_442 = tpu.vector_load_idx %gather3A_441[%add3A_432, %and3A_350] : memref<128x16xf32, #tpu.memory_space<vmem>>[vector<16xi32>, vector<16xi32>], vector<16xf32>,
          %add3A_443 = arith.addf %gather3A_437, %gather3A_442 : vector<16xf32>
          %scatter3A_444 = arith.constant 0 : i32
          %scatter3A_445 = arith.constant 0 : i32
          %scatter3A_446 = arith.constant 0 : i32
          %scatter3A_447 = tpu.memref_slice %arg9[%scan3A_282, %scatter3A_444, %scatter3A_445, %scatter3A_446] : memref<4x2x8x128xf32, #tpu.memory_space<vmem>> -> memref<1x2x8x128xf32, #tpu.memory_space<vmem>>
          %scatter3A_448 = tpu.memref_squeeze %scatter3A_447 : memref<1x2x8x128xf32, #tpu.memory_space<vmem>> -> memref<2x8x128xf32, #tpu.memory_space<vmem>>
          tpu.vector_store_idx %scatter3A_448[%shift_right_arithmetic3A_352, %and3A_355, %add3A_432], %add3A_443 : memref<2x8x128xf32, #tpu.memory_space<vmem>>[vector<16xi32>, vector<16xi32>, vector<16xi32>], vector<16xf32>,
          %add3A_449 = arith.constant 80 : i32
          %add3A_450 = vector.broadcast %add3A_449 : i32 to vector<16xi32>
          %add3A_451 = arith.addi %add3A_450, %iota3A : vector<16xi32>
          %gather3A_452 = arith.constant 0 : i32
          %gather3A_453 = arith.constant 0 : i32
          %gather3A_454 = tpu.memref_slice %arg7[%scan3A_280, %gather3A_452, %gather3A_453] : memref<4x128x16xf32, #tpu.memory_space<vmem>> -> memref<1x128x16xf32, #tpu.memory_space<vmem>>
          %gather3A_455 = tpu.memref_squeeze %gather3A_454 : memref<1x128x16xf32, #tpu.memory_space<vmem>> -> memref<128x16xf32, #tpu.memory_space<vmem>>
          %gather3A_456 = tpu.vector_load_idx %gather3A_455[%add3A_451, %and3A_350] : memref<128x16xf32, #tpu.memory_space<vmem>>[vector<16xi32>, vector<16xi32>], vector<16xf32>,
          %gather3A_457 = arith.constant 0 : i32
          %gather3A_458 = arith.constant 0 : i32
          %gather3A_459 = tpu.memref_slice %arg8[%scan3A_281, %gather3A_457, %gather3A_458] : memref<4x128x16xf32, #tpu.memory_space<vmem>> -> memref<1x128x16xf32, #tpu.memory_space<vmem>>
          %gather3A_460 = tpu.memref_squeeze %gather3A_459 : memref<1x128x16xf32, #tpu.memory_space<vmem>> -> memref<128x16xf32, #tpu.memory_space<vmem>>
          %gather3A_461 = tpu.vector_load_idx %gather3A_460[%add3A_451, %and3A_350] : memref<128x16xf32, #tpu.memory_space<vmem>>[vector<16xi32>, vector<16xi32>], vector<16xf32>,
          %add3A_462 = arith.addf %gather3A_456, %gather3A_461 : vector<16xf32>
          %scatter3A_463 = arith.constant 0 : i32
          %scatter3A_464 = arith.constant 0 : i32
          %scatter3A_465 = arith.constant 0 : i32
          %scatter3A_466 = tpu.memref_slice %arg9[%scan3A_282, %scatter3A_463, %scatter3A_464, %scatter3A_465] : memref<4x2x8x128xf32, #tpu.memory_space<vmem>> -> memref<1x2x8x128xf32, #tpu.memory_space<vmem>>
          %scatter3A_467 = tpu.memref_squeeze %scatter3A_466 : memref<1x2x8x128xf32, #tpu.memory_space<vmem>> -> memref<2x8x128xf32, #tpu.memory_space<vmem>>
          tpu.vector_store_idx %scatter3A_467[%shift_right_arithmetic3A_352, %and3A_355, %add3A_451], %add3A_462 : memref<2x8x128xf32, #tpu.memory_space<vmem>>[vector<16xi32>, vector<16xi32>, vector<16xi32>], vector<16xf32>,
          %add3A_468 = arith.constant 96 : i32
          %add3A_469 = vector.broadcast %add3A_468 : i32 to vector<16xi32>
          %add3A_470 = arith.addi %add3A_469, %iota3A : vector<16xi32>
          %gather3A_471 = arith.constant 0 : i32
          %gather3A_472 = arith.constant 0 : i32
          %gather3A_473 = tpu.memref_slice %arg7[%scan3A_280, %gather3A_471, %gather3A_472] : memref<4x128x16xf32, #tpu.memory_space<vmem>> -> memref<1x128x16xf32, #tpu.memory_space<vmem>>
          %gather3A_474 = tpu.memref_squeeze %gather3A_473 : memref<1x128x16xf32, #tpu.memory_space<vmem>> -> memref<128x16xf32, #tpu.memory_space<vmem>>
          %gather3A_475 = tpu.vector_load_idx %gather3A_474[%add3A_470, %and3A_350] : memref<128x16xf32, #tpu.memory_space<vmem>>[vector<16xi32>, vector<16xi32>], vector<16xf32>,
          %gather3A_476 = arith.constant 0 : i32
          %gather3A_477 = arith.constant 0 : i32
          %gather3A_478 = tpu.memref_slice %arg8[%scan3A_281, %gather3A_476, %gather3A_477] : memref<4x128x16xf32, #tpu.memory_space<vmem>> -> memref<1x128x16xf32, #tpu.memory_space<vmem>>
          %gather3A_479 = tpu.memref_squeeze %gather3A_478 : memref<1x128x16xf32, #tpu.memory_space<vmem>> -> memref<128x16xf32, #tpu.memory_space<vmem>>
          %gather3A_480 = tpu.vector_load_idx %gather3A_479[%add3A_470, %and3A_350] : memref<128x16xf32, #tpu.memory_space<vmem>>[vector<16xi32>, vector<16xi32>], vector<16xf32>,
          %add3A_481 = arith.addf %gather3A_475, %gather3A_480 : vector<16xf32>
          %scatter3A_482 = arith.constant 0 : i32
          %scatter3A_483 = arith.constant 0 : i32
          %scatter3A_484 = arith.constant 0 : i32
          %scatter3A_485 = tpu.memref_slice %arg9[%scan3A_282, %scatter3A_482, %scatter3A_483, %scatter3A_484] : memref<4x2x8x128xf32, #tpu.memory_space<vmem>> -> memref<1x2x8x128xf32, #tpu.memory_space<vmem>>
          %scatter3A_486 = tpu.memref_squeeze %scatter3A_485 : memref<1x2x8x128xf32, #tpu.memory_space<vmem>> -> memref<2x8x128xf32, #tpu.memory_space<vmem>>
          tpu.vector_store_idx %scatter3A_486[%shift_right_arithmetic3A_352, %and3A_355, %add3A_470], %add3A_481 : memref<2x8x128xf32, #tpu.memory_space<vmem>>[vector<16xi32>, vector<16xi32>, vector<16xi32>], vector<16xf32>,
          %add3A_487 = arith.constant 112 : i32
          %add3A_488 = vector.broadcast %add3A_487 : i32 to vector<16xi32>
          %add3A_489 = arith.addi %add3A_488, %iota3A : vector<16xi32>
          %gather3A_490 = arith.constant 0 : i32
          %gather3A_491 = arith.constant 0 : i32
          %gather3A_492 = tpu.memref_slice %arg7[%scan3A_280, %gather3A_490, %gather3A_491] : memref<4x128x16xf32, #tpu.memory_space<vmem>> -> memref<1x128x16xf32, #tpu.memory_space<vmem>>
          %gather3A_493 = tpu.memref_squeeze %gather3A_492 : memref<1x128x16xf32, #tpu.memory_space<vmem>> -> memref<128x16xf32, #tpu.memory_space<vmem>>
          %gather3A_494 = tpu.vector_load_idx %gather3A_493[%add3A_489, %and3A_350] : memref<128x16xf32, #tpu.memory_space<vmem>>[vector<16xi32>, vector<16xi32>], vector<16xf32>,
          %gather3A_495 = arith.constant 0 : i32
          %gather3A_496 = arith.constant 0 : i32
          %gather3A_497 = tpu.memref_slice %arg8[%scan3A_281, %gather3A_495, %gather3A_496] : memref<4x128x16xf32, #tpu.memory_space<vmem>> -> memref<1x128x16xf32, #tpu.memory_space<vmem>>
          %gather3A_498 = tpu.memref_squeeze %gather3A_497 : memref<1x128x16xf32, #tpu.memory_space<vmem>> -> memref<128x16xf32, #tpu.memory_space<vmem>>
          %gather3A_499 = tpu.vector_load_idx %gather3A_498[%add3A_489, %and3A_350] : memref<128x16xf32, #tpu.memory_space<vmem>>[vector<16xi32>, vector<16xi32>], vector<16xf32>,
          %add3A_500 = arith.addf %gather3A_494, %gather3A_499 : vector<16xf32>
          %scatter3A_501 = arith.constant 0 : i32
          %scatter3A_502 = arith.constant 0 : i32
          %scatter3A_503 = arith.constant 0 : i32
          %scatter3A_504 = tpu.memref_slice %arg9[%scan3A_282, %scatter3A_501, %scatter3A_502, %scatter3A_503] : memref<4x2x8x128xf32, #tpu.memory_space<vmem>> -> memref<1x2x8x128xf32, #tpu.memory_space<vmem>>
          %scatter3A_505 = tpu.memref_squeeze %scatter3A_504 : memref<1x2x8x128xf32, #tpu.memory_space<vmem>> -> memref<2x8x128xf32, #tpu.memory_space<vmem>>
          tpu.vector_store_idx %scatter3A_505[%shift_right_arithmetic3A_352, %and3A_355, %add3A_489], %add3A_500 : memref<2x8x128xf32, #tpu.memory_space<vmem>>[vector<16xi32>, vector<16xi32>, vector<16xi32>], vector<16xf32>,
        }
        %scan3A_287 = arith.constant 16 : i32
        %add3A_288 = arith.addi %add3A_8, %add3A_220 : i32
        %dma_start3A = arith.constant 2 : i32
        %dma_start3A_289 = arith.constant 0 : i32
        %dma_start3A_290 = arith.constant 0 : i32
        %dma_start3A_291 = arith.constant 0 : i32
        %dma_start3A_292 = arith.constant 0 : i32
        %dma_start3A_293 = arith.constant 0 : i32
        %dma_start3A_294 = tpu.memref_slice %arg9[%dma_start3A, %dma_start3A_291, %dma_start3A_292, %dma_start3A_293] : memref<4x2x8x128xf32, #tpu.memory_space<vmem>> -> memref<1x2x8x128xf32, #tpu.memory_space<vmem>>
        %dma_start3A_295 = tpu.memref_squeeze %dma_start3A_294 : memref<1x2x8x128xf32, #tpu.memory_space<vmem>> -> memref<2x8x128xf32, #tpu.memory_space<vmem>>
        %dma_start3A_296 = arith.constant 0 : i32
        %dma_start3A_297 = arith.constant 0 : i32
        %dma_start3A_298 = tpu.memref_slice %dma_start3A_295[%dma_start3A_289, %dma_start3A_296, %dma_start3A_297] : memref<2x8x128xf32, #tpu.memory_space<vmem>> -> memref<1x8x128xf32, #tpu.memory_space<vmem>>
        %dma_start3A_299 = tpu.memref_squeeze %dma_start3A_298 : memref<1x8x128xf32, #tpu.memory_space<vmem>> -> memref<8x128xf32, #tpu.memory_space<vmem>>
        %dma_start3A_300 = arith.constant 0 : i32
        %dma_start3A_301 = arith.constant 0 : i32
        %dma_start3A_302 = tpu.memref_slice %arg5[%dma_start3A_290, %add3A_288, %dma_start3A_300, %dma_start3A_301] : memref<2x2500x8x128xf32, #tpu.memory_space<hbm>> -> memref<1x1x8x128xf32, #tpu.memory_space<hbm>>
        %dma_start3A_303 = tpu.memref_squeeze %dma_start3A_302 : memref<1x1x8x128xf32, #tpu.memory_space<hbm>> -> memref<8x128xf32, #tpu.memory_space<hbm>>
        %dma_start3A_304 = arith.constant 0 : i32
        %dma_start3A_305 = arith.constant 0 : i32
        %dma_start3A_306 = tpu.memref_slice %arg5[%dma_start3A_290, %add3A_288, %dma_start3A_304, %dma_start3A_305] : memref<2x2500x8x128xf32, #tpu.memory_space<hbm>> -> memref<1x1x8x128xf32, #tpu.memory_space<hbm>>
        %dma_start3A_307 = tpu.memref_squeeze %dma_start3A_306 : memref<1x1x8x128xf32, #tpu.memory_space<hbm>> -> memref<8x128xf32, #tpu.memory_space<hbm>>
        %dma_start3A_308 = arith.constant 0 : i32
        %dma_start3A_309 = arith.constant 0 : i32
        %dma_start3A_310 = arith.constant 0 : i32
        %dma_start3A_311 = tpu.memref_slice %arg9[%dma_start3A, %dma_start3A_308, %dma_start3A_309, %dma_start3A_310] : memref<4x2x8x128xf32, #tpu.memory_space<vmem>> -> memref<1x2x8x128xf32, #tpu.memory_space<vmem>>
        %dma_start3A_312 = tpu.memref_squeeze %dma_start3A_311 : memref<1x2x8x128xf32, #tpu.memory_space<vmem>> -> memref<2x8x128xf32, #tpu.memory_space<vmem>>
        %dma_start3A_313 = arith.constant 0 : i32
        %dma_start3A_314 = arith.constant 0 : i32
        %dma_start3A_315 = tpu.memref_slice %dma_start3A_312[%dma_start3A_289, %dma_start3A_313, %dma_start3A_314] : memref<2x8x128xf32, #tpu.memory_space<vmem>> -> memref<1x8x128xf32, #tpu.memory_space<vmem>>
        %dma_start3A_316 = tpu.memref_squeeze %dma_start3A_315 : memref<1x8x128xf32, #tpu.memory_space<vmem>> -> memref<8x128xf32, #tpu.memory_space<vmem>>
        tpu.enqueue_dma source(%dma_start3A_316 : memref<8x128xf32, #tpu.memory_space<vmem>>) target(%dma_start3A_307 : memref<8x128xf32, #tpu.memory_space<hbm>>) target_semaphore(%arg20 : memref<!tpu.dma_semaphore, #tpu.memory_space<semaphore_mem>>)
        %dma_start3A_317 = arith.constant 2 : i32
        %dma_start3A_318 = arith.constant 1 : i32
        %dma_start3A_319 = arith.constant 1 : i32
        %dma_start3A_320 = arith.constant 0 : i32
        %dma_start3A_321 = arith.constant 0 : i32
        %dma_start3A_322 = arith.constant 0 : i32
        %dma_start3A_323 = tpu.memref_slice %arg9[%dma_start3A_317, %dma_start3A_320, %dma_start3A_321, %dma_start3A_322] : memref<4x2x8x128xf32, #tpu.memory_space<vmem>> -> memref<1x2x8x128xf32, #tpu.memory_space<vmem>>
        %dma_start3A_324 = tpu.memref_squeeze %dma_start3A_323 : memref<1x2x8x128xf32, #tpu.memory_space<vmem>> -> memref<2x8x128xf32, #tpu.memory_space<vmem>>
        %dma_start3A_325 = arith.constant 0 : i32
        %dma_start3A_326 = arith.constant 0 : i32
        %dma_start3A_327 = tpu.memref_slice %dma_start3A_324[%dma_start3A_318, %dma_start3A_325, %dma_start3A_326] : memref<2x8x128xf32, #tpu.memory_space<vmem>> -> memref<1x8x128xf32, #tpu.memory_space<vmem>>
        %dma_start3A_328 = tpu.memref_squeeze %dma_start3A_327 : memref<1x8x128xf32, #tpu.memory_space<vmem>> -> memref<8x128xf32, #tpu.memory_space<vmem>>
        %dma_start3A_329 = arith.constant 0 : i32
        %dma_start3A_330 = arith.constant 0 : i32
        %dma_start3A_331 = tpu.memref_slice %arg5[%dma_start3A_319, %add3A_288, %dma_start3A_329, %dma_start3A_330] : memref<2x2500x8x128xf32, #tpu.memory_space<hbm>> -> memref<1x1x8x128xf32, #tpu.memory_space<hbm>>
        %dma_start3A_332 = tpu.memref_squeeze %dma_start3A_331 : memref<1x1x8x128xf32, #tpu.memory_space<hbm>> -> memref<8x128xf32, #tpu.memory_space<hbm>>
        %dma_start3A_333 = arith.constant 0 : i32
        %dma_start3A_334 = arith.constant 0 : i32
        %dma_start3A_335 = tpu.memref_slice %arg5[%dma_start3A_319, %add3A_288, %dma_start3A_333, %dma_start3A_334] : memref<2x2500x8x128xf32, #tpu.memory_space<hbm>> -> memref<1x1x8x128xf32, #tpu.memory_space<hbm>>
        %dma_start3A_336 = tpu.memref_squeeze %dma_start3A_335 : memref<1x1x8x128xf32, #tpu.memory_space<hbm>> -> memref<8x128xf32, #tpu.memory_space<hbm>>
        %dma_start3A_337 = arith.constant 0 : i32
        %dma_start3A_338 = arith.constant 0 : i32
        %dma_start3A_339 = arith.constant 0 : i32
        %dma_start3A_340 = tpu.memref_slice %arg9[%dma_start3A_317, %dma_start3A_337, %dma_start3A_338, %dma_start3A_339] : memref<4x2x8x128xf32, #tpu.memory_space<vmem>> -> memref<1x2x8x128xf32, #tpu.memory_space<vmem>>
        %dma_start3A_341 = tpu.memref_squeeze %dma_start3A_340 : memref<1x2x8x128xf32, #tpu.memory_space<vmem>> -> memref<2x8x128xf32, #tpu.memory_space<vmem>>
        %dma_start3A_342 = arith.constant 0 : i32
        %dma_start3A_343 = arith.constant 0 : i32
        %dma_start3A_344 = tpu.memref_slice %dma_start3A_341[%dma_start3A_318, %dma_start3A_342, %dma_start3A_343] : memref<2x8x128xf32, #tpu.memory_space<vmem>> -> memref<1x8x128xf32, #tpu.memory_space<vmem>>
        %dma_start3A_345 = tpu.memref_squeeze %dma_start3A_344 : memref<1x8x128xf32, #tpu.memory_space<vmem>> -> memref<8x128xf32, #tpu.memory_space<vmem>>
        tpu.enqueue_dma source(%dma_start3A_345 : memref<8x128xf32, #tpu.memory_space<vmem>>) target(%dma_start3A_336 : memref<8x128xf32, #tpu.memory_space<hbm>>) target_semaphore(%arg20 : memref<!tpu.dma_semaphore, #tpu.memory_space<semaphore_mem>>)
      } else {
      }
      %mul3A_231 = arith.constant 4 : i32
      %mul3A_232 = arith.muli %scan3A_188, %mul3A_231 : i32
      %add3A_233 = arith.constant 3 : i32
      %add3A_234 = arith.addi %mul3A_232, %add3A_233 : i32
      %add3A_235 = arith.constant 3 : i32
      %add3A_236 = arith.addi %add3A_234, %add3A_235 : i32
      %lt3A_237 = arith.cmpi slt, %add3A_236, %add3A_4 : i32
      %convert_element_type3A_238 = arith.extui %lt3A_237 : i1 to i32
      %cond3A_239 = arith.constant 0 : i32
      %cond3A_240 = arith.cmpi ne, %convert_element_type3A_238, %cond3A_239 : i32
      scf.if %cond3A_240 {
        %add3A_245 = arith.addi %sub3A, %add3A_236 : i32
        %dma_start3A = arith.constant 0 : i32
        %dma_start3A_246 = arith.constant 2 : i32
        %dma_start3A_247 = arith.constant 0 : i32
        %dma_start3A_248 = arith.constant 0 : i32
        %dma_start3A_249 = tpu.memref_slice %arg7[%dma_start3A_246, %dma_start3A_247, %dma_start3A_248] : memref<4x128x16xf32, #tpu.memory_space<vmem>> -> memref<1x128x16xf32, #tpu.memory_space<vmem>>
        %dma_start3A_250 = tpu.memref_squeeze %dma_start3A_249 : memref<1x128x16xf32, #tpu.memory_space<vmem>> -> memref<128x16xf32, #tpu.memory_space<vmem>>
        %dma_start3A_251 = arith.constant 0 : i32
        %dma_start3A_252 = tpu.memref_slice %arg6[%add3A_245, %dma_start3A, %dma_start3A_251] : memref<79x2x128xi32, #tpu.memory_space<vmem>> -> memref<1x1x128xi32, #tpu.memory_space<vmem>>
        %dma_start3A_253 = tpu.memref_squeeze %dma_start3A_252 : memref<1x1x128xi32, #tpu.memory_space<vmem>> -> memref<128xi32, #tpu.memory_space<vmem>>
        %dma_start3A_254 = arith.constant 0 : i32
        %dma_start3A_255 = arith.constant 0 : i32
        %dma_start3A_256 = tpu.memref_slice %arg2[%dma_start3A_254, %dma_start3A_255] : memref<10000x16xf32, #tpu.memory_space<hbm>> -> memref<10000x16xf32, #tpu.memory_space<hbm>>
        tpu.enqueue_indirect_dma source(%dma_start3A_256 : memref<10000x16xf32, #tpu.memory_space<hbm>>) target(%dma_start3A_250 : memref<128x16xf32, #tpu.memory_space<vmem>>) offsets(%dma_start3A_253 : memref<128xi32, #tpu.memory_space<vmem>>) semaphore(%arg12 : memref<!tpu.dma_semaphore, #tpu.memory_space<semaphore_mem>>)
        %add3A_257 = arith.addi %sub3A, %add3A_236 : i32
        %dma_start3A_258 = arith.constant 1 : i32
        %dma_start3A_259 = arith.constant 2 : i32
        %dma_start3A_260 = arith.constant 0 : i32
        %dma_start3A_261 = arith.constant 0 : i32
        %dma_start3A_262 = tpu.memref_slice %arg8[%dma_start3A_259, %dma_start3A_260, %dma_start3A_261] : memref<4x128x16xf32, #tpu.memory_space<vmem>> -> memref<1x128x16xf32, #tpu.memory_space<vmem>>
        %dma_start3A_263 = tpu.memref_squeeze %dma_start3A_262 : memref<1x128x16xf32, #tpu.memory_space<vmem>> -> memref<128x16xf32, #tpu.memory_space<vmem>>
        %dma_start3A_264 = arith.constant 0 : i32
        %dma_start3A_265 = tpu.memref_slice %arg6[%add3A_257, %dma_start3A_258, %dma_start3A_264] : memref<79x2x128xi32, #tpu.memory_space<vmem>> -> memref<1x1x128xi32, #tpu.memory_space<vmem>>
        %dma_start3A_266 = tpu.memref_squeeze %dma_start3A_265 : memref<1x1x128xi32, #tpu.memory_space<vmem>> -> memref<128xi32, #tpu.memory_space<vmem>>
        %dma_start3A_267 = arith.constant 0 : i32
        %dma_start3A_268 = arith.constant 0 : i32
        %dma_start3A_269 = tpu.memref_slice %arg3[%dma_start3A_267, %dma_start3A_268] : memref<10000x16xf32, #tpu.memory_space<hbm>> -> memref<10000x16xf32, #tpu.memory_space<hbm>>
        tpu.enqueue_indirect_dma source(%dma_start3A_269 : memref<10000x16xf32, #tpu.memory_space<hbm>>) target(%dma_start3A_263 : memref<128x16xf32, #tpu.memory_space<vmem>>) offsets(%dma_start3A_266 : memref<128xi32, #tpu.memory_space<vmem>>) semaphore(%arg16 : memref<!tpu.dma_semaphore, #tpu.memory_space<semaphore_mem>>)
      } else {
      }
      %lt3A_241 = arith.cmpi slt, %add3A_234, %add3A_4 : i32
      %convert_element_type3A_242 = arith.extui %lt3A_241 : i1 to i32
      %cond3A_243 = arith.constant 0 : i32
      %cond3A_244 = arith.cmpi ne, %convert_element_type3A_242, %cond3A_243 : i32
      scf.if %cond3A_244 {
        %dma_wait3A_245 = arith.constant 3 : i32
        %dma_wait3A_246 = arith.constant 0 : i32
        %dma_wait3A_247 = arith.constant 0 : i32
        %dma_wait3A_248 = tpu.memref_slice %arg7[%dma_wait3A_245, %dma_wait3A_246, %dma_wait3A_247] : memref<4x128x16xf32, #tpu.memory_space<vmem>> -> memref<1x128x16xf32, #tpu.memory_space<vmem>>
        %dma_wait3A_249 = tpu.memref_squeeze %dma_wait3A_248 : memref<1x128x16xf32, #tpu.memory_space<vmem>> -> memref<128x16xf32, #tpu.memory_space<vmem>>
        %dma_wait3A_250 = arith.constant 0 : i32
        %dma_wait3A_251 = arith.constant 0 : i32
        %dma_wait3A_252 = tpu.memref_slice %arg2[%dma_wait3A_250, %dma_wait3A_251] : memref<10000x16xf32, #tpu.memory_space<hbm>> -> memref<128x16xf32, #tpu.memory_space<hbm>>
        %dma_wait3A_253 = arith.constant 0 : i32
        %dma_wait3A_254 = arith.constant 0 : i32
        %dma_wait3A_255 = tpu.memref_slice %arg7[%dma_wait3A_245, %dma_wait3A_253, %dma_wait3A_254] : memref<4x128x16xf32, #tpu.memory_space<vmem>> -> memref<1x128x16xf32, #tpu.memory_space<vmem>>
        %dma_wait3A_256 = tpu.memref_squeeze %dma_wait3A_255 : memref<1x128x16xf32, #tpu.memory_space<vmem>> -> memref<128x16xf32, #tpu.memory_space<vmem>>
        %dma_wait3A_257 = arith.constant 0 : i32
        %dma_wait3A_258 = arith.constant 0 : i32
        %dma_wait3A_259 = tpu.memref_slice %arg2[%dma_wait3A_257, %dma_wait3A_258] : memref<10000x16xf32, #tpu.memory_space<hbm>> -> memref<128x16xf32, #tpu.memory_space<hbm>>
        tpu.wait_dma2 semaphore(%arg13 : memref<!tpu.dma_semaphore, #tpu.memory_space<semaphore_mem>>) src(%dma_wait3A_259 : memref<128x16xf32, #tpu.memory_space<hbm>>) dst(%dma_wait3A_256 : memref<128x16xf32, #tpu.memory_space<vmem>>)
        %dma_wait3A_260 = arith.constant 3 : i32
        %dma_wait3A_261 = arith.constant 0 : i32
        %dma_wait3A_262 = arith.constant 0 : i32
        %dma_wait3A_263 = tpu.memref_slice %arg8[%dma_wait3A_260, %dma_wait3A_261, %dma_wait3A_262] : memref<4x128x16xf32, #tpu.memory_space<vmem>> -> memref<1x128x16xf32, #tpu.memory_space<vmem>>
        %dma_wait3A_264 = tpu.memref_squeeze %dma_wait3A_263 : memref<1x128x16xf32, #tpu.memory_space<vmem>> -> memref<128x16xf32, #tpu.memory_space<vmem>>
        %dma_wait3A_265 = arith.constant 0 : i32
        %dma_wait3A_266 = arith.constant 0 : i32
        %dma_wait3A_267 = tpu.memref_slice %arg3[%dma_wait3A_265, %dma_wait3A_266] : memref<10000x16xf32, #tpu.memory_space<hbm>> -> memref<128x16xf32, #tpu.memory_space<hbm>>
        %dma_wait3A_268 = arith.constant 0 : i32
        %dma_wait3A_269 = arith.constant 0 : i32
        %dma_wait3A_270 = tpu.memref_slice %arg8[%dma_wait3A_260, %dma_wait3A_268, %dma_wait3A_269] : memref<4x128x16xf32, #tpu.memory_space<vmem>> -> memref<1x128x16xf32, #tpu.memory_space<vmem>>
        %dma_wait3A_271 = tpu.memref_squeeze %dma_wait3A_270 : memref<1x128x16xf32, #tpu.memory_space<vmem>> -> memref<128x16xf32, #tpu.memory_space<vmem>>
        %dma_wait3A_272 = arith.constant 0 : i32
        %dma_wait3A_273 = arith.constant 0 : i32
        %dma_wait3A_274 = tpu.memref_slice %arg3[%dma_wait3A_272, %dma_wait3A_273] : memref<10000x16xf32, #tpu.memory_space<hbm>> -> memref<128x16xf32, #tpu.memory_space<hbm>>
        tpu.wait_dma2 semaphore(%arg17 : memref<!tpu.dma_semaphore, #tpu.memory_space<semaphore_mem>>) src(%dma_wait3A_274 : memref<128x16xf32, #tpu.memory_space<hbm>>) dst(%dma_wait3A_271 : memref<128x16xf32, #tpu.memory_space<vmem>>)
        %ge3A = arith.constant 4 : i32
        %ge3A_275 = arith.cmpi sge, %add3A_234, %ge3A : i32
        %convert_element_type3A_276 = arith.extui %ge3A_275 : i1 to i32
        %cond3A_277 = arith.constant 0 : i32
        %cond3A_278 = arith.cmpi ne, %convert_element_type3A_276, %cond3A_277 : i32
        scf.if %cond3A_278 {
          %dma_wait3A_346 = arith.constant 3 : i32
          %dma_wait3A_347 = arith.constant 0 : i32
          %dma_wait3A_348 = arith.constant 0 : i32
          %dma_wait3A_349 = arith.constant 0 : i32
          %dma_wait3A_350 = arith.constant 0 : i32
          %dma_wait3A_351 = arith.constant 0 : i32
          %dma_wait3A_352 = tpu.memref_slice %arg9[%dma_wait3A_346, %dma_wait3A_347, %dma_wait3A_350, %dma_wait3A_351] : memref<4x2x8x128xf32, #tpu.memory_space<vmem>> -> memref<1x1x8x128xf32, #tpu.memory_space<vmem>>
          %dma_wait3A_353 = tpu.memref_squeeze %dma_wait3A_352 : memref<1x1x8x128xf32, #tpu.memory_space<vmem>> -> memref<8x128xf32, #tpu.memory_space<vmem>>
          %dma_wait3A_354 = arith.constant 0 : i32
          %dma_wait3A_355 = arith.constant 0 : i32
          %dma_wait3A_356 = tpu.memref_slice %arg5[%dma_wait3A_348, %dma_wait3A_349, %dma_wait3A_354, %dma_wait3A_355] : memref<2x2500x8x128xf32, #tpu.memory_space<hbm>> -> memref<1x1x8x128xf32, #tpu.memory_space<hbm>>
          %dma_wait3A_357 = tpu.memref_squeeze %dma_wait3A_356 : memref<1x1x8x128xf32, #tpu.memory_space<hbm>> -> memref<8x128xf32, #tpu.memory_space<hbm>>
          %dma_wait3A_358 = arith.constant 0 : i32
          %dma_wait3A_359 = arith.constant 0 : i32
          %dma_wait3A_360 = tpu.memref_slice %arg5[%dma_wait3A_348, %dma_wait3A_349, %dma_wait3A_358, %dma_wait3A_359] : memref<2x2500x8x128xf32, #tpu.memory_space<hbm>> -> memref<1x1x8x128xf32, #tpu.memory_space<hbm>>
          %dma_wait3A_361 = tpu.memref_squeeze %dma_wait3A_360 : memref<1x1x8x128xf32, #tpu.memory_space<hbm>> -> memref<8x128xf32, #tpu.memory_space<hbm>>
          %dma_wait3A_362 = arith.constant 0 : i32
          %dma_wait3A_363 = arith.constant 0 : i32
          %dma_wait3A_364 = tpu.memref_slice %arg9[%dma_wait3A_346, %dma_wait3A_347, %dma_wait3A_362, %dma_wait3A_363] : memref<4x2x8x128xf32, #tpu.memory_space<vmem>> -> memref<1x1x8x128xf32, #tpu.memory_space<vmem>>
          %dma_wait3A_365 = tpu.memref_squeeze %dma_wait3A_364 : memref<1x1x8x128xf32, #tpu.memory_space<vmem>> -> memref<8x128xf32, #tpu.memory_space<vmem>>
          tpu.wait_dma2 semaphore(%arg21 : memref<!tpu.dma_semaphore, #tpu.memory_space<semaphore_mem>>) src(%dma_wait3A_365 : memref<8x128xf32, #tpu.memory_space<vmem>>) dst(%dma_wait3A_361 : memref<8x128xf32, #tpu.memory_space<hbm>>)
          %dma_wait3A_366 = arith.constant 3 : i32
          %dma_wait3A_367 = arith.constant 1 : i32
          %dma_wait3A_368 = arith.constant 1 : i32
          %dma_wait3A_369 = arith.constant 0 : i32
          %dma_wait3A_370 = arith.constant 0 : i32
          %dma_wait3A_371 = arith.constant 0 : i32
          %dma_wait3A_372 = tpu.memref_slice %arg9[%dma_wait3A_366, %dma_wait3A_367, %dma_wait3A_370, %dma_wait3A_371] : memref<4x2x8x128xf32, #tpu.memory_space<vmem>> -> memref<1x1x8x128xf32, #tpu.memory_space<vmem>>
          %dma_wait3A_373 = tpu.memref_squeeze %dma_wait3A_372 : memref<1x1x8x128xf32, #tpu.memory_space<vmem>> -> memref<8x128xf32, #tpu.memory_space<vmem>>
          %dma_wait3A_374 = arith.constant 0 : i32
          %dma_wait3A_375 = arith.constant 0 : i32
          %dma_wait3A_376 = tpu.memref_slice %arg5[%dma_wait3A_368, %dma_wait3A_369, %dma_wait3A_374, %dma_wait3A_375] : memref<2x2500x8x128xf32, #tpu.memory_space<hbm>> -> memref<1x1x8x128xf32, #tpu.memory_space<hbm>>
          %dma_wait3A_377 = tpu.memref_squeeze %dma_wait3A_376 : memref<1x1x8x128xf32, #tpu.memory_space<hbm>> -> memref<8x128xf32, #tpu.memory_space<hbm>>
          %dma_wait3A_378 = arith.constant 0 : i32
          %dma_wait3A_379 = arith.constant 0 : i32
          %dma_wait3A_380 = tpu.memref_slice %arg5[%dma_wait3A_368, %dma_wait3A_369, %dma_wait3A_378, %dma_wait3A_379] : memref<2x2500x8x128xf32, #tpu.memory_space<hbm>> -> memref<1x1x8x128xf32, #tpu.memory_space<hbm>>
          %dma_wait3A_381 = tpu.memref_squeeze %dma_wait3A_380 : memref<1x1x8x128xf32, #tpu.memory_space<hbm>> -> memref<8x128xf32, #tpu.memory_space<hbm>>
          %dma_wait3A_382 = arith.constant 0 : i32
          %dma_wait3A_383 = arith.constant 0 : i32
          %dma_wait3A_384 = tpu.memref_slice %arg9[%dma_wait3A_366, %dma_wait3A_367, %dma_wait3A_382, %dma_wait3A_383] : memref<4x2x8x128xf32, #tpu.memory_space<vmem>> -> memref<1x1x8x128xf32, #tpu.memory_space<vmem>>
          %dma_wait3A_385 = tpu.memref_squeeze %dma_wait3A_384 : memref<1x1x8x128xf32, #tpu.memory_space<vmem>> -> memref<8x128xf32, #tpu.memory_space<vmem>>
          tpu.wait_dma2 semaphore(%arg21 : memref<!tpu.dma_semaphore, #tpu.memory_space<semaphore_mem>>) src(%dma_wait3A_385 : memref<8x128xf32, #tpu.memory_space<vmem>>) dst(%dma_wait3A_381 : memref<8x128xf32, #tpu.memory_space<hbm>>)
        } else {
        }
        %scan3A_279 = arith.constant 0 : i32
        %scan3A_280 = arith.constant 3 : i32
        %scan3A_281 = arith.constant 3 : i32
        %scan3A_282 = arith.constant 3 : i32
        %scan3A_283 = arith.constant 0 : i32
        %scan3A_284 = arith.constant 16 : i32
        %scan3A_285 = arith.addi %scan3A_283, %scan3A_284 : i32
        %scan3A_286 = arith.constant 1 : i32
        scf.for %scan3A_346 = %scan3A_283 to %scan3A_285 step %scan3A_286  : i32 {
          %add3A_347 = vector.broadcast %scan3A_346 : i32 to vector<16xi32>
          %add3A_348 = arith.addi %iota3A, %add3A_347 : vector<16xi32>
          %and3A = arith.constant 15 : i32
          %and3A_349 = vector.broadcast %and3A : i32 to vector<16xi32>
          %and3A_350 = arith.andi %add3A_348, %and3A_349 : vector<16xi32>
          %shift_right_arithmetic3A = arith.constant 3 : i32
          %shift_right_arithmetic3A_351 = vector.broadcast %shift_right_arithmetic3A : i32 to vector<16xi32>
          %shift_right_arithmetic3A_352 = arith.shrsi %and3A_350, %shift_right_arithmetic3A_351 : vector<16xi32>
          %and3A_353 = arith.constant 7 : i32
          %and3A_354 = vector.broadcast %and3A_353 : i32 to vector<16xi32>
          %and3A_355 = arith.andi %and3A_350, %and3A_354 : vector<16xi32>
          %add3A_356 = arith.constant 0 : i32
          %add3A_357 = vector.broadcast %add3A_356 : i32 to vector<16xi32>
          %add3A_358 = arith.addi %add3A_357, %iota3A : vector<16xi32>
          %gather3A = arith.constant 0 : i32
          %gather3A_359 = arith.constant 0 : i32
          %gather3A_360 = tpu.memref_slice %arg7[%scan3A_280, %gather3A, %gather3A_359] : memref<4x128x16xf32, #tpu.memory_space<vmem>> -> memref<1x128x16xf32, #tpu.memory_space<vmem>>
          %gather3A_361 = tpu.memref_squeeze %gather3A_360 : memref<1x128x16xf32, #tpu.memory_space<vmem>> -> memref<128x16xf32, #tpu.memory_space<vmem>>
          %gather3A_362 = tpu.vector_load_idx %gather3A_361[%add3A_358, %and3A_350] : memref<128x16xf32, #tpu.memory_space<vmem>>[vector<16xi32>, vector<16xi32>], vector<16xf32>,
          %gather3A_363 = arith.constant 0 : i32
          %gather3A_364 = arith.constant 0 : i32
          %gather3A_365 = tpu.memref_slice %arg8[%scan3A_281, %gather3A_363, %gather3A_364] : memref<4x128x16xf32, #tpu.memory_space<vmem>> -> memref<1x128x16xf32, #tpu.memory_space<vmem>>
          %gather3A_366 = tpu.memref_squeeze %gather3A_365 : memref<1x128x16xf32, #tpu.memory_space<vmem>> -> memref<128x16xf32, #tpu.memory_space<vmem>>
          %gather3A_367 = tpu.vector_load_idx %gather3A_366[%add3A_358, %and3A_350] : memref<128x16xf32, #tpu.memory_space<vmem>>[vector<16xi32>, vector<16xi32>], vector<16xf32>,
          %add3A_368 = arith.addf %gather3A_362, %gather3A_367 : vector<16xf32>
          %scatter3A = arith.constant 0 : i32
          %scatter3A_369 = arith.constant 0 : i32
          %scatter3A_370 = arith.constant 0 : i32
          %scatter3A_371 = tpu.memref_slice %arg9[%scan3A_282, %scatter3A, %scatter3A_369, %scatter3A_370] : memref<4x2x8x128xf32, #tpu.memory_space<vmem>> -> memref<1x2x8x128xf32, #tpu.memory_space<vmem>>
          %scatter3A_372 = tpu.memref_squeeze %scatter3A_371 : memref<1x2x8x128xf32, #tpu.memory_space<vmem>> -> memref<2x8x128xf32, #tpu.memory_space<vmem>>
          tpu.vector_store_idx %scatter3A_372[%shift_right_arithmetic3A_352, %and3A_355, %add3A_358], %add3A_368 : memref<2x8x128xf32, #tpu.memory_space<vmem>>[vector<16xi32>, vector<16xi32>, vector<16xi32>], vector<16xf32>,
          %add3A_373 = arith.constant 16 : i32
          %add3A_374 = vector.broadcast %add3A_373 : i32 to vector<16xi32>
          %add3A_375 = arith.addi %add3A_374, %iota3A : vector<16xi32>
          %gather3A_376 = arith.constant 0 : i32
          %gather3A_377 = arith.constant 0 : i32
          %gather3A_378 = tpu.memref_slice %arg7[%scan3A_280, %gather3A_376, %gather3A_377] : memref<4x128x16xf32, #tpu.memory_space<vmem>> -> memref<1x128x16xf32, #tpu.memory_space<vmem>>
          %gather3A_379 = tpu.memref_squeeze %gather3A_378 : memref<1x128x16xf32, #tpu.memory_space<vmem>> -> memref<128x16xf32, #tpu.memory_space<vmem>>
          %gather3A_380 = tpu.vector_load_idx %gather3A_379[%add3A_375, %and3A_350] : memref<128x16xf32, #tpu.memory_space<vmem>>[vector<16xi32>, vector<16xi32>], vector<16xf32>,
          %gather3A_381 = arith.constant 0 : i32
          %gather3A_382 = arith.constant 0 : i32
          %gather3A_383 = tpu.memref_slice %arg8[%scan3A_281, %gather3A_381, %gather3A_382] : memref<4x128x16xf32, #tpu.memory_space<vmem>> -> memref<1x128x16xf32, #tpu.memory_space<vmem>>
          %gather3A_384 = tpu.memref_squeeze %gather3A_383 : memref<1x128x16xf32, #tpu.memory_space<vmem>> -> memref<128x16xf32, #tpu.memory_space<vmem>>
          %gather3A_385 = tpu.vector_load_idx %gather3A_384[%add3A_375, %and3A_350] : memref<128x16xf32, #tpu.memory_space<vmem>>[vector<16xi32>, vector<16xi32>], vector<16xf32>,
          %add3A_386 = arith.addf %gather3A_380, %gather3A_385 : vector<16xf32>
          %scatter3A_387 = arith.constant 0 : i32
          %scatter3A_388 = arith.constant 0 : i32
          %scatter3A_389 = arith.constant 0 : i32
          %scatter3A_390 = tpu.memref_slice %arg9[%scan3A_282, %scatter3A_387, %scatter3A_388, %scatter3A_389] : memref<4x2x8x128xf32, #tpu.memory_space<vmem>> -> memref<1x2x8x128xf32, #tpu.memory_space<vmem>>
          %scatter3A_391 = tpu.memref_squeeze %scatter3A_390 : memref<1x2x8x128xf32, #tpu.memory_space<vmem>> -> memref<2x8x128xf32, #tpu.memory_space<vmem>>
          tpu.vector_store_idx %scatter3A_391[%shift_right_arithmetic3A_352, %and3A_355, %add3A_375], %add3A_386 : memref<2x8x128xf32, #tpu.memory_space<vmem>>[vector<16xi32>, vector<16xi32>, vector<16xi32>], vector<16xf32>,
          %add3A_392 = arith.constant 32 : i32
          %add3A_393 = vector.broadcast %add3A_392 : i32 to vector<16xi32>
          %add3A_394 = arith.addi %add3A_393, %iota3A : vector<16xi32>
          %gather3A_395 = arith.constant 0 : i32
          %gather3A_396 = arith.constant 0 : i32
          %gather3A_397 = tpu.memref_slice %arg7[%scan3A_280, %gather3A_395, %gather3A_396] : memref<4x128x16xf32, #tpu.memory_space<vmem>> -> memref<1x128x16xf32, #tpu.memory_space<vmem>>
          %gather3A_398 = tpu.memref_squeeze %gather3A_397 : memref<1x128x16xf32, #tpu.memory_space<vmem>> -> memref<128x16xf32, #tpu.memory_space<vmem>>
          %gather3A_399 = tpu.vector_load_idx %gather3A_398[%add3A_394, %and3A_350] : memref<128x16xf32, #tpu.memory_space<vmem>>[vector<16xi32>, vector<16xi32>], vector<16xf32>,
          %gather3A_400 = arith.constant 0 : i32
          %gather3A_401 = arith.constant 0 : i32
          %gather3A_402 = tpu.memref_slice %arg8[%scan3A_281, %gather3A_400, %gather3A_401] : memref<4x128x16xf32, #tpu.memory_space<vmem>> -> memref<1x128x16xf32, #tpu.memory_space<vmem>>
          %gather3A_403 = tpu.memref_squeeze %gather3A_402 : memref<1x128x16xf32, #tpu.memory_space<vmem>> -> memref<128x16xf32, #tpu.memory_space<vmem>>
          %gather3A_404 = tpu.vector_load_idx %gather3A_403[%add3A_394, %and3A_350] : memref<128x16xf32, #tpu.memory_space<vmem>>[vector<16xi32>, vector<16xi32>], vector<16xf32>,
          %add3A_405 = arith.addf %gather3A_399, %gather3A_404 : vector<16xf32>
          %scatter3A_406 = arith.constant 0 : i32
          %scatter3A_407 = arith.constant 0 : i32
          %scatter3A_408 = arith.constant 0 : i32
          %scatter3A_409 = tpu.memref_slice %arg9[%scan3A_282, %scatter3A_406, %scatter3A_407, %scatter3A_408] : memref<4x2x8x128xf32, #tpu.memory_space<vmem>> -> memref<1x2x8x128xf32, #tpu.memory_space<vmem>>
          %scatter3A_410 = tpu.memref_squeeze %scatter3A_409 : memref<1x2x8x128xf32, #tpu.memory_space<vmem>> -> memref<2x8x128xf32, #tpu.memory_space<vmem>>
          tpu.vector_store_idx %scatter3A_410[%shift_right_arithmetic3A_352, %and3A_355, %add3A_394], %add3A_405 : memref<2x8x128xf32, #tpu.memory_space<vmem>>[vector<16xi32>, vector<16xi32>, vector<16xi32>], vector<16xf32>,
          %add3A_411 = arith.constant 48 : i32
          %add3A_412 = vector.broadcast %add3A_411 : i32 to vector<16xi32>
          %add3A_413 = arith.addi %add3A_412, %iota3A : vector<16xi32>
          %gather3A_414 = arith.constant 0 : i32
          %gather3A_415 = arith.constant 0 : i32
          %gather3A_416 = tpu.memref_slice %arg7[%scan3A_280, %gather3A_414, %gather3A_415] : memref<4x128x16xf32, #tpu.memory_space<vmem>> -> memref<1x128x16xf32, #tpu.memory_space<vmem>>
          %gather3A_417 = tpu.memref_squeeze %gather3A_416 : memref<1x128x16xf32, #tpu.memory_space<vmem>> -> memref<128x16xf32, #tpu.memory_space<vmem>>
          %gather3A_418 = tpu.vector_load_idx %gather3A_417[%add3A_413, %and3A_350] : memref<128x16xf32, #tpu.memory_space<vmem>>[vector<16xi32>, vector<16xi32>], vector<16xf32>,
          %gather3A_419 = arith.constant 0 : i32
          %gather3A_420 = arith.constant 0 : i32
          %gather3A_421 = tpu.memref_slice %arg8[%scan3A_281, %gather3A_419, %gather3A_420] : memref<4x128x16xf32, #tpu.memory_space<vmem>> -> memref<1x128x16xf32, #tpu.memory_space<vmem>>
          %gather3A_422 = tpu.memref_squeeze %gather3A_421 : memref<1x128x16xf32, #tpu.memory_space<vmem>> -> memref<128x16xf32, #tpu.memory_space<vmem>>
          %gather3A_423 = tpu.vector_load_idx %gather3A_422[%add3A_413, %and3A_350] : memref<128x16xf32, #tpu.memory_space<vmem>>[vector<16xi32>, vector<16xi32>], vector<16xf32>,
          %add3A_424 = arith.addf %gather3A_418, %gather3A_423 : vector<16xf32>
          %scatter3A_425 = arith.constant 0 : i32
          %scatter3A_426 = arith.constant 0 : i32
          %scatter3A_427 = arith.constant 0 : i32
          %scatter3A_428 = tpu.memref_slice %arg9[%scan3A_282, %scatter3A_425, %scatter3A_426, %scatter3A_427] : memref<4x2x8x128xf32, #tpu.memory_space<vmem>> -> memref<1x2x8x128xf32, #tpu.memory_space<vmem>>
          %scatter3A_429 = tpu.memref_squeeze %scatter3A_428 : memref<1x2x8x128xf32, #tpu.memory_space<vmem>> -> memref<2x8x128xf32, #tpu.memory_space<vmem>>
          tpu.vector_store_idx %scatter3A_429[%shift_right_arithmetic3A_352, %and3A_355, %add3A_413], %add3A_424 : memref<2x8x128xf32, #tpu.memory_space<vmem>>[vector<16xi32>, vector<16xi32>, vector<16xi32>], vector<16xf32>,
          %add3A_430 = arith.constant 64 : i32
          %add3A_431 = vector.broadcast %add3A_430 : i32 to vector<16xi32>
          %add3A_432 = arith.addi %add3A_431, %iota3A : vector<16xi32>
          %gather3A_433 = arith.constant 0 : i32
          %gather3A_434 = arith.constant 0 : i32
          %gather3A_435 = tpu.memref_slice %arg7[%scan3A_280, %gather3A_433, %gather3A_434] : memref<4x128x16xf32, #tpu.memory_space<vmem>> -> memref<1x128x16xf32, #tpu.memory_space<vmem>>
          %gather3A_436 = tpu.memref_squeeze %gather3A_435 : memref<1x128x16xf32, #tpu.memory_space<vmem>> -> memref<128x16xf32, #tpu.memory_space<vmem>>
          %gather3A_437 = tpu.vector_load_idx %gather3A_436[%add3A_432, %and3A_350] : memref<128x16xf32, #tpu.memory_space<vmem>>[vector<16xi32>, vector<16xi32>], vector<16xf32>,
          %gather3A_438 = arith.constant 0 : i32
          %gather3A_439 = arith.constant 0 : i32
          %gather3A_440 = tpu.memref_slice %arg8[%scan3A_281, %gather3A_438, %gather3A_439] : memref<4x128x16xf32, #tpu.memory_space<vmem>> -> memref<1x128x16xf32, #tpu.memory_space<vmem>>
          %gather3A_441 = tpu.memref_squeeze %gather3A_440 : memref<1x128x16xf32, #tpu.memory_space<vmem>> -> memref<128x16xf32, #tpu.memory_space<vmem>>
          %gather3A_442 = tpu.vector_load_idx %gather3A_441[%add3A_432, %and3A_350] : memref<128x16xf32, #tpu.memory_space<vmem>>[vector<16xi32>, vector<16xi32>], vector<16xf32>,
          %add3A_443 = arith.addf %gather3A_437, %gather3A_442 : vector<16xf32>
          %scatter3A_444 = arith.constant 0 : i32
          %scatter3A_445 = arith.constant 0 : i32
          %scatter3A_446 = arith.constant 0 : i32
          %scatter3A_447 = tpu.memref_slice %arg9[%scan3A_282, %scatter3A_444, %scatter3A_445, %scatter3A_446] : memref<4x2x8x128xf32, #tpu.memory_space<vmem>> -> memref<1x2x8x128xf32, #tpu.memory_space<vmem>>
          %scatter3A_448 = tpu.memref_squeeze %scatter3A_447 : memref<1x2x8x128xf32, #tpu.memory_space<vmem>> -> memref<2x8x128xf32, #tpu.memory_space<vmem>>
          tpu.vector_store_idx %scatter3A_448[%shift_right_arithmetic3A_352, %and3A_355, %add3A_432], %add3A_443 : memref<2x8x128xf32, #tpu.memory_space<vmem>>[vector<16xi32>, vector<16xi32>, vector<16xi32>], vector<16xf32>,
          %add3A_449 = arith.constant 80 : i32
          %add3A_450 = vector.broadcast %add3A_449 : i32 to vector<16xi32>
          %add3A_451 = arith.addi %add3A_450, %iota3A : vector<16xi32>
          %gather3A_452 = arith.constant 0 : i32
          %gather3A_453 = arith.constant 0 : i32
          %gather3A_454 = tpu.memref_slice %arg7[%scan3A_280, %gather3A_452, %gather3A_453] : memref<4x128x16xf32, #tpu.memory_space<vmem>> -> memref<1x128x16xf32, #tpu.memory_space<vmem>>
          %gather3A_455 = tpu.memref_squeeze %gather3A_454 : memref<1x128x16xf32, #tpu.memory_space<vmem>> -> memref<128x16xf32, #tpu.memory_space<vmem>>
          %gather3A_456 = tpu.vector_load_idx %gather3A_455[%add3A_451, %and3A_350] : memref<128x16xf32, #tpu.memory_space<vmem>>[vector<16xi32>, vector<16xi32>], vector<16xf32>,
          %gather3A_457 = arith.constant 0 : i32
          %gather3A_458 = arith.constant 0 : i32
          %gather3A_459 = tpu.memref_slice %arg8[%scan3A_281, %gather3A_457, %gather3A_458] : memref<4x128x16xf32, #tpu.memory_space<vmem>> -> memref<1x128x16xf32, #tpu.memory_space<vmem>>
          %gather3A_460 = tpu.memref_squeeze %gather3A_459 : memref<1x128x16xf32, #tpu.memory_space<vmem>> -> memref<128x16xf32, #tpu.memory_space<vmem>>
          %gather3A_461 = tpu.vector_load_idx %gather3A_460[%add3A_451, %and3A_350] : memref<128x16xf32, #tpu.memory_space<vmem>>[vector<16xi32>, vector<16xi32>], vector<16xf32>,
          %add3A_462 = arith.addf %gather3A_456, %gather3A_461 : vector<16xf32>
          %scatter3A_463 = arith.constant 0 : i32
          %scatter3A_464 = arith.constant 0 : i32
          %scatter3A_465 = arith.constant 0 : i32
          %scatter3A_466 = tpu.memref_slice %arg9[%scan3A_282, %scatter3A_463, %scatter3A_464, %scatter3A_465] : memref<4x2x8x128xf32, #tpu.memory_space<vmem>> -> memref<1x2x8x128xf32, #tpu.memory_space<vmem>>
          %scatter3A_467 = tpu.memref_squeeze %scatter3A_466 : memref<1x2x8x128xf32, #tpu.memory_space<vmem>> -> memref<2x8x128xf32, #tpu.memory_space<vmem>>
          tpu.vector_store_idx %scatter3A_467[%shift_right_arithmetic3A_352, %and3A_355, %add3A_451], %add3A_462 : memref<2x8x128xf32, #tpu.memory_space<vmem>>[vector<16xi32>, vector<16xi32>, vector<16xi32>], vector<16xf32>,
          %add3A_468 = arith.constant 96 : i32
          %add3A_469 = vector.broadcast %add3A_468 : i32 to vector<16xi32>
          %add3A_470 = arith.addi %add3A_469, %iota3A : vector<16xi32>
          %gather3A_471 = arith.constant 0 : i32
          %gather3A_472 = arith.constant 0 : i32
          %gather3A_473 = tpu.memref_slice %arg7[%scan3A_280, %gather3A_471, %gather3A_472] : memref<4x128x16xf32, #tpu.memory_space<vmem>> -> memref<1x128x16xf32, #tpu.memory_space<vmem>>
          %gather3A_474 = tpu.memref_squeeze %gather3A_473 : memref<1x128x16xf32, #tpu.memory_space<vmem>> -> memref<128x16xf32, #tpu.memory_space<vmem>>
          %gather3A_475 = tpu.vector_load_idx %gather3A_474[%add3A_470, %and3A_350] : memref<128x16xf32, #tpu.memory_space<vmem>>[vector<16xi32>, vector<16xi32>], vector<16xf32>,
          %gather3A_476 = arith.constant 0 : i32
          %gather3A_477 = arith.constant 0 : i32
          %gather3A_478 = tpu.memref_slice %arg8[%scan3A_281, %gather3A_476, %gather3A_477] : memref<4x128x16xf32, #tpu.memory_space<vmem>> -> memref<1x128x16xf32, #tpu.memory_space<vmem>>
          %gather3A_479 = tpu.memref_squeeze %gather3A_478 : memref<1x128x16xf32, #tpu.memory_space<vmem>> -> memref<128x16xf32, #tpu.memory_space<vmem>>
          %gather3A_480 = tpu.vector_load_idx %gather3A_479[%add3A_470, %and3A_350] : memref<128x16xf32, #tpu.memory_space<vmem>>[vector<16xi32>, vector<16xi32>], vector<16xf32>,
          %add3A_481 = arith.addf %gather3A_475, %gather3A_480 : vector<16xf32>
          %scatter3A_482 = arith.constant 0 : i32
          %scatter3A_483 = arith.constant 0 : i32
          %scatter3A_484 = arith.constant 0 : i32
          %scatter3A_485 = tpu.memref_slice %arg9[%scan3A_282, %scatter3A_482, %scatter3A_483, %scatter3A_484] : memref<4x2x8x128xf32, #tpu.memory_space<vmem>> -> memref<1x2x8x128xf32, #tpu.memory_space<vmem>>
          %scatter3A_486 = tpu.memref_squeeze %scatter3A_485 : memref<1x2x8x128xf32, #tpu.memory_space<vmem>> -> memref<2x8x128xf32, #tpu.memory_space<vmem>>
          tpu.vector_store_idx %scatter3A_486[%shift_right_arithmetic3A_352, %and3A_355, %add3A_470], %add3A_481 : memref<2x8x128xf32, #tpu.memory_space<vmem>>[vector<16xi32>, vector<16xi32>, vector<16xi32>], vector<16xf32>,
          %add3A_487 = arith.constant 112 : i32
          %add3A_488 = vector.broadcast %add3A_487 : i32 to vector<16xi32>
          %add3A_489 = arith.addi %add3A_488, %iota3A : vector<16xi32>
          %gather3A_490 = arith.constant 0 : i32
          %gather3A_491 = arith.constant 0 : i32
          %gather3A_492 = tpu.memref_slice %arg7[%scan3A_280, %gather3A_490, %gather3A_491] : memref<4x128x16xf32, #tpu.memory_space<vmem>> -> memref<1x128x16xf32, #tpu.memory_space<vmem>>
          %gather3A_493 = tpu.memref_squeeze %gather3A_492 : memref<1x128x16xf32, #tpu.memory_space<vmem>> -> memref<128x16xf32, #tpu.memory_space<vmem>>
          %gather3A_494 = tpu.vector_load_idx %gather3A_493[%add3A_489, %and3A_350] : memref<128x16xf32, #tpu.memory_space<vmem>>[vector<16xi32>, vector<16xi32>], vector<16xf32>,
          %gather3A_495 = arith.constant 0 : i32
          %gather3A_496 = arith.constant 0 : i32
          %gather3A_497 = tpu.memref_slice %arg8[%scan3A_281, %gather3A_495, %gather3A_496] : memref<4x128x16xf32, #tpu.memory_space<vmem>> -> memref<1x128x16xf32, #tpu.memory_space<vmem>>
          %gather3A_498 = tpu.memref_squeeze %gather3A_497 : memref<1x128x16xf32, #tpu.memory_space<vmem>> -> memref<128x16xf32, #tpu.memory_space<vmem>>
          %gather3A_499 = tpu.vector_load_idx %gather3A_498[%add3A_489, %and3A_350] : memref<128x16xf32, #tpu.memory_space<vmem>>[vector<16xi32>, vector<16xi32>], vector<16xf32>,
          %add3A_500 = arith.addf %gather3A_494, %gather3A_499 : vector<16xf32>
          %scatter3A_501 = arith.constant 0 : i32
          %scatter3A_502 = arith.constant 0 : i32
          %scatter3A_503 = arith.constant 0 : i32
          %scatter3A_504 = tpu.memref_slice %arg9[%scan3A_282, %scatter3A_501, %scatter3A_502, %scatter3A_503] : memref<4x2x8x128xf32, #tpu.memory_space<vmem>> -> memref<1x2x8x128xf32, #tpu.memory_space<vmem>>
          %scatter3A_505 = tpu.memref_squeeze %scatter3A_504 : memref<1x2x8x128xf32, #tpu.memory_space<vmem>> -> memref<2x8x128xf32, #tpu.memory_space<vmem>>
          tpu.vector_store_idx %scatter3A_505[%shift_right_arithmetic3A_352, %and3A_355, %add3A_489], %add3A_500 : memref<2x8x128xf32, #tpu.memory_space<vmem>>[vector<16xi32>, vector<16xi32>, vector<16xi32>], vector<16xf32>,
        }
        %scan3A_287 = arith.constant 16 : i32
        %add3A_288 = arith.addi %add3A_8, %add3A_234 : i32
        %dma_start3A = arith.constant 3 : i32
        %dma_start3A_289 = arith.constant 0 : i32
        %dma_start3A_290 = arith.constant 0 : i32
        %dma_start3A_291 = arith.constant 0 : i32
        %dma_start3A_292 = arith.constant 0 : i32
        %dma_start3A_293 = arith.constant 0 : i32
        %dma_start3A_294 = tpu.memref_slice %arg9[%dma_start3A, %dma_start3A_291, %dma_start3A_292, %dma_start3A_293] : memref<4x2x8x128xf32, #tpu.memory_space<vmem>> -> memref<1x2x8x128xf32, #tpu.memory_space<vmem>>
        %dma_start3A_295 = tpu.memref_squeeze %dma_start3A_294 : memref<1x2x8x128xf32, #tpu.memory_space<vmem>> -> memref<2x8x128xf32, #tpu.memory_space<vmem>>
        %dma_start3A_296 = arith.constant 0 : i32
        %dma_start3A_297 = arith.constant 0 : i32
        %dma_start3A_298 = tpu.memref_slice %dma_start3A_295[%dma_start3A_289, %dma_start3A_296, %dma_start3A_297] : memref<2x8x128xf32, #tpu.memory_space<vmem>> -> memref<1x8x128xf32, #tpu.memory_space<vmem>>
        %dma_start3A_299 = tpu.memref_squeeze %dma_start3A_298 : memref<1x8x128xf32, #tpu.memory_space<vmem>> -> memref<8x128xf32, #tpu.memory_space<vmem>>
        %dma_start3A_300 = arith.constant 0 : i32
        %dma_start3A_301 = arith.constant 0 : i32
        %dma_start3A_302 = tpu.memref_slice %arg5[%dma_start3A_290, %add3A_288, %dma_start3A_300, %dma_start3A_301] : memref<2x2500x8x128xf32, #tpu.memory_space<hbm>> -> memref<1x1x8x128xf32, #tpu.memory_space<hbm>>
        %dma_start3A_303 = tpu.memref_squeeze %dma_start3A_302 : memref<1x1x8x128xf32, #tpu.memory_space<hbm>> -> memref<8x128xf32, #tpu.memory_space<hbm>>
        %dma_start3A_304 = arith.constant 0 : i32
        %dma_start3A_305 = arith.constant 0 : i32
        %dma_start3A_306 = tpu.memref_slice %arg5[%dma_start3A_290, %add3A_288, %dma_start3A_304, %dma_start3A_305] : memref<2x2500x8x128xf32, #tpu.memory_space<hbm>> -> memref<1x1x8x128xf32, #tpu.memory_space<hbm>>
        %dma_start3A_307 = tpu.memref_squeeze %dma_start3A_306 : memref<1x1x8x128xf32, #tpu.memory_space<hbm>> -> memref<8x128xf32, #tpu.memory_space<hbm>>
        %dma_start3A_308 = arith.constant 0 : i32
        %dma_start3A_309 = arith.constant 0 : i32
        %dma_start3A_310 = arith.constant 0 : i32
        %dma_start3A_311 = tpu.memref_slice %arg9[%dma_start3A, %dma_start3A_308, %dma_start3A_309, %dma_start3A_310] : memref<4x2x8x128xf32, #tpu.memory_space<vmem>> -> memref<1x2x8x128xf32, #tpu.memory_space<vmem>>
        %dma_start3A_312 = tpu.memref_squeeze %dma_start3A_311 : memref<1x2x8x128xf32, #tpu.memory_space<vmem>> -> memref<2x8x128xf32, #tpu.memory_space<vmem>>
        %dma_start3A_313 = arith.constant 0 : i32
        %dma_start3A_314 = arith.constant 0 : i32
        %dma_start3A_315 = tpu.memref_slice %dma_start3A_312[%dma_start3A_289, %dma_start3A_313, %dma_start3A_314] : memref<2x8x128xf32, #tpu.memory_space<vmem>> -> memref<1x8x128xf32, #tpu.memory_space<vmem>>
        %dma_start3A_316 = tpu.memref_squeeze %dma_start3A_315 : memref<1x8x128xf32, #tpu.memory_space<vmem>> -> memref<8x128xf32, #tpu.memory_space<vmem>>
        tpu.enqueue_dma source(%dma_start3A_316 : memref<8x128xf32, #tpu.memory_space<vmem>>) target(%dma_start3A_307 : memref<8x128xf32, #tpu.memory_space<hbm>>) target_semaphore(%arg21 : memref<!tpu.dma_semaphore, #tpu.memory_space<semaphore_mem>>)
        %dma_start3A_317 = arith.constant 3 : i32
        %dma_start3A_318 = arith.constant 1 : i32
        %dma_start3A_319 = arith.constant 1 : i32
        %dma_start3A_320 = arith.constant 0 : i32
        %dma_start3A_321 = arith.constant 0 : i32
        %dma_start3A_322 = arith.constant 0 : i32
        %dma_start3A_323 = tpu.memref_slice %arg9[%dma_start3A_317, %dma_start3A_320, %dma_start3A_321, %dma_start3A_322] : memref<4x2x8x128xf32, #tpu.memory_space<vmem>> -> memref<1x2x8x128xf32, #tpu.memory_space<vmem>>
        %dma_start3A_324 = tpu.memref_squeeze %dma_start3A_323 : memref<1x2x8x128xf32, #tpu.memory_space<vmem>> -> memref<2x8x128xf32, #tpu.memory_space<vmem>>
        %dma_start3A_325 = arith.constant 0 : i32
        %dma_start3A_326 = arith.constant 0 : i32
        %dma_start3A_327 = tpu.memref_slice %dma_start3A_324[%dma_start3A_318, %dma_start3A_325, %dma_start3A_326] : memref<2x8x128xf32, #tpu.memory_space<vmem>> -> memref<1x8x128xf32, #tpu.memory_space<vmem>>
        %dma_start3A_328 = tpu.memref_squeeze %dma_start3A_327 : memref<1x8x128xf32, #tpu.memory_space<vmem>> -> memref<8x128xf32, #tpu.memory_space<vmem>>
        %dma_start3A_329 = arith.constant 0 : i32
        %dma_start3A_330 = arith.constant 0 : i32
        %dma_start3A_331 = tpu.memref_slice %arg5[%dma_start3A_319, %add3A_288, %dma_start3A_329, %dma_start3A_330] : memref<2x2500x8x128xf32, #tpu.memory_space<hbm>> -> memref<1x1x8x128xf32, #tpu.memory_space<hbm>>
        %dma_start3A_332 = tpu.memref_squeeze %dma_start3A_331 : memref<1x1x8x128xf32, #tpu.memory_space<hbm>> -> memref<8x128xf32, #tpu.memory_space<hbm>>
        %dma_start3A_333 = arith.constant 0 : i32
        %dma_start3A_334 = arith.constant 0 : i32
        %dma_start3A_335 = tpu.memref_slice %arg5[%dma_start3A_319, %add3A_288, %dma_start3A_333, %dma_start3A_334] : memref<2x2500x8x128xf32, #tpu.memory_space<hbm>> -> memref<1x1x8x128xf32, #tpu.memory_space<hbm>>
        %dma_start3A_336 = tpu.memref_squeeze %dma_start3A_335 : memref<1x1x8x128xf32, #tpu.memory_space<hbm>> -> memref<8x128xf32, #tpu.memory_space<hbm>>
        %dma_start3A_337 = arith.constant 0 : i32
        %dma_start3A_338 = arith.constant 0 : i32
        %dma_start3A_339 = arith.constant 0 : i32
        %dma_start3A_340 = tpu.memref_slice %arg9[%dma_start3A_317, %dma_start3A_337, %dma_start3A_338, %dma_start3A_339] : memref<4x2x8x128xf32, #tpu.memory_space<vmem>> -> memref<1x2x8x128xf32, #tpu.memory_space<vmem>>
        %dma_start3A_341 = tpu.memref_squeeze %dma_start3A_340 : memref<1x2x8x128xf32, #tpu.memory_space<vmem>> -> memref<2x8x128xf32, #tpu.memory_space<vmem>>
        %dma_start3A_342 = arith.constant 0 : i32
        %dma_start3A_343 = arith.constant 0 : i32
        %dma_start3A_344 = tpu.memref_slice %dma_start3A_341[%dma_start3A_318, %dma_start3A_342, %dma_start3A_343] : memref<2x8x128xf32, #tpu.memory_space<vmem>> -> memref<1x8x128xf32, #tpu.memory_space<vmem>>
        %dma_start3A_345 = tpu.memref_squeeze %dma_start3A_344 : memref<1x8x128xf32, #tpu.memory_space<vmem>> -> memref<8x128xf32, #tpu.memory_space<vmem>>
        tpu.enqueue_dma source(%dma_start3A_345 : memref<8x128xf32, #tpu.memory_space<vmem>>) target(%dma_start3A_336 : memref<8x128xf32, #tpu.memory_space<hbm>>) target_semaphore(%arg21 : memref<!tpu.dma_semaphore, #tpu.memory_space<semaphore_mem>>)
      } else {
      }
    }
    %scan3A_28 = arith.constant 20 : i32
    %dma_wait3A = arith.constant 0 : i32
    %dma_wait3A_29 = arith.constant 0 : i32
    %dma_wait3A_30 = arith.constant 0 : i32
    %dma_wait3A_31 = arith.constant 0 : i32
    %dma_wait3A_32 = arith.constant 0 : i32
    %dma_wait3A_33 = arith.constant 0 : i32
    %dma_wait3A_34 = tpu.memref_slice %arg9[%dma_wait3A, %dma_wait3A_29, %dma_wait3A_32, %dma_wait3A_33] : memref<4x2x8x128xf32, #tpu.memory_space<vmem>> -> memref<1x1x8x128xf32, #tpu.memory_space<vmem>>
    %dma_wait3A_35 = tpu.memref_squeeze %dma_wait3A_34 : memref<1x1x8x128xf32, #tpu.memory_space<vmem>> -> memref<8x128xf32, #tpu.memory_space<vmem>>
    %dma_wait3A_36 = arith.constant 0 : i32
    %dma_wait3A_37 = arith.constant 0 : i32
    %dma_wait3A_38 = tpu.memref_slice %arg5[%dma_wait3A_30, %dma_wait3A_31, %dma_wait3A_36, %dma_wait3A_37] : memref<2x2500x8x128xf32, #tpu.memory_space<hbm>> -> memref<1x1x8x128xf32, #tpu.memory_space<hbm>>
    %dma_wait3A_39 = tpu.memref_squeeze %dma_wait3A_38 : memref<1x1x8x128xf32, #tpu.memory_space<hbm>> -> memref<8x128xf32, #tpu.memory_space<hbm>>
    %dma_wait3A_40 = arith.constant 0 : i32
    %dma_wait3A_41 = arith.constant 0 : i32
    %dma_wait3A_42 = tpu.memref_slice %arg5[%dma_wait3A_30, %dma_wait3A_31, %dma_wait3A_40, %dma_wait3A_41] : memref<2x2500x8x128xf32, #tpu.memory_space<hbm>> -> memref<1x1x8x128xf32, #tpu.memory_space<hbm>>
    %dma_wait3A_43 = tpu.memref_squeeze %dma_wait3A_42 : memref<1x1x8x128xf32, #tpu.memory_space<hbm>> -> memref<8x128xf32, #tpu.memory_space<hbm>>
    %dma_wait3A_44 = arith.constant 0 : i32
    %dma_wait3A_45 = arith.constant 0 : i32
    %dma_wait3A_46 = tpu.memref_slice %arg9[%dma_wait3A, %dma_wait3A_29, %dma_wait3A_44, %dma_wait3A_45] : memref<4x2x8x128xf32, #tpu.memory_space<vmem>> -> memref<1x1x8x128xf32, #tpu.memory_space<vmem>>
    %dma_wait3A_47 = tpu.memref_squeeze %dma_wait3A_46 : memref<1x1x8x128xf32, #tpu.memory_space<vmem>> -> memref<8x128xf32, #tpu.memory_space<vmem>>
    tpu.wait_dma2 semaphore(%arg18 : memref<!tpu.dma_semaphore, #tpu.memory_space<semaphore_mem>>) src(%dma_wait3A_47 : memref<8x128xf32, #tpu.memory_space<vmem>>) dst(%dma_wait3A_43 : memref<8x128xf32, #tpu.memory_space<hbm>>)
    %dma_wait3A_48 = arith.constant 0 : i32
    %dma_wait3A_49 = arith.constant 1 : i32
    %dma_wait3A_50 = arith.constant 1 : i32
    %dma_wait3A_51 = arith.constant 0 : i32
    %dma_wait3A_52 = arith.constant 0 : i32
    %dma_wait3A_53 = arith.constant 0 : i32
    %dma_wait3A_54 = tpu.memref_slice %arg9[%dma_wait3A_48, %dma_wait3A_49, %dma_wait3A_52, %dma_wait3A_53] : memref<4x2x8x128xf32, #tpu.memory_space<vmem>> -> memref<1x1x8x128xf32, #tpu.memory_space<vmem>>
    %dma_wait3A_55 = tpu.memref_squeeze %dma_wait3A_54 : memref<1x1x8x128xf32, #tpu.memory_space<vmem>> -> memref<8x128xf32, #tpu.memory_space<vmem>>
    %dma_wait3A_56 = arith.constant 0 : i32
    %dma_wait3A_57 = arith.constant 0 : i32
    %dma_wait3A_58 = tpu.memref_slice %arg5[%dma_wait3A_50, %dma_wait3A_51, %dma_wait3A_56, %dma_wait3A_57] : memref<2x2500x8x128xf32, #tpu.memory_space<hbm>> -> memref<1x1x8x128xf32, #tpu.memory_space<hbm>>
    %dma_wait3A_59 = tpu.memref_squeeze %dma_wait3A_58 : memref<1x1x8x128xf32, #tpu.memory_space<hbm>> -> memref<8x128xf32, #tpu.memory_space<hbm>>
    %dma_wait3A_60 = arith.constant 0 : i32
    %dma_wait3A_61 = arith.constant 0 : i32
    %dma_wait3A_62 = tpu.memref_slice %arg5[%dma_wait3A_50, %dma_wait3A_51, %dma_wait3A_60, %dma_wait3A_61] : memref<2x2500x8x128xf32, #tpu.memory_space<hbm>> -> memref<1x1x8x128xf32, #tpu.memory_space<hbm>>
    %dma_wait3A_63 = tpu.memref_squeeze %dma_wait3A_62 : memref<1x1x8x128xf32, #tpu.memory_space<hbm>> -> memref<8x128xf32, #tpu.memory_space<hbm>>
    %dma_wait3A_64 = arith.constant 0 : i32
    %dma_wait3A_65 = arith.constant 0 : i32
    %dma_wait3A_66 = tpu.memref_slice %arg9[%dma_wait3A_48, %dma_wait3A_49, %dma_wait3A_64, %dma_wait3A_65] : memref<4x2x8x128xf32, #tpu.memory_space<vmem>> -> memref<1x1x8x128xf32, #tpu.memory_space<vmem>>
    %dma_wait3A_67 = tpu.memref_squeeze %dma_wait3A_66 : memref<1x1x8x128xf32, #tpu.memory_space<vmem>> -> memref<8x128xf32, #tpu.memory_space<vmem>>
    tpu.wait_dma2 semaphore(%arg18 : memref<!tpu.dma_semaphore, #tpu.memory_space<semaphore_mem>>) src(%dma_wait3A_67 : memref<8x128xf32, #tpu.memory_space<vmem>>) dst(%dma_wait3A_63 : memref<8x128xf32, #tpu.memory_space<hbm>>)
    %dma_wait3A_68 = arith.constant 1 : i32
    %dma_wait3A_69 = arith.constant 0 : i32
    %dma_wait3A_70 = arith.constant 0 : i32
    %dma_wait3A_71 = arith.constant 0 : i32
    %dma_wait3A_72 = arith.constant 0 : i32
    %dma_wait3A_73 = arith.constant 0 : i32
    %dma_wait3A_74 = tpu.memref_slice %arg9[%dma_wait3A_68, %dma_wait3A_69, %dma_wait3A_72, %dma_wait3A_73] : memref<4x2x8x128xf32, #tpu.memory_space<vmem>> -> memref<1x1x8x128xf32, #tpu.memory_space<vmem>>
    %dma_wait3A_75 = tpu.memref_squeeze %dma_wait3A_74 : memref<1x1x8x128xf32, #tpu.memory_space<vmem>> -> memref<8x128xf32, #tpu.memory_space<vmem>>
    %dma_wait3A_76 = arith.constant 0 : i32
    %dma_wait3A_77 = arith.constant 0 : i32
    %dma_wait3A_78 = tpu.memref_slice %arg5[%dma_wait3A_70, %dma_wait3A_71, %dma_wait3A_76, %dma_wait3A_77] : memref<2x2500x8x128xf32, #tpu.memory_space<hbm>> -> memref<1x1x8x128xf32, #tpu.memory_space<hbm>>
    %dma_wait3A_79 = tpu.memref_squeeze %dma_wait3A_78 : memref<1x1x8x128xf32, #tpu.memory_space<hbm>> -> memref<8x128xf32, #tpu.memory_space<hbm>>
    %dma_wait3A_80 = arith.constant 0 : i32
    %dma_wait3A_81 = arith.constant 0 : i32
    %dma_wait3A_82 = tpu.memref_slice %arg5[%dma_wait3A_70, %dma_wait3A_71, %dma_wait3A_80, %dma_wait3A_81] : memref<2x2500x8x128xf32, #tpu.memory_space<hbm>> -> memref<1x1x8x128xf32, #tpu.memory_space<hbm>>
    %dma_wait3A_83 = tpu.memref_squeeze %dma_wait3A_82 : memref<1x1x8x128xf32, #tpu.memory_space<hbm>> -> memref<8x128xf32, #tpu.memory_space<hbm>>
    %dma_wait3A_84 = arith.constant 0 : i32
    %dma_wait3A_85 = arith.constant 0 : i32
    %dma_wait3A_86 = tpu.memref_slice %arg9[%dma_wait3A_68, %dma_wait3A_69, %dma_wait3A_84, %dma_wait3A_85] : memref<4x2x8x128xf32, #tpu.memory_space<vmem>> -> memref<1x1x8x128xf32, #tpu.memory_space<vmem>>
    %dma_wait3A_87 = tpu.memref_squeeze %dma_wait3A_86 : memref<1x1x8x128xf32, #tpu.memory_space<vmem>> -> memref<8x128xf32, #tpu.memory_space<vmem>>
    tpu.wait_dma2 semaphore(%arg19 : memref<!tpu.dma_semaphore, #tpu.memory_space<semaphore_mem>>) src(%dma_wait3A_87 : memref<8x128xf32, #tpu.memory_space<vmem>>) dst(%dma_wait3A_83 : memref<8x128xf32, #tpu.memory_space<hbm>>)
    %dma_wait3A_88 = arith.constant 1 : i32
    %dma_wait3A_89 = arith.constant 1 : i32
    %dma_wait3A_90 = arith.constant 1 : i32
    %dma_wait3A_91 = arith.constant 0 : i32
    %dma_wait3A_92 = arith.constant 0 : i32
    %dma_wait3A_93 = arith.constant 0 : i32
    %dma_wait3A_94 = tpu.memref_slice %arg9[%dma_wait3A_88, %dma_wait3A_89, %dma_wait3A_92, %dma_wait3A_93] : memref<4x2x8x128xf32, #tpu.memory_space<vmem>> -> memref<1x1x8x128xf32, #tpu.memory_space<vmem>>
    %dma_wait3A_95 = tpu.memref_squeeze %dma_wait3A_94 : memref<1x1x8x128xf32, #tpu.memory_space<vmem>> -> memref<8x128xf32, #tpu.memory_space<vmem>>
    %dma_wait3A_96 = arith.constant 0 : i32
    %dma_wait3A_97 = arith.constant 0 : i32
    %dma_wait3A_98 = tpu.memref_slice %arg5[%dma_wait3A_90, %dma_wait3A_91, %dma_wait3A_96, %dma_wait3A_97] : memref<2x2500x8x128xf32, #tpu.memory_space<hbm>> -> memref<1x1x8x128xf32, #tpu.memory_space<hbm>>
    %dma_wait3A_99 = tpu.memref_squeeze %dma_wait3A_98 : memref<1x1x8x128xf32, #tpu.memory_space<hbm>> -> memref<8x128xf32, #tpu.memory_space<hbm>>
    %dma_wait3A_100 = arith.constant 0 : i32
    %dma_wait3A_101 = arith.constant 0 : i32
    %dma_wait3A_102 = tpu.memref_slice %arg5[%dma_wait3A_90, %dma_wait3A_91, %dma_wait3A_100, %dma_wait3A_101] : memref<2x2500x8x128xf32, #tpu.memory_space<hbm>> -> memref<1x1x8x128xf32, #tpu.memory_space<hbm>>
    %dma_wait3A_103 = tpu.memref_squeeze %dma_wait3A_102 : memref<1x1x8x128xf32, #tpu.memory_space<hbm>> -> memref<8x128xf32, #tpu.memory_space<hbm>>
    %dma_wait3A_104 = arith.constant 0 : i32
    %dma_wait3A_105 = arith.constant 0 : i32
    %dma_wait3A_106 = tpu.memref_slice %arg9[%dma_wait3A_88, %dma_wait3A_89, %dma_wait3A_104, %dma_wait3A_105] : memref<4x2x8x128xf32, #tpu.memory_space<vmem>> -> memref<1x1x8x128xf32, #tpu.memory_space<vmem>>
    %dma_wait3A_107 = tpu.memref_squeeze %dma_wait3A_106 : memref<1x1x8x128xf32, #tpu.memory_space<vmem>> -> memref<8x128xf32, #tpu.memory_space<vmem>>
    tpu.wait_dma2 semaphore(%arg19 : memref<!tpu.dma_semaphore, #tpu.memory_space<semaphore_mem>>) src(%dma_wait3A_107 : memref<8x128xf32, #tpu.memory_space<vmem>>) dst(%dma_wait3A_103 : memref<8x128xf32, #tpu.memory_space<hbm>>)
    %dma_wait3A_108 = arith.constant 2 : i32
    %dma_wait3A_109 = arith.constant 0 : i32
    %dma_wait3A_110 = arith.constant 0 : i32
    %dma_wait3A_111 = arith.constant 0 : i32
    %dma_wait3A_112 = arith.constant 0 : i32
    %dma_wait3A_113 = arith.constant 0 : i32
    %dma_wait3A_114 = tpu.memref_slice %arg9[%dma_wait3A_108, %dma_wait3A_109, %dma_wait3A_112, %dma_wait3A_113] : memref<4x2x8x128xf32, #tpu.memory_space<vmem>> -> memref<1x1x8x128xf32, #tpu.memory_space<vmem>>
    %dma_wait3A_115 = tpu.memref_squeeze %dma_wait3A_114 : memref<1x1x8x128xf32, #tpu.memory_space<vmem>> -> memref<8x128xf32, #tpu.memory_space<vmem>>
    %dma_wait3A_116 = arith.constant 0 : i32
    %dma_wait3A_117 = arith.constant 0 : i32
    %dma_wait3A_118 = tpu.memref_slice %arg5[%dma_wait3A_110, %dma_wait3A_111, %dma_wait3A_116, %dma_wait3A_117] : memref<2x2500x8x128xf32, #tpu.memory_space<hbm>> -> memref<1x1x8x128xf32, #tpu.memory_space<hbm>>
    %dma_wait3A_119 = tpu.memref_squeeze %dma_wait3A_118 : memref<1x1x8x128xf32, #tpu.memory_space<hbm>> -> memref<8x128xf32, #tpu.memory_space<hbm>>
    %dma_wait3A_120 = arith.constant 0 : i32
    %dma_wait3A_121 = arith.constant 0 : i32
    %dma_wait3A_122 = tpu.memref_slice %arg5[%dma_wait3A_110, %dma_wait3A_111, %dma_wait3A_120, %dma_wait3A_121] : memref<2x2500x8x128xf32, #tpu.memory_space<hbm>> -> memref<1x1x8x128xf32, #tpu.memory_space<hbm>>
    %dma_wait3A_123 = tpu.memref_squeeze %dma_wait3A_122 : memref<1x1x8x128xf32, #tpu.memory_space<hbm>> -> memref<8x128xf32, #tpu.memory_space<hbm>>
    %dma_wait3A_124 = arith.constant 0 : i32
    %dma_wait3A_125 = arith.constant 0 : i32
    %dma_wait3A_126 = tpu.memref_slice %arg9[%dma_wait3A_108, %dma_wait3A_109, %dma_wait3A_124, %dma_wait3A_125] : memref<4x2x8x128xf32, #tpu.memory_space<vmem>> -> memref<1x1x8x128xf32, #tpu.memory_space<vmem>>
    %dma_wait3A_127 = tpu.memref_squeeze %dma_wait3A_126 : memref<1x1x8x128xf32, #tpu.memory_space<vmem>> -> memref<8x128xf32, #tpu.memory_space<vmem>>
    tpu.wait_dma2 semaphore(%arg20 : memref<!tpu.dma_semaphore, #tpu.memory_space<semaphore_mem>>) src(%dma_wait3A_127 : memref<8x128xf32, #tpu.memory_space<vmem>>) dst(%dma_wait3A_123 : memref<8x128xf32, #tpu.memory_space<hbm>>)
    %dma_wait3A_128 = arith.constant 2 : i32
    %dma_wait3A_129 = arith.constant 1 : i32
    %dma_wait3A_130 = arith.constant 1 : i32
    %dma_wait3A_131 = arith.constant 0 : i32
    %dma_wait3A_132 = arith.constant 0 : i32
    %dma_wait3A_133 = arith.constant 0 : i32
    %dma_wait3A_134 = tpu.memref_slice %arg9[%dma_wait3A_128, %dma_wait3A_129, %dma_wait3A_132, %dma_wait3A_133] : memref<4x2x8x128xf32, #tpu.memory_space<vmem>> -> memref<1x1x8x128xf32, #tpu.memory_space<vmem>>
    %dma_wait3A_135 = tpu.memref_squeeze %dma_wait3A_134 : memref<1x1x8x128xf32, #tpu.memory_space<vmem>> -> memref<8x128xf32, #tpu.memory_space<vmem>>
    %dma_wait3A_136 = arith.constant 0 : i32
    %dma_wait3A_137 = arith.constant 0 : i32
    %dma_wait3A_138 = tpu.memref_slice %arg5[%dma_wait3A_130, %dma_wait3A_131, %dma_wait3A_136, %dma_wait3A_137] : memref<2x2500x8x128xf32, #tpu.memory_space<hbm>> -> memref<1x1x8x128xf32, #tpu.memory_space<hbm>>
    %dma_wait3A_139 = tpu.memref_squeeze %dma_wait3A_138 : memref<1x1x8x128xf32, #tpu.memory_space<hbm>> -> memref<8x128xf32, #tpu.memory_space<hbm>>
    %dma_wait3A_140 = arith.constant 0 : i32
    %dma_wait3A_141 = arith.constant 0 : i32
    %dma_wait3A_142 = tpu.memref_slice %arg5[%dma_wait3A_130, %dma_wait3A_131, %dma_wait3A_140, %dma_wait3A_141] : memref<2x2500x8x128xf32, #tpu.memory_space<hbm>> -> memref<1x1x8x128xf32, #tpu.memory_space<hbm>>
    %dma_wait3A_143 = tpu.memref_squeeze %dma_wait3A_142 : memref<1x1x8x128xf32, #tpu.memory_space<hbm>> -> memref<8x128xf32, #tpu.memory_space<hbm>>
    %dma_wait3A_144 = arith.constant 0 : i32
    %dma_wait3A_145 = arith.constant 0 : i32
    %dma_wait3A_146 = tpu.memref_slice %arg9[%dma_wait3A_128, %dma_wait3A_129, %dma_wait3A_144, %dma_wait3A_145] : memref<4x2x8x128xf32, #tpu.memory_space<vmem>> -> memref<1x1x8x128xf32, #tpu.memory_space<vmem>>
    %dma_wait3A_147 = tpu.memref_squeeze %dma_wait3A_146 : memref<1x1x8x128xf32, #tpu.memory_space<vmem>> -> memref<8x128xf32, #tpu.memory_space<vmem>>
    tpu.wait_dma2 semaphore(%arg20 : memref<!tpu.dma_semaphore, #tpu.memory_space<semaphore_mem>>) src(%dma_wait3A_147 : memref<8x128xf32, #tpu.memory_space<vmem>>) dst(%dma_wait3A_143 : memref<8x128xf32, #tpu.memory_space<hbm>>)
    %dma_wait3A_148 = arith.constant 3 : i32
    %dma_wait3A_149 = arith.constant 0 : i32
    %dma_wait3A_150 = arith.constant 0 : i32
    %dma_wait3A_151 = arith.constant 0 : i32
    %dma_wait3A_152 = arith.constant 0 : i32
    %dma_wait3A_153 = arith.constant 0 : i32
    %dma_wait3A_154 = tpu.memref_slice %arg9[%dma_wait3A_148, %dma_wait3A_149, %dma_wait3A_152, %dma_wait3A_153] : memref<4x2x8x128xf32, #tpu.memory_space<vmem>> -> memref<1x1x8x128xf32, #tpu.memory_space<vmem>>
    %dma_wait3A_155 = tpu.memref_squeeze %dma_wait3A_154 : memref<1x1x8x128xf32, #tpu.memory_space<vmem>> -> memref<8x128xf32, #tpu.memory_space<vmem>>
    %dma_wait3A_156 = arith.constant 0 : i32
    %dma_wait3A_157 = arith.constant 0 : i32
    %dma_wait3A_158 = tpu.memref_slice %arg5[%dma_wait3A_150, %dma_wait3A_151, %dma_wait3A_156, %dma_wait3A_157] : memref<2x2500x8x128xf32, #tpu.memory_space<hbm>> -> memref<1x1x8x128xf32, #tpu.memory_space<hbm>>
    %dma_wait3A_159 = tpu.memref_squeeze %dma_wait3A_158 : memref<1x1x8x128xf32, #tpu.memory_space<hbm>> -> memref<8x128xf32, #tpu.memory_space<hbm>>
    %dma_wait3A_160 = arith.constant 0 : i32
    %dma_wait3A_161 = arith.constant 0 : i32
    %dma_wait3A_162 = tpu.memref_slice %arg5[%dma_wait3A_150, %dma_wait3A_151, %dma_wait3A_160, %dma_wait3A_161] : memref<2x2500x8x128xf32, #tpu.memory_space<hbm>> -> memref<1x1x8x128xf32, #tpu.memory_space<hbm>>
    %dma_wait3A_163 = tpu.memref_squeeze %dma_wait3A_162 : memref<1x1x8x128xf32, #tpu.memory_space<hbm>> -> memref<8x128xf32, #tpu.memory_space<hbm>>
    %dma_wait3A_164 = arith.constant 0 : i32
    %dma_wait3A_165 = arith.constant 0 : i32
    %dma_wait3A_166 = tpu.memref_slice %arg9[%dma_wait3A_148, %dma_wait3A_149, %dma_wait3A_164, %dma_wait3A_165] : memref<4x2x8x128xf32, #tpu.memory_space<vmem>> -> memref<1x1x8x128xf32, #tpu.memory_space<vmem>>
    %dma_wait3A_167 = tpu.memref_squeeze %dma_wait3A_166 : memref<1x1x8x128xf32, #tpu.memory_space<vmem>> -> memref<8x128xf32, #tpu.memory_space<vmem>>
    tpu.wait_dma2 semaphore(%arg21 : memref<!tpu.dma_semaphore, #tpu.memory_space<semaphore_mem>>) src(%dma_wait3A_167 : memref<8x128xf32, #tpu.memory_space<vmem>>) dst(%dma_wait3A_163 : memref<8x128xf32, #tpu.memory_space<hbm>>)
    %dma_wait3A_168 = arith.constant 3 : i32
    %dma_wait3A_169 = arith.constant 1 : i32
    %dma_wait3A_170 = arith.constant 1 : i32
    %dma_wait3A_171 = arith.constant 0 : i32
    %dma_wait3A_172 = arith.constant 0 : i32
    %dma_wait3A_173 = arith.constant 0 : i32
    %dma_wait3A_174 = tpu.memref_slice %arg9[%dma_wait3A_168, %dma_wait3A_169, %dma_wait3A_172, %dma_wait3A_173] : memref<4x2x8x128xf32, #tpu.memory_space<vmem>> -> memref<1x1x8x128xf32, #tpu.memory_space<vmem>>
    %dma_wait3A_175 = tpu.memref_squeeze %dma_wait3A_174 : memref<1x1x8x128xf32, #tpu.memory_space<vmem>> -> memref<8x128xf32, #tpu.memory_space<vmem>>
    %dma_wait3A_176 = arith.constant 0 : i32
    %dma_wait3A_177 = arith.constant 0 : i32
    %dma_wait3A_178 = tpu.memref_slice %arg5[%dma_wait3A_170, %dma_wait3A_171, %dma_wait3A_176, %dma_wait3A_177] : memref<2x2500x8x128xf32, #tpu.memory_space<hbm>> -> memref<1x1x8x128xf32, #tpu.memory_space<hbm>>
    %dma_wait3A_179 = tpu.memref_squeeze %dma_wait3A_178 : memref<1x1x8x128xf32, #tpu.memory_space<hbm>> -> memref<8x128xf32, #tpu.memory_space<hbm>>
    %dma_wait3A_180 = arith.constant 0 : i32
    %dma_wait3A_181 = arith.constant 0 : i32
    %dma_wait3A_182 = tpu.memref_slice %arg5[%dma_wait3A_170, %dma_wait3A_171, %dma_wait3A_180, %dma_wait3A_181] : memref<2x2500x8x128xf32, #tpu.memory_space<hbm>> -> memref<1x1x8x128xf32, #tpu.memory_space<hbm>>
    %dma_wait3A_183 = tpu.memref_squeeze %dma_wait3A_182 : memref<1x1x8x128xf32, #tpu.memory_space<hbm>> -> memref<8x128xf32, #tpu.memory_space<hbm>>
    %dma_wait3A_184 = arith.constant 0 : i32
    %dma_wait3A_185 = arith.constant 0 : i32
    %dma_wait3A_186 = tpu.memref_slice %arg9[%dma_wait3A_168, %dma_wait3A_169, %dma_wait3A_184, %dma_wait3A_185] : memref<4x2x8x128xf32, #tpu.memory_space<vmem>> -> memref<1x1x8x128xf32, #tpu.memory_space<vmem>>
    %dma_wait3A_187 = tpu.memref_squeeze %dma_wait3A_186 : memref<1x1x8x128xf32, #tpu.memory_space<vmem>> -> memref<8x128xf32, #tpu.memory_space<vmem>>
    tpu.wait_dma2 semaphore(%arg21 : memref<!tpu.dma_semaphore, #tpu.memory_space<semaphore_mem>>) src(%dma_wait3A_187 : memref<8x128xf32, #tpu.memory_space<vmem>>) dst(%dma_wait3A_183 : memref<8x128xf32, #tpu.memory_space<hbm>>)
    return
  }
}

module attributes {stable_mosaic.version = 14 : i64} {
  func.func @_pq_body(%arg0: i32, %arg1: memref<1250x1024xf32, #tpu.memory_space<vmem>>, %arg2: memref<1024x128xf32, #tpu.memory_space<vmem>>, %arg3: memref<1024x128xf32, #tpu.memory_space<vmem>>, %arg4: memref<1250x128xf32, #tpu.memory_space<vmem>>, %arg5: memref<1250x128xf32, #tpu.memory_space<vmem>>) attributes {dimension_semantics = [#tpu.dimension_semantics<arbitrary>], iteration_bounds = array<i64: 1>, scalar_prefetch = 0 : i64, scratch_operands = 0 : i64, tpu.core_type = #tpu.core_type<tc>, window_params = [{pipeline_mode = #tpu.pipeline_mode<synchronous>, transform_indices = @transform_0, window_bounds = array<i64: 1250, 1024>}, {pipeline_mode = #tpu.pipeline_mode<synchronous>, transform_indices = @transform_1, window_bounds = array<i64: 1024, 128>}, {pipeline_mode = #tpu.pipeline_mode<synchronous>, transform_indices = @transform_2, window_bounds = array<i64: 1024, 128>}, {pipeline_mode = #tpu.pipeline_mode<synchronous>, transform_indices = @transform_3, window_bounds = array<i64: 1250, 128>}, {pipeline_mode = #tpu.pipeline_mode<synchronous>, transform_indices = @transform_4, window_bounds = array<i64: 1250, 128>}]} {
    %get3A = arith.constant 0 : index
    %get3A_0 = arith.constant 0 : index
    %get3A_1 = vector.load %arg1[%get3A, %get3A_0] : memref<1250x1024xf32, #tpu.memory_space<vmem>>, vector<1250x1024xf32>
    %get3A_2 = arith.constant 0 : index
    %get3A_3 = arith.constant 0 : index
    %get3A_4 = vector.load %arg2[%get3A_2, %get3A_3] : memref<1024x128xf32, #tpu.memory_space<vmem>>, vector<1024x128xf32>
    %dot_general3A = arith.constant dense<0.000000e+00> : vector<1250x128xf32>
    %dot_general3A_5 = tpu.matmul %get3A_1, %get3A_4, %dot_general3A {dimension_numbers = #tpu.dot_dimension_numbers<[1], [0], [0], [1], [0, 0, 1, 1], [], []>, transpose_lhs_hint = false} : vector<1250x1024xf32>, vector<1024x128xf32>, vector<1250x128xf32> -> vector<1250x128xf32>
    %swap3A = arith.constant 0 : index
    %swap3A_6 = arith.constant 0 : index
    %swap3A_7 = vector.load %arg4[%swap3A, %swap3A_6] : memref<1250x128xf32, #tpu.memory_space<vmem>>, vector<1250x128xf32>
    tpu.vector_store %arg4[%swap3A, %swap3A_6], %dot_general3A_5 {strides = array<i32>} : memref<1250x128xf32, #tpu.memory_space<vmem>>, vector<1250x128xf32>,
    %get3A_8 = arith.constant 0 : index
    %get3A_9 = arith.constant 0 : index
    %get3A_10 = vector.load %arg3[%get3A_8, %get3A_9] : memref<1024x128xf32, #tpu.memory_space<vmem>>, vector<1024x128xf32>
    %dot_general3A_11 = arith.constant dense<0.000000e+00> : vector<1250x128xf32>
    %dot_general3A_12 = tpu.matmul %get3A_1, %get3A_10, %dot_general3A_11 {dimension_numbers = #tpu.dot_dimension_numbers<[1], [0], [0], [1], [0, 0, 1, 1], [], []>, transpose_lhs_hint = false} : vector<1250x1024xf32>, vector<1024x128xf32>, vector<1250x128xf32> -> vector<1250x128xf32>
    %swap3A_13 = arith.constant 0 : index
    %swap3A_14 = arith.constant 0 : index
    %swap3A_15 = vector.load %arg5[%swap3A_13, %swap3A_14] : memref<1250x128xf32, #tpu.memory_space<vmem>>, vector<1250x128xf32>
    tpu.vector_store %arg5[%swap3A_13, %swap3A_14], %dot_general3A_12 {strides = array<i32>} : memref<1250x128xf32, #tpu.memory_space<vmem>>, vector<1250x128xf32>,
    return
  }
  func.func @transform_0(%arg0: i32) -> (i32, i32) {
    %c0_i32 = arith.constant 0 : i32
    %c0_i32_0 = arith.constant 0 : i32
    %c0_i32_1 = arith.constant 0 : i32
    return %c0_i32, %c0_i32_0 : i32, i32
  }
  func.func @transform_1(%arg0: i32) -> (i32, i32) {
    %c0_i32 = arith.constant 0 : i32
    %c0_i32_0 = arith.constant 0 : i32
    %c0_i32_1 = arith.constant 0 : i32
    return %c0_i32, %c0_i32_0 : i32, i32
  }
  func.func @transform_2(%arg0: i32) -> (i32, i32) {
    %c0_i32 = arith.constant 0 : i32
    %c0_i32_0 = arith.constant 0 : i32
    %c0_i32_1 = arith.constant 0 : i32
    return %c0_i32, %c0_i32_0 : i32, i32
  }
  func.func @transform_3(%arg0: i32) -> (i32, i32) {
    %c0_i32 = arith.constant 0 : i32
    %c0_i32_0 = arith.constant 0 : i32
    %c0_i32_1 = arith.constant 0 : i32
    return %c0_i32, %c0_i32_0 : i32, i32
  }
  func.func @transform_4(%arg0: i32) -> (i32, i32) {
    %c0_i32 = arith.constant 0 : i32
    %c0_i32_0 = arith.constant 0 : i32
    %c0_i32_1 = arith.constant 0 : i32
    return %c0_i32, %c0_i32_0 : i32, i32
  }
}

module attributes {stable_mosaic.version = 14 : i64} {
  func.func @_edge_body(%arg0: i32, %arg1: memref<2x50x8x128xf32, #tpu.memory_space<vmem>>, %arg2: memref<16x6400xf32, #tpu.memory_space<vmem>>, %arg3: memref<16x16xf32, #tpu.memory_space<vmem>>, %arg4: memref<16x16xf32, #tpu.memory_space<vmem>>, %arg5: memref<16x16xf32, #tpu.memory_space<vmem>>, %arg6: memref<16x8xf32, #tpu.memory_space<vmem>>, %arg7: memref<16x6400xf32, #tpu.memory_space<vmem>>) attributes {dimension_semantics = [#tpu.dimension_semantics<arbitrary>], iteration_bounds = array<i64: 50>, scalar_prefetch = 0 : i64, scratch_operands = 0 : i64, tpu.core_type = #tpu.core_type<tc>, window_params = [{transform_indices = @transform_0, window_bounds = array<i64: 2, 50, 8, 128>}, {transform_indices = @transform_1, window_bounds = array<i64: 16, 6400>}, {pipeline_mode = #tpu.pipeline_mode<synchronous>, transform_indices = @transform_2, window_bounds = array<i64: 16, 16>}, {pipeline_mode = #tpu.pipeline_mode<synchronous>, transform_indices = @transform_3, window_bounds = array<i64: 16, 16>}, {pipeline_mode = #tpu.pipeline_mode<synchronous>, transform_indices = @transform_4, window_bounds = array<i64: 16, 16>}, {pipeline_mode = #tpu.pipeline_mode<synchronous>, transform_indices = @transform_5, window_bounds = array<i64: 16, 8>}, {transform_indices = @transform_6, window_bounds = array<i64: 16, 6400>}]} {
    %get3A = arith.constant 0 : index
    %get3A_0 = arith.constant 0 : index
    %get3A_1 = arith.constant 0 : index
    %get3A_2 = arith.constant 0 : index
    %get3A_3 = vector.load %arg1[%get3A, %get3A_0, %get3A_1, %get3A_2] : memref<2x50x8x128xf32, #tpu.memory_space<vmem>>, vector<2x1x8x128xf32>
    %get3A_4 = vector.shape_cast %get3A_3 : vector<2x1x8x128xf32> to vector<2x8x128xf32>
    %reshape3A = vector.shape_cast %get3A_4 : vector<2x8x128xf32> to vector<16x128xf32>
    %get3A_5 = arith.constant 0 : index
    %get3A_6 = arith.constant 1 : index
    %get3A_7 = arith.constant 0 : index
    %get3A_8 = arith.constant 0 : index
    %get3A_9 = vector.load %arg1[%get3A_5, %get3A_6, %get3A_7, %get3A_8] : memref<2x50x8x128xf32, #tpu.memory_space<vmem>>, vector<2x1x8x128xf32>
    %get3A_10 = vector.shape_cast %get3A_9 : vector<2x1x8x128xf32> to vector<2x8x128xf32>
    %reshape3A_11 = vector.shape_cast %get3A_10 : vector<2x8x128xf32> to vector<16x128xf32>
    %get3A_12 = arith.constant 0 : index
    %get3A_13 = arith.constant 2 : index
    %get3A_14 = arith.constant 0 : index
    %get3A_15 = arith.constant 0 : index
    %get3A_16 = vector.load %arg1[%get3A_12, %get3A_13, %get3A_14, %get3A_15] : memref<2x50x8x128xf32, #tpu.memory_space<vmem>>, vector<2x1x8x128xf32>
    %get3A_17 = vector.shape_cast %get3A_16 : vector<2x1x8x128xf32> to vector<2x8x128xf32>
    %reshape3A_18 = vector.shape_cast %get3A_17 : vector<2x8x128xf32> to vector<16x128xf32>
    %get3A_19 = arith.constant 0 : index
    %get3A_20 = arith.constant 3 : index
    %get3A_21 = arith.constant 0 : index
    %get3A_22 = arith.constant 0 : index
    %get3A_23 = vector.load %arg1[%get3A_19, %get3A_20, %get3A_21, %get3A_22] : memref<2x50x8x128xf32, #tpu.memory_space<vmem>>, vector<2x1x8x128xf32>
    %get3A_24 = vector.shape_cast %get3A_23 : vector<2x1x8x128xf32> to vector<2x8x128xf32>
    %reshape3A_25 = vector.shape_cast %get3A_24 : vector<2x8x128xf32> to vector<16x128xf32>
    %get3A_26 = arith.constant 0 : index
    %get3A_27 = arith.constant 4 : index
    %get3A_28 = arith.constant 0 : index
    %get3A_29 = arith.constant 0 : index
    %get3A_30 = vector.load %arg1[%get3A_26, %get3A_27, %get3A_28, %get3A_29] : memref<2x50x8x128xf32, #tpu.memory_space<vmem>>, vector<2x1x8x128xf32>
    %get3A_31 = vector.shape_cast %get3A_30 : vector<2x1x8x128xf32> to vector<2x8x128xf32>
    %reshape3A_32 = vector.shape_cast %get3A_31 : vector<2x8x128xf32> to vector<16x128xf32>
    %get3A_33 = arith.constant 0 : index
    %get3A_34 = arith.constant 5 : index
    %get3A_35 = arith.constant 0 : index
    %get3A_36 = arith.constant 0 : index
    %get3A_37 = vector.load %arg1[%get3A_33, %get3A_34, %get3A_35, %get3A_36] : memref<2x50x8x128xf32, #tpu.memory_space<vmem>>, vector<2x1x8x128xf32>
    %get3A_38 = vector.shape_cast %get3A_37 : vector<2x1x8x128xf32> to vector<2x8x128xf32>
    %reshape3A_39 = vector.shape_cast %get3A_38 : vector<2x8x128xf32> to vector<16x128xf32>
    %get3A_40 = arith.constant 0 : index
    %get3A_41 = arith.constant 6 : index
    %get3A_42 = arith.constant 0 : index
    %get3A_43 = arith.constant 0 : index
    %get3A_44 = vector.load %arg1[%get3A_40, %get3A_41, %get3A_42, %get3A_43] : memref<2x50x8x128xf32, #tpu.memory_space<vmem>>, vector<2x1x8x128xf32>
    %get3A_45 = vector.shape_cast %get3A_44 : vector<2x1x8x128xf32> to vector<2x8x128xf32>
    %reshape3A_46 = vector.shape_cast %get3A_45 : vector<2x8x128xf32> to vector<16x128xf32>
    %get3A_47 = arith.constant 0 : index
    %get3A_48 = arith.constant 7 : index
    %get3A_49 = arith.constant 0 : index
    %get3A_50 = arith.constant 0 : index
    %get3A_51 = vector.load %arg1[%get3A_47, %get3A_48, %get3A_49, %get3A_50] : memref<2x50x8x128xf32, #tpu.memory_space<vmem>>, vector<2x1x8x128xf32>
    %get3A_52 = vector.shape_cast %get3A_51 : vector<2x1x8x128xf32> to vector<2x8x128xf32>
    %reshape3A_53 = vector.shape_cast %get3A_52 : vector<2x8x128xf32> to vector<16x128xf32>
    %get3A_54 = arith.constant 0 : index
    %get3A_55 = arith.constant 8 : index
    %get3A_56 = arith.constant 0 : index
    %get3A_57 = arith.constant 0 : index
    %get3A_58 = vector.load %arg1[%get3A_54, %get3A_55, %get3A_56, %get3A_57] : memref<2x50x8x128xf32, #tpu.memory_space<vmem>>, vector<2x1x8x128xf32>
    %get3A_59 = vector.shape_cast %get3A_58 : vector<2x1x8x128xf32> to vector<2x8x128xf32>
    %reshape3A_60 = vector.shape_cast %get3A_59 : vector<2x8x128xf32> to vector<16x128xf32>
    %get3A_61 = arith.constant 0 : index
    %get3A_62 = arith.constant 9 : index
    %get3A_63 = arith.constant 0 : index
    %get3A_64 = arith.constant 0 : index
    %get3A_65 = vector.load %arg1[%get3A_61, %get3A_62, %get3A_63, %get3A_64] : memref<2x50x8x128xf32, #tpu.memory_space<vmem>>, vector<2x1x8x128xf32>
    %get3A_66 = vector.shape_cast %get3A_65 : vector<2x1x8x128xf32> to vector<2x8x128xf32>
    %reshape3A_67 = vector.shape_cast %get3A_66 : vector<2x8x128xf32> to vector<16x128xf32>
    %get3A_68 = arith.constant 0 : index
    %get3A_69 = arith.constant 10 : index
    %get3A_70 = arith.constant 0 : index
    %get3A_71 = arith.constant 0 : index
    %get3A_72 = vector.load %arg1[%get3A_68, %get3A_69, %get3A_70, %get3A_71] : memref<2x50x8x128xf32, #tpu.memory_space<vmem>>, vector<2x1x8x128xf32>
    %get3A_73 = vector.shape_cast %get3A_72 : vector<2x1x8x128xf32> to vector<2x8x128xf32>
    %reshape3A_74 = vector.shape_cast %get3A_73 : vector<2x8x128xf32> to vector<16x128xf32>
    %get3A_75 = arith.constant 0 : index
    %get3A_76 = arith.constant 11 : index
    %get3A_77 = arith.constant 0 : index
    %get3A_78 = arith.constant 0 : index
    %get3A_79 = vector.load %arg1[%get3A_75, %get3A_76, %get3A_77, %get3A_78] : memref<2x50x8x128xf32, #tpu.memory_space<vmem>>, vector<2x1x8x128xf32>
    %get3A_80 = vector.shape_cast %get3A_79 : vector<2x1x8x128xf32> to vector<2x8x128xf32>
    %reshape3A_81 = vector.shape_cast %get3A_80 : vector<2x8x128xf32> to vector<16x128xf32>
    %get3A_82 = arith.constant 0 : index
    %get3A_83 = arith.constant 12 : index
    %get3A_84 = arith.constant 0 : index
    %get3A_85 = arith.constant 0 : index
    %get3A_86 = vector.load %arg1[%get3A_82, %get3A_83, %get3A_84, %get3A_85] : memref<2x50x8x128xf32, #tpu.memory_space<vmem>>, vector<2x1x8x128xf32>
    %get3A_87 = vector.shape_cast %get3A_86 : vector<2x1x8x128xf32> to vector<2x8x128xf32>
    %reshape3A_88 = vector.shape_cast %get3A_87 : vector<2x8x128xf32> to vector<16x128xf32>
    %get3A_89 = arith.constant 0 : index
    %get3A_90 = arith.constant 13 : index
    %get3A_91 = arith.constant 0 : index
    %get3A_92 = arith.constant 0 : index
    %get3A_93 = vector.load %arg1[%get3A_89, %get3A_90, %get3A_91, %get3A_92] : memref<2x50x8x128xf32, #tpu.memory_space<vmem>>, vector<2x1x8x128xf32>
    %get3A_94 = vector.shape_cast %get3A_93 : vector<2x1x8x128xf32> to vector<2x8x128xf32>
    %reshape3A_95 = vector.shape_cast %get3A_94 : vector<2x8x128xf32> to vector<16x128xf32>
    %get3A_96 = arith.constant 0 : index
    %get3A_97 = arith.constant 14 : index
    %get3A_98 = arith.constant 0 : index
    %get3A_99 = arith.constant 0 : index
    %get3A_100 = vector.load %arg1[%get3A_96, %get3A_97, %get3A_98, %get3A_99] : memref<2x50x8x128xf32, #tpu.memory_space<vmem>>, vector<2x1x8x128xf32>
    %get3A_101 = vector.shape_cast %get3A_100 : vector<2x1x8x128xf32> to vector<2x8x128xf32>
    %reshape3A_102 = vector.shape_cast %get3A_101 : vector<2x8x128xf32> to vector<16x128xf32>
    %get3A_103 = arith.constant 0 : index
    %get3A_104 = arith.constant 15 : index
    %get3A_105 = arith.constant 0 : index
    %get3A_106 = arith.constant 0 : index
    %get3A_107 = vector.load %arg1[%get3A_103, %get3A_104, %get3A_105, %get3A_106] : memref<2x50x8x128xf32, #tpu.memory_space<vmem>>, vector<2x1x8x128xf32>
    %get3A_108 = vector.shape_cast %get3A_107 : vector<2x1x8x128xf32> to vector<2x8x128xf32>
    %reshape3A_109 = vector.shape_cast %get3A_108 : vector<2x8x128xf32> to vector<16x128xf32>
    %get3A_110 = arith.constant 0 : index
    %get3A_111 = arith.constant 16 : index
    %get3A_112 = arith.constant 0 : index
    %get3A_113 = arith.constant 0 : index
    %get3A_114 = vector.load %arg1[%get3A_110, %get3A_111, %get3A_112, %get3A_113] : memref<2x50x8x128xf32, #tpu.memory_space<vmem>>, vector<2x1x8x128xf32>
    %get3A_115 = vector.shape_cast %get3A_114 : vector<2x1x8x128xf32> to vector<2x8x128xf32>
    %reshape3A_116 = vector.shape_cast %get3A_115 : vector<2x8x128xf32> to vector<16x128xf32>
    %get3A_117 = arith.constant 0 : index
    %get3A_118 = arith.constant 17 : index
    %get3A_119 = arith.constant 0 : index
    %get3A_120 = arith.constant 0 : index
    %get3A_121 = vector.load %arg1[%get3A_117, %get3A_118, %get3A_119, %get3A_120] : memref<2x50x8x128xf32, #tpu.memory_space<vmem>>, vector<2x1x8x128xf32>
    %get3A_122 = vector.shape_cast %get3A_121 : vector<2x1x8x128xf32> to vector<2x8x128xf32>
    %reshape3A_123 = vector.shape_cast %get3A_122 : vector<2x8x128xf32> to vector<16x128xf32>
    %get3A_124 = arith.constant 0 : index
    %get3A_125 = arith.constant 18 : index
    %get3A_126 = arith.constant 0 : index
    %get3A_127 = arith.constant 0 : index
    %get3A_128 = vector.load %arg1[%get3A_124, %get3A_125, %get3A_126, %get3A_127] : memref<2x50x8x128xf32, #tpu.memory_space<vmem>>, vector<2x1x8x128xf32>
    %get3A_129 = vector.shape_cast %get3A_128 : vector<2x1x8x128xf32> to vector<2x8x128xf32>
    %reshape3A_130 = vector.shape_cast %get3A_129 : vector<2x8x128xf32> to vector<16x128xf32>
    %get3A_131 = arith.constant 0 : index
    %get3A_132 = arith.constant 19 : index
    %get3A_133 = arith.constant 0 : index
    %get3A_134 = arith.constant 0 : index
    %get3A_135 = vector.load %arg1[%get3A_131, %get3A_132, %get3A_133, %get3A_134] : memref<2x50x8x128xf32, #tpu.memory_space<vmem>>, vector<2x1x8x128xf32>
    %get3A_136 = vector.shape_cast %get3A_135 : vector<2x1x8x128xf32> to vector<2x8x128xf32>
    %reshape3A_137 = vector.shape_cast %get3A_136 : vector<2x8x128xf32> to vector<16x128xf32>
    %get3A_138 = arith.constant 0 : index
    %get3A_139 = arith.constant 20 : index
    %get3A_140 = arith.constant 0 : index
    %get3A_141 = arith.constant 0 : index
    %get3A_142 = vector.load %arg1[%get3A_138, %get3A_139, %get3A_140, %get3A_141] : memref<2x50x8x128xf32, #tpu.memory_space<vmem>>, vector<2x1x8x128xf32>
    %get3A_143 = vector.shape_cast %get3A_142 : vector<2x1x8x128xf32> to vector<2x8x128xf32>
    %reshape3A_144 = vector.shape_cast %get3A_143 : vector<2x8x128xf32> to vector<16x128xf32>
    %get3A_145 = arith.constant 0 : index
    %get3A_146 = arith.constant 21 : index
    %get3A_147 = arith.constant 0 : index
    %get3A_148 = arith.constant 0 : index
    %get3A_149 = vector.load %arg1[%get3A_145, %get3A_146, %get3A_147, %get3A_148] : memref<2x50x8x128xf32, #tpu.memory_space<vmem>>, vector<2x1x8x128xf32>
    %get3A_150 = vector.shape_cast %get3A_149 : vector<2x1x8x128xf32> to vector<2x8x128xf32>
    %reshape3A_151 = vector.shape_cast %get3A_150 : vector<2x8x128xf32> to vector<16x128xf32>
    %get3A_152 = arith.constant 0 : index
    %get3A_153 = arith.constant 22 : index
    %get3A_154 = arith.constant 0 : index
    %get3A_155 = arith.constant 0 : index
    %get3A_156 = vector.load %arg1[%get3A_152, %get3A_153, %get3A_154, %get3A_155] : memref<2x50x8x128xf32, #tpu.memory_space<vmem>>, vector<2x1x8x128xf32>
    %get3A_157 = vector.shape_cast %get3A_156 : vector<2x1x8x128xf32> to vector<2x8x128xf32>
    %reshape3A_158 = vector.shape_cast %get3A_157 : vector<2x8x128xf32> to vector<16x128xf32>
    %get3A_159 = arith.constant 0 : index
    %get3A_160 = arith.constant 23 : index
    %get3A_161 = arith.constant 0 : index
    %get3A_162 = arith.constant 0 : index
    %get3A_163 = vector.load %arg1[%get3A_159, %get3A_160, %get3A_161, %get3A_162] : memref<2x50x8x128xf32, #tpu.memory_space<vmem>>, vector<2x1x8x128xf32>
    %get3A_164 = vector.shape_cast %get3A_163 : vector<2x1x8x128xf32> to vector<2x8x128xf32>
    %reshape3A_165 = vector.shape_cast %get3A_164 : vector<2x8x128xf32> to vector<16x128xf32>
    %get3A_166 = arith.constant 0 : index
    %get3A_167 = arith.constant 24 : index
    %get3A_168 = arith.constant 0 : index
    %get3A_169 = arith.constant 0 : index
    %get3A_170 = vector.load %arg1[%get3A_166, %get3A_167, %get3A_168, %get3A_169] : memref<2x50x8x128xf32, #tpu.memory_space<vmem>>, vector<2x1x8x128xf32>
    %get3A_171 = vector.shape_cast %get3A_170 : vector<2x1x8x128xf32> to vector<2x8x128xf32>
    %reshape3A_172 = vector.shape_cast %get3A_171 : vector<2x8x128xf32> to vector<16x128xf32>
    %get3A_173 = arith.constant 0 : index
    %get3A_174 = arith.constant 25 : index
    %get3A_175 = arith.constant 0 : index
    %get3A_176 = arith.constant 0 : index
    %get3A_177 = vector.load %arg1[%get3A_173, %get3A_174, %get3A_175, %get3A_176] : memref<2x50x8x128xf32, #tpu.memory_space<vmem>>, vector<2x1x8x128xf32>
    %get3A_178 = vector.shape_cast %get3A_177 : vector<2x1x8x128xf32> to vector<2x8x128xf32>
    %reshape3A_179 = vector.shape_cast %get3A_178 : vector<2x8x128xf32> to vector<16x128xf32>
    %get3A_180 = arith.constant 0 : index
    %get3A_181 = arith.constant 26 : index
    %get3A_182 = arith.constant 0 : index
    %get3A_183 = arith.constant 0 : index
    %get3A_184 = vector.load %arg1[%get3A_180, %get3A_181, %get3A_182, %get3A_183] : memref<2x50x8x128xf32, #tpu.memory_space<vmem>>, vector<2x1x8x128xf32>
    %get3A_185 = vector.shape_cast %get3A_184 : vector<2x1x8x128xf32> to vector<2x8x128xf32>
    %reshape3A_186 = vector.shape_cast %get3A_185 : vector<2x8x128xf32> to vector<16x128xf32>
    %get3A_187 = arith.constant 0 : index
    %get3A_188 = arith.constant 27 : index
    %get3A_189 = arith.constant 0 : index
    %get3A_190 = arith.constant 0 : index
    %get3A_191 = vector.load %arg1[%get3A_187, %get3A_188, %get3A_189, %get3A_190] : memref<2x50x8x128xf32, #tpu.memory_space<vmem>>, vector<2x1x8x128xf32>
    %get3A_192 = vector.shape_cast %get3A_191 : vector<2x1x8x128xf32> to vector<2x8x128xf32>
    %reshape3A_193 = vector.shape_cast %get3A_192 : vector<2x8x128xf32> to vector<16x128xf32>
    %get3A_194 = arith.constant 0 : index
    %get3A_195 = arith.constant 28 : index
    %get3A_196 = arith.constant 0 : index
    %get3A_197 = arith.constant 0 : index
    %get3A_198 = vector.load %arg1[%get3A_194, %get3A_195, %get3A_196, %get3A_197] : memref<2x50x8x128xf32, #tpu.memory_space<vmem>>, vector<2x1x8x128xf32>
    %get3A_199 = vector.shape_cast %get3A_198 : vector<2x1x8x128xf32> to vector<2x8x128xf32>
    %reshape3A_200 = vector.shape_cast %get3A_199 : vector<2x8x128xf32> to vector<16x128xf32>
    %get3A_201 = arith.constant 0 : index
    %get3A_202 = arith.constant 29 : index
    %get3A_203 = arith.constant 0 : index
    %get3A_204 = arith.constant 0 : index
    %get3A_205 = vector.load %arg1[%get3A_201, %get3A_202, %get3A_203, %get3A_204] : memref<2x50x8x128xf32, #tpu.memory_space<vmem>>, vector<2x1x8x128xf32>
    %get3A_206 = vector.shape_cast %get3A_205 : vector<2x1x8x128xf32> to vector<2x8x128xf32>
    %reshape3A_207 = vector.shape_cast %get3A_206 : vector<2x8x128xf32> to vector<16x128xf32>
    %get3A_208 = arith.constant 0 : index
    %get3A_209 = arith.constant 30 : index
    %get3A_210 = arith.constant 0 : index
    %get3A_211 = arith.constant 0 : index
    %get3A_212 = vector.load %arg1[%get3A_208, %get3A_209, %get3A_210, %get3A_211] : memref<2x50x8x128xf32, #tpu.memory_space<vmem>>, vector<2x1x8x128xf32>
    %get3A_213 = vector.shape_cast %get3A_212 : vector<2x1x8x128xf32> to vector<2x8x128xf32>
    %reshape3A_214 = vector.shape_cast %get3A_213 : vector<2x8x128xf32> to vector<16x128xf32>
    %get3A_215 = arith.constant 0 : index
    %get3A_216 = arith.constant 31 : index
    %get3A_217 = arith.constant 0 : index
    %get3A_218 = arith.constant 0 : index
    %get3A_219 = vector.load %arg1[%get3A_215, %get3A_216, %get3A_217, %get3A_218] : memref<2x50x8x128xf32, #tpu.memory_space<vmem>>, vector<2x1x8x128xf32>
    %get3A_220 = vector.shape_cast %get3A_219 : vector<2x1x8x128xf32> to vector<2x8x128xf32>
    %reshape3A_221 = vector.shape_cast %get3A_220 : vector<2x8x128xf32> to vector<16x128xf32>
    %get3A_222 = arith.constant 0 : index
    %get3A_223 = arith.constant 32 : index
    %get3A_224 = arith.constant 0 : index
    %get3A_225 = arith.constant 0 : index
    %get3A_226 = vector.load %arg1[%get3A_222, %get3A_223, %get3A_224, %get3A_225] : memref<2x50x8x128xf32, #tpu.memory_space<vmem>>, vector<2x1x8x128xf32>
    %get3A_227 = vector.shape_cast %get3A_226 : vector<2x1x8x128xf32> to vector<2x8x128xf32>
    %reshape3A_228 = vector.shape_cast %get3A_227 : vector<2x8x128xf32> to vector<16x128xf32>
    %get3A_229 = arith.constant 0 : index
    %get3A_230 = arith.constant 33 : index
    %get3A_231 = arith.constant 0 : index
    %get3A_232 = arith.constant 0 : index
    %get3A_233 = vector.load %arg1[%get3A_229, %get3A_230, %get3A_231, %get3A_232] : memref<2x50x8x128xf32, #tpu.memory_space<vmem>>, vector<2x1x8x128xf32>
    %get3A_234 = vector.shape_cast %get3A_233 : vector<2x1x8x128xf32> to vector<2x8x128xf32>
    %reshape3A_235 = vector.shape_cast %get3A_234 : vector<2x8x128xf32> to vector<16x128xf32>
    %get3A_236 = arith.constant 0 : index
    %get3A_237 = arith.constant 34 : index
    %get3A_238 = arith.constant 0 : index
    %get3A_239 = arith.constant 0 : index
    %get3A_240 = vector.load %arg1[%get3A_236, %get3A_237, %get3A_238, %get3A_239] : memref<2x50x8x128xf32, #tpu.memory_space<vmem>>, vector<2x1x8x128xf32>
    %get3A_241 = vector.shape_cast %get3A_240 : vector<2x1x8x128xf32> to vector<2x8x128xf32>
    %reshape3A_242 = vector.shape_cast %get3A_241 : vector<2x8x128xf32> to vector<16x128xf32>
    %get3A_243 = arith.constant 0 : index
    %get3A_244 = arith.constant 35 : index
    %get3A_245 = arith.constant 0 : index
    %get3A_246 = arith.constant 0 : index
    %get3A_247 = vector.load %arg1[%get3A_243, %get3A_244, %get3A_245, %get3A_246] : memref<2x50x8x128xf32, #tpu.memory_space<vmem>>, vector<2x1x8x128xf32>
    %get3A_248 = vector.shape_cast %get3A_247 : vector<2x1x8x128xf32> to vector<2x8x128xf32>
    %reshape3A_249 = vector.shape_cast %get3A_248 : vector<2x8x128xf32> to vector<16x128xf32>
    %get3A_250 = arith.constant 0 : index
    %get3A_251 = arith.constant 36 : index
    %get3A_252 = arith.constant 0 : index
    %get3A_253 = arith.constant 0 : index
    %get3A_254 = vector.load %arg1[%get3A_250, %get3A_251, %get3A_252, %get3A_253] : memref<2x50x8x128xf32, #tpu.memory_space<vmem>>, vector<2x1x8x128xf32>
    %get3A_255 = vector.shape_cast %get3A_254 : vector<2x1x8x128xf32> to vector<2x8x128xf32>
    %reshape3A_256 = vector.shape_cast %get3A_255 : vector<2x8x128xf32> to vector<16x128xf32>
    %get3A_257 = arith.constant 0 : index
    %get3A_258 = arith.constant 37 : index
    %get3A_259 = arith.constant 0 : index
    %get3A_260 = arith.constant 0 : index
    %get3A_261 = vector.load %arg1[%get3A_257, %get3A_258, %get3A_259, %get3A_260] : memref<2x50x8x128xf32, #tpu.memory_space<vmem>>, vector<2x1x8x128xf32>
    %get3A_262 = vector.shape_cast %get3A_261 : vector<2x1x8x128xf32> to vector<2x8x128xf32>
    %reshape3A_263 = vector.shape_cast %get3A_262 : vector<2x8x128xf32> to vector<16x128xf32>
    %get3A_264 = arith.constant 0 : index
    %get3A_265 = arith.constant 38 : index
    %get3A_266 = arith.constant 0 : index
    %get3A_267 = arith.constant 0 : index
    %get3A_268 = vector.load %arg1[%get3A_264, %get3A_265, %get3A_266, %get3A_267] : memref<2x50x8x128xf32, #tpu.memory_space<vmem>>, vector<2x1x8x128xf32>
    %get3A_269 = vector.shape_cast %get3A_268 : vector<2x1x8x128xf32> to vector<2x8x128xf32>
    %reshape3A_270 = vector.shape_cast %get3A_269 : vector<2x8x128xf32> to vector<16x128xf32>
    %get3A_271 = arith.constant 0 : index
    %get3A_272 = arith.constant 39 : index
    %get3A_273 = arith.constant 0 : index
    %get3A_274 = arith.constant 0 : index
    %get3A_275 = vector.load %arg1[%get3A_271, %get3A_272, %get3A_273, %get3A_274] : memref<2x50x8x128xf32, #tpu.memory_space<vmem>>, vector<2x1x8x128xf32>
    %get3A_276 = vector.shape_cast %get3A_275 : vector<2x1x8x128xf32> to vector<2x8x128xf32>
    %reshape3A_277 = vector.shape_cast %get3A_276 : vector<2x8x128xf32> to vector<16x128xf32>
    %get3A_278 = arith.constant 0 : index
    %get3A_279 = arith.constant 40 : index
    %get3A_280 = arith.constant 0 : index
    %get3A_281 = arith.constant 0 : index
    %get3A_282 = vector.load %arg1[%get3A_278, %get3A_279, %get3A_280, %get3A_281] : memref<2x50x8x128xf32, #tpu.memory_space<vmem>>, vector<2x1x8x128xf32>
    %get3A_283 = vector.shape_cast %get3A_282 : vector<2x1x8x128xf32> to vector<2x8x128xf32>
    %reshape3A_284 = vector.shape_cast %get3A_283 : vector<2x8x128xf32> to vector<16x128xf32>
    %get3A_285 = arith.constant 0 : index
    %get3A_286 = arith.constant 41 : index
    %get3A_287 = arith.constant 0 : index
    %get3A_288 = arith.constant 0 : index
    %get3A_289 = vector.load %arg1[%get3A_285, %get3A_286, %get3A_287, %get3A_288] : memref<2x50x8x128xf32, #tpu.memory_space<vmem>>, vector<2x1x8x128xf32>
    %get3A_290 = vector.shape_cast %get3A_289 : vector<2x1x8x128xf32> to vector<2x8x128xf32>
    %reshape3A_291 = vector.shape_cast %get3A_290 : vector<2x8x128xf32> to vector<16x128xf32>
    %get3A_292 = arith.constant 0 : index
    %get3A_293 = arith.constant 42 : index
    %get3A_294 = arith.constant 0 : index
    %get3A_295 = arith.constant 0 : index
    %get3A_296 = vector.load %arg1[%get3A_292, %get3A_293, %get3A_294, %get3A_295] : memref<2x50x8x128xf32, #tpu.memory_space<vmem>>, vector<2x1x8x128xf32>
    %get3A_297 = vector.shape_cast %get3A_296 : vector<2x1x8x128xf32> to vector<2x8x128xf32>
    %reshape3A_298 = vector.shape_cast %get3A_297 : vector<2x8x128xf32> to vector<16x128xf32>
    %get3A_299 = arith.constant 0 : index
    %get3A_300 = arith.constant 43 : index
    %get3A_301 = arith.constant 0 : index
    %get3A_302 = arith.constant 0 : index
    %get3A_303 = vector.load %arg1[%get3A_299, %get3A_300, %get3A_301, %get3A_302] : memref<2x50x8x128xf32, #tpu.memory_space<vmem>>, vector<2x1x8x128xf32>
    %get3A_304 = vector.shape_cast %get3A_303 : vector<2x1x8x128xf32> to vector<2x8x128xf32>
    %reshape3A_305 = vector.shape_cast %get3A_304 : vector<2x8x128xf32> to vector<16x128xf32>
    %get3A_306 = arith.constant 0 : index
    %get3A_307 = arith.constant 44 : index
    %get3A_308 = arith.constant 0 : index
    %get3A_309 = arith.constant 0 : index
    %get3A_310 = vector.load %arg1[%get3A_306, %get3A_307, %get3A_308, %get3A_309] : memref<2x50x8x128xf32, #tpu.memory_space<vmem>>, vector<2x1x8x128xf32>
    %get3A_311 = vector.shape_cast %get3A_310 : vector<2x1x8x128xf32> to vector<2x8x128xf32>
    %reshape3A_312 = vector.shape_cast %get3A_311 : vector<2x8x128xf32> to vector<16x128xf32>
    %get3A_313 = arith.constant 0 : index
    %get3A_314 = arith.constant 45 : index
    %get3A_315 = arith.constant 0 : index
    %get3A_316 = arith.constant 0 : index
    %get3A_317 = vector.load %arg1[%get3A_313, %get3A_314, %get3A_315, %get3A_316] : memref<2x50x8x128xf32, #tpu.memory_space<vmem>>, vector<2x1x8x128xf32>
    %get3A_318 = vector.shape_cast %get3A_317 : vector<2x1x8x128xf32> to vector<2x8x128xf32>
    %reshape3A_319 = vector.shape_cast %get3A_318 : vector<2x8x128xf32> to vector<16x128xf32>
    %get3A_320 = arith.constant 0 : index
    %get3A_321 = arith.constant 46 : index
    %get3A_322 = arith.constant 0 : index
    %get3A_323 = arith.constant 0 : index
    %get3A_324 = vector.load %arg1[%get3A_320, %get3A_321, %get3A_322, %get3A_323] : memref<2x50x8x128xf32, #tpu.memory_space<vmem>>, vector<2x1x8x128xf32>
    %get3A_325 = vector.shape_cast %get3A_324 : vector<2x1x8x128xf32> to vector<2x8x128xf32>
    %reshape3A_326 = vector.shape_cast %get3A_325 : vector<2x8x128xf32> to vector<16x128xf32>
    %get3A_327 = arith.constant 0 : index
    %get3A_328 = arith.constant 47 : index
    %get3A_329 = arith.constant 0 : index
    %get3A_330 = arith.constant 0 : index
    %get3A_331 = vector.load %arg1[%get3A_327, %get3A_328, %get3A_329, %get3A_330] : memref<2x50x8x128xf32, #tpu.memory_space<vmem>>, vector<2x1x8x128xf32>
    %get3A_332 = vector.shape_cast %get3A_331 : vector<2x1x8x128xf32> to vector<2x8x128xf32>
    %reshape3A_333 = vector.shape_cast %get3A_332 : vector<2x8x128xf32> to vector<16x128xf32>
    %get3A_334 = arith.constant 0 : index
    %get3A_335 = arith.constant 48 : index
    %get3A_336 = arith.constant 0 : index
    %get3A_337 = arith.constant 0 : index
    %get3A_338 = vector.load %arg1[%get3A_334, %get3A_335, %get3A_336, %get3A_337] : memref<2x50x8x128xf32, #tpu.memory_space<vmem>>, vector<2x1x8x128xf32>
    %get3A_339 = vector.shape_cast %get3A_338 : vector<2x1x8x128xf32> to vector<2x8x128xf32>
    %reshape3A_340 = vector.shape_cast %get3A_339 : vector<2x8x128xf32> to vector<16x128xf32>
    %get3A_341 = arith.constant 0 : index
    %get3A_342 = arith.constant 49 : index
    %get3A_343 = arith.constant 0 : index
    %get3A_344 = arith.constant 0 : index
    %get3A_345 = vector.load %arg1[%get3A_341, %get3A_342, %get3A_343, %get3A_344] : memref<2x50x8x128xf32, #tpu.memory_space<vmem>>, vector<2x1x8x128xf32>
    %get3A_346 = vector.shape_cast %get3A_345 : vector<2x1x8x128xf32> to vector<2x8x128xf32>
    %reshape3A_347 = vector.shape_cast %get3A_346 : vector<2x8x128xf32> to vector<16x128xf32>
    %concatenate3A = tpu.concatenate %reshape3A, %reshape3A_11, %reshape3A_18, %reshape3A_25, %reshape3A_32, %reshape3A_39, %reshape3A_46, %reshape3A_53, %reshape3A_60, %reshape3A_67, %reshape3A_74, %reshape3A_81, %reshape3A_88, %reshape3A_95, %reshape3A_102, %reshape3A_109, %reshape3A_116, %reshape3A_123, %reshape3A_130, %reshape3A_137, %reshape3A_144, %reshape3A_151, %reshape3A_158, %reshape3A_165, %reshape3A_172, %reshape3A_179, %reshape3A_186, %reshape3A_193, %reshape3A_200, %reshape3A_207, %reshape3A_214, %reshape3A_221, %reshape3A_228, %reshape3A_235, %reshape3A_242, %reshape3A_249, %reshape3A_256, %reshape3A_263, %reshape3A_270, %reshape3A_277, %reshape3A_284, %reshape3A_291, %reshape3A_298, %reshape3A_305, %reshape3A_312, %reshape3A_319, %reshape3A_326, %reshape3A_333, %reshape3A_340, %reshape3A_347 in 1 : vector<16x128xf32>, vector<16x128xf32>, vector<16x128xf32>, vector<16x128xf32>, vector<16x128xf32>, vector<16x128xf32>, vector<16x128xf32>, vector<16x128xf32>, vector<16x128xf32>, vector<16x128xf32>, vector<16x128xf32>, vector<16x128xf32>, vector<16x128xf32>, vector<16x128xf32>, vector<16x128xf32>, vector<16x128xf32>, vector<16x128xf32>, vector<16x128xf32>, vector<16x128xf32>, vector<16x128xf32>, vector<16x128xf32>, vector<16x128xf32>, vector<16x128xf32>, vector<16x128xf32>, vector<16x128xf32>, vector<16x128xf32>, vector<16x128xf32>, vector<16x128xf32>, vector<16x128xf32>, vector<16x128xf32>, vector<16x128xf32>, vector<16x128xf32>, vector<16x128xf32>, vector<16x128xf32>, vector<16x128xf32>, vector<16x128xf32>, vector<16x128xf32>, vector<16x128xf32>, vector<16x128xf32>, vector<16x128xf32>, vector<16x128xf32>, vector<16x128xf32>, vector<16x128xf32>, vector<16x128xf32>, vector<16x128xf32>, vector<16x128xf32>, vector<16x128xf32>, vector<16x128xf32>, vector<16x128xf32>, vector<16x128xf32> -> vector<16x6400xf32>
    %get3A_348 = arith.constant 0 : index
    %get3A_349 = arith.constant 0 : index
    %get3A_350 = vector.load %arg2[%get3A_348, %get3A_349] : memref<16x6400xf32, #tpu.memory_space<vmem>>, vector<16x6400xf32>
    %get3A_351 = arith.constant 0 : index
    %get3A_352 = arith.constant 0 : index
    %get3A_353 = vector.load %arg6[%get3A_351, %get3A_352] : memref<16x8xf32, #tpu.memory_space<vmem>>, vector<16x8xf32>
    %slice3A = vector.extract_strided_slice %get3A_353 {offsets = [0, 0], sizes = [16, 1], strides = [1, 1]} : vector<16x8xf32> to vector<16x1xf32>
    %slice3A_354 = vector.extract_strided_slice %get3A_353 {offsets = [0, 1], sizes = [16, 1], strides = [1, 1]} : vector<16x8xf32> to vector<16x1xf32>
    %slice3A_355 = vector.extract_strided_slice %get3A_353 {offsets = [0, 2], sizes = [16, 1], strides = [1, 1]} : vector<16x8xf32> to vector<16x1xf32>
    %slice3A_356 = vector.extract_strided_slice %get3A_353 {offsets = [0, 3], sizes = [16, 1], strides = [1, 1]} : vector<16x8xf32> to vector<16x1xf32>
    %slice3A_357 = vector.extract_strided_slice %get3A_353 {offsets = [0, 4], sizes = [16, 1], strides = [1, 1]} : vector<16x8xf32> to vector<16x1xf32>
    %get3A_358 = arith.constant 0 : index
    %get3A_359 = arith.constant 0 : index
    %get3A_360 = vector.load %arg3[%get3A_358, %get3A_359] : memref<16x16xf32, #tpu.memory_space<vmem>>, vector<16x16xf32>
    %dot_general3A = arith.constant dense<0.000000e+00> : vector<16x6400xf32>
    %dot_general3A_361 = tpu.matmul %get3A_360, %get3A_350, %dot_general3A {dimension_numbers = #tpu.dot_dimension_numbers<[1], [0], [0], [1], [0, 0, 1, 1], [], []>, transpose_lhs_hint = false} : vector<16x16xf32>, vector<16x6400xf32>, vector<16x6400xf32> -> vector<16x6400xf32>
    %add3A = arith.addf %concatenate3A, %dot_general3A_361 : vector<16x6400xf32>
    %add3A_362 = vector.broadcast %slice3A : vector<16x1xf32> to vector<16x6400xf32>
    %add3A_363 = arith.addf %add3A, %add3A_362 : vector<16x6400xf32>
    %logistic3A = arith.negf %add3A_363 : vector<16x6400xf32>
    %logistic3A_364 = math.exp %logistic3A : vector<16x6400xf32>
    %logistic3A_365 = arith.constant 1.000000e+00 : f32
    %logistic3A_366 = vector.broadcast %logistic3A_365 : f32 to vector<16x6400xf32>
    %logistic3A_367 = arith.addf %logistic3A_366, %logistic3A_364 : vector<16x6400xf32>
    %logistic3A_368 = arith.divf %logistic3A_366, %logistic3A_367 : vector<16x6400xf32>
    %mul3A = arith.mulf %add3A_363, %logistic3A_368 : vector<16x6400xf32>
    %get3A_369 = arith.constant 0 : index
    %get3A_370 = arith.constant 0 : index
    %get3A_371 = vector.load %arg4[%get3A_369, %get3A_370] : memref<16x16xf32, #tpu.memory_space<vmem>>, vector<16x16xf32>
    %dot_general3A_372 = arith.constant dense<0.000000e+00> : vector<16x6400xf32>
    %dot_general3A_373 = tpu.matmul %get3A_371, %mul3A, %dot_general3A_372 {dimension_numbers = #tpu.dot_dimension_numbers<[1], [0], [0], [1], [0, 0, 1, 1], [], []>, transpose_lhs_hint = false} : vector<16x16xf32>, vector<16x6400xf32>, vector<16x6400xf32> -> vector<16x6400xf32>
    %add3A_374 = vector.broadcast %slice3A_354 : vector<16x1xf32> to vector<16x6400xf32>
    %add3A_375 = arith.addf %dot_general3A_373, %add3A_374 : vector<16x6400xf32>
    %logistic3A_376 = arith.negf %add3A_375 : vector<16x6400xf32>
    %logistic3A_377 = math.exp %logistic3A_376 : vector<16x6400xf32>
    %logistic3A_378 = arith.constant 1.000000e+00 : f32
    %logistic3A_379 = vector.broadcast %logistic3A_378 : f32 to vector<16x6400xf32>
    %logistic3A_380 = arith.addf %logistic3A_379, %logistic3A_377 : vector<16x6400xf32>
    %logistic3A_381 = arith.divf %logistic3A_379, %logistic3A_380 : vector<16x6400xf32>
    %mul3A_382 = arith.mulf %add3A_375, %logistic3A_381 : vector<16x6400xf32>
    %get3A_383 = arith.constant 0 : index
    %get3A_384 = arith.constant 0 : index
    %get3A_385 = vector.load %arg5[%get3A_383, %get3A_384] : memref<16x16xf32, #tpu.memory_space<vmem>>, vector<16x16xf32>
    %dot_general3A_386 = arith.constant dense<0.000000e+00> : vector<16x6400xf32>
    %dot_general3A_387 = tpu.matmul %get3A_385, %mul3A_382, %dot_general3A_386 {dimension_numbers = #tpu.dot_dimension_numbers<[1], [0], [0], [1], [0, 0, 1, 1], [], []>, transpose_lhs_hint = false} : vector<16x16xf32>, vector<16x6400xf32>, vector<16x6400xf32> -> vector<16x6400xf32>
    %add3A_388 = vector.broadcast %slice3A_355 : vector<16x1xf32> to vector<16x6400xf32>
    %add3A_389 = arith.addf %dot_general3A_387, %add3A_388 : vector<16x6400xf32>
    %reduce_sum3A = arith.constant dense<0.000000e+00> : vector<6400xf32>
    %reduce_sum3A_390 = vector.multi_reduction <add>, %add3A_389, %reduce_sum3A [0] : vector<16x6400xf32> to vector<6400xf32>
    %broadcast_in_dim3A = vector.shape_cast %reduce_sum3A_390 : vector<6400xf32> to vector<1x6400xf32>
    %div3A = arith.constant 1.600000e+01 : f32
    %div3A_391 = vector.broadcast %div3A : f32 to vector<1x6400xf32>
    %div3A_392 = arith.divf %broadcast_in_dim3A, %div3A_391 : vector<1x6400xf32>
    %sub3A = vector.broadcast %div3A_392 : vector<1x6400xf32> to vector<16x6400xf32>
    %sub3A_393 = arith.subf %add3A_389, %sub3A : vector<16x6400xf32>
    %mul3A_394 = arith.mulf %sub3A_393, %sub3A_393 : vector<16x6400xf32>
    %reduce_sum3A_395 = arith.constant dense<0.000000e+00> : vector<6400xf32>
    %reduce_sum3A_396 = vector.multi_reduction <add>, %mul3A_394, %reduce_sum3A_395 [0] : vector<16x6400xf32> to vector<6400xf32>
    %broadcast_in_dim3A_397 = vector.shape_cast %reduce_sum3A_396 : vector<6400xf32> to vector<1x6400xf32>
    %div3A_398 = arith.constant 1.600000e+01 : f32
    %div3A_399 = vector.broadcast %div3A_398 : f32 to vector<1x6400xf32>
    %div3A_400 = arith.divf %broadcast_in_dim3A_397, %div3A_399 : vector<1x6400xf32>
    %add3A_401 = arith.constant 9.99999974E-6 : f32
    %add3A_402 = vector.broadcast %add3A_401 : f32 to vector<1x6400xf32>
    %add3A_403 = arith.addf %div3A_400, %add3A_402 : vector<1x6400xf32>
    %rsqrt3A = math.rsqrt %add3A_403 : vector<1x6400xf32>
    %mul3A_404 = vector.broadcast %rsqrt3A : vector<1x6400xf32> to vector<16x6400xf32>
    %mul3A_405 = arith.mulf %sub3A_393, %mul3A_404 : vector<16x6400xf32>
    %mul3A_406 = vector.broadcast %slice3A_356 : vector<16x1xf32> to vector<16x6400xf32>
    %mul3A_407 = arith.mulf %mul3A_405, %mul3A_406 : vector<16x6400xf32>
    %add3A_408 = arith.addf %get3A_350, %mul3A_407 : vector<16x6400xf32>
    %add3A_409 = vector.broadcast %slice3A_357 : vector<16x1xf32> to vector<16x6400xf32>
    %add3A_410 = arith.addf %add3A_408, %add3A_409 : vector<16x6400xf32>
    %swap3A = arith.constant 0 : index
    %swap3A_411 = arith.constant 0 : index
    %swap3A_412 = vector.load %arg7[%swap3A, %swap3A_411] : memref<16x6400xf32, #tpu.memory_space<vmem>>, vector<16x6400xf32>
    tpu.vector_store %arg7[%swap3A, %swap3A_411], %add3A_410 {strides = array<i32>} : memref<16x6400xf32, #tpu.memory_space<vmem>>, vector<16x6400xf32>,
    return
  }
  func.func @transform_0(%arg0: i32) -> (i32, i32, i32, i32) {
    %c0_i32 = arith.constant 0 : i32
    %c0_i32_0 = arith.constant 0 : i32
    %c0_i32_1 = arith.constant 0 : i32
    %c0_i32_2 = arith.constant 0 : i32
    return %c0_i32, %arg0, %c0_i32_0, %c0_i32_1 : i32, i32, i32, i32
  }
  func.func @transform_1(%arg0: i32) -> (i32, i32) {
    %c0_i32 = arith.constant 0 : i32
    %c0_i32_0 = arith.constant 0 : i32
    return %c0_i32, %arg0 : i32, i32
  }
  func.func @transform_2(%arg0: i32) -> (i32, i32) {
    %c0_i32 = arith.constant 0 : i32
    %c0_i32_0 = arith.constant 0 : i32
    %c0_i32_1 = arith.constant 0 : i32
    return %c0_i32, %c0_i32_0 : i32, i32
  }
  func.func @transform_3(%arg0: i32) -> (i32, i32) {
    %c0_i32 = arith.constant 0 : i32
    %c0_i32_0 = arith.constant 0 : i32
    %c0_i32_1 = arith.constant 0 : i32
    return %c0_i32, %c0_i32_0 : i32, i32
  }
  func.func @transform_4(%arg0: i32) -> (i32, i32) {
    %c0_i32 = arith.constant 0 : i32
    %c0_i32_0 = arith.constant 0 : i32
    %c0_i32_1 = arith.constant 0 : i32
    return %c0_i32, %c0_i32_0 : i32, i32
  }
  func.func @transform_5(%arg0: i32) -> (i32, i32) {
    %c0_i32 = arith.constant 0 : i32
    %c0_i32_0 = arith.constant 0 : i32
    %c0_i32_1 = arith.constant 0 : i32
    return %c0_i32, %c0_i32_0 : i32, i32
  }
  func.func @transform_6(%arg0: i32) -> (i32, i32) {
    %c0_i32 = arith.constant 0 : i32
    %c0_i32_0 = arith.constant 0 : i32
    return %c0_i32, %arg0 : i32, i32
  }
}

module attributes {stable_mosaic.version = 14 : i64} {
  func.func @_node_body(%arg0: i32, %arg1: memref<1000x128xf32, #tpu.memory_space<vmem>>, %arg2: memref<1000x16xf32, #tpu.memory_space<vmem>>, %arg3: memref<1000x16xf32, #tpu.memory_space<vmem>>, %arg4: memref<128x128xf32, #tpu.memory_space<vmem>>, %arg5: memref<16x128xf32, #tpu.memory_space<vmem>>, %arg6: memref<1x128xf32, #tpu.memory_space<vmem>>, %arg7: memref<128x128xf32, #tpu.memory_space<vmem>>, %arg8: memref<1x128xf32, #tpu.memory_space<vmem>>, %arg9: memref<128x128xf32, #tpu.memory_space<vmem>>, %arg10: memref<1x128xf32, #tpu.memory_space<vmem>>, %arg11: memref<1x128xf32, #tpu.memory_space<vmem>>, %arg12: memref<1x128xf32, #tpu.memory_space<vmem>>, %arg13: memref<1000x128xf32, #tpu.memory_space<vmem>>) attributes {dimension_semantics = [#tpu.dimension_semantics<arbitrary>], iteration_bounds = array<i64: 10>, scalar_prefetch = 0 : i64, scratch_operands = 0 : i64, tpu.core_type = #tpu.core_type<tc>, window_params = [{transform_indices = @transform_0, window_bounds = array<i64: 1000, 128>}, {transform_indices = @transform_1, window_bounds = array<i64: 1000, 16>}, {transform_indices = @transform_2, window_bounds = array<i64: 1000, 16>}, {pipeline_mode = #tpu.pipeline_mode<synchronous>, transform_indices = @transform_3, window_bounds = array<i64: 128, 128>}, {pipeline_mode = #tpu.pipeline_mode<synchronous>, transform_indices = @transform_4, window_bounds = array<i64: 16, 128>}, {pipeline_mode = #tpu.pipeline_mode<synchronous>, transform_indices = @transform_5, window_bounds = array<i64: 1, 128>}, {pipeline_mode = #tpu.pipeline_mode<synchronous>, transform_indices = @transform_6, window_bounds = array<i64: 128, 128>}, {pipeline_mode = #tpu.pipeline_mode<synchronous>, transform_indices = @transform_7, window_bounds = array<i64: 1, 128>}, {pipeline_mode = #tpu.pipeline_mode<synchronous>, transform_indices = @transform_8, window_bounds = array<i64: 128, 128>}, {pipeline_mode = #tpu.pipeline_mode<synchronous>, transform_indices = @transform_9, window_bounds = array<i64: 1, 128>}, {pipeline_mode = #tpu.pipeline_mode<synchronous>, transform_indices = @transform_10, window_bounds = array<i64: 1, 128>}, {pipeline_mode = #tpu.pipeline_mode<synchronous>, transform_indices = @transform_11, window_bounds = array<i64: 1, 128>}, {transform_indices = @transform_12, window_bounds = array<i64: 1000, 128>}]} {
    %get3A = arith.constant 0 : index
    %get3A_0 = arith.constant 0 : index
    %get3A_1 = vector.load %arg1[%get3A, %get3A_0] : memref<1000x128xf32, #tpu.memory_space<vmem>>, vector<1000x128xf32>
    %get3A_2 = arith.constant 0 : index
    %get3A_3 = arith.constant 0 : index
    %get3A_4 = vector.load %arg2[%get3A_2, %get3A_3] : memref<1000x16xf32, #tpu.memory_space<vmem>>, vector<1000x16xf32>
    %get3A_5 = arith.constant 0 : index
    %get3A_6 = arith.constant 0 : index
    %get3A_7 = vector.load %arg3[%get3A_5, %get3A_6] : memref<1000x16xf32, #tpu.memory_space<vmem>>, vector<1000x16xf32>
    %add3A = arith.addf %get3A_4, %get3A_7 : vector<1000x16xf32>
    %get3A_8 = arith.constant 0 : index
    %get3A_9 = arith.constant 0 : index
    %get3A_10 = vector.load %arg4[%get3A_8, %get3A_9] : memref<128x128xf32, #tpu.memory_space<vmem>>, vector<128x128xf32>
    %dot_general3A = arith.constant dense<0.000000e+00> : vector<1000x128xf32>
    %dot_general3A_11 = tpu.matmul %get3A_1, %get3A_10, %dot_general3A {dimension_numbers = #tpu.dot_dimension_numbers<[1], [0], [0], [1], [0, 0, 1, 1], [], []>, transpose_lhs_hint = false} : vector<1000x128xf32>, vector<128x128xf32>, vector<1000x128xf32> -> vector<1000x128xf32>
    %get3A_12 = arith.constant 0 : index
    %get3A_13 = arith.constant 0 : index
    %get3A_14 = vector.load %arg5[%get3A_12, %get3A_13] : memref<16x128xf32, #tpu.memory_space<vmem>>, vector<16x128xf32>
    %dot_general3A_15 = arith.constant dense<0.000000e+00> : vector<1000x128xf32>
    %dot_general3A_16 = tpu.matmul %add3A, %get3A_14, %dot_general3A_15 {dimension_numbers = #tpu.dot_dimension_numbers<[1], [0], [0], [1], [0, 0, 1, 1], [], []>, transpose_lhs_hint = false} : vector<1000x16xf32>, vector<16x128xf32>, vector<1000x128xf32> -> vector<1000x128xf32>
    %add3A_17 = arith.addf %dot_general3A_11, %dot_general3A_16 : vector<1000x128xf32>
    %get3A_18 = arith.constant 0 : index
    %get3A_19 = arith.constant 0 : index
    %get3A_20 = vector.load %arg6[%get3A_18, %get3A_19] : memref<1x128xf32, #tpu.memory_space<vmem>>, vector<1x128xf32>
    %add3A_21 = vector.broadcast %get3A_20 : vector<1x128xf32> to vector<1000x128xf32>
    %add3A_22 = arith.addf %add3A_17, %add3A_21 : vector<1000x128xf32>
    %logistic3A = arith.negf %add3A_22 : vector<1000x128xf32>
    %logistic3A_23 = math.exp %logistic3A : vector<1000x128xf32>
    %logistic3A_24 = arith.constant 1.000000e+00 : f32
    %logistic3A_25 = vector.broadcast %logistic3A_24 : f32 to vector<1000x128xf32>
    %logistic3A_26 = arith.addf %logistic3A_25, %logistic3A_23 : vector<1000x128xf32>
    %logistic3A_27 = arith.divf %logistic3A_25, %logistic3A_26 : vector<1000x128xf32>
    %mul3A = arith.mulf %add3A_22, %logistic3A_27 : vector<1000x128xf32>
    %get3A_28 = arith.constant 0 : index
    %get3A_29 = arith.constant 0 : index
    %get3A_30 = vector.load %arg7[%get3A_28, %get3A_29] : memref<128x128xf32, #tpu.memory_space<vmem>>, vector<128x128xf32>
    %dot_general3A_31 = arith.constant dense<0.000000e+00> : vector<1000x128xf32>
    %dot_general3A_32 = tpu.matmul %mul3A, %get3A_30, %dot_general3A_31 {dimension_numbers = #tpu.dot_dimension_numbers<[1], [0], [0], [1], [0, 0, 1, 1], [], []>, transpose_lhs_hint = false} : vector<1000x128xf32>, vector<128x128xf32>, vector<1000x128xf32> -> vector<1000x128xf32>
    %get3A_33 = arith.constant 0 : index
    %get3A_34 = arith.constant 0 : index
    %get3A_35 = vector.load %arg8[%get3A_33, %get3A_34] : memref<1x128xf32, #tpu.memory_space<vmem>>, vector<1x128xf32>
    %add3A_36 = vector.broadcast %get3A_35 : vector<1x128xf32> to vector<1000x128xf32>
    %add3A_37 = arith.addf %dot_general3A_32, %add3A_36 : vector<1000x128xf32>
    %logistic3A_38 = arith.negf %add3A_37 : vector<1000x128xf32>
    %logistic3A_39 = math.exp %logistic3A_38 : vector<1000x128xf32>
    %logistic3A_40 = arith.constant 1.000000e+00 : f32
    %logistic3A_41 = vector.broadcast %logistic3A_40 : f32 to vector<1000x128xf32>
    %logistic3A_42 = arith.addf %logistic3A_41, %logistic3A_39 : vector<1000x128xf32>
    %logistic3A_43 = arith.divf %logistic3A_41, %logistic3A_42 : vector<1000x128xf32>
    %mul3A_44 = arith.mulf %add3A_37, %logistic3A_43 : vector<1000x128xf32>
    %get3A_45 = arith.constant 0 : index
    %get3A_46 = arith.constant 0 : index
    %get3A_47 = vector.load %arg9[%get3A_45, %get3A_46] : memref<128x128xf32, #tpu.memory_space<vmem>>, vector<128x128xf32>
    %dot_general3A_48 = arith.constant dense<0.000000e+00> : vector<1000x128xf32>
    %dot_general3A_49 = tpu.matmul %mul3A_44, %get3A_47, %dot_general3A_48 {dimension_numbers = #tpu.dot_dimension_numbers<[1], [0], [0], [1], [0, 0, 1, 1], [], []>, transpose_lhs_hint = false} : vector<1000x128xf32>, vector<128x128xf32>, vector<1000x128xf32> -> vector<1000x128xf32>
    %get3A_50 = arith.constant 0 : index
    %get3A_51 = arith.constant 0 : index
    %get3A_52 = vector.load %arg10[%get3A_50, %get3A_51] : memref<1x128xf32, #tpu.memory_space<vmem>>, vector<1x128xf32>
    %add3A_53 = vector.broadcast %get3A_52 : vector<1x128xf32> to vector<1000x128xf32>
    %add3A_54 = arith.addf %dot_general3A_49, %add3A_53 : vector<1000x128xf32>
    %reduce_sum3A = arith.constant dense<0.000000e+00> : vector<1000xf32>
    %reduce_sum3A_55 = vector.multi_reduction <add>, %add3A_54, %reduce_sum3A [1] : vector<1000x128xf32> to vector<1000xf32>
    %broadcast_in_dim3A = vector.shape_cast %reduce_sum3A_55 : vector<1000xf32> to vector<1000x1xf32>
    %div3A = arith.constant 1.280000e+02 : f32
    %div3A_56 = vector.broadcast %div3A : f32 to vector<1000x1xf32>
    %div3A_57 = arith.divf %broadcast_in_dim3A, %div3A_56 : vector<1000x1xf32>
    %sub3A = vector.broadcast %div3A_57 : vector<1000x1xf32> to vector<1000x128xf32>
    %sub3A_58 = arith.subf %add3A_54, %sub3A : vector<1000x128xf32>
    %mul3A_59 = arith.mulf %sub3A_58, %sub3A_58 : vector<1000x128xf32>
    %reduce_sum3A_60 = arith.constant dense<0.000000e+00> : vector<1000xf32>
    %reduce_sum3A_61 = vector.multi_reduction <add>, %mul3A_59, %reduce_sum3A_60 [1] : vector<1000x128xf32> to vector<1000xf32>
    %broadcast_in_dim3A_62 = vector.shape_cast %reduce_sum3A_61 : vector<1000xf32> to vector<1000x1xf32>
    %div3A_63 = arith.constant 1.280000e+02 : f32
    %div3A_64 = vector.broadcast %div3A_63 : f32 to vector<1000x1xf32>
    %div3A_65 = arith.divf %broadcast_in_dim3A_62, %div3A_64 : vector<1000x1xf32>
    %add3A_66 = arith.constant 9.99999974E-6 : f32
    %add3A_67 = vector.broadcast %add3A_66 : f32 to vector<1000x1xf32>
    %add3A_68 = arith.addf %div3A_65, %add3A_67 : vector<1000x1xf32>
    %rsqrt3A = math.rsqrt %add3A_68 : vector<1000x1xf32>
    %mul3A_69 = vector.broadcast %rsqrt3A : vector<1000x1xf32> to vector<1000x128xf32>
    %mul3A_70 = arith.mulf %sub3A_58, %mul3A_69 : vector<1000x128xf32>
    %get3A_71 = arith.constant 0 : index
    %get3A_72 = arith.constant 0 : index
    %get3A_73 = vector.load %arg11[%get3A_71, %get3A_72] : memref<1x128xf32, #tpu.memory_space<vmem>>, vector<1x128xf32>
    %mul3A_74 = vector.broadcast %get3A_73 : vector<1x128xf32> to vector<1000x128xf32>
    %mul3A_75 = arith.mulf %mul3A_70, %mul3A_74 : vector<1000x128xf32>
    %add3A_76 = arith.addf %get3A_1, %mul3A_75 : vector<1000x128xf32>
    %get3A_77 = arith.constant 0 : index
    %get3A_78 = arith.constant 0 : index
    %get3A_79 = vector.load %arg12[%get3A_77, %get3A_78] : memref<1x128xf32, #tpu.memory_space<vmem>>, vector<1x128xf32>
    %add3A_80 = vector.broadcast %get3A_79 : vector<1x128xf32> to vector<1000x128xf32>
    %add3A_81 = arith.addf %add3A_76, %add3A_80 : vector<1000x128xf32>
    %swap3A = arith.constant 0 : index
    %swap3A_82 = arith.constant 0 : index
    %swap3A_83 = vector.load %arg13[%swap3A, %swap3A_82] : memref<1000x128xf32, #tpu.memory_space<vmem>>, vector<1000x128xf32>
    tpu.vector_store %arg13[%swap3A, %swap3A_82], %add3A_81 {strides = array<i32>} : memref<1000x128xf32, #tpu.memory_space<vmem>>, vector<1000x128xf32>,
    return
  }
  func.func @transform_0(%arg0: i32) -> (i32, i32) {
    %c0_i32 = arith.constant 0 : i32
    %c0_i32_0 = arith.constant 0 : i32
    return %arg0, %c0_i32 : i32, i32
  }
  func.func @transform_1(%arg0: i32) -> (i32, i32) {
    %c0_i32 = arith.constant 0 : i32
    %c0_i32_0 = arith.constant 0 : i32
    return %arg0, %c0_i32 : i32, i32
  }
  func.func @transform_2(%arg0: i32) -> (i32, i32) {
    %c0_i32 = arith.constant 0 : i32
    %c0_i32_0 = arith.constant 0 : i32
    return %arg0, %c0_i32 : i32, i32
  }
  func.func @transform_3(%arg0: i32) -> (i32, i32) {
    %c0_i32 = arith.constant 0 : i32
    %c0_i32_0 = arith.constant 0 : i32
    %c0_i32_1 = arith.constant 0 : i32
    return %c0_i32, %c0_i32_0 : i32, i32
  }
  func.func @transform_4(%arg0: i32) -> (i32, i32) {
    %c0_i32 = arith.constant 0 : i32
    %c0_i32_0 = arith.constant 0 : i32
    %c0_i32_1 = arith.constant 0 : i32
    return %c0_i32, %c0_i32_0 : i32, i32
  }
  func.func @transform_5(%arg0: i32) -> (i32, i32) {
    %c0_i32 = arith.constant 0 : i32
    %c0_i32_0 = arith.constant 0 : i32
    %c0_i32_1 = arith.constant 0 : i32
    return %c0_i32, %c0_i32_0 : i32, i32
  }
  func.func @transform_6(%arg0: i32) -> (i32, i32) {
    %c0_i32 = arith.constant 0 : i32
    %c0_i32_0 = arith.constant 0 : i32
    %c0_i32_1 = arith.constant 0 : i32
    return %c0_i32, %c0_i32_0 : i32, i32
  }
  func.func @transform_7(%arg0: i32) -> (i32, i32) {
    %c0_i32 = arith.constant 0 : i32
    %c0_i32_0 = arith.constant 0 : i32
    %c0_i32_1 = arith.constant 0 : i32
    return %c0_i32, %c0_i32_0 : i32, i32
  }
  func.func @transform_8(%arg0: i32) -> (i32, i32) {
    %c0_i32 = arith.constant 0 : i32
    %c0_i32_0 = arith.constant 0 : i32
    %c0_i32_1 = arith.constant 0 : i32
    return %c0_i32, %c0_i32_0 : i32, i32
  }
  func.func @transform_9(%arg0: i32) -> (i32, i32) {
    %c0_i32 = arith.constant 0 : i32
    %c0_i32_0 = arith.constant 0 : i32
    %c0_i32_1 = arith.constant 0 : i32
    return %c0_i32, %c0_i32_0 : i32, i32
  }
  func.func @transform_10(%arg0: i32) -> (i32, i32) {
    %c0_i32 = arith.constant 0 : i32
    %c0_i32_0 = arith.constant 0 : i32
    %c0_i32_1 = arith.constant 0 : i32
    return %c0_i32, %c0_i32_0 : i32, i32
  }
  func.func @transform_11(%arg0: i32) -> (i32, i32) {
    %c0_i32 = arith.constant 0 : i32
    %c0_i32_0 = arith.constant 0 : i32
    %c0_i32_1 = arith.constant 0 : i32
    return %c0_i32, %c0_i32_0 : i32, i32
  }
  func.func @transform_12(%arg0: i32) -> (i32, i32) {
    %c0_i32 = arith.constant 0 : i32
    %c0_i32_0 = arith.constant 0 : i32
    return %arg0, %c0_i32 : i32, i32
  }
}

</mosaic_0001>

<sc_bundles>
// kernel: kernel.10.cloned.1.call-start
scs
__scs_entry_jumppad:
0x0: {  	(pc) =	sbr.rel $0x88, $3  }
0x1: {  	(tag) =	ssettag $0x0;
	lr =	simm.s32 $0x1  }
0x2: {  	[smem:$0x3F8E] =	sst lr;
	_ =	strace $0xD0000000  }
0x3: {  	_ = 	snop  }
0x4: {  	_ = 	snop  }
0x5: {  	_ = 	snop  }
0x6: {  	_ = 	snop  }
0x7: {  	_ = 	snop  }
__scs_overlays_trampoline_lowered:
0x8: {  	[smem:$0x3F9D] =	sst s0  }
0x9: {  	[smem:$0x3F9E] =	sst s1  }
0xa: {  	[smem:$0x3F9F] =	sst s2  }
0xb: {  	[smem:$0x3FA0] =	sst s3  }
0xc: {  	[smem:$0x3FA1] =	sst s4  }
0xd: {  	[smem:$0x3FA2] =	sst s5  }
0xe: {  	[smem:$0x3FA3] =	sst s6  }
0xf: {  	[smem:$0x3FA4] =	sst s7  }
0x10: {  	[smem:$0x3FA5] =	sst s8  }
0x11: {  	[smem:$0x3FA6] =	sst s9;
	s0 =	simm.s32 @!p0 $0x0  }
0x12: {  	s1 =	sld [smem:$0x3F8C];
	s0 =	simm.s32 @p0 $0x1  }
0x13: {  	[smem:$0x3FA7] =	sst s0;
	s0 =	simm.s32 @!p1 $0x0  }
0x14: {  	s2 =	sld [smem:$0x3F8B];
	s0 =	simm.s32 @p1 $0x1  }
0x15: {  	[smem:$0x3FA8] =	sst s0;
	s0 =	simm.s32 @!p2 $0x0  }
0x16: {  	s3 =	sld [smem:$0x3FDB];
	s0 =	simm.s32 @p2 $0x1  }
0x17: {  	s4 =	simm.s32 $0x1BF5;
	[smem:$0x3FAA] =	sst s0  }
0x18: {  	s0 =	sld [smem:$0x3F8D];
	_ =	swait.ge [sflag:s4], $0x0  }
0x19: {  	s7 =	sld [smem:$0x3F8E]  }
0x1a: {  	s8 =	sadd.s32 $0xFFFFE003, lr  }
0x1b: {  	s9 =	sadd.s32 $0xFFFFFEF7, lr;
	s5 =	simm.s32 $0xFFFFFFFF;
	p2 =	slt.u32 s8, $0xFFFFF086  }
0x1c: {  	p1 =	slt.u32 s9, $0xF7A;
	s5 =	simm.s32 @!p2 $0x0  }
0x1d: {  	s5 =	simm.s32 @p1 $0x1;
	p0 =	seq.s32 s7, s2  }
0x1e: {  	s7 =	smul.u32 @!p0 $0xF7A, s2;
	p2 =	seq.s32 @!p0 s5, $0x0  }
0x1f: {  	s9 =	smul.u32 $0xF7A, s1;
	s8 =	simm.s32 @!p0 $0x1BF5;
	p2 =	por !p2, p0  }
0x20: {  	[sflag:s8] =	ssyncset.s32 @!p0 $0xFFFFF086;
	s6 =	sadd.s32 @!p0 s3, s7;
	s7 =	simm.s32 @!p0 $0x108  }
0x21: {  	s3 =	sadd.s32 s3, s9;
	s6 =	sadd.s32 @!p0 $0x88, s6;
	s7 =	simm.s32 @p2 $0x1082  }
0x22: {  	[simem:s7], [sflag:s8] =	dma.local @!p0 [hbm:s6], $0xF7A  }
0x23: {  	s9 =	sor.u32 $0xD0000000, s2;
	s6 =	simm.s32 $0x108;
	_ =	swait.ge @!p0 [sflag:s8], $0x0  }
0x24: {  	s3 =	sadd.s32 $0x88, s3;
	s6 =	simm.s32 @!p1 $0x1082;
	[sflag:s4] =	ssyncset.s32 $0xFFFFF086  }
0x25: {  	[simem:s6], [sflag:s4] =	dma.local [hbm:s3], $0xF7A  }
0x26: {  	[smem:$0x3F8E] =	sst s1;
	(tag) =	ssettag s2;
	_ =	strace s9  }
0x27: {  	s1 =	sld [smem:$0x3F9E]  }
0x28: {  	s2 =	sld [smem:$0x3F9F]  }
0x29: {  	s4 =	sld [smem:$0x3FA1]  }
0x2a: {  	p0 =	seq.s32 s5, $0x0;
	s5 =	sld [smem:$0x3FA2]  }
0x2b: {  	s6 =	sld [smem:$0x3FA3]  }
0x2c: {  	s7 =	sld [smem:$0x3FA4]  }
0x2d: {  	s3 =	simm.s32 $0x108;
	s8 =	sld [smem:$0x3FA5]  }
0x2e: {  	s3 =	simm.s32 @!p0 $0x1082;
	s9 =	sld [smem:$0x3FA6]  }
0x2f: {  	lr =	sadd.s32 s0, s3;
	s0 =	sld [smem:$0x3F9D]  }
0x30: {  	s3 =	sld [smem:$0x3FA0]  }
0x31: {  	[smem:$0x3FA9] =	sst s10  }
0x32: {  	s10 =	sld [smem:$0x3FA7];
	_ =	sdelay $0x3  }
0x33: {  	p0 =	seq.s32 s10, $0x1;
	s10 =	sld [smem:$0x3FA9];
	_ =	sdelay $0x3  }
0x34: {  	[smem:$0x3FA9] =	sst s10  }
0x35: {  	s10 =	sld [smem:$0x3FA8];
	_ =	sdelay $0x3  }
0x36: {  	p1 =	seq.s32 s10, $0x1;
	s10 =	sld [smem:$0x3FA9];
	_ =	sdelay $0x3  }
0x37: {  	[smem:$0x3FA9] =	sst s10  }
0x38: {  	s10 =	sld [smem:$0x3FAA]  }
0x39: {  	_ = 	snop;
	(pc) =	sbr.ind lr, $3  }
0x3a: {  	_ = 	snop  }
0x3b: {  	_ = 	snop  }
0x3c: {  	p2 =	seq.s32 s10, $0x1;
	s10 =	sld [smem:$0x3FA9]  }
0x3d: {  	_ =	shalt  }
0x3e: {  	_ =	shalt  }
0x3f: {  	_ =	shalt  }
0x40: {  	_ =	shalt  }
0x41: {  	_ =	shalt  }
0x42: {  	_ =	shalt  }
0x43: {  	_ =	shalt  }
0x44: {  	_ =	shalt  }
0x45: {  	_ =	shalt  }
0x46: {  	_ =	shalt  }
0x47: {  	_ =	shalt  }
0x48: {  	_ =	shalt  }
0x49: {  	_ =	shalt  }
0x4a: {  	_ =	shalt  }
0x4b: {  	_ =	shalt  }
0x4c: {  	_ =	shalt  }
0x4d: {  	_ =	shalt  }
0x4e: {  	_ =	shalt  }
0x4f: {  	_ =	shalt  }
0x50: {  	_ =	shalt  }
0x51: {  	_ =	shalt  }
0x52: {  	_ =	shalt  }
0x53: {  	_ =	shalt  }
0x54: {  	_ =	shalt  }
0x55: {  	_ =	shalt  }
0x56: {  	_ =	shalt  }
0x57: {  	_ =	shalt  }
0x58: {  	_ =	shalt  }
0x59: {  	_ =	shalt  }
0x5a: {  	_ =	shalt  }
0x5b: {  	_ =	shalt  }
0x5c: {  	_ =	shalt  }
0x5d: {  	_ =	shalt  }
0x5e: {  	_ =	shalt  }
0x5f: {  	_ =	shalt  }
0x60: {  	_ =	shalt  }
0x61: {  	_ =	shalt  }
0x62: {  	_ =	shalt  }
0x63: {  	_ =	shalt  }
0x64: {  	_ =	shalt  }
0x65: {  	_ =	shalt  }
0x66: {  	_ =	shalt  }
0x67: {  	_ =	shalt  }
0x68: {  	_ =	shalt  }
0x69: {  	_ =	shalt  }
0x6a: {  	_ =	shalt  }
0x6b: {  	_ =	shalt  }
0x6c: {  	_ =	shalt  }
0x6d: {  	_ =	shalt  }
0x6e: {  	_ =	shalt  }
0x6f: {  	_ =	shalt  }
0x70: {  	_ =	shalt  }
0x71: {  	_ =	shalt  }
0x72: {  	_ =	shalt  }
0x73: {  	_ =	shalt  }
0x74: {  	_ =	shalt  }
0x75: {  	_ =	shalt  }
0x76: {  	_ =	shalt  }
0x77: {  	_ =	shalt  }
0x78: {  	_ =	shalt  }
0x79: {  	_ =	shalt  }
0x7a: {  	_ =	shalt  }
0x7b: {  	_ =	shalt  }
0x7c: {  	_ =	shalt  }
0x7d: {  	_ =	shalt  }
0x7e: {  	_ =	shalt  }
0x7f: {  	_ =	shalt  }
0x80: {  	_ =	shalt  }
0x81: {  	_ =	shalt  }
0x82: {  	_ =	shalt  }
0x83: {  	_ =	shalt  }
0x84: {  	_ =	shalt  }
0x85: {  	_ =	shalt  }
0x86: {  	_ =	shalt  }
0x87: {  	_ =	shalt  }
.Lfunc_end0:
.L_simem_size_0:
called_computation.1_lowered:
.L_overlay_start_0:
0x88: {  	s2 =	sld [smem:$0x3FD9]  }
0x89: {  	s3 =	sld [smem:$0x3FFE];
	_ =	sdelay $0x1  }
0x8a: {  	s1 =	srdreg.scid  }
0x8b: {  	s0 =	sand.u32 $0x1, s1  }
0x8c: {  	s15 =	sshll.u32 s0, $0xA;
	s2 =	sadd.s32 s3, s2  }
0x8d: {  	s2 =	sadd.s32 s2, s15  }
0x8e: {  	[smem:$0x3FB5] =	sst s2  }
0x8f: {  	_ = 	snop  }
0x90: {  	s2 =	sld [smem:$0x3FD0];
	_ =	sdelay $0x2  }
0x91: {  	s4 =	simm.s32 $0xA;
	s5 =	simm.s32 $0x10;
	s16 =	sld [smem:$0x3FC8]  }
0x92: {  	[smem:s5], [sflag:s4] =	dma.local [hbm:s2], $0x1  }
0x93: {  	_ =	swait.eq [sflag:s4], $0x1  }
0x94: {  	[sflag:s4] =	ssyncset.done $0x0  }
0x95: {  	s17 =	sld [smem:$0x10];
	[sflag:s4] =	ssyncadd.s32 $0xFFFFFFFF  }
0x96: {  	s18 =	sld [smem:$0x11];
	(tm) =	ssettm $0x1  }
0x97: {  	s19 =	sld [smem:$0x3FFB];
	_ =	sdelay $0x3  }
0x98: {  	_ =	strace s19  }
0x99: {  	s5 =	sld [smem:$0x3FFC];
	_ =	sdelay $0x3  }
0x9a: {  	_ =	strace s5  }
0x9b: {  	s5 =	sld [smem:$0x3FFD];
	_ =	sdelay $0x3  }
0x9c: {  	_ =	strace s5  }
0x9d: {  	_ =	strace $0x8FFFFFFF  }
0x9e: {  	s20 =	sld [smem:$0x3FDB];
	_ =	sdelay $0x1  }
0x9f: {  	s6 =	simm.s32 $_scs_section_size  }
0xa0: {  	s7 =	simm.s32 $_size__tile_overlayer_lowered;
	s8 =	simm.s32 $_tile_overlayer_lowered  }
0xa1: {  	s23 =	simm.s32 $0x1BFF;
	s22 =	sshll.u32 s8, $0x1;
	s5 =	sadd.s32 s6, s20  }
0xa2: {  	s9 =	simm.s32 $0x0;
	s21 =	sshll.u32 s7, $0x1;
	s7 =	sadd.s32 s22, s5  }
0xa3: {  	[timem:s9], [sflag:s23] =	dma.local [hbm:s7], s21  }
0xa4: {  	_ =	swait.ge [sflag:s23], s21  }
0xa5: {  	s6 =	ssub.s32 $0x0, s21;
	[sflag:s23] =	ssyncset.done $0x0  }
0xa6: {  	[sflag:s23] =	ssyncadd.s32 s6;
	_ =	sdelay $0x1  }
0xa7: {  	s24 =	simm.s32 $0x1B8B  }
0xa8: {  	_ =	swait.ge [sflag:s24], $0x1  }
0xa9: {  	[sflag:s24] =	ssyncset.done $0x0  }
0xaa: {  	s25 =	simm.s32 $0x1B8E;
	[sflag:s24] =	ssyncadd.s32 $0xFFFFFFFF  }
0xab: {  	s26 =	simm.s32 $execute0_lowered;
	[smem:$0x3FD2] =	sst s25  }
0xac: {  	s6 =	sshll.u32 s26, $0x1;
	_ =	strace $0x80000049;
	[dreg:$0x1] =	wrdreg $0xFFFFFFFF  }
0xad: {  	s28 =	simm.s32 $_size_execute0_lowered;
	s5 =	sadd.s32 s5, s6;
	[dreg:$0x0] =	wrdreg $0x0  }
0xae: {  	s6 =	sshll.u32 s28, $0x1;
	[dreg:$0x2] =	wrdreg s5  }
0xaf: {  	[dreg:$0x3] =	wrdreg s6  }
0xb0: {  	[dreg:$0x4] =	wrdreg $0xC0  }
0xb1: {  	_ =	task [dreg:s9], $0x5FFFF  }
0xb2: {  	[dreg:$0x1] =	wrdreg $0xFFFFFFFF  }
0xb3: {  	[dreg:$0x0] =	wrdreg $0x60  }
0xb4: {  	[dreg:$0x2] =	wrdreg s18  }
0xb5: {  	[dreg:$0x3] =	wrdreg s16  }
0xb6: {  	[dreg:$0x4] =	wrdreg s17  }
0xb7: {  	[dreg:$0x5] =	wrdreg $0x96D00  }
0xb8: {  	[dreg:$0x6] =	wrdreg $0x9  }
0xb9: {  	_ =	task.clear_ibuf [dreg:s9], $0x7FFFF;
	_ =	strace $0x90000049  }
0xba: {  	s29 =	simm.s32 $0x9;
	_ =	strace $0x8000004B  }
0xbb: {  	_ =	swait.ge [sflag:s29], $0x1  }
0xbc: {  	[sflag:s29] =	ssyncadd.s32 $0xFFFFFFFF  }
0xbd: {  	_ =	strace $0x9000004B  }
0xbe: {  	_ =	sfence  }
0xbf: {  	s30 =	sld [smem:$0x0];
	_ =	sdelay $0x2  }
0xc0: {  	s31 =	sshll.u32 s1, $0xD;
	s1 =	sshrl.u32 s1, $0x2  }
0xc1: {  	s3 =	sand.u32 $0x4000, s31;
	s1 =	sadd.s32 s1, s30  }
0xc2: {  	s0 =	sor.u32 s3, s0;
	s1 =	sshll.u32 s1, $0x11  }
0xc3: {  	s0 =	sor.u32 s1, s0  }
0xc4: {  	s0 =	sadd.s32 $0x8F2B, s0  }
0xc5: {  	[sflag:s0] =	ssyncadd.remote.s32 $0x1  }
0xc6: {  	_ =	sfence.sel $0xFFFF  }
0xc7: {  	[dreg:$0x0] =	wrdreg $0xFFFFFFFF;
	(pc) =	sbr.abs _section_cstart, $3  }
0xc8: {  	[dreg:$0x1] =	wrdreg $0xFFFFFFFF  }
0xc9: {  	_ =	task.clear_ibuf [dreg:s9], $0x2FFFF;
	_ =	strace $0x9FFFFFFF  }
0xca: {  	(tm) =	ssettm $0x7FFFFFFF  }
0xcb: {  	_ =	shalt  }
tec
execute0_lowered:
.L_overlay_start_1:
0x0: {  	(tag) =	ssettag $0x1  }
0x1: {  	s1 =	rddreg [dreg:$0x0]  }
0x2: {  	s0 =	rddreg [dreg:$0x1]  }
0x3: {  	s2 =	rddreg [dreg:$0x2]  }
0x4: {  	s3 =	rddreg [dreg:$0x3];
	s5 =	srdreg.scid  }
0x5: {  	s12 =	stileid.u32;
	s4 =	simm.s32 $0x0;
	s28 =	simm.s32 $0x5700  }
0x6: {  	s30 =	simm.s32 $0x5F00;
	s29 =	simm.s32 $0x80;
	s31 =	simm.s32 $0x2  }
0x7: {  	s9 =	sand.u32 $0x1, s5;
	s13 =	sshll.u32 s12, $0x1;
	s15 =	smul.u32 $0x9C40, s12  }
0x8: {  	[smem:$0x7FF] =	sst s4;
	p0 =	slt.u32 s12, $0x2;
	s12 =	smul.u32 $0x2710, s12  }
0x9: {  	s6 =	ssub.s32 $0x2, s9;
	s5 =	sor.u32 s9, s13;
	s9 =	smul.u32 $0x27100, s9  }
0xa: {  	_ =	strace $0x8000004A;
	s8 =	smul.u32 $0x4E, s5;
	s16 =	sshrl.u32 s15, $0x2  }
0xb: {  	s7 =	sshrl.u32 s6, $0x1;
	s14 =	smin.u32 s5, $0x4;
	s13 =	sadd.s32 s16, s3  }
0xc: {  	s10 =	ssub.s32 s6, s7;
	s6 =	sadd.s32 s14, s8;
	s14 =	sadd.s32 $0x7D0, s13  }
0xd: {  	s5 =	simm.s32 $0x4F;
	s17 =	sadd.s32 $0xFA0, s13;
	[dreg:$0x5] =	wrdreg s14  }
0xe: {  	s5 =	simm.s32 @!p0 $0x4E;
	s18 =	sadd.s32 $0x1770, s13;
	[dreg:$0x6] =	wrdreg s17  }
0xf: {  	s24 =	sadd.s32 s12, s9;
	s13 =	sadd.s32 $0x1F40, s13;
	[dreg:$0x7] =	wrdreg s18  }
0x10: {  	s9 =	simm.s32 $0x3;
	s26 =	smax.u32 s10, $0x1;
	[dreg:$0x8] =	wrdreg s13  }
0x11: {  	s11 =	smin.u32 s6, $0x975;
	s19 =	sshll.u32 s6, $0x7;
	[dreg:$0x11] =	wrdreg s26  }
0x12: {  	s7 =	ssub.s32 s6, s11;
	s11 =	sshll.u32 s11, $0x5;
	s13 =	sadd.s32 s1, s19  }
0x13: {  	s8 =	sadd.s32 s12, s3;
	s0 =	sadd.s32 s0, s11;
	[dreg:$0x9] =	wrdreg s13  }
0x14: {  	s10 =	simm.s32 $0x7F00;
	s20 =	sadd.s32 $0x4E200, s13;
	[dreg:$0xa] =	wrdreg s0  }
0x15: {  	s12 =	simm.s32 $0x6700;
	s21 =	sadd.s32 $0x80, s13;
	[dreg:$0xb] =	wrdreg s20  }
0x16: {  	s26 =	simm.s32 $0x6F00;
	s22 =	sadd.s32 $0x4E280, s13;
	[dreg:$0xc] =	wrdreg s21  }
0x17: {  	v0 =	vlaneseq.u32;
	v2 =	vimm.f32 $0.0e+00;
	s14 =	simm.s32 $0x8700;
	s23 =	sadd.s32 $0x100, s13;
	[dreg:$0xd] =	wrdreg s22  }
.Ltmp0:
0x18: {  	v1 =	vmul.u32 $0x10, v0;
	v3 =	vor.u32 $0x10, v0;
	v5 =	vor.u32 $0x20, v0;
	s25 =	sadd.s32 $0x4E300, s13;
	[dreg:$0xe] =	wrdreg s23;
	(pc) =	sbr.rel .LBB2_1-.Ltmp0, $4  }
0x19: {  	v7 =	vor.u32 $0x30, v0;
	v9 =	vor.u32 $0x40, v0;
	v11 =	vor.u32 $0x50, v0;
	s19 =	simm.s32 $0x0;
	s11 =	simm.s32 $0x4;
	[dreg:$0xf] =	wrdreg s25  }
0x1a: {  	v13 =	vor.u32 $0x60, v0;
	v15 =	vor.u32 $0x70, v0;
	v4 =	vor.u32 $0x100, v1;
	s20 =	sadd.s32 $0x4E200, s1;
	s0 =	sshrl.u32 s24, $0x3;
	s23 =	simm.s32 $0x8F00  }
0x1b: {  	v6 =	vor.u32 $0x200, v1;
	v8 =	vor.u32 $0x300, v1;
	v10 =	vor.u32 $0x400, v1;
	s24 =	simm.s32 $0x9;
	s25 =	simm.s32 $0x4F00;
	s0 =	sadd.s32 s2, s0  }
0x1c: {  	v12 =	vor.u32 $0x500, v1;
	v14 =	vor.u32 $0x600, v1;
	v16 =	vor.u32 $0x700, v1;
	s2 =	simm.s32 $0x7700;
	[dreg:$0x10] =	wrdreg s0;
	s0 =	simm.s32 $0x1  }
.LBB2_17:
0x1d: {  	s13 =	simm.s32 $0x5  }
0x1e: {  	_ =	swait.ge [sflag:s13], $0x800  }
0x1f: {  	[sflag:s13] =	ssyncset.done $0x0  }
0x20: {  	s16 =	simm.s32 $0x6;
	[sflag:s13] =	ssyncadd.s32 $0xFFFFF800  }
0x21: {  	_ =	swait.ge [sflag:s16], $0x800  }
0x22: {  	[sflag:s16] =	ssyncset.done $0x0  }
0x23: {  	s17 =	simm.s32 $0x7;
	[sflag:s16] =	ssyncadd.s32 $0xFFFFF800  }
0x24: {  	_ =	swait.ge [sflag:s17], $0x800  }
0x25: {  	[sflag:s17] =	ssyncset.done $0x0  }
0x26: {  	s18 =	simm.s32 $0x8;
	[sflag:s17] =	ssyncadd.s32 $0xFFFFF800  }
0x27: {  	_ =	swait.ge [sflag:s18], $0x800  }
0x28: {  	[sflag:s18] =	ssyncset.done $0x0  }
0x29: {  	s21 =	stileid.u32;
	[sflag:s18] =	ssyncadd.s32 $0xFFFFF800  }
0x2a: {  	s13 =	sshll.u32 s21, $0x6;
	[bflag:$0x0] =	sbarrier.arrive $0xFFFF  }
0x2b: {  	s15 =	sshrl.u32 s8, $0x3;
	s13 =	sor.u32 $0x1C09, s13;
	s16 =	rddreg [dreg:$0x10]  }
0x2c: {  	[hbm:s16], [sflag:s13] =	dma.local [spmem:s15], $0x4E2  }
0x2d: {  	_ =	swait.ge [sflag:s24], $0x4E2  }
0x2e: {  	s4 =	sadd.s32 $0x1, s4;
	s22 =	rddreg [dreg:$0x11]  }
0x2f: {  	p0 =	sne.s32 s4, s22  }
.Ltmp1:
0x30: {  	_ = 	snop;
	(pc) =	sbr.rel @!p0 .LBB2_18-.Ltmp1, $3  }
0x31: {  	_ =	sdelay $0x1  }
0x32: {  	[sflag:s24] =	ssyncset.done $0x0  }
0x33: {  	[sflag:s24] =	ssyncadd.s32 $0xFFFFFB1E  }
.LBB2_1:
0x34: {  	s13 =	simm.s32 $0x8F20  }
0x35: {  	[tilespmem:s13+$0xFFFFFFE0] =	vst v2  }
0x36: {  	[tilespmem:s13+$0x10] =	vst v2  }
0x37: {  	s15 =	simm.s32 $0x0;
	[tilespmem:s13+$0x0] =	vst v2  }
.LBB2_2:
0x38: {  	s15 =	sadd.s32 $0x4, s15  }
0x39: {  	[tilespmem:s13+$0xFFFFFFF0] =	vst v2;
	s13 =	sadd.s32 $0x40, s13;
	p0 =	slt.u32 s15, $0x78  }
.Ltmp2:
0x3a: {  	[tilespmem:s13+$0xFFFFFFE0] =	vst v2;
	(pc) =	sbr.rel @p0 .LBB2_2-.Ltmp2, $3  }
0x3b: {  	_ =	sdelay $0x1  }
0x3c: {  	[tilespmem:s13+$0x10] =	vst v2  }
0x3d: {  	[tilespmem:s13+$0x0] =	vst v2  }
0x3e: {  	[tilespmem:s13+$0xFFFFFFF0] =	vst v2  }
0x3f: {  	[tilespmem:$0x96C0] =	vst v2  }
0x40: {  	[spmem:s8] =	stream.linear.scatter [tilespmem:s23], [sflag:$0x9], $0x7D0, $0x38;
	[tilespmem:$0xBDE0] =	vst v63  }
0x41: {  	_ =	swait.ge [sflag:s24], $0x7D0  }
0x42: {  	[sflag:s24] =	ssyncset.done $0x0  }
0x43: {  	s22 =	rddreg [dreg:$0x5];
	[sflag:s24] =	ssyncadd.s32 $0xFFFFF830  }
0x44: {  	[spmem:s22] =	stream.linear.scatter [tilespmem:s23], [sflag:$0x9], $0x7D0, $0x38;
	[tilespmem:$0xBDE0] =	vst v63  }
0x45: {  	_ =	swait.ge [sflag:s24], $0x7D0  }
0x46: {  	[sflag:s24] =	ssyncset.done $0x0  }
0x47: {  	s15 =	rddreg [dreg:$0x6];
	[sflag:s24] =	ssyncadd.s32 $0xFFFFF830  }
0x48: {  	[spmem:s15] =	stream.linear.scatter [tilespmem:s23], [sflag:$0x9], $0x7D0, $0x38;
	[tilespmem:$0xBDE0] =	vst v63  }
0x49: {  	_ =	swait.ge [sflag:s24], $0x7D0  }
0x4a: {  	[sflag:s24] =	ssyncset.done $0x0  }
0x4b: {  	s16 =	rddreg [dreg:$0x7];
	[sflag:s24] =	ssyncadd.s32 $0xFFFFF830  }
0x4c: {  	[spmem:s16] =	stream.linear.scatter [tilespmem:s23], [sflag:$0x9], $0x7D0, $0x38;
	[tilespmem:$0xBDE0] =	vst v63  }
0x4d: {  	_ =	swait.ge [sflag:s24], $0x7D0  }
0x4e: {  	[sflag:s24] =	ssyncset.done $0x0  }
0x4f: {  	s17 =	rddreg [dreg:$0x8];
	[sflag:s24] =	ssyncadd.s32 $0xFFFFF830  }
0x50: {  	[spmem:s17] =	stream.linear.scatter [tilespmem:s23], [sflag:$0x9], $0x7D0, $0x38;
	[tilespmem:$0xBDE0] =	vst v63  }
0x51: {  	_ =	swait.ge [sflag:s24], $0x7D0  }
0x52: {  	[sflag:s24] =	ssyncset.done $0x0  }
0x53: {  	[sflag:s24] =	ssyncadd.s32 $0xFFFFF830  }
0x54: {  	[bflag:$0x0] =	sbarrier.arrive $0xFFFF  }
0x55: {  	s18 =	rddreg [dreg:$0xa]  }
0x56: {  	[tilespmem:s19], [sflag:$0x9] =	stream.linear.gather [hbm4b:s18+s19], $0x4F00, $0x38;
	[tilespmem:$0xBDE0] =	vst v63  }
0x57: {  	_ =	swait.ge [sflag:s24], $0x4F00  }
0x58: {  	[sflag:s24] =	ssyncset.done $0x0  }
0x59: {  	s21 =	rddreg [dreg:$0x9];
	[sflag:s24] =	ssyncadd.s32 $0xFFFFB100  }
0x5a: {  	[tilespmem:s25], [sflag:$0x1] =	stream.linear.gather [hbm4b:s21+s19], $0x400, $0x38;
	[tilespmem:$0xBDE0] =	vst v63  }
0x5b: {  	s15 =	simm.s32 $0x5300;
	s22 =	rddreg [dreg:$0xb]  }
0x5c: {  	[tilespmem:s15], [sflag:$0x1] =	stream.linear.gather [hbm4b:s22+s19], $0x400, $0x38;
	[tilespmem:$0xBDE0] =	vst v63  }
0x5d: {  	s15 =	rddreg [dreg:$0xc]  }
0x5e: {  	[tilespmem:s28], [sflag:$0x2] =	stream.linear.gather [hbm4b:s15+s19], $0x400, $0x38;
	[tilespmem:$0xBDE0] =	vst v63  }
0x5f: {  	s17 =	simm.s32 $0x5B00;
	s16 =	rddreg [dreg:$0xd]  }
0x60: {  	[tilespmem:s17], [sflag:$0x2] =	stream.linear.gather [hbm4b:s16+s19], $0x400, $0x38;
	[tilespmem:$0xBDE0] =	vst v63  }
.Ltmp3:
0x61: {  	s18 =	rddreg [dreg:$0xe];
	(pc) =	sbr.rel .LBB2_4-.Ltmp3, $4  }
0x62: {  	[tilespmem:s30], [sflag:$0x3] =	stream.linear.gather [hbm4b:s18+s19], $0x400, $0x38;
	[tilespmem:$0xBDE0] =	vst v63  }
0x63: {  	s21 =	rddreg [dreg:$0xf];
	s22 =	simm.s32 $0x6300  }
0x64: {  	[tilespmem:s22], [sflag:$0x3] =	stream.linear.gather [hbm4b:s21+s19], $0x400, $0x38;
	[tilespmem:$0xBDE0] =	vst v63  }
0x65: {  	s21 =	simm.s32 $0x0  }
.LBB2_16:
0x66: {  	s21 =	sadd.s32 $0x1, s21  }
0x67: {  	p0 =	sne.s32 s21, $0x14  }
.Ltmp4:
0x68: {  	_ = 	snop;
	(pc) =	sbr.rel @!p0 .LBB2_17-.Ltmp4, $1  }
0x69: {  	_ =	sdelay $0x3  }
.LBB2_4:
0x6a: {  	s22 =	sshllo.u32 s21, $0x2  }
0x6b: {  	p0 =	sge.u32 s22, s5  }
0x6c: {  	s13 =	sadd.s32 @!p0 s6, s22  }
0x6d: {  	s13 =	sshll.u32 @!p0 s13, $0x7  }
0x6e: {  	s16 =	simm.s32 @!p0 $0x0;
	s17 =	simm.s32 @!p0 $0x6700;
	s15 =	sadd.s32 @!p0 s1, s13  }
0x6f: {  	[tilespmem:s17], [sflag:$0x4] =	stream.linear.gather @!p0 [hbm4b:s15+s16], $0x400, $0x38;
	[tilespmem:$0xBDE0] =	vst v63  }
0x70: {  	s13 =	sadd.s32 @!p0 s13, s20;
	s15 =	simm.s32 @!p0 $0x6B00  }
0x71: {  	[tilespmem:s15], [sflag:$0x4] =	stream.linear.gather @!p0 [hbm4b:s13+s16], $0x400, $0x38;
	[tilespmem:$0xBDE0] =	vst v63  }
0x72: {  	_ =	swait.ge [sflag:s0], $0x400  }
0x73: {  	v17 =	vadd.s32 s19, v0;
	[sflag:s0] =	ssyncset.done $0x0  }
0x74: {  	v18 =	vshll.u32 v17, $0x7;
	[sflag:s0] =	ssyncadd.s32 $0xFFFFFC00  }
0x75: {  	v18 =	vand.u32 $0x780, v18;
	_ =	swait.ge [sflag:s0], $0x400  }
0x76: {  	p1 =	seq.s32 s21, $0x0;
	v19 =	vor.u32 v0, v18;
	[sflag:s0] =	ssyncset.done $0x0  }
0x77: {  	s13 =	simm.s32 @!p1 $0x5;
	[sflag:s0] =	ssyncadd.s32 $0xFFFFFC00  }
0x78: {  	_ =	swait.ge @!p1 [sflag:s13], $0x800  }
0x79: {  	[sflag:s13] =	ssyncset.done @!p1 $0x0  }
0x7a: {  	v17 =	vand.u32 $0xF, v17;
	[sflag:s13] =	ssyncadd.s32 @!p1 $0xFFFFF800  }
0x7b: {  	v20 =	vor.u32 v1, v17;
	v19 =	vld.idx.msk [tilespmem:v19+s25+$0x0], $0xffff  }
0x7c: {  	v21 =	vor.u32 v3, v18;
	_ =	sdelay $0x3  }
0x7d: {  	[tilespmem:v20+s26+$0x0] =	vst.idx.msk $0xffff, v19  }
0x7e: {  	v20 =	vor.u32 v4, v17;
	v19 =	vld.idx.msk [tilespmem:v21+s25+$0x0], $0xffff  }
0x7f: {  	v58 =	vor.u32 v5, v18;
	_ =	sdelay $0x3  }
0x80: {  	[tilespmem:v20+s26+$0x0] =	vst.idx.msk $0xffff, v19  }
0x81: {  	v20 =	vor.u32 v6, v17;
	v19 =	vld.idx.msk [tilespmem:v58+s25+$0x0], $0xffff  }
0x82: {  	v59 =	vor.u32 v7, v18;
	_ =	sdelay $0x3  }
0x83: {  	[tilespmem:v20+s26+$0x0] =	vst.idx.msk $0xffff, v19  }
0x84: {  	v20 =	vor.u32 v8, v17;
	v19 =	vld.idx.msk [tilespmem:v59+s25+$0x0], $0xffff  }
0x85: {  	v60 =	vor.u32 v9, v18;
	_ =	sdelay $0x3  }
0x86: {  	[tilespmem:v20+s26+$0x0] =	vst.idx.msk $0xffff, v19  }
0x87: {  	v20 =	vor.u32 v10, v17;
	v19 =	vld.idx.msk [tilespmem:v60+s25+$0x0], $0xffff  }
0x88: {  	v61 =	vor.u32 v11, v18;
	_ =	sdelay $0x3  }
0x89: {  	[tilespmem:v20+s26+$0x0] =	vst.idx.msk $0xffff, v19  }
0x8a: {  	v20 =	vor.u32 v12, v17;
	v19 =	vld.idx.msk [tilespmem:v61+s25+$0x0], $0xffff  }
0x8b: {  	v62 =	vor.u32 v13, v18;
	_ =	sdelay $0x3  }
0x8c: {  	[tilespmem:v20+s26+$0x0] =	vst.idx.msk $0xffff, v19  }
0x8d: {  	v63 =	vor.u32 v14, v17;
	v20 =	vld.idx.msk [tilespmem:v62+s25+$0x0], $0xffff  }
0x8e: {  	v19 =	vor.u32 v15, v18;
	_ =	sdelay $0x2  }
0x8f: {  	s18 =	simm.s32 $0x1  }
0x90: {  	s15 =	simm.s32 $0x2;
	s13 =	sshll.u32 s21, $0x2;
	v18 =	vadd.s32 s18, v0;
	[tilespmem:v63+s26+$0x0] =	vst.idx.msk $0xffff, v20  }
.LBB2_5:
0x91: {  	p2 =	sne.s32 s15, $0xF;
	v20 =	vshll.u32 v18, $0x7;
	v19 =	vld.idx.msk [tilespmem:v19+s25+$0x0], $0xffff  }
0x92: {  	v17 =	vor.u32 v16, v17;
	v20 =	vand.u32 $0x780, v20  }
0x93: {  	v21 =	vor.u32 v0, v20;
	_ =	sdelay $0x3  }
0x94: {  	[tilespmem:v17+s26+$0x0] =	vst.idx.msk $0xffff, v19  }
0x95: {  	v17 =	vand.u32 $0xF, v18;
	v19 =	vld.idx.msk [tilespmem:v21+s25+$0x0], $0xffff  }
0x96: {  	v18 =	vor.u32 v1, v17  }
0x97: {  	v21 =	vor.u32 v3, v20;
	_ =	sdelay $0x3  }
0x98: {  	[tilespmem:v18+s26+$0x0] =	vst.idx.msk $0xffff, v19  }
0x99: {  	v18 =	vld.idx.msk [tilespmem:v21+s25+$0x0], $0xffff  }
0x9a: {  	v19 =	vor.u32 v4, v17  }
0x9b: {  	v21 =	vor.u32 v5, v20;
	_ =	sdelay $0x3  }
0x9c: {  	[tilespmem:v19+s26+$0x0] =	vst.idx.msk $0xffff, v18  }
0x9d: {  	v18 =	vld.idx.msk [tilespmem:v21+s25+$0x0], $0xffff  }
0x9e: {  	v19 =	vor.u32 v6, v17  }
0x9f: {  	v21 =	vor.u32 v7, v20;
	_ =	sdelay $0x3  }
0xa0: {  	[tilespmem:v19+s26+$0x0] =	vst.idx.msk $0xffff, v18  }
0xa1: {  	v18 =	vld.idx.msk [tilespmem:v21+s25+$0x0], $0xffff  }
0xa2: {  	v19 =	vor.u32 v8, v17  }
0xa3: {  	v21 =	vor.u32 v9, v20;
	_ =	sdelay $0x3  }
0xa4: {  	[tilespmem:v19+s26+$0x0] =	vst.idx.msk $0xffff, v18  }
0xa5: {  	v18 =	vld.idx.msk [tilespmem:v21+s25+$0x0], $0xffff  }
0xa6: {  	v19 =	vor.u32 v10, v17  }
0xa7: {  	v21 =	vor.u32 v11, v20;
	_ =	sdelay $0x3  }
0xa8: {  	[tilespmem:v19+s26+$0x0] =	vst.idx.msk $0xffff, v18  }
0xa9: {  	v18 =	vld.idx.msk [tilespmem:v21+s25+$0x0], $0xffff  }
0xaa: {  	v19 =	vor.u32 v12, v17  }
0xab: {  	v21 =	vor.u32 v13, v20;
	_ =	sdelay $0x3  }
0xac: {  	[tilespmem:v19+s26+$0x0] =	vst.idx.msk $0xffff, v18  }
0xad: {  	v21 =	vld.idx.msk [tilespmem:v21+s25+$0x0], $0xffff  }
0xae: {  	v22 =	vor.u32 v14, v17  }
.Ltmp5:
0xaf: {  	v19 =	vor.u32 v15, v20;
	(pc) =	sbr.rel @p2 .LBB2_5-.Ltmp5, $2  }
0xb0: {  	_ =	sdelay $0x2  }
0xb1: {  	v18 =	vadd.s32 s15, v0;
	s15 =	sadd.s32 $0x1, s15;
	[tilespmem:v22+s26+$0x0] =	vst.idx.msk $0xffff, v21  }
0xb2: {  	_ =	sdelay $0x2  }
0xb3: {  	v20 =	vshll.u32 v18, $0x7  }
0xb4: {  	v19 =	vld.idx.msk [tilespmem:v19+s25+$0x0], $0xffff;
	v17 =	vor.u32 v16, v17;
	v20 =	vand.u32 $0x780, v20  }
0xb5: {  	v21 =	vor.u32 v0, v20;
	_ =	sdelay $0x3  }
0xb6: {  	[tilespmem:v17+s26+$0x0] =	vst.idx.msk $0xffff, v19;
	v17 =	vand.u32 $0xF, v18  }
0xb7: {  	v19 =	vor.u32 v1, v17;
	v18 =	vld.idx.msk [tilespmem:v21+s25+$0x0], $0xffff  }
0xb8: {  	v51 =	vor.u32 v3, v20;
	_ =	sdelay $0x3  }
0xb9: {  	[tilespmem:v19+s26+$0x0] =	vst.idx.msk $0xffff, v18  }
0xba: {  	v19 =	vor.u32 v4, v17;
	v18 =	vld.idx.msk [tilespmem:v51+s25+$0x0], $0xffff  }
0xbb: {  	v52 =	vor.u32 v5, v20;
	_ =	sdelay $0x3  }
0xbc: {  	[tilespmem:v19+s26+$0x0] =	vst.idx.msk $0xffff, v18  }
0xbd: {  	v19 =	vor.u32 v6, v17;
	v18 =	vld.idx.msk [tilespmem:v52+s25+$0x0], $0xffff  }
0xbe: {  	v53 =	vor.u32 v7, v20;
	_ =	sdelay $0x3  }
0xbf: {  	[tilespmem:v19+s26+$0x0] =	vst.idx.msk $0xffff, v18  }
0xc0: {  	v19 =	vor.u32 v8, v17;
	v18 =	vld.idx.msk [tilespmem:v53+s25+$0x0], $0xffff  }
0xc1: {  	v54 =	vor.u32 v9, v20;
	_ =	sdelay $0x3  }
0xc2: {  	[tilespmem:v19+s26+$0x0] =	vst.idx.msk $0xffff, v18  }
0xc3: {  	v19 =	vor.u32 v10, v17;
	v18 =	vld.idx.msk [tilespmem:v54+s25+$0x0], $0xffff  }
0xc4: {  	v55 =	vor.u32 v11, v20;
	_ =	sdelay $0x3  }
0xc5: {  	[tilespmem:v19+s26+$0x0] =	vst.idx.msk $0xffff, v18  }
0xc6: {  	v19 =	vor.u32 v12, v17;
	v18 =	vld.idx.msk [tilespmem:v55+s25+$0x0], $0xffff  }
0xc7: {  	v56 =	vor.u32 v13, v20;
	_ =	sdelay $0x3  }
0xc8: {  	[tilespmem:v19+s26+$0x0] =	vst.idx.msk $0xffff, v18  }
0xc9: {  	v19 =	vor.u32 v14, v17;
	v18 =	vld.idx.msk [tilespmem:v56+s25+$0x0], $0xffff  }
0xca: {  	v20 =	vor.u32 v15, v20;
	_ =	sdelay $0x3  }
0xcb: {  	[tilespmem:v19+s26+$0x0] =	vst.idx.msk $0xffff, v18  }
0xcc: {  	v17 =	vor.u32 v16, v17;
	v18 =	vld.idx.msk [tilespmem:v20+s25+$0x0], $0xffff;
	_ =	sdelay $0x1  }
0xcd: {  	s15 =	sadd.s32 s7, s13  }
0xce: {  	s15 =	sshll.u32 s15, $0xA  }
0xcf: {  	s15 =	sshra.s32 s15, $0x2  }
0xd0: {  	s15 =	sor.u32 $0x80, s15;
	[tilespmem:v17+s26+$0x0] =	vst.idx.msk $0xffff, v18  }
0xd1: {  	[spmem:s3] =	stream.indirect.scatter.add.f32 [tilespmem:s26], [sflag:$0x5], $0x10, s15, s29, $0xb8;
	[tilespmem:$0xBDE0] =	vst v63  }
0xd2: {  	s15 =	sadd.s32 $0x4, s13  }
0xd3: {  	p2 =	sge.u32 s15, s5  }
0xd4: {  	s15 =	sadd.s32 @!p2 s6, s15  }
0xd5: {  	s15 =	sshll.u32 @!p2 s15, $0x7  }
0xd6: {  	s17 =	simm.s32 @!p2 $0x0;
	s18 =	simm.s32 @!p2 $0x4F00;
	s16 =	sadd.s32 @!p2 s1, s15  }
0xd7: {  	[tilespmem:s18], [sflag:$0x1] =	stream.linear.gather @!p2 [hbm4b:s16+s17], $0x400, $0x38;
	[tilespmem:$0xBDE0] =	vst v63  }
0xd8: {  	s15 =	sadd.s32 @!p2 s15, s20;
	s16 =	simm.s32 @!p2 $0x5300  }
0xd9: {  	[tilespmem:s16], [sflag:$0x1] =	stream.linear.gather @!p2 [hbm4b:s15+s17], $0x400, $0x38;
	[tilespmem:$0xBDE0] =	vst v63  }
0xda: {  	s17 =	simm.s32 $0x0;
	_ =	swait.ge [sflag:s31], $0x400  }
0xdb: {  	v17 =	vadd.s32 s17, v0;
	[sflag:s31] =	ssyncset.done $0x0  }
0xdc: {  	v18 =	vshll.u32 v17, $0x7;
	[sflag:s31] =	ssyncadd.s32 $0xFFFFFC00  }
0xdd: {  	v18 =	vand.u32 $0x780, v18;
	_ =	swait.ge [sflag:s31], $0x400  }
0xde: {  	v19 =	vor.u32 v0, v18;
	[sflag:s31] =	ssyncset.done $0x0  }
0xdf: {  	s15 =	simm.s32 @!p1 $0x6;
	[sflag:s31] =	ssyncadd.s32 $0xFFFFFC00  }
0xe0: {  	_ =	swait.ge @!p1 [sflag:s15], $0x800  }
0xe1: {  	[sflag:s15] =	ssyncset.done @!p1 $0x0  }
0xe2: {  	v17 =	vand.u32 $0xF, v17;
	[sflag:s15] =	ssyncadd.s32 @!p1 $0xFFFFF800  }
0xe3: {  	v20 =	vor.u32 v1, v17;
	v19 =	vld.idx.msk [tilespmem:v19+s28+$0x0], $0xffff  }
0xe4: {  	v57 =	vor.u32 v3, v18;
	_ =	sdelay $0x3  }
0xe5: {  	[tilespmem:v20+s2+$0x0] =	vst.idx.msk $0xffff, v19  }
0xe6: {  	v20 =	vor.u32 v4, v17;
	v19 =	vld.idx.msk [tilespmem:v57+s28+$0x0], $0xffff  }
0xe7: {  	v58 =	vor.u32 v5, v18;
	_ =	sdelay $0x3  }
0xe8: {  	[tilespmem:v20+s2+$0x0] =	vst.idx.msk $0xffff, v19  }
0xe9: {  	v20 =	vor.u32 v6, v17;
	v19 =	vld.idx.msk [tilespmem:v58+s28+$0x0], $0xffff  }
0xea: {  	v59 =	vor.u32 v7, v18;
	_ =	sdelay $0x3  }
0xeb: {  	[tilespmem:v20+s2+$0x0] =	vst.idx.msk $0xffff, v19  }
0xec: {  	v20 =	vor.u32 v8, v17;
	v19 =	vld.idx.msk [tilespmem:v59+s28+$0x0], $0xffff  }
0xed: {  	v60 =	vor.u32 v9, v18;
	_ =	sdelay $0x3  }
0xee: {  	[tilespmem:v20+s2+$0x0] =	vst.idx.msk $0xffff, v19  }
0xef: {  	v20 =	vor.u32 v10, v17;
	v19 =	vld.idx.msk [tilespmem:v60+s28+$0x0], $0xffff  }
0xf0: {  	v61 =	vor.u32 v11, v18;
	_ =	sdelay $0x3  }
0xf1: {  	[tilespmem:v20+s2+$0x0] =	vst.idx.msk $0xffff, v19  }
0xf2: {  	v20 =	vor.u32 v12, v17;
	v19 =	vld.idx.msk [tilespmem:v61+s28+$0x0], $0xffff  }
0xf3: {  	v62 =	vor.u32 v13, v18;
	_ =	sdelay $0x3  }
0xf4: {  	[tilespmem:v20+s2+$0x0] =	vst.idx.msk $0xffff, v19  }
0xf5: {  	v63 =	vor.u32 v14, v17;
	v20 =	vld.idx.msk [tilespmem:v62+s28+$0x0], $0xffff  }
0xf6: {  	v19 =	vor.u32 v15, v18;
	_ =	sdelay $0x2  }
0xf7: {  	s18 =	simm.s32 $0x1  }
0xf8: {  	s16 =	simm.s32 $0x2;
	s15 =	sor.u32 $0x1, s13;
	v18 =	vadd.s32 s18, v0;
	[tilespmem:v63+s2+$0x0] =	vst.idx.msk $0xffff, v20  }
.LBB2_7:
0xf9: {  	p2 =	sne.s32 s16, $0xF;
	v20 =	vshll.u32 v18, $0x7;
	v19 =	vld.idx.msk [tilespmem:v19+s28+$0x0], $0xffff  }
0xfa: {  	v17 =	vor.u32 v16, v17;
	v20 =	vand.u32 $0x780, v20  }
0xfb: {  	v21 =	vor.u32 v0, v20;
	_ =	sdelay $0x3  }
0xfc: {  	[tilespmem:v17+s2+$0x0] =	vst.idx.msk $0xffff, v19  }
0xfd: {  	v17 =	vand.u32 $0xF, v18;
	v19 =	vld.idx.msk [tilespmem:v21+s28+$0x0], $0xffff  }
0xfe: {  	v18 =	vor.u32 v1, v17  }
0xff: {  	v21 =	vor.u32 v3, v20;
	_ =	sdelay $0x3  }
0x100: {  	[tilespmem:v18+s2+$0x0] =	vst.idx.msk $0xffff, v19  }
0x101: {  	v18 =	vld.idx.msk [tilespmem:v21+s28+$0x0], $0xffff  }
0x102: {  	v19 =	vor.u32 v4, v17  }
0x103: {  	v21 =	vor.u32 v5, v20;
	_ =	sdelay $0x3  }
0x104: {  	[tilespmem:v19+s2+$0x0] =	vst.idx.msk $0xffff, v18  }
0x105: {  	v18 =	vld.idx.msk [tilespmem:v21+s28+$0x0], $0xffff  }
0x106: {  	v19 =	vor.u32 v6, v17  }
0x107: {  	v21 =	vor.u32 v7, v20;
	_ =	sdelay $0x3  }
0x108: {  	[tilespmem:v19+s2+$0x0] =	vst.idx.msk $0xffff, v18  }
0x109: {  	v18 =	vld.idx.msk [tilespmem:v21+s28+$0x0], $0xffff  }
0x10a: {  	v19 =	vor.u32 v8, v17  }
0x10b: {  	v21 =	vor.u32 v9, v20;
	_ =	sdelay $0x3  }
0x10c: {  	[tilespmem:v19+s2+$0x0] =	vst.idx.msk $0xffff, v18  }
0x10d: {  	v18 =	vld.idx.msk [tilespmem:v21+s28+$0x0], $0xffff  }
0x10e: {  	v19 =	vor.u32 v10, v17  }
0x10f: {  	v21 =	vor.u32 v11, v20;
	_ =	sdelay $0x3  }
0x110: {  	[tilespmem:v19+s2+$0x0] =	vst.idx.msk $0xffff, v18  }
0x111: {  	v18 =	vld.idx.msk [tilespmem:v21+s28+$0x0], $0xffff  }
0x112: {  	v19 =	vor.u32 v12, v17  }
0x113: {  	v21 =	vor.u32 v13, v20;
	_ =	sdelay $0x3  }
0x114: {  	[tilespmem:v19+s2+$0x0] =	vst.idx.msk $0xffff, v18  }
0x115: {  	v21 =	vld.idx.msk [tilespmem:v21+s28+$0x0], $0xffff  }
0x116: {  	v22 =	vor.u32 v14, v17  }
.Ltmp6:
0x117: {  	v19 =	vor.u32 v15, v20;
	(pc) =	sbr.rel @p2 .LBB2_7-.Ltmp6, $2  }
0x118: {  	_ =	sdelay $0x2  }
0x119: {  	v18 =	vadd.s32 s16, v0;
	s16 =	sadd.s32 $0x1, s16;
	[tilespmem:v22+s2+$0x0] =	vst.idx.msk $0xffff, v21  }
0x11a: {  	_ =	sdelay $0x2  }
0x11b: {  	v20 =	vshll.u32 v18, $0x7  }
0x11c: {  	v19 =	vld.idx.msk [tilespmem:v19+s28+$0x0], $0xffff;
	v17 =	vor.u32 v16, v17;
	v20 =	vand.u32 $0x780, v20  }
0x11d: {  	v21 =	vor.u32 v0, v20;
	_ =	sdelay $0x3  }
0x11e: {  	[tilespmem:v17+s2+$0x0] =	vst.idx.msk $0xffff, v19;
	v17 =	vand.u32 $0xF, v18  }
0x11f: {  	v19 =	vor.u32 v1, v17;
	v18 =	vld.idx.msk [tilespmem:v21+s28+$0x0], $0xffff  }
0x120: {  	v58 =	vor.u32 v3, v20;
	_ =	sdelay $0x3  }
0x121: {  	[tilespmem:v19+s2+$0x0] =	vst.idx.msk $0xffff, v18  }
0x122: {  	v19 =	vor.u32 v4, v17;
	v18 =	vld.idx.msk [tilespmem:v58+s28+$0x0], $0xffff  }
0x123: {  	v59 =	vor.u32 v5, v20;
	_ =	sdelay $0x3  }
0x124: {  	[tilespmem:v19+s2+$0x0] =	vst.idx.msk $0xffff, v18  }
0x125: {  	v19 =	vor.u32 v6, v17;
	v18 =	vld.idx.msk [tilespmem:v59+s28+$0x0], $0xffff  }
0x126: {  	v60 =	vor.u32 v7, v20;
	_ =	sdelay $0x3  }
0x127: {  	[tilespmem:v19+s2+$0x0] =	vst.idx.msk $0xffff, v18  }
0x128: {  	v19 =	vor.u32 v8, v17;
	v18 =	vld.idx.msk [tilespmem:v60+s28+$0x0], $0xffff  }
0x129: {  	v61 =	vor.u32 v9, v20;
	_ =	sdelay $0x3  }
0x12a: {  	[tilespmem:v19+s2+$0x0] =	vst.idx.msk $0xffff, v18  }
0x12b: {  	v19 =	vor.u32 v10, v17;
	v18 =	vld.idx.msk [tilespmem:v61+s28+$0x0], $0xffff  }
0x12c: {  	v62 =	vor.u32 v11, v20;
	_ =	sdelay $0x3  }
0x12d: {  	[tilespmem:v19+s2+$0x0] =	vst.idx.msk $0xffff, v18  }
0x12e: {  	v19 =	vor.u32 v12, v17;
	v18 =	vld.idx.msk [tilespmem:v62+s28+$0x0], $0xffff  }
0x12f: {  	v63 =	vor.u32 v13, v20;
	_ =	sdelay $0x3  }
0x130: {  	[tilespmem:v19+s2+$0x0] =	vst.idx.msk $0xffff, v18  }
0x131: {  	v19 =	vor.u32 v14, v17;
	v18 =	vld.idx.msk [tilespmem:v63+s28+$0x0], $0xffff  }
0x132: {  	v20 =	vor.u32 v15, v20;
	_ =	sdelay $0x3  }
0x133: {  	[tilespmem:v19+s2+$0x0] =	vst.idx.msk $0xffff, v18  }
0x134: {  	v17 =	vor.u32 v16, v17;
	v18 =	vld.idx.msk [tilespmem:v20+s28+$0x0], $0xffff;
	_ =	sdelay $0x1  }
0x135: {  	s15 =	sadd.s32 s7, s15  }
0x136: {  	s15 =	sshll.u32 s15, $0xA  }
0x137: {  	s15 =	sshra.s32 s15, $0x2  }
0x138: {  	s15 =	sor.u32 $0x80, s15;
	[tilespmem:v17+s2+$0x0] =	vst.idx.msk $0xffff, v18  }
0x139: {  	[spmem:s3] =	stream.indirect.scatter.add.f32 [tilespmem:s2], [sflag:$0x6], $0x10, s15, s29, $0xb8;
	[tilespmem:$0xBDE0] =	vst v63  }
0x13a: {  	s15 =	sadd.s32 $0x5, s13  }
0x13b: {  	p2 =	sge.u32 s15, s5  }
0x13c: {  	s15 =	sadd.s32 @!p2 s6, s15  }
0x13d: {  	s16 =	sshll.u32 @!p2 s15, $0x7  }
0x13e: {  	s17 =	simm.s32 @!p2 $0x0;
	s18 =	simm.s32 @!p2 $0x5700;
	s15 =	sadd.s32 @!p2 s1, s16  }
0x13f: {  	[tilespmem:s18], [sflag:$0x2] =	stream.linear.gather @!p2 [hbm4b:s15+s17], $0x400, $0x38;
	[tilespmem:$0xBDE0] =	vst v63  }
0x140: {  	s16 =	sadd.s32 @!p2 s16, s20;
	s15 =	sor.u32 $0x2, s13;
	s18 =	simm.s32 @!p2 $0x5B00  }
0x141: {  	[tilespmem:s18], [sflag:$0x2] =	stream.linear.gather @!p2 [hbm4b:s16+s17], $0x400, $0x38;
	[tilespmem:$0xBDE0] =	vst v63  }
0x142: {  	p2 =	sge.u32 s15, s5  }
.Ltmp7:
0x143: {  	_ = 	snop;
	(pc) =	sbr.rel @p2 .LBB2_12-.Ltmp7, $1  }
0x144: {  	_ =	sdelay $0x3  }
0x145: {  	_ =	swait.ge [sflag:s9], $0x400;
	s16 =	simm.s32 $0x0  }
0x146: {  	[sflag:s9] =	ssyncset.done $0x0;
	v17 =	vadd.s32 s16, v0  }
0x147: {  	[sflag:s9] =	ssyncadd.s32 $0xFFFFFC00;
	v18 =	vshll.u32 v17, $0x7  }
0x148: {  	_ =	swait.ge [sflag:s9], $0x400;
	v18 =	vand.u32 $0x780, v18  }
0x149: {  	[sflag:s9] =	ssyncset.done $0x0;
	v19 =	vor.u32 v0, v18  }
0x14a: {  	s16 =	simm.s32 @!p1 $0x7;
	[sflag:s9] =	ssyncadd.s32 $0xFFFFFC00  }
0x14b: {  	_ =	swait.ge @!p1 [sflag:s16], $0x800  }
0x14c: {  	[sflag:s16] =	ssyncset.done @!p1 $0x0  }
0x14d: {  	v17 =	vand.u32 $0xF, v17;
	[sflag:s16] =	ssyncadd.s32 @!p1 $0xFFFFF800  }
0x14e: {  	v20 =	vor.u32 v1, v17;
	v19 =	vld.idx.msk [tilespmem:v19+s30+$0x0], $0xffff  }
0x14f: {  	v21 =	vor.u32 v3, v18;
	_ =	sdelay $0x3  }
0x150: {  	[tilespmem:v20+s10+$0x0] =	vst.idx.msk $0xffff, v19  }
0x151: {  	v20 =	vor.u32 v4, v17;
	v19 =	vld.idx.msk [tilespmem:v21+s30+$0x0], $0xffff  }
0x152: {  	v58 =	vor.u32 v5, v18;
	_ =	sdelay $0x3  }
0x153: {  	[tilespmem:v20+s10+$0x0] =	vst.idx.msk $0xffff, v19  }
0x154: {  	v20 =	vor.u32 v6, v17;
	v19 =	vld.idx.msk [tilespmem:v58+s30+$0x0], $0xffff  }
0x155: {  	v59 =	vor.u32 v7, v18;
	_ =	sdelay $0x3  }
0x156: {  	[tilespmem:v20+s10+$0x0] =	vst.idx.msk $0xffff, v19  }
0x157: {  	v20 =	vor.u32 v8, v17;
	v19 =	vld.idx.msk [tilespmem:v59+s30+$0x0], $0xffff  }
0x158: {  	v60 =	vor.u32 v9, v18;
	_ =	sdelay $0x3  }
0x159: {  	[tilespmem:v20+s10+$0x0] =	vst.idx.msk $0xffff, v19  }
0x15a: {  	v20 =	vor.u32 v10, v17;
	v19 =	vld.idx.msk [tilespmem:v60+s30+$0x0], $0xffff  }
0x15b: {  	v61 =	vor.u32 v11, v18;
	_ =	sdelay $0x3  }
0x15c: {  	[tilespmem:v20+s10+$0x0] =	vst.idx.msk $0xffff, v19  }
0x15d: {  	v20 =	vor.u32 v12, v17;
	v19 =	vld.idx.msk [tilespmem:v61+s30+$0x0], $0xffff  }
0x15e: {  	v62 =	vor.u32 v13, v18;
	_ =	sdelay $0x3  }
0x15f: {  	[tilespmem:v20+s10+$0x0] =	vst.idx.msk $0xffff, v19  }
0x160: {  	v63 =	vor.u32 v14, v17;
	v20 =	vld.idx.msk [tilespmem:v62+s30+$0x0], $0xffff  }
0x161: {  	v19 =	vor.u32 v15, v18;
	_ =	sdelay $0x2  }
0x162: {  	s18 =	simm.s32 $0x1  }
0x163: {  	s16 =	simm.s32 $0x2;
	v18 =	vadd.s32 s18, v0;
	[tilespmem:v63+s10+$0x0] =	vst.idx.msk $0xffff, v20  }
.LBB2_10:
0x164: {  	p2 =	sne.s32 s16, $0xF;
	v20 =	vshll.u32 v18, $0x7;
	v19 =	vld.idx.msk [tilespmem:v19+s30+$0x0], $0xffff  }
0x165: {  	v17 =	vor.u32 v16, v17;
	v20 =	vand.u32 $0x780, v20  }
0x166: {  	v21 =	vor.u32 v0, v20;
	_ =	sdelay $0x3  }
0x167: {  	[tilespmem:v17+s10+$0x0] =	vst.idx.msk $0xffff, v19  }
0x168: {  	v17 =	vand.u32 $0xF, v18;
	v19 =	vld.idx.msk [tilespmem:v21+s30+$0x0], $0xffff  }
0x169: {  	v18 =	vor.u32 v1, v17  }
0x16a: {  	v21 =	vor.u32 v3, v20;
	_ =	sdelay $0x3  }
0x16b: {  	[tilespmem:v18+s10+$0x0] =	vst.idx.msk $0xffff, v19  }
0x16c: {  	v18 =	vld.idx.msk [tilespmem:v21+s30+$0x0], $0xffff  }
0x16d: {  	v19 =	vor.u32 v4, v17  }
0x16e: {  	v21 =	vor.u32 v5, v20;
	_ =	sdelay $0x3  }
0x16f: {  	[tilespmem:v19+s10+$0x0] =	vst.idx.msk $0xffff, v18  }
0x170: {  	v18 =	vld.idx.msk [tilespmem:v21+s30+$0x0], $0xffff  }
0x171: {  	v19 =	vor.u32 v6, v17  }
0x172: {  	v21 =	vor.u32 v7, v20;
	_ =	sdelay $0x3  }
0x173: {  	[tilespmem:v19+s10+$0x0] =	vst.idx.msk $0xffff, v18  }
0x174: {  	v18 =	vld.idx.msk [tilespmem:v21+s30+$0x0], $0xffff  }
0x175: {  	v19 =	vor.u32 v8, v17  }
0x176: {  	v21 =	vor.u32 v9, v20;
	_ =	sdelay $0x3  }
0x177: {  	[tilespmem:v19+s10+$0x0] =	vst.idx.msk $0xffff, v18  }
0x178: {  	v18 =	vld.idx.msk [tilespmem:v21+s30+$0x0], $0xffff  }
0x179: {  	v19 =	vor.u32 v10, v17  }
0x17a: {  	v21 =	vor.u32 v11, v20;
	_ =	sdelay $0x3  }
0x17b: {  	[tilespmem:v19+s10+$0x0] =	vst.idx.msk $0xffff, v18  }
0x17c: {  	v18 =	vld.idx.msk [tilespmem:v21+s30+$0x0], $0xffff  }
0x17d: {  	v19 =	vor.u32 v12, v17  }
0x17e: {  	v21 =	vor.u32 v13, v20;
	_ =	sdelay $0x3  }
0x17f: {  	[tilespmem:v19+s10+$0x0] =	vst.idx.msk $0xffff, v18  }
0x180: {  	v21 =	vld.idx.msk [tilespmem:v21+s30+$0x0], $0xffff  }
0x181: {  	v22 =	vor.u32 v14, v17  }
.Ltmp8:
0x182: {  	v19 =	vor.u32 v15, v20;
	(pc) =	sbr.rel @p2 .LBB2_10-.Ltmp8, $2  }
0x183: {  	_ =	sdelay $0x2  }
0x184: {  	v18 =	vadd.s32 s16, v0;
	s16 =	sadd.s32 $0x1, s16;
	[tilespmem:v22+s10+$0x0] =	vst.idx.msk $0xffff, v21  }
0x185: {  	_ =	sdelay $0x2  }
0x186: {  	v20 =	vshll.u32 v18, $0x7  }
0x187: {  	v19 =	vld.idx.msk [tilespmem:v19+s30+$0x0], $0xffff;
	v17 =	vor.u32 v16, v17;
	v20 =	vand.u32 $0x780, v20  }
0x188: {  	v21 =	vor.u32 v0, v20;
	_ =	sdelay $0x3  }
0x189: {  	[tilespmem:v17+s10+$0x0] =	vst.idx.msk $0xffff, v19;
	v17 =	vand.u32 $0xF, v18  }
0x18a: {  	v19 =	vor.u32 v1, v17;
	v18 =	vld.idx.msk [tilespmem:v21+s30+$0x0], $0xffff  }
0x18b: {  	v58 =	vor.u32 v3, v20;
	_ =	sdelay $0x3  }
0x18c: {  	[tilespmem:v19+s10+$0x0] =	vst.idx.msk $0xffff, v18  }
0x18d: {  	v19 =	vor.u32 v4, v17;
	v18 =	vld.idx.msk [tilespmem:v58+s30+$0x0], $0xffff  }
0x18e: {  	v59 =	vor.u32 v5, v20;
	_ =	sdelay $0x3  }
0x18f: {  	[tilespmem:v19+s10+$0x0] =	vst.idx.msk $0xffff, v18  }
0x190: {  	v19 =	vor.u32 v6, v17;
	v18 =	vld.idx.msk [tilespmem:v59+s30+$0x0], $0xffff  }
0x191: {  	v60 =	vor.u32 v7, v20;
	_ =	sdelay $0x3  }
0x192: {  	[tilespmem:v19+s10+$0x0] =	vst.idx.msk $0xffff, v18  }
0x193: {  	v19 =	vor.u32 v8, v17;
	v18 =	vld.idx.msk [tilespmem:v60+s30+$0x0], $0xffff  }
0x194: {  	v61 =	vor.u32 v9, v20;
	_ =	sdelay $0x3  }
0x195: {  	[tilespmem:v19+s10+$0x0] =	vst.idx.msk $0xffff, v18  }
0x196: {  	v19 =	vor.u32 v10, v17;
	v18 =	vld.idx.msk [tilespmem:v61+s30+$0x0], $0xffff  }
0x197: {  	v62 =	vor.u32 v11, v20;
	_ =	sdelay $0x3  }
0x198: {  	[tilespmem:v19+s10+$0x0] =	vst.idx.msk $0xffff, v18  }
0x199: {  	v19 =	vor.u32 v12, v17;
	v18 =	vld.idx.msk [tilespmem:v62+s30+$0x0], $0xffff  }
0x19a: {  	v63 =	vor.u32 v13, v20;
	_ =	sdelay $0x3  }
0x19b: {  	[tilespmem:v19+s10+$0x0] =	vst.idx.msk $0xffff, v18  }
0x19c: {  	v19 =	vor.u32 v14, v17;
	v18 =	vld.idx.msk [tilespmem:v63+s30+$0x0], $0xffff  }
0x19d: {  	v20 =	vor.u32 v15, v20;
	_ =	sdelay $0x3  }
0x19e: {  	[tilespmem:v19+s10+$0x0] =	vst.idx.msk $0xffff, v18  }
0x19f: {  	v17 =	vor.u32 v16, v17;
	v18 =	vld.idx.msk [tilespmem:v20+s30+$0x0], $0xffff;
	_ =	sdelay $0x1  }
0x1a0: {  	s15 =	sadd.s32 s7, s15  }
0x1a1: {  	s15 =	sshll.u32 s15, $0xA  }
0x1a2: {  	s15 =	sshra.s32 s15, $0x2  }
0x1a3: {  	s15 =	sor.u32 $0x80, s15;
	[tilespmem:v17+s10+$0x0] =	vst.idx.msk $0xffff, v18  }
0x1a4: {  	[spmem:s3] =	stream.indirect.scatter.add.f32 [tilespmem:s10], [sflag:$0x7], $0x10, s15, s29, $0xb8;
	[tilespmem:$0xBDE0] =	vst v63  }
.LBB2_12:
0x1a5: {  	s13 =	sadd.s32 $0x6, s13  }
0x1a6: {  	p2 =	sge.u32 s13, s5  }
0x1a7: {  	s13 =	sadd.s32 @!p2 s6, s13  }
.Ltmp9:
0x1a8: {  	s13 =	sshll.u32 @!p2 s13, $0x7;
	(pc) =	sbr.rel @p0 .LBB2_16-.Ltmp9, $4  }
0x1a9: {  	s16 =	simm.s32 @!p2 $0x0;
	s17 =	simm.s32 @!p2 $0x5F00;
	s15 =	sadd.s32 @!p2 s1, s13  }
0x1aa: {  	[tilespmem:s17], [sflag:$0x3] =	stream.linear.gather @!p2 [hbm4b:s15+s16], $0x400, $0x38;
	[tilespmem:$0xBDE0] =	vst v63  }
0x1ab: {  	s13 =	sadd.s32 @!p2 s13, s20;
	s15 =	simm.s32 @!p2 $0x6300  }
0x1ac: {  	[tilespmem:s15], [sflag:$0x3] =	stream.linear.gather @!p2 [hbm4b:s13+s16], $0x400, $0x38;
	[tilespmem:$0xBDE0] =	vst v63  }
0x1ad: {  	_ =	swait.ge [sflag:s11], $0x400;
	s13 =	simm.s32 $0x0  }
0x1ae: {  	[sflag:s11] =	ssyncset.done $0x0;
	v17 =	vadd.s32 s13, v0  }
0x1af: {  	[sflag:s11] =	ssyncadd.s32 $0xFFFFFC00;
	v18 =	vshll.u32 v17, $0x7  }
0x1b0: {  	_ =	swait.ge [sflag:s11], $0x400;
	v18 =	vand.u32 $0x780, v18  }
0x1b1: {  	[sflag:s11] =	ssyncset.done $0x0;
	v19 =	vor.u32 v0, v18  }
0x1b2: {  	s13 =	simm.s32 @!p1 $0x8;
	[sflag:s11] =	ssyncadd.s32 $0xFFFFFC00  }
0x1b3: {  	_ =	swait.ge @!p1 [sflag:s13], $0x800  }
0x1b4: {  	[sflag:s13] =	ssyncset.done @!p1 $0x0  }
0x1b5: {  	v17 =	vand.u32 $0xF, v17;
	[sflag:s13] =	ssyncadd.s32 @!p1 $0xFFFFF800  }
0x1b6: {  	v20 =	vor.u32 v1, v17;
	v19 =	vld.idx.msk [tilespmem:v19+s12+$0x0], $0xffff  }
0x1b7: {  	v21 =	vor.u32 v3, v18;
	_ =	sdelay $0x3  }
0x1b8: {  	[tilespmem:v20+s14+$0x0] =	vst.idx.msk $0xffff, v19  }
0x1b9: {  	v20 =	vor.u32 v4, v17;
	v19 =	vld.idx.msk [tilespmem:v21+s12+$0x0], $0xffff  }
0x1ba: {  	v58 =	vor.u32 v5, v18;
	_ =	sdelay $0x3  }
0x1bb: {  	[tilespmem:v20+s14+$0x0] =	vst.idx.msk $0xffff, v19  }
0x1bc: {  	v20 =	vor.u32 v6, v17;
	v19 =	vld.idx.msk [tilespmem:v58+s12+$0x0], $0xffff  }
0x1bd: {  	v59 =	vor.u32 v7, v18;
	_ =	sdelay $0x3  }
0x1be: {  	[tilespmem:v20+s14+$0x0] =	vst.idx.msk $0xffff, v19  }
0x1bf: {  	v20 =	vor.u32 v8, v17;
	v19 =	vld.idx.msk [tilespmem:v59+s12+$0x0], $0xffff  }
0x1c0: {  	v60 =	vor.u32 v9, v18;
	_ =	sdelay $0x3  }
0x1c1: {  	[tilespmem:v20+s14+$0x0] =	vst.idx.msk $0xffff, v19  }
0x1c2: {  	v20 =	vor.u32 v10, v17;
	v19 =	vld.idx.msk [tilespmem:v60+s12+$0x0], $0xffff  }
0x1c3: {  	v61 =	vor.u32 v11, v18;
	_ =	sdelay $0x3  }
0x1c4: {  	[tilespmem:v20+s14+$0x0] =	vst.idx.msk $0xffff, v19  }
0x1c5: {  	v20 =	vor.u32 v12, v17;
	v19 =	vld.idx.msk [tilespmem:v61+s12+$0x0], $0xffff  }
0x1c6: {  	v62 =	vor.u32 v13, v18;
	_ =	sdelay $0x3  }
0x1c7: {  	[tilespmem:v20+s14+$0x0] =	vst.idx.msk $0xffff, v19  }
0x1c8: {  	v63 =	vor.u32 v14, v17;
	v20 =	vld.idx.msk [tilespmem:v62+s12+$0x0], $0xffff  }
0x1c9: {  	v19 =	vor.u32 v15, v18;
	_ =	sdelay $0x2  }
0x1ca: {  	s18 =	simm.s32 $0x1  }
0x1cb: {  	s13 =	simm.s32 $0x2;
	v18 =	vadd.s32 s18, v0;
	[tilespmem:v63+s14+$0x0] =	vst.idx.msk $0xffff, v20  }
.LBB2_14:
0x1cc: {  	p0 =	sne.s32 s13, $0xF;
	v20 =	vshll.u32 v18, $0x7;
	v19 =	vld.idx.msk [tilespmem:v19+s12+$0x0], $0xffff  }
0x1cd: {  	v17 =	vor.u32 v16, v17;
	v20 =	vand.u32 $0x780, v20  }
0x1ce: {  	v21 =	vor.u32 v0, v20;
	_ =	sdelay $0x3  }
0x1cf: {  	[tilespmem:v17+s14+$0x0] =	vst.idx.msk $0xffff, v19  }
0x1d0: {  	v17 =	vand.u32 $0xF, v18;
	v19 =	vld.idx.msk [tilespmem:v21+s12+$0x0], $0xffff  }
0x1d1: {  	v18 =	vor.u32 v1, v17  }
0x1d2: {  	v21 =	vor.u32 v3, v20;
	_ =	sdelay $0x3  }
0x1d3: {  	[tilespmem:v18+s14+$0x0] =	vst.idx.msk $0xffff, v19  }
0x1d4: {  	v18 =	vld.idx.msk [tilespmem:v21+s12+$0x0], $0xffff  }
0x1d5: {  	v19 =	vor.u32 v4, v17  }
0x1d6: {  	v21 =	vor.u32 v5, v20;
	_ =	sdelay $0x3  }
0x1d7: {  	[tilespmem:v19+s14+$0x0] =	vst.idx.msk $0xffff, v18  }
0x1d8: {  	v18 =	vld.idx.msk [tilespmem:v21+s12+$0x0], $0xffff  }
0x1d9: {  	v19 =	vor.u32 v6, v17  }
0x1da: {  	v21 =	vor.u32 v7, v20;
	_ =	sdelay $0x3  }
0x1db: {  	[tilespmem:v19+s14+$0x0] =	vst.idx.msk $0xffff, v18  }
0x1dc: {  	v18 =	vld.idx.msk [tilespmem:v21+s12+$0x0], $0xffff  }
0x1dd: {  	v19 =	vor.u32 v8, v17  }
0x1de: {  	v21 =	vor.u32 v9, v20;
	_ =	sdelay $0x3  }
0x1df: {  	[tilespmem:v19+s14+$0x0] =	vst.idx.msk $0xffff, v18  }
0x1e0: {  	v18 =	vld.idx.msk [tilespmem:v21+s12+$0x0], $0xffff  }
0x1e1: {  	v19 =	vor.u32 v10, v17  }
0x1e2: {  	v21 =	vor.u32 v11, v20;
	_ =	sdelay $0x3  }
0x1e3: {  	[tilespmem:v19+s14+$0x0] =	vst.idx.msk $0xffff, v18  }
0x1e4: {  	v18 =	vld.idx.msk [tilespmem:v21+s12+$0x0], $0xffff  }
0x1e5: {  	v19 =	vor.u32 v12, v17  }
0x1e6: {  	v21 =	vor.u32 v13, v20;
	_ =	sdelay $0x3  }
0x1e7: {  	[tilespmem:v19+s14+$0x0] =	vst.idx.msk $0xffff, v18  }
0x1e8: {  	v21 =	vld.idx.msk [tilespmem:v21+s12+$0x0], $0xffff  }
0x1e9: {  	v22 =	vor.u32 v14, v17  }
.Ltmp10:
0x1ea: {  	v19 =	vor.u32 v15, v20;
	(pc) =	sbr.rel @p0 .LBB2_14-.Ltmp10, $2  }
0x1eb: {  	_ =	sdelay $0x2  }
0x1ec: {  	v18 =	vadd.s32 s13, v0;
	s13 =	sadd.s32 $0x1, s13;
	[tilespmem:v22+s14+$0x0] =	vst.idx.msk $0xffff, v21  }
0x1ed: {  	_ =	sdelay $0x2  }
0x1ee: {  	v20 =	vshll.u32 v18, $0x7  }
0x1ef: {  	v19 =	vld.idx.msk [tilespmem:v19+s12+$0x0], $0xffff;
	v17 =	vor.u32 v16, v17;
	v20 =	vand.u32 $0x780, v20  }
0x1f0: {  	v21 =	vor.u32 v0, v20;
	_ =	sdelay $0x3  }
0x1f1: {  	[tilespmem:v17+s14+$0x0] =	vst.idx.msk $0xffff, v19;
	v17 =	vand.u32 $0xF, v18  }
0x1f2: {  	v19 =	vor.u32 v1, v17;
	v18 =	vld.idx.msk [tilespmem:v21+s12+$0x0], $0xffff  }
0x1f3: {  	v58 =	vor.u32 v3, v20;
	_ =	sdelay $0x3  }
0x1f4: {  	[tilespmem:v19+s14+$0x0] =	vst.idx.msk $0xffff, v18  }
0x1f5: {  	v19 =	vor.u32 v4, v17;
	v18 =	vld.idx.msk [tilespmem:v58+s12+$0x0], $0xffff  }
0x1f6: {  	v59 =	vor.u32 v5, v20;
	_ =	sdelay $0x3  }
0x1f7: {  	[tilespmem:v19+s14+$0x0] =	vst.idx.msk $0xffff, v18  }
0x1f8: {  	v19 =	vor.u32 v6, v17;
	v18 =	vld.idx.msk [tilespmem:v59+s12+$0x0], $0xffff  }
0x1f9: {  	v60 =	vor.u32 v7, v20;
	_ =	sdelay $0x3  }
0x1fa: {  	[tilespmem:v19+s14+$0x0] =	vst.idx.msk $0xffff, v18  }
0x1fb: {  	v19 =	vor.u32 v8, v17;
	v18 =	vld.idx.msk [tilespmem:v60+s12+$0x0], $0xffff  }
0x1fc: {  	v61 =	vor.u32 v9, v20;
	_ =	sdelay $0x3  }
0x1fd: {  	[tilespmem:v19+s14+$0x0] =	vst.idx.msk $0xffff, v18  }
0x1fe: {  	v19 =	vor.u32 v10, v17;
	v18 =	vld.idx.msk [tilespmem:v61+s12+$0x0], $0xffff  }
0x1ff: {  	v62 =	vor.u32 v11, v20;
	_ =	sdelay $0x3  }
0x200: {  	[tilespmem:v19+s14+$0x0] =	vst.idx.msk $0xffff, v18  }
0x201: {  	v19 =	vor.u32 v12, v17;
	v18 =	vld.idx.msk [tilespmem:v62+s12+$0x0], $0xffff  }
0x202: {  	v63 =	vor.u32 v13, v20;
	_ =	sdelay $0x3  }
0x203: {  	[tilespmem:v19+s14+$0x0] =	vst.idx.msk $0xffff, v18  }
0x204: {  	v19 =	vor.u32 v14, v17;
	v18 =	vld.idx.msk [tilespmem:v63+s12+$0x0], $0xffff  }
0x205: {  	v20 =	vor.u32 v15, v20;
	_ =	sdelay $0x3  }
0x206: {  	[tilespmem:v19+s14+$0x0] =	vst.idx.msk $0xffff, v18  }
0x207: {  	v17 =	vor.u32 v16, v17;
	v18 =	vld.idx.msk [tilespmem:v20+s12+$0x0], $0xffff;
	_ =	sdelay $0x1  }
.Ltmp11:
0x208: {  	s13 =	sadd.s32 s7, s22;
	(pc) =	sbr.rel .LBB2_16-.Ltmp11, $4  }
0x209: {  	s13 =	sshll.u32 s13, $0xA  }
0x20a: {  	s13 =	sshra.s32 s13, $0x2  }
0x20b: {  	s13 =	sor.u32 $0x80, s13;
	[tilespmem:v17+s14+$0x0] =	vst.idx.msk $0xffff, v18  }
0x20c: {  	[spmem:s3] =	stream.indirect.scatter.add.f32 [tilespmem:s14], [sflag:$0x8], $0x10, s13, s29, $0xb8;
	[tilespmem:$0xBDE0] =	vst v63  }
.LBB2_18:
0x20d: {  	_ =	sfence.sel $0x180000  }
0x20e: {  	[bflag:$0x0] =	sbarrier.arrive $0xFFFF  }
0x20f: {  	_ =	strace $0x9000004A  }
0x210: {  	s0 =	stileid.u32;
	[bflag:$0x2] =	sbarrier.arrive $0xFFFF  }
0x211: {  	p0 =	sne.s32 s0, $0x0;
	s0 =	rddreg [dreg:$0x4]  }
0x212: {  	s0 =	sadd.s32 @!p0 $0x100000, s0  }
0x213: {  	[sflag:s0] =	ssyncadd.tile.s32 @!p0 $0x1;
	_ =	shalt  }
.Lfunc_end2:
_tile_overlayer_lowered:
.L_overlay_start_2:
0x214: {  	(tag) =	ssettag $0x2  }
0x215: {  	s0 =	rddreg [dreg:$0x0];
	s2 =	stileid.u32  }
0x216: {  	s1 =	rddreg [dreg:$0x1];
	p0 =	sne.s32 s2, $0x0  }
0x217: {  	s3 =	rddreg [dreg:$0x2];
	[bflag:$0x3] =	sbarrier.arrive $0xFFFF;
	s2 =	simm.s32 @!p0 $0x1C09  }
0x218: {  	[timem:s3], [sflag:s2] =	dma.local @!p0 [hbm:s0], s1  }
0x219: {  	s0 =	simm.s32 @!p0 $0x9  }
0x21a: {  	_ =	swait.ge @!p0 [sflag:s0], s1  }
0x21b: {  	s1 =	ssub.s32 @!p0 $0x0, s1;
	[sflag:s0] =	ssyncset.done @!p0 $0x0  }
0x21c: {  	[sflag:s0] =	ssyncadd.s32 @!p0 s1  }
0x21d: {  	[bflag:$0x3] =	sbarrier.arrive $0xFFFF  }
0x21e: {  	_ =	shalt  }

// kernel: kernel.7.cloned.1.call-start
scs
__scs_entry_jumppad:
0x0: {  	(pc) =	sbr.rel $0x88, $3  }
0x1: {  	(tag) =	ssettag $0x0;
	lr =	simm.s32 $0x1  }
0x2: {  	[smem:$0x3F8E] =	sst lr;
	_ =	strace $0xD0000000  }
0x3: {  	_ = 	snop  }
0x4: {  	_ = 	snop  }
0x5: {  	_ = 	snop  }
0x6: {  	_ = 	snop  }
0x7: {  	_ = 	snop  }
__scs_overlays_trampoline_lowered:
0x8: {  	[smem:$0x3F9D] =	sst s0  }
0x9: {  	[smem:$0x3F9E] =	sst s1  }
0xa: {  	[smem:$0x3F9F] =	sst s2  }
0xb: {  	[smem:$0x3FA0] =	sst s3  }
0xc: {  	[smem:$0x3FA1] =	sst s4  }
0xd: {  	[smem:$0x3FA2] =	sst s5  }
0xe: {  	[smem:$0x3FA3] =	sst s6  }
0xf: {  	[smem:$0x3FA4] =	sst s7  }
0x10: {  	[smem:$0x3FA5] =	sst s8  }
0x11: {  	[smem:$0x3FA6] =	sst s9;
	s0 =	simm.s32 @!p0 $0x0  }
0x12: {  	s1 =	sld [smem:$0x3F8C];
	s0 =	simm.s32 @p0 $0x1  }
0x13: {  	[smem:$0x3FA7] =	sst s0;
	s0 =	simm.s32 @!p1 $0x0  }
0x14: {  	s2 =	sld [smem:$0x3F8B];
	s0 =	simm.s32 @p1 $0x1  }
0x15: {  	[smem:$0x3FA8] =	sst s0;
	s0 =	simm.s32 @!p2 $0x0  }
0x16: {  	s3 =	sld [smem:$0x3FDB];
	s0 =	simm.s32 @p2 $0x1  }
0x17: {  	s4 =	simm.s32 $0x1BF5;
	[smem:$0x3FAA] =	sst s0  }
0x18: {  	s0 =	sld [smem:$0x3F8D];
	_ =	swait.ge [sflag:s4], $0x0  }
0x19: {  	s7 =	sld [smem:$0x3F8E]  }
0x1a: {  	s8 =	sadd.s32 $0xFFFFE003, lr  }
0x1b: {  	s9 =	sadd.s32 $0xFFFFFEF7, lr;
	s5 =	simm.s32 $0xFFFFFFFF;
	p2 =	slt.u32 s8, $0xFFFFF086  }
0x1c: {  	p1 =	slt.u32 s9, $0xF7A;
	s5 =	simm.s32 @!p2 $0x0  }
0x1d: {  	s5 =	simm.s32 @p1 $0x1;
	p0 =	seq.s32 s7, s2  }
0x1e: {  	s7 =	smul.u32 @!p0 $0xF7A, s2;
	p2 =	seq.s32 @!p0 s5, $0x0  }
0x1f: {  	s9 =	smul.u32 $0xF7A, s1;
	s8 =	simm.s32 @!p0 $0x1BF5;
	p2 =	por !p2, p0  }
0x20: {  	[sflag:s8] =	ssyncset.s32 @!p0 $0xFFFFF086;
	s6 =	sadd.s32 @!p0 s3, s7;
	s7 =	simm.s32 @!p0 $0x108  }
0x21: {  	s3 =	sadd.s32 s3, s9;
	s6 =	sadd.s32 @!p0 $0x88, s6;
	s7 =	simm.s32 @p2 $0x1082  }
0x22: {  	[simem:s7], [sflag:s8] =	dma.local @!p0 [hbm:s6], $0xF7A  }
0x23: {  	s9 =	sor.u32 $0xD0000000, s2;
	s6 =	simm.s32 $0x108;
	_ =	swait.ge @!p0 [sflag:s8], $0x0  }
0x24: {  	s3 =	sadd.s32 $0x88, s3;
	s6 =	simm.s32 @!p1 $0x1082;
	[sflag:s4] =	ssyncset.s32 $0xFFFFF086  }
0x25: {  	[simem:s6], [sflag:s4] =	dma.local [hbm:s3], $0xF7A  }
0x26: {  	[smem:$0x3F8E] =	sst s1;
	(tag) =	ssettag s2;
	_ =	strace s9  }
0x27: {  	s1 =	sld [smem:$0x3F9E]  }
0x28: {  	s2 =	sld [smem:$0x3F9F]  }
0x29: {  	s4 =	sld [smem:$0x3FA1]  }
0x2a: {  	p0 =	seq.s32 s5, $0x0;
	s5 =	sld [smem:$0x3FA2]  }
0x2b: {  	s6 =	sld [smem:$0x3FA3]  }
0x2c: {  	s7 =	sld [smem:$0x3FA4]  }
0x2d: {  	s3 =	simm.s32 $0x108;
	s8 =	sld [smem:$0x3FA5]  }
0x2e: {  	s3 =	simm.s32 @!p0 $0x1082;
	s9 =	sld [smem:$0x3FA6]  }
0x2f: {  	lr =	sadd.s32 s0, s3;
	s0 =	sld [smem:$0x3F9D]  }
0x30: {  	s3 =	sld [smem:$0x3FA0]  }
0x31: {  	[smem:$0x3FA9] =	sst s10  }
0x32: {  	s10 =	sld [smem:$0x3FA7];
	_ =	sdelay $0x3  }
0x33: {  	p0 =	seq.s32 s10, $0x1;
	s10 =	sld [smem:$0x3FA9];
	_ =	sdelay $0x3  }
0x34: {  	[smem:$0x3FA9] =	sst s10  }
0x35: {  	s10 =	sld [smem:$0x3FA8];
	_ =	sdelay $0x3  }
0x36: {  	p1 =	seq.s32 s10, $0x1;
	s10 =	sld [smem:$0x3FA9];
	_ =	sdelay $0x3  }
0x37: {  	[smem:$0x3FA9] =	sst s10  }
0x38: {  	s10 =	sld [smem:$0x3FAA]  }
0x39: {  	_ = 	snop;
	(pc) =	sbr.ind lr, $3  }
0x3a: {  	_ = 	snop  }
0x3b: {  	_ = 	snop  }
0x3c: {  	p2 =	seq.s32 s10, $0x1;
	s10 =	sld [smem:$0x3FA9]  }
0x3d: {  	_ =	shalt  }
0x3e: {  	_ =	shalt  }
0x3f: {  	_ =	shalt  }
0x40: {  	_ =	shalt  }
0x41: {  	_ =	shalt  }
0x42: {  	_ =	shalt  }
0x43: {  	_ =	shalt  }
0x44: {  	_ =	shalt  }
0x45: {  	_ =	shalt  }
0x46: {  	_ =	shalt  }
0x47: {  	_ =	shalt  }
0x48: {  	_ =	shalt  }
0x49: {  	_ =	shalt  }
0x4a: {  	_ =	shalt  }
0x4b: {  	_ =	shalt  }
0x4c: {  	_ =	shalt  }
0x4d: {  	_ =	shalt  }
0x4e: {  	_ =	shalt  }
0x4f: {  	_ =	shalt  }
0x50: {  	_ =	shalt  }
0x51: {  	_ =	shalt  }
0x52: {  	_ =	shalt  }
0x53: {  	_ =	shalt  }
0x54: {  	_ =	shalt  }
0x55: {  	_ =	shalt  }
0x56: {  	_ =	shalt  }
0x57: {  	_ =	shalt  }
0x58: {  	_ =	shalt  }
0x59: {  	_ =	shalt  }
0x5a: {  	_ =	shalt  }
0x5b: {  	_ =	shalt  }
0x5c: {  	_ =	shalt  }
0x5d: {  	_ =	shalt  }
0x5e: {  	_ =	shalt  }
0x5f: {  	_ =	shalt  }
0x60: {  	_ =	shalt  }
0x61: {  	_ =	shalt  }
0x62: {  	_ =	shalt  }
0x63: {  	_ =	shalt  }
0x64: {  	_ =	shalt  }
0x65: {  	_ =	shalt  }
0x66: {  	_ =	shalt  }
0x67: {  	_ =	shalt  }
0x68: {  	_ =	shalt  }
0x69: {  	_ =	shalt  }
0x6a: {  	_ =	shalt  }
0x6b: {  	_ =	shalt  }
0x6c: {  	_ =	shalt  }
0x6d: {  	_ =	shalt  }
0x6e: {  	_ =	shalt  }
0x6f: {  	_ =	shalt  }
0x70: {  	_ =	shalt  }
0x71: {  	_ =	shalt  }
0x72: {  	_ =	shalt  }
0x73: {  	_ =	shalt  }
0x74: {  	_ =	shalt  }
0x75: {  	_ =	shalt  }
0x76: {  	_ =	shalt  }
0x77: {  	_ =	shalt  }
0x78: {  	_ =	shalt  }
0x79: {  	_ =	shalt  }
0x7a: {  	_ =	shalt  }
0x7b: {  	_ =	shalt  }
0x7c: {  	_ =	shalt  }
0x7d: {  	_ =	shalt  }
0x7e: {  	_ =	shalt  }
0x7f: {  	_ =	shalt  }
0x80: {  	_ =	shalt  }
0x81: {  	_ =	shalt  }
0x82: {  	_ =	shalt  }
0x83: {  	_ =	shalt  }
0x84: {  	_ =	shalt  }
0x85: {  	_ =	shalt  }
0x86: {  	_ =	shalt  }
0x87: {  	_ =	shalt  }
.Lfunc_end0:
.L_simem_size_0:
called_computation_lowered:
.L_overlay_start_0:
0x88: {  	s2 =	sld [smem:$0x3FD9]  }
0x89: {  	s3 =	sld [smem:$0x3FFE];
	_ =	sdelay $0x1  }
0x8a: {  	s1 =	srdreg.scid  }
0x8b: {  	s0 =	sand.u32 $0x1, s1  }
0x8c: {  	s14 =	sshll.u32 s0, $0xA;
	s2 =	sadd.s32 s3, s2  }
0x8d: {  	s2 =	sadd.s32 s2, s14  }
0x8e: {  	[smem:$0x3FB5] =	sst s2  }
0x8f: {  	_ = 	snop  }
0x90: {  	s2 =	sld [smem:$0x3FD0];
	_ =	sdelay $0x2  }
0x91: {  	s4 =	simm.s32 $0xA;
	s5 =	simm.s32 $0x10;
	s15 =	sld [smem:$0x3FC8]  }
0x92: {  	[smem:s5], [sflag:s4] =	dma.local [hbm:s2], $0x1  }
0x93: {  	_ =	swait.eq [sflag:s4], $0x1  }
0x94: {  	[sflag:s4] =	ssyncset.done $0x0  }
0x95: {  	s16 =	sld [smem:$0x10];
	[sflag:s4] =	ssyncadd.s32 $0xFFFFFFFF  }
0x96: {  	s17 =	sld [smem:$0x11];
	(tm) =	ssettm $0x1  }
0x97: {  	s18 =	sld [smem:$0x3FFB];
	_ =	sdelay $0x3  }
0x98: {  	_ =	strace s18  }
0x99: {  	s5 =	sld [smem:$0x3FFC];
	_ =	sdelay $0x3  }
0x9a: {  	_ =	strace s5  }
0x9b: {  	s5 =	sld [smem:$0x3FFD];
	_ =	sdelay $0x3  }
0x9c: {  	_ =	strace s5  }
0x9d: {  	_ =	strace $0x8FFFFFFF  }
0x9e: {  	s19 =	sld [smem:$0x3FDB];
	_ =	sdelay $0x1  }
0x9f: {  	s6 =	simm.s32 $_scs_section_size  }
0xa0: {  	s7 =	simm.s32 $_size__tile_overlayer_lowered;
	s8 =	simm.s32 $_tile_overlayer_lowered  }
0xa1: {  	s22 =	simm.s32 $0x1BFF;
	s21 =	sshll.u32 s8, $0x1;
	s5 =	sadd.s32 s6, s19  }
0xa2: {  	s9 =	simm.s32 $0x0;
	s20 =	sshll.u32 s7, $0x1;
	s7 =	sadd.s32 s21, s5  }
0xa3: {  	[timem:s9], [sflag:s22] =	dma.local [hbm:s7], s20  }
0xa4: {  	_ =	swait.ge [sflag:s22], s20  }
0xa5: {  	s6 =	ssub.s32 $0x0, s20;
	[sflag:s22] =	ssyncset.done $0x0  }
0xa6: {  	[sflag:s22] =	ssyncadd.s32 s6;
	_ =	sdelay $0x1  }
0xa7: {  	s23 =	simm.s32 $0x1B8B  }
0xa8: {  	_ =	swait.ge [sflag:s23], $0x1  }
0xa9: {  	[sflag:s23] =	ssyncset.done $0x0  }
0xaa: {  	s25 =	simm.s32 $0x1B8E;
	s24 =	sld [smem:$0x3FFE];
	[sflag:s23] =	ssyncadd.s32 $0xFFFFFFFF  }
0xab: {  	s26 =	simm.s32 $execute0_lowered;
	[smem:$0x3FD2] =	sst s25  }
0xac: {  	s7 =	sshll.u32 s26, $0x1;
	_ =	strace $0x80000046;
	[dreg:$0x1] =	wrdreg $0xFFFFFFFF  }
0xad: {  	s28 =	simm.s32 $_size_execute0_lowered;
	s5 =	sadd.s32 s5, s7;
	[dreg:$0x0] =	wrdreg $0x0  }
0xae: {  	s7 =	sshll.u32 s28, $0x1;
	[dreg:$0x2] =	wrdreg s5  }
0xaf: {  	[dreg:$0x3] =	wrdreg s7  }
0xb0: {  	[dreg:$0x4] =	wrdreg $0xC0  }
0xb1: {  	_ =	task [dreg:s9], $0x5FFFF  }
0xb2: {  	[dreg:$0x1] =	wrdreg $0xFFFFFFFF  }
0xb3: {  	[dreg:$0x0] =	wrdreg $0x60  }
0xb4: {  	[dreg:$0x2] =	wrdreg s16  }
0xb5: {  	[dreg:$0x3] =	wrdreg s24  }
0xb6: {  	[dreg:$0x4] =	wrdreg s15  }
0xb7: {  	[dreg:$0x5] =	wrdreg s17  }
0xb8: {  	[dreg:$0x6] =	wrdreg $0x9  }
0xb9: {  	_ =	task.clear_ibuf [dreg:s9], $0x7FFFF;
	_ =	strace $0x90000046  }
0xba: {  	s29 =	simm.s32 $0x9;
	_ =	strace $0x80000048  }
0xbb: {  	_ =	swait.ge [sflag:s29], $0x1  }
0xbc: {  	[sflag:s29] =	ssyncadd.s32 $0xFFFFFFFF  }
0xbd: {  	_ =	strace $0x90000048  }
0xbe: {  	_ =	sfence  }
0xbf: {  	s30 =	sld [smem:$0x0];
	_ =	sdelay $0x2  }
0xc0: {  	s31 =	sshll.u32 s1, $0xD;
	s1 =	sshrl.u32 s1, $0x2  }
0xc1: {  	s3 =	sand.u32 $0x4000, s31;
	s1 =	sadd.s32 s1, s30  }
0xc2: {  	s0 =	sor.u32 s3, s0;
	s1 =	sshll.u32 s1, $0x11  }
0xc3: {  	s0 =	sor.u32 s1, s0  }
0xc4: {  	s0 =	sadd.s32 $0x8F2B, s0  }
0xc5: {  	[sflag:s0] =	ssyncadd.remote.s32 $0x1  }
0xc6: {  	_ =	sfence.sel $0xFFFF  }
0xc7: {  	[dreg:$0x0] =	wrdreg $0xFFFFFFFF;
	(pc) =	sbr.abs _section_cstart, $3  }
0xc8: {  	[dreg:$0x1] =	wrdreg $0xFFFFFFFF  }
0xc9: {  	_ =	task.clear_ibuf [dreg:s9], $0x2FFFF;
	_ =	strace $0x9FFFFFFF  }
0xca: {  	(tm) =	ssettm $0x7FFFFFFF  }
0xcb: {  	_ =	shalt  }
tec
execute0_lowered:
.L_overlay_start_1:
0x0: {  	(tag) =	ssettag $0x1  }
0x1: {  	s1 =	rddreg [dreg:$0x0];
	s0 =	srdreg.scid  }
0x2: {  	s8 =	stileid.u32;
	s2 =	rddreg [dreg:$0x1]  }
0x3: {  	s9 =	rddreg [dreg:$0x2];
	s4 =	simm.s32 $0x0;
	s20 =	simm.s32 $0x4F00  }
0x4: {  	s21 =	simm.s32 $0x6F00;
	s22 =	simm.s32 $0x5700;
	s28 =	simm.s32 $0x5  }
0x5: {  	s29 =	simm.s32 $0x8F00;
	s31 =	simm.s32 $0x2;
	s13 =	simm.s32 $0x9F00  }
0x6: {  	s18 =	simm.s32 $0x8700;
	s0 =	sand.u32 $0x1, s0;
	s3 =	sshll.u32 s8, $0x1  }
0x7: {  	s19 =	simm.s32 $0xA700;
	s12 =	simm.s32 $0x0;
	s5 =	sor.u32 s0, s3  }
0x8: {  	[smem:$0x7FF] =	sst s4;
	p0 =	slt.u32 s8, $0x2;
	s6 =	smul.u32 $0x4E, s5  }
0x9: {  	s8 =	simm.s32 $0x4F;
	s0 =	ssub.s32 $0x2, s0;
	s5 =	smin.u32 s5, $0x4  }
0xa: {  	s3 =	rddreg [dreg:$0x3];
	s7 =	sshrl.u32 s0, $0x1;
	s5 =	sadd.s32 s5, s6  }
0xb: {  	_ =	strace $0x80000047;
	s0 =	ssub.s32 s0, s7;
	s10 =	smin.u32 s5, $0x975  }
0xc: {  	s0 =	smax.u32 s0, $0x1;
	s7 =	ssub.s32 s5, s10;
	s10 =	sshll.u32 s10, $0x5  }
0xd: {  	[dreg:$0xc] =	wrdreg s0;
	s23 =	sshll.u32 s7, $0xA;
	s9 =	sadd.s32 s9, s10  }
0xe: {  	s6 =	sadd.s32 $0x3600, s2;
	s2 =	sshra.s32 s23, $0x2;
	[dreg:$0x6] =	wrdreg s9  }
0xf: {  	s8 =	simm.s32 @!p0 $0x4E;
	s24 =	sor.u32 $0x80, s2;
	[dreg:$0x5] =	wrdreg s2  }
0x10: {  	v0 =	vlaneseq.u32;
	s16 =	sadd.s32 $0x4E200, s3;
	s25 =	sadd.s32 $0x100, s2;
	[dreg:$0x7] =	wrdreg s24  }
.Ltmp0:
0x11: {  	v1 =	vmul.u32 $0x10, v0;
	v3 =	vor.u32 $0x10, v0;
	v5 =	vor.u32 $0x20, v0;
	s26 =	sadd.s32 $0x180, s2;
	[dreg:$0x8] =	wrdreg s25;
	(pc) =	sbr.rel .LBB2_1-.Ltmp0, $4  }
0x12: {  	v7 =	vor.u32 $0x30, v0;
	v9 =	vor.u32 $0x40, v0;
	v11 =	vor.u32 $0x50, v0;
	s0 =	simm.s32 $0x9700;
	s30 =	sadd.s32 $0x200, s2;
	[dreg:$0x9] =	wrdreg s26  }
0x13: {  	v13 =	vor.u32 $0x60, v0;
	v15 =	vor.u32 $0x70, v0;
	v2 =	vor.u32 $0x100, v1;
	s23 =	simm.s32 $0x7700;
	s2 =	sadd.s32 $0x280, s2;
	[dreg:$0xa] =	wrdreg s30  }
0x14: {  	v4 =	vor.u32 $0x200, v1;
	v6 =	vor.u32 $0x300, v1;
	v8 =	vor.u32 $0x400, v1;
	s9 =	simm.s32 $0x6700;
	[dreg:$0xb] =	wrdreg s2;
	s24 =	simm.s32 $0x5F00  }
0x15: {  	v10 =	vor.u32 $0x500, v1;
	v12 =	vor.u32 $0x600, v1;
	v14 =	vor.u32 $0x700, v1;
	s25 =	simm.s32 $0x7F00;
	s26 =	simm.s32 $0x1;
	s2 =	simm.s32 $0x6  }
.LBB2_15:
0x16: {  	s10 =	simm.s32 $0x9  }
0x17: {  	_ =	swait.ge [sflag:s10], $0x400  }
0x18: {  	[sflag:s10] =	ssyncset.done $0x0  }
0x19: {  	[sflag:s10] =	ssyncadd.s32 $0xFFFFFC00  }
0x1a: {  	_ =	swait.ge [sflag:s10], $0x400  }
0x1b: {  	[sflag:s10] =	ssyncset.done $0x0  }
0x1c: {  	s15 =	simm.s32 $0xA;
	[sflag:s10] =	ssyncadd.s32 $0xFFFFFC00  }
0x1d: {  	_ =	swait.ge [sflag:s15], $0x400  }
0x1e: {  	[sflag:s15] =	ssyncset.done $0x0  }
0x1f: {  	[sflag:s15] =	ssyncadd.s32 $0xFFFFFC00  }
0x20: {  	_ =	swait.ge [sflag:s15], $0x400  }
0x21: {  	[sflag:s15] =	ssyncset.done $0x0  }
0x22: {  	s17 =	simm.s32 $0xB;
	[sflag:s15] =	ssyncadd.s32 $0xFFFFFC00  }
0x23: {  	_ =	swait.ge [sflag:s17], $0x400  }
0x24: {  	[sflag:s17] =	ssyncset.done $0x0  }
0x25: {  	[sflag:s17] =	ssyncadd.s32 $0xFFFFFC00  }
0x26: {  	_ =	swait.ge [sflag:s17], $0x400  }
0x27: {  	[sflag:s17] =	ssyncset.done $0x0  }
0x28: {  	s11 =	simm.s32 $0xC;
	[sflag:s17] =	ssyncadd.s32 $0xFFFFFC00  }
0x29: {  	_ =	swait.ge [sflag:s11], $0x400  }
0x2a: {  	[sflag:s11] =	ssyncset.done $0x0  }
0x2b: {  	[sflag:s11] =	ssyncadd.s32 $0xFFFFFC00  }
0x2c: {  	_ =	swait.ge [sflag:s11], $0x400  }
0x2d: {  	s12 =	rddreg [dreg:$0xd]  }
0x2e: {  	s30 =	rddreg [dreg:$0xc];
	s12 =	sadd.s32 $0x1, s12  }
0x2f: {  	p0 =	sne.s32 s12, s30  }
.Ltmp1:
0x30: {  	_ = 	snop;
	(pc) =	sbr.rel @!p0 .LBB2_16-.Ltmp1, $3  }
0x31: {  	_ =	sdelay $0x1  }
0x32: {  	[sflag:s11] =	ssyncset.done $0x0  }
0x33: {  	[sflag:s11] =	ssyncadd.s32 $0xFFFFFC00  }
.LBB2_1:
0x34: {  	[dreg:$0xd] =	wrdreg s12  }
0x35: {  	s10 =	rddreg [dreg:$0x6];
	s17 =	simm.s32 $0xD  }
0x36: {  	[tilespmem:s4], [sflag:$0xD] =	stream.linear.gather [hbm4b:s10+s4], $0x4F00, $0x38;
	[tilespmem:$0xAF00] =	vst v63  }
0x37: {  	_ =	swait.ge [sflag:s17], $0x4F00  }
0x38: {  	[sflag:s17] =	ssyncset.done $0x0  }
0x39: {  	s11 =	simm.s32 $0x80;
	s30 =	rddreg [dreg:$0x5];
	[sflag:s17] =	ssyncadd.s32 $0xFFFFB100  }
0x3a: {  	[tilespmem:s20], [sflag:$0x1] =	stream.indirect.gather [hbm4b:s1+s11], $0x10, s30, s11, $0xb8;
	[tilespmem:$0xAF00] =	vst v63  }
0x3b: {  	s12 =	rddreg [dreg:$0x7]  }
0x3c: {  	[tilespmem:s21], [sflag:$0x5] =	stream.indirect.gather [hbm4b:s6+s11], $0x10, s12, s11, $0xb8;
	[tilespmem:$0xAF00] =	vst v63  }
0x3d: {  	s14 =	rddreg [dreg:$0x8]  }
0x3e: {  	[tilespmem:s22], [sflag:$0x2] =	stream.indirect.gather [hbm4b:s1+s11], $0x10, s14, s11, $0xb8;
	[tilespmem:$0xAF00] =	vst v63  }
0x3f: {  	s15 =	rddreg [dreg:$0x9]  }
0x40: {  	[tilespmem:s23], [sflag:$0x6] =	stream.indirect.gather [hbm4b:s6+s11], $0x10, s15, s11, $0xb8;
	[tilespmem:$0xAF00] =	vst v63  }
.Ltmp2:
0x41: {  	_ = 	snop;
	(pc) =	sbr.rel .LBB2_2-.Ltmp2, $4  }
0x42: {  	s17 =	rddreg [dreg:$0xa]  }
0x43: {  	[tilespmem:s24], [sflag:$0x3] =	stream.indirect.gather [hbm4b:s1+s11], $0x10, s17, s11, $0xb8;
	[tilespmem:$0xAF00] =	vst v63  }
0x44: {  	s30 =	rddreg [dreg:$0xb];
	s14 =	simm.s32 $0x0  }
0x45: {  	[tilespmem:s25], [sflag:$0x7] =	stream.indirect.gather [hbm4b:s6+s11], $0x10, s30, s11, $0xb8;
	[tilespmem:$0xAF00] =	vst v63  }
.LBB2_14:
0x46: {  	s14 =	sadd.s32 $0x1, s14  }
0x47: {  	p0 =	sne.s32 s14, $0x14  }
.Ltmp3:
0x48: {  	_ = 	snop;
	(pc) =	sbr.rel @!p0 .LBB2_15-.Ltmp3, $1  }
0x49: {  	_ =	sdelay $0x3  }
.LBB2_2:
0x4a: {  	s30 =	sshllo.u32 s14, $0x2  }
0x4b: {  	p1 =	sge.u32 s30, s8  }
0x4c: {  	s10 =	sadd.s32 @!p1 s7, s30  }
0x4d: {  	s10 =	sshll.u32 @!p1 s10, $0xA  }
0x4e: {  	s11 =	simm.s32 @!p1 $0x80;
	s12 =	simm.s32 @!p1 $0x6700;
	s10 =	sshra.s32 @!p1 s10, $0x2  }
0x4f: {  	[tilespmem:s12], [sflag:$0x4] =	stream.indirect.gather @!p1 [hbm4b:s1+s11], $0x10, s10, s11, $0xb8;
	[tilespmem:$0xAF00] =	vst v63  }
0x50: {  	s10 =	sor.u32 @!p1 $0x80, s10;
	s12 =	simm.s32 @!p1 $0x8700  }
0x51: {  	[tilespmem:s12], [sflag:$0x8] =	stream.indirect.gather @!p1 [hbm4b:s6+s11], $0x10, s10, s11, $0xb8;
	[tilespmem:$0xAF00] =	vst v63  }
0x52: {  	_ =	swait.ge [sflag:s26], $0x800  }
0x53: {  	[sflag:s26] =	ssyncset.done $0x0  }
0x54: {  	[sflag:s26] =	ssyncadd.s32 $0xFFFFF800  }
0x55: {  	_ =	swait.ge [sflag:s28], $0x800  }
0x56: {  	p0 =	seq.s32 s14, $0x0;
	s17 =	simm.s32 $0x0;
	[sflag:s28] =	ssyncset.done $0x0  }
0x57: {  	v16 =	vadd.s32 s17, v0;
	s11 =	simm.s32 @!p0 $0x9;
	[sflag:s28] =	ssyncadd.s32 $0xFFFFF800  }
0x58: {  	v17 =	vand.u32 $0xF, v16;
	_ =	swait.ge @!p0 [sflag:s11], $0x400  }
0x59: {  	v18 =	vor.u32 v1, v17;
	[sflag:s11] =	ssyncset.done @!p0 $0x0  }
0x5a: {  	[sflag:s11] =	ssyncadd.s32 @!p0 $0xFFFFFC00  }
0x5b: {  	_ =	swait.ge @!p0 [sflag:s11], $0x400  }
0x5c: {  	[sflag:s11] =	ssyncset.done @!p0 $0x0  }
0x5d: {  	[sflag:s11] =	ssyncadd.s32 @!p0 $0xFFFFFC00  }
0x5e: {  	v19 =	vld.idx.msk [tilespmem:v18+s20+$0x0], $0xffff  }
0x5f: {  	v16 =	vshll.u32 v16, $0x7;
	v18 =	vld.idx.msk [tilespmem:v18+s21+$0x0], $0xffff  }
0x60: {  	v16 =	vand.u32 $0x780, v16  }
0x61: {  	v20 =	vor.u32 v0, v16  }
0x62: {  	v21 =	vor.u32 v2, v17;
	_ =	sdelay $0x1  }
0x63: {  	v18 =	vadd.f32 v18, v19;
	_ =	sdelay $0x1  }
0x64: {  	[tilespmem:v20+s29+$0x0] =	vst.idx.msk $0xffff, v18  }
0x65: {  	v18 =	vld.idx.msk [tilespmem:v21+s20+$0x0], $0xffff  }
0x66: {  	v19 =	vld.idx.msk [tilespmem:v21+s21+$0x0], $0xffff;
	_ =	sdelay $0x1  }
0x67: {  	v20 =	vor.u32 v3, v16  }
0x68: {  	v59 =	vor.u32 v4, v17;
	_ =	sdelay $0x1  }
0x69: {  	v18 =	vadd.f32 v19, v18;
	_ =	sdelay $0x1  }
0x6a: {  	[tilespmem:v20+s29+$0x0] =	vst.idx.msk $0xffff, v18  }
0x6b: {  	v18 =	vld.idx.msk [tilespmem:v59+s20+$0x0], $0xffff  }
0x6c: {  	v19 =	vld.idx.msk [tilespmem:v59+s21+$0x0], $0xffff;
	_ =	sdelay $0x1  }
0x6d: {  	v20 =	vor.u32 v5, v16  }
0x6e: {  	v60 =	vor.u32 v6, v17;
	_ =	sdelay $0x1  }
0x6f: {  	v18 =	vadd.f32 v19, v18;
	_ =	sdelay $0x1  }
0x70: {  	[tilespmem:v20+s29+$0x0] =	vst.idx.msk $0xffff, v18  }
0x71: {  	v18 =	vld.idx.msk [tilespmem:v60+s20+$0x0], $0xffff  }
0x72: {  	v19 =	vld.idx.msk [tilespmem:v60+s21+$0x0], $0xffff;
	_ =	sdelay $0x1  }
0x73: {  	v20 =	vor.u32 v7, v16  }
0x74: {  	v61 =	vor.u32 v8, v17;
	_ =	sdelay $0x1  }
0x75: {  	v18 =	vadd.f32 v19, v18;
	_ =	sdelay $0x1  }
0x76: {  	[tilespmem:v20+s29+$0x0] =	vst.idx.msk $0xffff, v18  }
0x77: {  	v18 =	vld.idx.msk [tilespmem:v61+s20+$0x0], $0xffff  }
0x78: {  	v19 =	vld.idx.msk [tilespmem:v61+s21+$0x0], $0xffff;
	_ =	sdelay $0x1  }
0x79: {  	v20 =	vor.u32 v9, v16  }
0x7a: {  	v62 =	vor.u32 v10, v17;
	_ =	sdelay $0x1  }
0x7b: {  	v18 =	vadd.f32 v19, v18;
	_ =	sdelay $0x1  }
0x7c: {  	[tilespmem:v20+s29+$0x0] =	vst.idx.msk $0xffff, v18  }
0x7d: {  	v18 =	vld.idx.msk [tilespmem:v62+s20+$0x0], $0xffff  }
0x7e: {  	v19 =	vld.idx.msk [tilespmem:v62+s21+$0x0], $0xffff;
	_ =	sdelay $0x1  }
0x7f: {  	v20 =	vor.u32 v11, v16  }
0x80: {  	v63 =	vor.u32 v12, v17;
	_ =	sdelay $0x1  }
0x81: {  	v18 =	vadd.f32 v19, v18;
	_ =	sdelay $0x1  }
0x82: {  	[tilespmem:v20+s29+$0x0] =	vst.idx.msk $0xffff, v18  }
0x83: {  	v18 =	vld.idx.msk [tilespmem:v63+s20+$0x0], $0xffff  }
0x84: {  	v19 =	vld.idx.msk [tilespmem:v63+s21+$0x0], $0xffff;
	_ =	sdelay $0x1  }
0x85: {  	v20 =	vor.u32 v13, v16  }
0x86: {  	v17 =	vor.u32 v14, v17;
	_ =	sdelay $0x1  }
0x87: {  	v18 =	vadd.f32 v19, v18;
	_ =	sdelay $0x1  }
0x88: {  	[tilespmem:v20+s29+$0x0] =	vst.idx.msk $0xffff, v18  }
0x89: {  	s10 =	sshll.u32 s14, $0x2;
	s11 =	simm.s32 $0x1;
	v16 =	vor.u32 v15, v16;
	v18 =	vld.idx.msk [tilespmem:v17+s20+$0x0], $0xffff  }
.LBB2_3:
0x8a: {  	p2 =	sne.s32 s11, $0xF;
	v17 =	vld.idx.msk [tilespmem:v17+s21+$0x0], $0xffff;
	s12 =	smov.u32 s11;
	s11 =	sadd.s32 $0x1, s11  }
0x8b: {  	_ = 	snop  }
0x8c: {  	v19 =	vadd.s32 s12, v0  }
0x8d: {  	v20 =	vand.u32 $0xF, v19;
	v19 =	vshll.u32 v19, $0x7  }
0x8e: {  	v21 =	vor.u32 v1, v20;
	v19 =	vand.u32 $0x780, v19;
	_ =	sdelay $0x1  }
0x8f: {  	v17 =	vadd.f32 v17, v18;
	_ =	sdelay $0x1  }
0x90: {  	[tilespmem:v16+s29+$0x0] =	vst.idx.msk $0xffff, v17  }
0x91: {  	v16 =	vld.idx.msk [tilespmem:v21+s20+$0x0], $0xffff  }
0x92: {  	v17 =	vld.idx.msk [tilespmem:v21+s21+$0x0], $0xffff;
	_ =	sdelay $0x1  }
0x93: {  	v18 =	vor.u32 v0, v19;
	_ =	sdelay $0x1  }
0x94: {  	v21 =	vor.u32 v2, v20;
	_ =	sdelay $0x1  }
0x95: {  	v16 =	vadd.f32 v17, v16;
	_ =	sdelay $0x1  }
0x96: {  	[tilespmem:v18+s29+$0x0] =	vst.idx.msk $0xffff, v16  }
0x97: {  	v16 =	vld.idx.msk [tilespmem:v21+s20+$0x0], $0xffff  }
0x98: {  	v17 =	vld.idx.msk [tilespmem:v21+s21+$0x0], $0xffff  }
0x99: {  	v18 =	vor.u32 v3, v19;
	_ =	sdelay $0x2  }
0x9a: {  	v21 =	vor.u32 v4, v20;
	_ =	sdelay $0x1  }
0x9b: {  	v16 =	vadd.f32 v17, v16;
	_ =	sdelay $0x1  }
0x9c: {  	[tilespmem:v18+s29+$0x0] =	vst.idx.msk $0xffff, v16  }
0x9d: {  	v16 =	vld.idx.msk [tilespmem:v21+s20+$0x0], $0xffff  }
0x9e: {  	v18 =	vor.u32 v5, v19;
	v17 =	vld.idx.msk [tilespmem:v21+s21+$0x0], $0xffff;
	_ =	sdelay $0x3  }
0x9f: {  	v21 =	vor.u32 v6, v20;
	_ =	sdelay $0x1  }
0xa0: {  	v16 =	vadd.f32 v17, v16;
	_ =	sdelay $0x1  }
0xa1: {  	[tilespmem:v18+s29+$0x0] =	vst.idx.msk $0xffff, v16  }
0xa2: {  	v17 =	vor.u32 v7, v19;
	v16 =	vld.idx.msk [tilespmem:v21+s20+$0x0], $0xffff  }
0xa3: {  	v18 =	vld.idx.msk [tilespmem:v21+s21+$0x0], $0xffff;
	_ =	sdelay $0x3  }
0xa4: {  	v21 =	vor.u32 v8, v20;
	_ =	sdelay $0x1  }
0xa5: {  	v16 =	vadd.f32 v18, v16;
	_ =	sdelay $0x1  }
0xa6: {  	[tilespmem:v17+s29+$0x0] =	vst.idx.msk $0xffff, v16;
	v16 =	vor.u32 v9, v19  }
0xa7: {  	v17 =	vld.idx.msk [tilespmem:v21+s20+$0x0], $0xffff  }
0xa8: {  	v18 =	vld.idx.msk [tilespmem:v21+s21+$0x0], $0xffff;
	_ =	sdelay $0x3  }
0xa9: {  	v21 =	vor.u32 v10, v20;
	_ =	sdelay $0x1  }
0xaa: {  	v17 =	vadd.f32 v18, v17  }
0xab: {  	v18 =	vor.u32 v11, v19  }
0xac: {  	[tilespmem:v16+s29+$0x0] =	vst.idx.msk $0xffff, v17  }
0xad: {  	v16 =	vld.idx.msk [tilespmem:v21+s20+$0x0], $0xffff  }
0xae: {  	v17 =	vld.idx.msk [tilespmem:v21+s21+$0x0], $0xffff;
	_ =	sdelay $0x3  }
0xaf: {  	v21 =	vor.u32 v12, v20;
	_ =	sdelay $0x1  }
0xb0: {  	v22 =	vor.u32 v13, v19;
	v16 =	vadd.f32 v17, v16;
	_ =	sdelay $0x1  }
0xb1: {  	[tilespmem:v18+s29+$0x0] =	vst.idx.msk $0xffff, v16  }
0xb2: {  	v18 =	vld.idx.msk [tilespmem:v21+s20+$0x0], $0xffff  }
0xb3: {  	v21 =	vld.idx.msk [tilespmem:v21+s21+$0x0], $0xffff;
	_ =	sdelay $0x3  }
0xb4: {  	v17 =	vor.u32 v14, v20  }
.Ltmp4:
0xb5: {  	v16 =	vor.u32 v15, v19;
	(pc) =	sbr.rel @p2 .LBB2_3-.Ltmp4, $3  }
0xb6: {  	v18 =	vadd.f32 v21, v18;
	_ =	sdelay $0x1  }
0xb7: {  	[tilespmem:v22+s29+$0x0] =	vst.idx.msk $0xffff, v18  }
0xb8: {  	v18 =	vld.idx.msk [tilespmem:v17+s20+$0x0], $0xffff  }
0xb9: {  	_ =	sdelay $0x3  }
0xba: {  	v17 =	vld.idx.msk [tilespmem:v17+s21+$0x0], $0xffff;
	_ =	sdelay $0x4  }
0xbb: {  	s11 =	sadd.s32 s5, s10;
	v17 =	vadd.f32 v17, v18  }
0xbc: {  	s11 =	sshll.u32 s11, $0x7  }
0xbd: {  	s12 =	sadd.s32 s3, s11;
	[tilespmem:v16+s29+$0x0] =	vst.idx.msk $0xffff, v17  }
0xbe: {  	[hbm4b:s12+s4] =	stream.linear.scatter [tilespmem:s29], [sflag:$0x9], $0x400, $0x38;
	[tilespmem:$0xAF00] =	vst v63  }
0xbf: {  	s15 =	simm.s32 $0x9300;
	s11 =	sadd.s32 s11, s16  }
0xc0: {  	[hbm4b:s11+s4] =	stream.linear.scatter [tilespmem:s15], [sflag:$0x9], $0x400, $0x38;
	[tilespmem:$0xAF00] =	vst v63  }
0xc1: {  	s11 =	sadd.s32 $0x4, s10  }
0xc2: {  	p2 =	sge.u32 s11, s8  }
0xc3: {  	s11 =	sadd.s32 @!p2 s7, s11  }
0xc4: {  	s11 =	sshll.u32 @!p2 s11, $0xA  }
0xc5: {  	s12 =	simm.s32 @!p2 $0x80;
	s15 =	simm.s32 @!p2 $0x4F00;
	s11 =	sshra.s32 @!p2 s11, $0x2  }
0xc6: {  	[tilespmem:s15], [sflag:$0x1] =	stream.indirect.gather @!p2 [hbm4b:s1+s12], $0x10, s11, s12, $0xb8;
	[tilespmem:$0xAF00] =	vst v63  }
0xc7: {  	s11 =	sor.u32 @!p2 $0x80, s11;
	s15 =	simm.s32 @!p2 $0x6F00  }
0xc8: {  	[tilespmem:s15], [sflag:$0x5] =	stream.indirect.gather @!p2 [hbm4b:s6+s12], $0x10, s11, s12, $0xb8;
	[tilespmem:$0xAF00] =	vst v63  }
0xc9: {  	_ =	swait.ge [sflag:s31], $0x800  }
0xca: {  	[sflag:s31] =	ssyncset.done $0x0  }
0xcb: {  	[sflag:s31] =	ssyncadd.s32 $0xFFFFF800  }
0xcc: {  	_ =	swait.ge [sflag:s2], $0x800  }
0xcd: {  	s17 =	simm.s32 $0x0;
	[sflag:s2] =	ssyncset.done $0x0  }
0xce: {  	v16 =	vadd.s32 s17, v0;
	s12 =	simm.s32 @!p0 $0xA;
	[sflag:s2] =	ssyncadd.s32 $0xFFFFF800  }
0xcf: {  	v17 =	vand.u32 $0xF, v16;
	_ =	swait.ge @!p0 [sflag:s12], $0x400  }
0xd0: {  	v18 =	vor.u32 v1, v17;
	[sflag:s12] =	ssyncset.done @!p0 $0x0  }
0xd1: {  	[sflag:s12] =	ssyncadd.s32 @!p0 $0xFFFFFC00  }
0xd2: {  	_ =	swait.ge @!p0 [sflag:s12], $0x400  }
0xd3: {  	[sflag:s12] =	ssyncset.done @!p0 $0x0  }
0xd4: {  	[sflag:s12] =	ssyncadd.s32 @!p0 $0xFFFFFC00  }
0xd5: {  	v19 =	vld.idx.msk [tilespmem:v18+s22+$0x0], $0xffff  }
0xd6: {  	v16 =	vshll.u32 v16, $0x7;
	v18 =	vld.idx.msk [tilespmem:v18+s23+$0x0], $0xffff  }
0xd7: {  	v16 =	vand.u32 $0x780, v16  }
0xd8: {  	v20 =	vor.u32 v0, v16  }
0xd9: {  	v21 =	vor.u32 v2, v17;
	_ =	sdelay $0x1  }
0xda: {  	v18 =	vadd.f32 v18, v19;
	_ =	sdelay $0x1  }
0xdb: {  	[tilespmem:v20+s0+$0x0] =	vst.idx.msk $0xffff, v18  }
0xdc: {  	v18 =	vld.idx.msk [tilespmem:v21+s22+$0x0], $0xffff  }
0xdd: {  	v19 =	vld.idx.msk [tilespmem:v21+s23+$0x0], $0xffff;
	_ =	sdelay $0x1  }
0xde: {  	v20 =	vor.u32 v3, v16  }
0xdf: {  	v59 =	vor.u32 v4, v17;
	_ =	sdelay $0x1  }
0xe0: {  	v18 =	vadd.f32 v19, v18;
	_ =	sdelay $0x1  }
0xe1: {  	[tilespmem:v20+s0+$0x0] =	vst.idx.msk $0xffff, v18  }
0xe2: {  	v18 =	vld.idx.msk [tilespmem:v59+s22+$0x0], $0xffff  }
0xe3: {  	v19 =	vld.idx.msk [tilespmem:v59+s23+$0x0], $0xffff;
	_ =	sdelay $0x1  }
0xe4: {  	v20 =	vor.u32 v5, v16  }
0xe5: {  	v60 =	vor.u32 v6, v17;
	_ =	sdelay $0x1  }
0xe6: {  	v18 =	vadd.f32 v19, v18;
	_ =	sdelay $0x1  }
0xe7: {  	[tilespmem:v20+s0+$0x0] =	vst.idx.msk $0xffff, v18  }
0xe8: {  	v18 =	vld.idx.msk [tilespmem:v60+s22+$0x0], $0xffff  }
0xe9: {  	v19 =	vld.idx.msk [tilespmem:v60+s23+$0x0], $0xffff;
	_ =	sdelay $0x1  }
0xea: {  	v20 =	vor.u32 v7, v16  }
0xeb: {  	v61 =	vor.u32 v8, v17;
	_ =	sdelay $0x1  }
0xec: {  	v18 =	vadd.f32 v19, v18;
	_ =	sdelay $0x1  }
0xed: {  	[tilespmem:v20+s0+$0x0] =	vst.idx.msk $0xffff, v18  }
0xee: {  	v18 =	vld.idx.msk [tilespmem:v61+s22+$0x0], $0xffff  }
0xef: {  	v19 =	vld.idx.msk [tilespmem:v61+s23+$0x0], $0xffff;
	_ =	sdelay $0x1  }
0xf0: {  	v20 =	vor.u32 v9, v16  }
0xf1: {  	v62 =	vor.u32 v10, v17;
	_ =	sdelay $0x1  }
0xf2: {  	v18 =	vadd.f32 v19, v18;
	_ =	sdelay $0x1  }
0xf3: {  	[tilespmem:v20+s0+$0x0] =	vst.idx.msk $0xffff, v18  }
0xf4: {  	v18 =	vld.idx.msk [tilespmem:v62+s22+$0x0], $0xffff  }
0xf5: {  	v19 =	vld.idx.msk [tilespmem:v62+s23+$0x0], $0xffff;
	_ =	sdelay $0x1  }
0xf6: {  	v20 =	vor.u32 v11, v16  }
0xf7: {  	v63 =	vor.u32 v12, v17;
	_ =	sdelay $0x1  }
0xf8: {  	v18 =	vadd.f32 v19, v18;
	_ =	sdelay $0x1  }
0xf9: {  	[tilespmem:v20+s0+$0x0] =	vst.idx.msk $0xffff, v18  }
0xfa: {  	v18 =	vld.idx.msk [tilespmem:v63+s22+$0x0], $0xffff  }
0xfb: {  	v19 =	vld.idx.msk [tilespmem:v63+s23+$0x0], $0xffff;
	_ =	sdelay $0x1  }
0xfc: {  	v20 =	vor.u32 v13, v16  }
0xfd: {  	v17 =	vor.u32 v14, v17;
	_ =	sdelay $0x1  }
0xfe: {  	v18 =	vadd.f32 v19, v18;
	_ =	sdelay $0x1  }
0xff: {  	[tilespmem:v20+s0+$0x0] =	vst.idx.msk $0xffff, v18  }
0x100: {  	s11 =	sor.u32 $0x1, s10;
	s12 =	simm.s32 $0x1;
	v16 =	vor.u32 v15, v16;
	v18 =	vld.idx.msk [tilespmem:v17+s22+$0x0], $0xffff  }
.LBB2_5:
0x101: {  	p2 =	sne.s32 s12, $0xF;
	v17 =	vld.idx.msk [tilespmem:v17+s23+$0x0], $0xffff;
	s15 =	smov.u32 s12;
	s12 =	sadd.s32 $0x1, s12  }
0x102: {  	_ = 	snop  }
0x103: {  	v19 =	vadd.s32 s15, v0  }
0x104: {  	v20 =	vand.u32 $0xF, v19;
	v19 =	vshll.u32 v19, $0x7  }
0x105: {  	v21 =	vor.u32 v1, v20;
	v19 =	vand.u32 $0x780, v19;
	_ =	sdelay $0x1  }
0x106: {  	v17 =	vadd.f32 v17, v18;
	_ =	sdelay $0x1  }
0x107: {  	[tilespmem:v16+s0+$0x0] =	vst.idx.msk $0xffff, v17  }
0x108: {  	v16 =	vld.idx.msk [tilespmem:v21+s22+$0x0], $0xffff  }
0x109: {  	v17 =	vld.idx.msk [tilespmem:v21+s23+$0x0], $0xffff;
	_ =	sdelay $0x1  }
0x10a: {  	v18 =	vor.u32 v0, v19;
	_ =	sdelay $0x1  }
0x10b: {  	v21 =	vor.u32 v2, v20;
	_ =	sdelay $0x1  }
0x10c: {  	v16 =	vadd.f32 v17, v16;
	_ =	sdelay $0x1  }
0x10d: {  	[tilespmem:v18+s0+$0x0] =	vst.idx.msk $0xffff, v16  }
0x10e: {  	v16 =	vld.idx.msk [tilespmem:v21+s22+$0x0], $0xffff  }
0x10f: {  	v17 =	vld.idx.msk [tilespmem:v21+s23+$0x0], $0xffff  }
0x110: {  	v18 =	vor.u32 v3, v19;
	_ =	sdelay $0x2  }
0x111: {  	v21 =	vor.u32 v4, v20;
	_ =	sdelay $0x1  }
0x112: {  	v16 =	vadd.f32 v17, v16;
	_ =	sdelay $0x1  }
0x113: {  	[tilespmem:v18+s0+$0x0] =	vst.idx.msk $0xffff, v16  }
0x114: {  	v16 =	vld.idx.msk [tilespmem:v21+s22+$0x0], $0xffff  }
0x115: {  	v18 =	vor.u32 v5, v19;
	v17 =	vld.idx.msk [tilespmem:v21+s23+$0x0], $0xffff;
	_ =	sdelay $0x3  }
0x116: {  	v21 =	vor.u32 v6, v20;
	_ =	sdelay $0x1  }
0x117: {  	v16 =	vadd.f32 v17, v16;
	_ =	sdelay $0x1  }
0x118: {  	[tilespmem:v18+s0+$0x0] =	vst.idx.msk $0xffff, v16  }
0x119: {  	v17 =	vor.u32 v7, v19;
	v16 =	vld.idx.msk [tilespmem:v21+s22+$0x0], $0xffff  }
0x11a: {  	v18 =	vld.idx.msk [tilespmem:v21+s23+$0x0], $0xffff;
	_ =	sdelay $0x3  }
0x11b: {  	v21 =	vor.u32 v8, v20;
	_ =	sdelay $0x1  }
0x11c: {  	v16 =	vadd.f32 v18, v16;
	_ =	sdelay $0x1  }
0x11d: {  	[tilespmem:v17+s0+$0x0] =	vst.idx.msk $0xffff, v16;
	v16 =	vor.u32 v9, v19  }
0x11e: {  	v17 =	vld.idx.msk [tilespmem:v21+s22+$0x0], $0xffff  }
0x11f: {  	v18 =	vld.idx.msk [tilespmem:v21+s23+$0x0], $0xffff;
	_ =	sdelay $0x3  }
0x120: {  	v21 =	vor.u32 v10, v20;
	_ =	sdelay $0x1  }
0x121: {  	v17 =	vadd.f32 v18, v17  }
0x122: {  	v18 =	vor.u32 v11, v19  }
0x123: {  	[tilespmem:v16+s0+$0x0] =	vst.idx.msk $0xffff, v17  }
0x124: {  	v16 =	vld.idx.msk [tilespmem:v21+s22+$0x0], $0xffff  }
0x125: {  	v17 =	vld.idx.msk [tilespmem:v21+s23+$0x0], $0xffff;
	_ =	sdelay $0x3  }
0x126: {  	v21 =	vor.u32 v12, v20;
	_ =	sdelay $0x1  }
0x127: {  	v22 =	vor.u32 v13, v19;
	v16 =	vadd.f32 v17, v16;
	_ =	sdelay $0x1  }
0x128: {  	[tilespmem:v18+s0+$0x0] =	vst.idx.msk $0xffff, v16  }
0x129: {  	v18 =	vld.idx.msk [tilespmem:v21+s22+$0x0], $0xffff  }
0x12a: {  	v21 =	vld.idx.msk [tilespmem:v21+s23+$0x0], $0xffff;
	_ =	sdelay $0x3  }
0x12b: {  	v17 =	vor.u32 v14, v20  }
.Ltmp5:
0x12c: {  	v16 =	vor.u32 v15, v19;
	(pc) =	sbr.rel @p2 .LBB2_5-.Ltmp5, $3  }
0x12d: {  	v18 =	vadd.f32 v21, v18;
	_ =	sdelay $0x1  }
0x12e: {  	[tilespmem:v22+s0+$0x0] =	vst.idx.msk $0xffff, v18  }
0x12f: {  	v18 =	vld.idx.msk [tilespmem:v17+s22+$0x0], $0xffff  }
0x130: {  	_ =	sdelay $0x3  }
0x131: {  	v17 =	vld.idx.msk [tilespmem:v17+s23+$0x0], $0xffff;
	_ =	sdelay $0x4  }
0x132: {  	s11 =	sadd.s32 s5, s11;
	v17 =	vadd.f32 v17, v18  }
0x133: {  	s11 =	sshll.u32 s11, $0x7  }
0x134: {  	s12 =	sadd.s32 s3, s11;
	[tilespmem:v16+s0+$0x0] =	vst.idx.msk $0xffff, v17  }
0x135: {  	[hbm4b:s12+s4] =	stream.linear.scatter [tilespmem:s0], [sflag:$0xA], $0x400, $0x38;
	[tilespmem:$0xAF00] =	vst v63  }
0x136: {  	s17 =	simm.s32 $0x9B00;
	s11 =	sadd.s32 s11, s16  }
0x137: {  	[hbm4b:s11+s4] =	stream.linear.scatter [tilespmem:s17], [sflag:$0xA], $0x400, $0x38;
	[tilespmem:$0xAF00] =	vst v63  }
0x138: {  	s11 =	sadd.s32 $0x5, s10  }
0x139: {  	p2 =	sge.u32 s11, s8  }
0x13a: {  	s11 =	sadd.s32 @!p2 s7, s11  }
0x13b: {  	s11 =	sshll.u32 @!p2 s11, $0xA  }
0x13c: {  	s15 =	simm.s32 @!p2 $0x80;
	s12 =	sshra.s32 @!p2 s11, $0x2;
	s11 =	simm.s32 @!p2 $0x5700  }
0x13d: {  	[tilespmem:s11], [sflag:$0x2] =	stream.indirect.gather @!p2 [hbm4b:s1+s15], $0x10, s12, s15, $0xb8;
	[tilespmem:$0xAF00] =	vst v63  }
0x13e: {  	s17 =	simm.s32 @!p2 $0x7700;
	s11 =	sor.u32 $0x2, s10;
	s12 =	sor.u32 @!p2 $0x80, s12  }
0x13f: {  	[tilespmem:s17], [sflag:$0x6] =	stream.indirect.gather @!p2 [hbm4b:s6+s15], $0x10, s12, s15, $0xb8;
	[tilespmem:$0xAF00] =	vst v63  }
0x140: {  	p2 =	sge.u32 s11, s8  }
.Ltmp6:
0x141: {  	_ = 	snop;
	(pc) =	sbr.rel @p2 .LBB2_10-.Ltmp6, $1  }
0x142: {  	_ =	sdelay $0x3  }
0x143: {  	s12 =	simm.s32 $0x3  }
0x144: {  	_ =	swait.ge [sflag:s12], $0x800  }
0x145: {  	[sflag:s12] =	ssyncset.done $0x0  }
0x146: {  	s15 =	simm.s32 $0x7;
	[sflag:s12] =	ssyncadd.s32 $0xFFFFF800  }
0x147: {  	_ =	swait.ge [sflag:s15], $0x800  }
0x148: {  	s17 =	simm.s32 $0x0;
	[sflag:s15] =	ssyncset.done $0x0  }
0x149: {  	v16 =	vadd.s32 s17, v0;
	[sflag:s15] =	ssyncadd.s32 $0xFFFFF800;
	s15 =	simm.s32 @!p0 $0xB  }
0x14a: {  	v17 =	vand.u32 $0xF, v16;
	_ =	swait.ge @!p0 [sflag:s15], $0x400  }
0x14b: {  	v18 =	vor.u32 v1, v17;
	[sflag:s15] =	ssyncset.done @!p0 $0x0  }
0x14c: {  	[sflag:s15] =	ssyncadd.s32 @!p0 $0xFFFFFC00  }
0x14d: {  	_ =	swait.ge @!p0 [sflag:s15], $0x400  }
0x14e: {  	[sflag:s15] =	ssyncset.done @!p0 $0x0  }
0x14f: {  	[sflag:s15] =	ssyncadd.s32 @!p0 $0xFFFFFC00  }
0x150: {  	v19 =	vld.idx.msk [tilespmem:v18+s24+$0x0], $0xffff  }
0x151: {  	v16 =	vshll.u32 v16, $0x7;
	v18 =	vld.idx.msk [tilespmem:v18+s25+$0x0], $0xffff  }
0x152: {  	v16 =	vand.u32 $0x780, v16  }
0x153: {  	v20 =	vor.u32 v0, v16  }
0x154: {  	v21 =	vor.u32 v2, v17;
	_ =	sdelay $0x1  }
0x155: {  	v18 =	vadd.f32 v18, v19;
	_ =	sdelay $0x1  }
0x156: {  	[tilespmem:v20+s13+$0x0] =	vst.idx.msk $0xffff, v18  }
0x157: {  	v18 =	vld.idx.msk [tilespmem:v21+s24+$0x0], $0xffff  }
0x158: {  	v19 =	vld.idx.msk [tilespmem:v21+s25+$0x0], $0xffff;
	_ =	sdelay $0x1  }
0x159: {  	v20 =	vor.u32 v3, v16  }
0x15a: {  	v58 =	vor.u32 v4, v17;
	_ =	sdelay $0x1  }
0x15b: {  	v18 =	vadd.f32 v19, v18;
	_ =	sdelay $0x1  }
0x15c: {  	[tilespmem:v20+s13+$0x0] =	vst.idx.msk $0xffff, v18  }
0x15d: {  	v18 =	vld.idx.msk [tilespmem:v58+s24+$0x0], $0xffff  }
0x15e: {  	v19 =	vld.idx.msk [tilespmem:v58+s25+$0x0], $0xffff;
	_ =	sdelay $0x1  }
0x15f: {  	v20 =	vor.u32 v5, v16  }
0x160: {  	v59 =	vor.u32 v6, v17;
	_ =	sdelay $0x1  }
0x161: {  	v18 =	vadd.f32 v19, v18;
	_ =	sdelay $0x1  }
0x162: {  	[tilespmem:v20+s13+$0x0] =	vst.idx.msk $0xffff, v18  }
0x163: {  	v18 =	vld.idx.msk [tilespmem:v59+s24+$0x0], $0xffff  }
0x164: {  	v19 =	vld.idx.msk [tilespmem:v59+s25+$0x0], $0xffff;
	_ =	sdelay $0x1  }
0x165: {  	v20 =	vor.u32 v7, v16  }
0x166: {  	v60 =	vor.u32 v8, v17;
	_ =	sdelay $0x1  }
0x167: {  	v18 =	vadd.f32 v19, v18;
	_ =	sdelay $0x1  }
0x168: {  	[tilespmem:v20+s13+$0x0] =	vst.idx.msk $0xffff, v18  }
0x169: {  	v18 =	vld.idx.msk [tilespmem:v60+s24+$0x0], $0xffff  }
0x16a: {  	v19 =	vld.idx.msk [tilespmem:v60+s25+$0x0], $0xffff;
	_ =	sdelay $0x1  }
0x16b: {  	v20 =	vor.u32 v9, v16  }
0x16c: {  	v61 =	vor.u32 v10, v17;
	_ =	sdelay $0x1  }
0x16d: {  	v18 =	vadd.f32 v19, v18;
	_ =	sdelay $0x1  }
0x16e: {  	[tilespmem:v20+s13+$0x0] =	vst.idx.msk $0xffff, v18  }
0x16f: {  	v18 =	vld.idx.msk [tilespmem:v61+s24+$0x0], $0xffff  }
0x170: {  	v19 =	vld.idx.msk [tilespmem:v61+s25+$0x0], $0xffff;
	_ =	sdelay $0x1  }
0x171: {  	v20 =	vor.u32 v11, v16  }
0x172: {  	v62 =	vor.u32 v12, v17;
	_ =	sdelay $0x1  }
0x173: {  	v18 =	vadd.f32 v19, v18;
	_ =	sdelay $0x1  }
0x174: {  	[tilespmem:v20+s13+$0x0] =	vst.idx.msk $0xffff, v18  }
0x175: {  	v19 =	vld.idx.msk [tilespmem:v62+s24+$0x0], $0xffff  }
0x176: {  	v20 =	vld.idx.msk [tilespmem:v62+s25+$0x0], $0xffff;
	_ =	sdelay $0x1  }
0x177: {  	v63 =	vor.u32 v13, v16  }
0x178: {  	v18 =	vor.u32 v14, v17;
	_ =	sdelay $0x1  }
0x179: {  	v17 =	vadd.f32 v20, v19;
	_ =	sdelay $0x1  }
0x17a: {  	[tilespmem:v63+s13+$0x0] =	vst.idx.msk $0xffff, v17  }
0x17b: {  	s12 =	simm.s32 $0x1;
	v16 =	vor.u32 v15, v16;
	v17 =	vld.idx.msk [tilespmem:v18+s24+$0x0], $0xffff  }
.LBB2_8:
0x17c: {  	p2 =	sne.s32 s12, $0xF;
	v18 =	vld.idx.msk [tilespmem:v18+s25+$0x0], $0xffff;
	s15 =	smov.u32 s12;
	s12 =	sadd.s32 $0x1, s12  }
0x17d: {  	_ = 	snop  }
0x17e: {  	v19 =	vadd.s32 s15, v0  }
0x17f: {  	v20 =	vand.u32 $0xF, v19;
	v19 =	vshll.u32 v19, $0x7  }
0x180: {  	v21 =	vor.u32 v1, v20;
	v19 =	vand.u32 $0x780, v19;
	_ =	sdelay $0x1  }
0x181: {  	v17 =	vadd.f32 v18, v17;
	_ =	sdelay $0x1  }
0x182: {  	[tilespmem:v16+s13+$0x0] =	vst.idx.msk $0xffff, v17  }
0x183: {  	v16 =	vld.idx.msk [tilespmem:v21+s24+$0x0], $0xffff  }
0x184: {  	v17 =	vld.idx.msk [tilespmem:v21+s25+$0x0], $0xffff;
	_ =	sdelay $0x1  }
0x185: {  	v18 =	vor.u32 v0, v19;
	_ =	sdelay $0x1  }
0x186: {  	v21 =	vor.u32 v2, v20;
	_ =	sdelay $0x1  }
0x187: {  	v16 =	vadd.f32 v17, v16;
	_ =	sdelay $0x1  }
0x188: {  	[tilespmem:v18+s13+$0x0] =	vst.idx.msk $0xffff, v16  }
0x189: {  	v16 =	vld.idx.msk [tilespmem:v21+s24+$0x0], $0xffff  }
0x18a: {  	v17 =	vld.idx.msk [tilespmem:v21+s25+$0x0], $0xffff  }
0x18b: {  	v18 =	vor.u32 v3, v19;
	_ =	sdelay $0x2  }
0x18c: {  	v21 =	vor.u32 v4, v20;
	_ =	sdelay $0x1  }
0x18d: {  	v16 =	vadd.f32 v17, v16;
	_ =	sdelay $0x1  }
0x18e: {  	[tilespmem:v18+s13+$0x0] =	vst.idx.msk $0xffff, v16  }
0x18f: {  	v16 =	vld.idx.msk [tilespmem:v21+s24+$0x0], $0xffff  }
0x190: {  	v18 =	vor.u32 v5, v19;
	v17 =	vld.idx.msk [tilespmem:v21+s25+$0x0], $0xffff;
	_ =	sdelay $0x3  }
0x191: {  	v21 =	vor.u32 v6, v20;
	_ =	sdelay $0x1  }
0x192: {  	v16 =	vadd.f32 v17, v16;
	_ =	sdelay $0x1  }
0x193: {  	[tilespmem:v18+s13+$0x0] =	vst.idx.msk $0xffff, v16  }
0x194: {  	v17 =	vor.u32 v7, v19;
	v16 =	vld.idx.msk [tilespmem:v21+s24+$0x0], $0xffff  }
0x195: {  	v18 =	vld.idx.msk [tilespmem:v21+s25+$0x0], $0xffff;
	_ =	sdelay $0x3  }
0x196: {  	v21 =	vor.u32 v8, v20;
	_ =	sdelay $0x1  }
0x197: {  	v16 =	vadd.f32 v18, v16;
	_ =	sdelay $0x1  }
0x198: {  	[tilespmem:v17+s13+$0x0] =	vst.idx.msk $0xffff, v16;
	v16 =	vor.u32 v9, v19  }
0x199: {  	v17 =	vld.idx.msk [tilespmem:v21+s24+$0x0], $0xffff  }
0x19a: {  	v18 =	vld.idx.msk [tilespmem:v21+s25+$0x0], $0xffff;
	_ =	sdelay $0x3  }
0x19b: {  	v21 =	vor.u32 v10, v20;
	_ =	sdelay $0x1  }
0x19c: {  	v17 =	vadd.f32 v18, v17  }
0x19d: {  	v18 =	vor.u32 v11, v19  }
0x19e: {  	[tilespmem:v16+s13+$0x0] =	vst.idx.msk $0xffff, v17  }
0x19f: {  	v16 =	vld.idx.msk [tilespmem:v21+s24+$0x0], $0xffff  }
0x1a0: {  	v17 =	vld.idx.msk [tilespmem:v21+s25+$0x0], $0xffff;
	_ =	sdelay $0x3  }
0x1a1: {  	v21 =	vor.u32 v12, v20;
	_ =	sdelay $0x1  }
0x1a2: {  	v16 =	vadd.f32 v17, v16;
	v17 =	vor.u32 v13, v19;
	_ =	sdelay $0x1  }
0x1a3: {  	[tilespmem:v18+s13+$0x0] =	vst.idx.msk $0xffff, v16  }
0x1a4: {  	v22 =	vld.idx.msk [tilespmem:v21+s24+$0x0], $0xffff  }
0x1a5: {  	v21 =	vld.idx.msk [tilespmem:v21+s25+$0x0], $0xffff;
	_ =	sdelay $0x3  }
0x1a6: {  	v18 =	vor.u32 v14, v20  }
.Ltmp7:
0x1a7: {  	v16 =	vor.u32 v15, v19;
	(pc) =	sbr.rel @p2 .LBB2_8-.Ltmp7, $3  }
0x1a8: {  	v19 =	vadd.f32 v21, v22;
	_ =	sdelay $0x1  }
0x1a9: {  	[tilespmem:v17+s13+$0x0] =	vst.idx.msk $0xffff, v19  }
0x1aa: {  	v17 =	vld.idx.msk [tilespmem:v18+s24+$0x0], $0xffff  }
0x1ab: {  	_ =	sdelay $0x3  }
0x1ac: {  	v18 =	vld.idx.msk [tilespmem:v18+s25+$0x0], $0xffff;
	_ =	sdelay $0x4  }
0x1ad: {  	s11 =	sadd.s32 s5, s11;
	v17 =	vadd.f32 v18, v17  }
0x1ae: {  	s11 =	sshll.u32 s11, $0x7  }
0x1af: {  	s12 =	sadd.s32 s3, s11;
	[tilespmem:v16+s13+$0x0] =	vst.idx.msk $0xffff, v17  }
0x1b0: {  	[hbm4b:s12+s4] =	stream.linear.scatter [tilespmem:s13], [sflag:$0xB], $0x400, $0x38;
	[tilespmem:$0xAF00] =	vst v63  }
0x1b1: {  	s17 =	simm.s32 $0xA300;
	s11 =	sadd.s32 s11, s16  }
0x1b2: {  	[hbm4b:s11+s4] =	stream.linear.scatter [tilespmem:s17], [sflag:$0xB], $0x400, $0x38;
	[tilespmem:$0xAF00] =	vst v63  }
.LBB2_10:
0x1b3: {  	s10 =	sadd.s32 $0x6, s10  }
0x1b4: {  	p2 =	sge.u32 s10, s8  }
0x1b5: {  	s10 =	sadd.s32 @!p2 s7, s10  }
.Ltmp8:
0x1b6: {  	s10 =	sshll.u32 @!p2 s10, $0xA;
	(pc) =	sbr.rel @p1 .LBB2_14-.Ltmp8, $4  }
0x1b7: {  	s11 =	simm.s32 @!p2 $0x80;
	s12 =	simm.s32 @!p2 $0x5F00;
	s10 =	sshra.s32 @!p2 s10, $0x2  }
0x1b8: {  	[tilespmem:s12], [sflag:$0x3] =	stream.indirect.gather @!p2 [hbm4b:s1+s11], $0x10, s10, s11, $0xb8;
	[tilespmem:$0xAF00] =	vst v63  }
0x1b9: {  	s10 =	sor.u32 @!p2 $0x80, s10;
	s12 =	simm.s32 @!p2 $0x7F00  }
0x1ba: {  	[tilespmem:s12], [sflag:$0x7] =	stream.indirect.gather @!p2 [hbm4b:s6+s11], $0x10, s10, s11, $0xb8;
	[tilespmem:$0xAF00] =	vst v63  }
0x1bb: {  	s10 =	simm.s32 $0x4  }
0x1bc: {  	_ =	swait.ge [sflag:s10], $0x800  }
0x1bd: {  	[sflag:s10] =	ssyncset.done $0x0  }
0x1be: {  	s11 =	simm.s32 $0x8;
	[sflag:s10] =	ssyncadd.s32 $0xFFFFF800  }
0x1bf: {  	_ =	swait.ge [sflag:s11], $0x800  }
0x1c0: {  	s17 =	simm.s32 $0x0;
	[sflag:s11] =	ssyncset.done $0x0  }
0x1c1: {  	v16 =	vadd.s32 s17, v0;
	[sflag:s11] =	ssyncadd.s32 $0xFFFFF800;
	s11 =	simm.s32 @!p0 $0xC  }
0x1c2: {  	v17 =	vand.u32 $0xF, v16;
	_ =	swait.ge @!p0 [sflag:s11], $0x400  }
0x1c3: {  	v18 =	vor.u32 v1, v17;
	[sflag:s11] =	ssyncset.done @!p0 $0x0  }
0x1c4: {  	[sflag:s11] =	ssyncadd.s32 @!p0 $0xFFFFFC00  }
0x1c5: {  	_ =	swait.ge @!p0 [sflag:s11], $0x400  }
0x1c6: {  	[sflag:s11] =	ssyncset.done @!p0 $0x0  }
0x1c7: {  	[sflag:s11] =	ssyncadd.s32 @!p0 $0xFFFFFC00  }
0x1c8: {  	v19 =	vld.idx.msk [tilespmem:v18+s9+$0x0], $0xffff  }
0x1c9: {  	v16 =	vshll.u32 v16, $0x7;
	v18 =	vld.idx.msk [tilespmem:v18+s18+$0x0], $0xffff  }
0x1ca: {  	v16 =	vand.u32 $0x780, v16  }
0x1cb: {  	v20 =	vor.u32 v0, v16  }
0x1cc: {  	v21 =	vor.u32 v2, v17;
	_ =	sdelay $0x1  }
0x1cd: {  	v18 =	vadd.f32 v18, v19;
	_ =	sdelay $0x1  }
0x1ce: {  	[tilespmem:v20+s19+$0x0] =	vst.idx.msk $0xffff, v18  }
0x1cf: {  	v18 =	vld.idx.msk [tilespmem:v21+s9+$0x0], $0xffff  }
0x1d0: {  	v19 =	vld.idx.msk [tilespmem:v21+s18+$0x0], $0xffff;
	_ =	sdelay $0x1  }
0x1d1: {  	v20 =	vor.u32 v3, v16  }
0x1d2: {  	v58 =	vor.u32 v4, v17;
	_ =	sdelay $0x1  }
0x1d3: {  	v18 =	vadd.f32 v19, v18;
	_ =	sdelay $0x1  }
0x1d4: {  	[tilespmem:v20+s19+$0x0] =	vst.idx.msk $0xffff, v18  }
0x1d5: {  	v18 =	vld.idx.msk [tilespmem:v58+s9+$0x0], $0xffff  }
0x1d6: {  	v19 =	vld.idx.msk [tilespmem:v58+s18+$0x0], $0xffff;
	_ =	sdelay $0x1  }
0x1d7: {  	v20 =	vor.u32 v5, v16  }
0x1d8: {  	v59 =	vor.u32 v6, v17;
	_ =	sdelay $0x1  }
0x1d9: {  	v18 =	vadd.f32 v19, v18;
	_ =	sdelay $0x1  }
0x1da: {  	[tilespmem:v20+s19+$0x0] =	vst.idx.msk $0xffff, v18  }
0x1db: {  	v18 =	vld.idx.msk [tilespmem:v59+s9+$0x0], $0xffff  }
0x1dc: {  	v19 =	vld.idx.msk [tilespmem:v59+s18+$0x0], $0xffff;
	_ =	sdelay $0x1  }
0x1dd: {  	v20 =	vor.u32 v7, v16  }
0x1de: {  	v60 =	vor.u32 v8, v17;
	_ =	sdelay $0x1  }
0x1df: {  	v18 =	vadd.f32 v19, v18;
	_ =	sdelay $0x1  }
0x1e0: {  	[tilespmem:v20+s19+$0x0] =	vst.idx.msk $0xffff, v18  }
0x1e1: {  	v18 =	vld.idx.msk [tilespmem:v60+s9+$0x0], $0xffff  }
0x1e2: {  	v19 =	vld.idx.msk [tilespmem:v60+s18+$0x0], $0xffff;
	_ =	sdelay $0x1  }
0x1e3: {  	v20 =	vor.u32 v9, v16  }
0x1e4: {  	v61 =	vor.u32 v10, v17;
	_ =	sdelay $0x1  }
0x1e5: {  	v18 =	vadd.f32 v19, v18;
	_ =	sdelay $0x1  }
0x1e6: {  	[tilespmem:v20+s19+$0x0] =	vst.idx.msk $0xffff, v18  }
0x1e7: {  	v18 =	vld.idx.msk [tilespmem:v61+s9+$0x0], $0xffff  }
0x1e8: {  	v19 =	vld.idx.msk [tilespmem:v61+s18+$0x0], $0xffff;
	_ =	sdelay $0x1  }
0x1e9: {  	v20 =	vor.u32 v11, v16  }
0x1ea: {  	v62 =	vor.u32 v12, v17;
	_ =	sdelay $0x1  }
0x1eb: {  	v18 =	vadd.f32 v19, v18;
	_ =	sdelay $0x1  }
0x1ec: {  	[tilespmem:v20+s19+$0x0] =	vst.idx.msk $0xffff, v18  }
0x1ed: {  	v19 =	vld.idx.msk [tilespmem:v62+s9+$0x0], $0xffff  }
0x1ee: {  	v20 =	vld.idx.msk [tilespmem:v62+s18+$0x0], $0xffff;
	_ =	sdelay $0x1  }
0x1ef: {  	v63 =	vor.u32 v13, v16  }
0x1f0: {  	v18 =	vor.u32 v14, v17;
	_ =	sdelay $0x1  }
0x1f1: {  	v17 =	vadd.f32 v20, v19;
	_ =	sdelay $0x1  }
0x1f2: {  	[tilespmem:v63+s19+$0x0] =	vst.idx.msk $0xffff, v17  }
0x1f3: {  	s10 =	simm.s32 $0x1;
	v16 =	vor.u32 v15, v16;
	v17 =	vld.idx.msk [tilespmem:v18+s9+$0x0], $0xffff  }
.LBB2_12:
0x1f4: {  	p0 =	sne.s32 s10, $0xF;
	v18 =	vld.idx.msk [tilespmem:v18+s18+$0x0], $0xffff;
	s11 =	smov.u32 s10;
	s10 =	sadd.s32 $0x1, s10  }
0x1f5: {  	_ = 	snop  }
0x1f6: {  	v19 =	vadd.s32 s11, v0  }
0x1f7: {  	v20 =	vand.u32 $0xF, v19;
	v19 =	vshll.u32 v19, $0x7  }
0x1f8: {  	v21 =	vor.u32 v1, v20;
	v19 =	vand.u32 $0x780, v19;
	_ =	sdelay $0x1  }
0x1f9: {  	v17 =	vadd.f32 v18, v17;
	_ =	sdelay $0x1  }
0x1fa: {  	[tilespmem:v16+s19+$0x0] =	vst.idx.msk $0xffff, v17  }
0x1fb: {  	v16 =	vld.idx.msk [tilespmem:v21+s9+$0x0], $0xffff  }
0x1fc: {  	v17 =	vld.idx.msk [tilespmem:v21+s18+$0x0], $0xffff;
	_ =	sdelay $0x1  }
0x1fd: {  	v18 =	vor.u32 v0, v19;
	_ =	sdelay $0x1  }
0x1fe: {  	v21 =	vor.u32 v2, v20;
	_ =	sdelay $0x1  }
0x1ff: {  	v16 =	vadd.f32 v17, v16;
	_ =	sdelay $0x1  }
0x200: {  	[tilespmem:v18+s19+$0x0] =	vst.idx.msk $0xffff, v16  }
0x201: {  	v16 =	vld.idx.msk [tilespmem:v21+s9+$0x0], $0xffff  }
0x202: {  	v17 =	vld.idx.msk [tilespmem:v21+s18+$0x0], $0xffff  }
0x203: {  	v18 =	vor.u32 v3, v19;
	_ =	sdelay $0x2  }
0x204: {  	v21 =	vor.u32 v4, v20;
	_ =	sdelay $0x1  }
0x205: {  	v16 =	vadd.f32 v17, v16;
	_ =	sdelay $0x1  }
0x206: {  	[tilespmem:v18+s19+$0x0] =	vst.idx.msk $0xffff, v16  }
0x207: {  	v16 =	vld.idx.msk [tilespmem:v21+s9+$0x0], $0xffff  }
0x208: {  	v18 =	vor.u32 v5, v19;
	v17 =	vld.idx.msk [tilespmem:v21+s18+$0x0], $0xffff;
	_ =	sdelay $0x3  }
0x209: {  	v21 =	vor.u32 v6, v20;
	_ =	sdelay $0x1  }
0x20a: {  	v16 =	vadd.f32 v17, v16;
	_ =	sdelay $0x1  }
0x20b: {  	[tilespmem:v18+s19+$0x0] =	vst.idx.msk $0xffff, v16  }
0x20c: {  	v17 =	vor.u32 v7, v19;
	v16 =	vld.idx.msk [tilespmem:v21+s9+$0x0], $0xffff  }
0x20d: {  	v18 =	vld.idx.msk [tilespmem:v21+s18+$0x0], $0xffff;
	_ =	sdelay $0x3  }
0x20e: {  	v21 =	vor.u32 v8, v20;
	_ =	sdelay $0x1  }
0x20f: {  	v16 =	vadd.f32 v18, v16;
	_ =	sdelay $0x1  }
0x210: {  	[tilespmem:v17+s19+$0x0] =	vst.idx.msk $0xffff, v16;
	v16 =	vor.u32 v9, v19  }
0x211: {  	v17 =	vld.idx.msk [tilespmem:v21+s9+$0x0], $0xffff  }
0x212: {  	v18 =	vld.idx.msk [tilespmem:v21+s18+$0x0], $0xffff;
	_ =	sdelay $0x3  }
0x213: {  	v21 =	vor.u32 v10, v20;
	_ =	sdelay $0x1  }
0x214: {  	v17 =	vadd.f32 v18, v17  }
0x215: {  	v18 =	vor.u32 v11, v19  }
0x216: {  	[tilespmem:v16+s19+$0x0] =	vst.idx.msk $0xffff, v17  }
0x217: {  	v16 =	vld.idx.msk [tilespmem:v21+s9+$0x0], $0xffff  }
0x218: {  	v17 =	vld.idx.msk [tilespmem:v21+s18+$0x0], $0xffff;
	_ =	sdelay $0x3  }
0x219: {  	v21 =	vor.u32 v12, v20;
	_ =	sdelay $0x1  }
0x21a: {  	v16 =	vadd.f32 v17, v16;
	v17 =	vor.u32 v13, v19;
	_ =	sdelay $0x1  }
0x21b: {  	[tilespmem:v18+s19+$0x0] =	vst.idx.msk $0xffff, v16  }
0x21c: {  	v22 =	vld.idx.msk [tilespmem:v21+s9+$0x0], $0xffff  }
0x21d: {  	v21 =	vld.idx.msk [tilespmem:v21+s18+$0x0], $0xffff;
	_ =	sdelay $0x3  }
0x21e: {  	v18 =	vor.u32 v14, v20  }
.Ltmp9:
0x21f: {  	v16 =	vor.u32 v15, v19;
	(pc) =	sbr.rel @p0 .LBB2_12-.Ltmp9, $3  }
0x220: {  	v19 =	vadd.f32 v21, v22;
	_ =	sdelay $0x1  }
0x221: {  	[tilespmem:v17+s19+$0x0] =	vst.idx.msk $0xffff, v19  }
0x222: {  	v17 =	vld.idx.msk [tilespmem:v18+s9+$0x0], $0xffff  }
0x223: {  	_ =	sdelay $0x3  }
0x224: {  	v18 =	vld.idx.msk [tilespmem:v18+s18+$0x0], $0xffff;
	_ =	sdelay $0x4  }
0x225: {  	s10 =	sadd.s32 s5, s30;
	v17 =	vadd.f32 v18, v17  }
.Ltmp10:
0x226: {  	s10 =	sshll.u32 s10, $0x7;
	(pc) =	sbr.rel .LBB2_14-.Ltmp10, $4  }
0x227: {  	s11 =	sadd.s32 s3, s10;
	[tilespmem:v16+s19+$0x0] =	vst.idx.msk $0xffff, v17  }
0x228: {  	[hbm4b:s11+s4] =	stream.linear.scatter [tilespmem:s19], [sflag:$0xC], $0x400, $0x38;
	[tilespmem:$0xAF00] =	vst v63  }
0x229: {  	s30 =	simm.s32 $0xAB00;
	s10 =	sadd.s32 s10, s16  }
0x22a: {  	[hbm4b:s10+s4] =	stream.linear.scatter [tilespmem:s30], [sflag:$0xC], $0x400, $0x38;
	[tilespmem:$0xAF00] =	vst v63  }
.LBB2_16:
0x22b: {  	_ =	sfence.sel $0x180000  }
0x22c: {  	[bflag:$0x0] =	sbarrier.arrive $0xFFFF  }
0x22d: {  	_ =	strace $0x90000047  }
0x22e: {  	s0 =	stileid.u32;
	[bflag:$0x2] =	sbarrier.arrive $0xFFFF  }
0x22f: {  	p0 =	sne.s32 s0, $0x0;
	s0 =	rddreg [dreg:$0x4]  }
0x230: {  	s0 =	sadd.s32 @!p0 $0x100000, s0  }
0x231: {  	[sflag:s0] =	ssyncadd.tile.s32 @!p0 $0x1;
	_ =	shalt  }
.Lfunc_end2:
_tile_overlayer_lowered:
.L_overlay_start_2:
0x232: {  	(tag) =	ssettag $0x2  }
0x233: {  	s0 =	rddreg [dreg:$0x0];
	s2 =	stileid.u32  }
0x234: {  	s1 =	rddreg [dreg:$0x1];
	p0 =	sne.s32 s2, $0x0  }
0x235: {  	s3 =	rddreg [dreg:$0x2];
	[bflag:$0x3] =	sbarrier.arrive $0xFFFF;
	s2 =	simm.s32 @!p0 $0x1C0D  }
0x236: {  	[timem:s3], [sflag:s2] =	dma.local @!p0 [hbm:s0], s1  }
0x237: {  	s0 =	simm.s32 @!p0 $0xD  }
0x238: {  	_ =	swait.ge @!p0 [sflag:s0], s1  }
0x239: {  	s1 =	ssub.s32 @!p0 $0x0, s1;
	[sflag:s0] =	ssyncset.done @!p0 $0x0  }
0x23a: {  	[sflag:s0] =	ssyncadd.s32 @!p0 s1  }
0x23b: {  	[bflag:$0x3] =	sbarrier.arrive $0xFFFF  }
0x23c: {  	_ =	shalt  }

</sc_bundles>
